<compile_context>
chip_gen: v7x
topology: tpu7x:2x2x1
jax: 0.10.2.dev20260603
libtpu: 0.0.44.dev20260713+nightly
codegen_flags: <defaults>
</compile_context>

<pallas_src>
import functools

import jax
import jax.numpy as jnp
from jax import lax
from jax.experimental import pallas as pl
from jax.experimental.pallas import tpu as pltpu
from jax.experimental.pallas import tpu_sc as plsc

H = 4096
W = 4096
C = 3
PLANE = H * W
N_SAMPLES = 1_000_000

NC = 2
NS = 16
NW = NC * NS
LANES = 16

B = 512
CHUNKS = 63
NPW = B * CHUNKS
NPAD = NPW * NW

_SET = lambda: [
    [pltpu.VMEM((B,), jnp.int32) for _ in range(12)],
    [pltpu.VMEM((B,), jnp.float32) for _ in range(4)],
    [pltpu.VMEM((B,), jnp.float32) for _ in range(12)],
    [pltpu.VMEM((B,), jnp.float32) for _ in range(3)],
]


@functools.partial(
    pl.kernel,
    mesh=plsc.VectorSubcoreMesh(core_axis_name="c", subcore_axis_name="s"),
    compiler_params=pltpu.CompilerParams(
        needs_layout_passes=False, use_tc_tiling_on_sc=False),
    out_type=jax.ShapeDtypeStruct((C * NPAD,), jnp.float32),
    scratch_types=[
        pltpu.VMEM((NPW,), jnp.float32),
        pltpu.VMEM((NPW,), jnp.float32),
        _SET(), _SET(), _SET(),
        [pltpu.SemaphoreType.DMA for _ in range(3)],
        [pltpu.SemaphoreType.DMA for _ in range(3)],
    ],
)
def _bilerp(xsx_hbm, xsy_hbm, data_hbm, out_hbm,
            xx_all, yy_all, set0, set1, set2, semg, semo):
    wid = lax.axis_index("s") * NC + lax.axis_index("c")
    wbase = wid * NPW
    sets = (set0, set1, set2)

    def ph1(k, s):
        idx_v, w_v = sets[s][0], sets[s][1]
        koff = k * B

        def body(j, _):
            sl = pl.ds(j * LANES, LANES)
            xsl = pl.ds(koff + j * LANES, LANES)
            sx = xx_all[xsl] * jnp.float32(W)
            sy = yy_all[xsl] * jnp.float32(H)
            ix = sx.astype(jnp.int32)
            iy = sy.astype(jnp.int32)
            fx = sx - ix.astype(jnp.float32)
            fy = sy - iy.astype(jnp.float32)
            x0 = jnp.clip(ix, 0, W - 1)
            y0 = jnp.clip(iy, 0, H - 1)
            x1 = jnp.minimum(x0 + 1, W - 1)
            y1 = jnp.minimum(y0 + 1, H - 1)
            yb0 = y0 << 12
            yb1 = y1 << 12
            e = [yb0 + x0, yb0 + x1, yb1 + x0, yb1 + x1]
            for kk in range(4):
                for cc in range(C):
                    idx_v[kk * C + cc][sl] = e[kk] + (cc * PLANE)
            gx = 1.0 - fx
            gy = 1.0 - fy
            w_v[0][sl] = gx * gy
            w_v[1][sl] = fx * gy
            w_v[2][sl] = gx * fy
            w_v[3][sl] = fx * fy
            return 0

        lax.fori_loop(0, B // LANES, body, 0, unroll=2)

    def fire_g(s):
        idx_v, g_v = sets[s][0], sets[s][2]
        for q in range(12):
            pltpu.async_copy(data_hbm.at[idx_v[q]], g_v[q], semg[s])

    def wait_g(s):
        idx_v, g_v = sets[s][0], sets[s][2]
        for q in range(12):
            pltpu.make_async_copy(data_hbm.at[idx_v[q]], g_v[q], semg[s]).wait()

    def ph3(k, s):
        w_v, g_v, o_v = sets[s][1], sets[s][2], sets[s][3]
        base = wbase + k * B

        def body(j, _):
            sl = pl.ds(j * LANES, LANES)
            ws = [w_v[kk][sl] for kk in range(4)]
            for cc in range(C):
                acc = g_v[cc][sl] * ws[0]
                acc = acc + g_v[C + cc][sl] * ws[1]
                acc = acc + g_v[2 * C + cc][sl] * ws[2]
                acc = acc + g_v[3 * C + cc][sl] * ws[3]
                o_v[cc][sl] = acc
            return 0

        lax.fori_loop(0, B // LANES, body, 0, unroll=2)
        for cc in range(C):
            pltpu.async_copy(o_v[cc], out_hbm.at[pl.ds(cc * NPAD + base, B)],
                             semo[s])

    def wait_o(k, s):
        o_v = sets[s][3]
        base = wbase + k * B
        for cc in range(C):
            pltpu.make_async_copy(
                o_v[cc], out_hbm.at[pl.ds(cc * NPAD + base, B)], semo[s]).wait()

    pltpu.sync_copy(xsx_hbm.at[pl.ds(wbase, NPW)], xx_all)
    pltpu.sync_copy(xsy_hbm.at[pl.ds(wbase, NPW)], yy_all)
    ph1(0, 0)
    fire_g(0)
    ph1(1, 1)
    fire_g(1)

    def triple(i, _):
        for j in range(3):
            k = 3 * i + j
            s = j
            t = (j + 2) % 3
            wait_g(s)

            @pl.when(k >= 3)
            def _():
                wait_o(k - 3, s)

            ph3(k, s)

            @pl.when(k + 2 < CHUNKS)
            def _():
                ph1(k + 2, t)
                fire_g(t)
        return 0

    lax.fori_loop(0, CHUNKS // 3, triple, 0)
    for k in (CHUNKS - 3, CHUNKS - 2, CHUNKS - 1):
        wait_o(k, k % 3)


def kernel(xs, data):
    npad = NPAD - N_SAMPLES
    spread = (jnp.arange(npad, dtype=jnp.float32) % 4093.0) / 4096.0
    xs_x = jnp.concatenate([xs[:, 0], spread])
    xs_y = jnp.concatenate([xs[:, 1], spread])
    table = data.transpose(2, 0, 1).reshape(49152, 8, 128).reshape(C * PLANE)
    out_planar = _bilerp(xs_x, xs_y, table)
    return out_planar.reshape(C, NPAD)[:, :N_SAMPLES].T

# --- scband reference (transcript-rebuilt; emitter-appended) ---
"""Pipeline reference for scband-image-4157528342627 (READ-ONLY COPY).

The authoritative reference and input builder live on the scoring server;
editing this copy changes nothing except your own understanding.
"""

import jax, jax.numpy as jnp
import numpy as np

H, W, C = 4096, 4096, 3
N = 1000000


def setup_inputs(seed: int = 0) -> dict:
    key = jax.random.key(seed)
    k1, k2 = jax.random.split(key)
    xs = jax.random.uniform(k1, (N, 2), dtype=jnp.float32)
    data = jax.random.normal(k2, (H, W, C), dtype=jnp.float32)
    return {"xs": xs, "data": data}


def reference(xs, data):
    shape = data.shape  # (H, W, C)
    scale = jnp.array([shape[1], shape[0]], dtype=jnp.float32)
    xs_scaled = xs * scale
    indices = xs_scaled.astype(jnp.int32)  # trunc toward zero; xs >= 0 so matches torch .long()
    lerp_weights = xs_scaled - indices.astype(jnp.float32)
    x0 = jnp.clip(indices[:, 0], 0, shape[1] - 1)
    y0 = jnp.clip(indices[:, 1], 0, shape[0] - 1)
    x1 = jnp.clip(x0 + 1, 0, shape[1] - 1)
    y1 = jnp.clip(y0 + 1, 0, shape[0] - 1)
    wx = lerp_weights[:, 0:1]
    wy = lerp_weights[:, 1:2]
    out = (data[y0, x0] * (1.0 - wx) * (1.0 - wy)
           + data[y0, x1] * wx * (1.0 - wy)
           + data[y1, x0] * (1.0 - wx) * wy
           + data[y1, x1] * wx * wy)
    return out

if __name__ == "__main__":
    import jax
    _d = setup_inputs()
    print(jax.jit(kernel)(*tuple(_d.values())))

</pallas_src>

<mosaic_0001>
#map = affine_map<(d0, d1) -> (0)>
module attributes {stable_mosaic.version = 14 : i64} {
  func.func @_bilerp(%arg0: i32, %arg1: i32, %arg2: memref<1032192xf32, #tpu.memory_space<hbm>>, %arg3: memref<1032192xf32, #tpu.memory_space<hbm>>, %arg4: memref<50331648xf32, #tpu.memory_space<hbm>>, %arg5: memref<3096576xf32, #tpu.memory_space<hbm>>, %arg6: memref<32256xf32, #tpu.memory_space<vmem>>, %arg7: memref<32256xf32, #tpu.memory_space<vmem>>, %arg8: memref<512xi32, #tpu.memory_space<vmem>>, %arg9: memref<512xi32, #tpu.memory_space<vmem>>, %arg10: memref<512xi32, #tpu.memory_space<vmem>>, %arg11: memref<512xi32, #tpu.memory_space<vmem>>, %arg12: memref<512xi32, #tpu.memory_space<vmem>>, %arg13: memref<512xi32, #tpu.memory_space<vmem>>, %arg14: memref<512xi32, #tpu.memory_space<vmem>>, %arg15: memref<512xi32, #tpu.memory_space<vmem>>, %arg16: memref<512xi32, #tpu.memory_space<vmem>>, %arg17: memref<512xi32, #tpu.memory_space<vmem>>, %arg18: memref<512xi32, #tpu.memory_space<vmem>>, %arg19: memref<512xi32, #tpu.memory_space<vmem>>, %arg20: memref<512xf32, #tpu.memory_space<vmem>>, %arg21: memref<512xf32, #tpu.memory_space<vmem>>, %arg22: memref<512xf32, #tpu.memory_space<vmem>>, %arg23: memref<512xf32, #tpu.memory_space<vmem>>, %arg24: memref<512xf32, #tpu.memory_space<vmem>>, %arg25: memref<512xf32, #tpu.memory_space<vmem>>, %arg26: memref<512xf32, #tpu.memory_space<vmem>>, %arg27: memref<512xf32, #tpu.memory_space<vmem>>, %arg28: memref<512xf32, #tpu.memory_space<vmem>>, %arg29: memref<512xf32, #tpu.memory_space<vmem>>, %arg30: memref<512xf32, #tpu.memory_space<vmem>>, %arg31: memref<512xf32, #tpu.memory_space<vmem>>, %arg32: memref<512xf32, #tpu.memory_space<vmem>>, %arg33: memref<512xf32, #tpu.memory_space<vmem>>, %arg34: memref<512xf32, #tpu.memory_space<vmem>>, %arg35: memref<512xf32, #tpu.memory_space<vmem>>, %arg36: memref<512xf32, #tpu.memory_space<vmem>>, %arg37: memref<512xf32, #tpu.memory_space<vmem>>, %arg38: memref<512xf32, #tpu.memory_space<vmem>>, %arg39: memref<512xi32, #tpu.memory_space<vmem>>, %arg40: memref<512xi32, #tpu.memory_space<vmem>>, %arg41: memref<512xi32, #tpu.memory_space<vmem>>, %arg42: memref<512xi32, #tpu.memory_space<vmem>>, %arg43: memref<512xi32, #tpu.memory_space<vmem>>, %arg44: memref<512xi32, #tpu.memory_space<vmem>>, %arg45: memref<512xi32, #tpu.memory_space<vmem>>, %arg46: memref<512xi32, #tpu.memory_space<vmem>>, %arg47: memref<512xi32, #tpu.memory_space<vmem>>, %arg48: memref<512xi32, #tpu.memory_space<vmem>>, %arg49: memref<512xi32, #tpu.memory_space<vmem>>, %arg50: memref<512xi32, #tpu.memory_space<vmem>>, %arg51: memref<512xf32, #tpu.memory_space<vmem>>, %arg52: memref<512xf32, #tpu.memory_space<vmem>>, %arg53: memref<512xf32, #tpu.memory_space<vmem>>, %arg54: memref<512xf32, #tpu.memory_space<vmem>>, %arg55: memref<512xf32, #tpu.memory_space<vmem>>, %arg56: memref<512xf32, #tpu.memory_space<vmem>>, %arg57: memref<512xf32, #tpu.memory_space<vmem>>, %arg58: memref<512xf32, #tpu.memory_space<vmem>>, %arg59: memref<512xf32, #tpu.memory_space<vmem>>, %arg60: memref<512xf32, #tpu.memory_space<vmem>>, %arg61: memref<512xf32, #tpu.memory_space<vmem>>, %arg62: memref<512xf32, #tpu.memory_space<vmem>>, %arg63: memref<512xf32, #tpu.memory_space<vmem>>, %arg64: memref<512xf32, #tpu.memory_space<vmem>>, %arg65: memref<512xf32, #tpu.memory_space<vmem>>, %arg66: memref<512xf32, #tpu.memory_space<vmem>>, %arg67: memref<512xf32, #tpu.memory_space<vmem>>, %arg68: memref<512xf32, #tpu.memory_space<vmem>>, %arg69: memref<512xf32, #tpu.memory_space<vmem>>, %arg70: memref<512xi32, #tpu.memory_space<vmem>>, %arg71: memref<512xi32, #tpu.memory_space<vmem>>, %arg72: memref<512xi32, #tpu.memory_space<vmem>>, %arg73: memref<512xi32, #tpu.memory_space<vmem>>, %arg74: memref<512xi32, #tpu.memory_space<vmem>>, %arg75: memref<512xi32, #tpu.memory_space<vmem>>, %arg76: memref<512xi32, #tpu.memory_space<vmem>>, %arg77: memref<512xi32, #tpu.memory_space<vmem>>, %arg78: memref<512xi32, #tpu.memory_space<vmem>>, %arg79: memref<512xi32, #tpu.memory_space<vmem>>, %arg80: memref<512xi32, #tpu.memory_space<vmem>>, %arg81: memref<512xi32, #tpu.memory_space<vmem>>, %arg82: memref<512xf32, #tpu.memory_space<vmem>>, %arg83: memref<512xf32, #tpu.memory_space<vmem>>, %arg84: memref<512xf32, #tpu.memory_space<vmem>>, %arg85: memref<512xf32, #tpu.memory_space<vmem>>, %arg86: memref<512xf32, #tpu.memory_space<vmem>>, %arg87: memref<512xf32, #tpu.memory_space<vmem>>, %arg88: memref<512xf32, #tpu.memory_space<vmem>>, %arg89: memref<512xf32, #tpu.memory_space<vmem>>, %arg90: memref<512xf32, #tpu.memory_space<vmem>>, %arg91: memref<512xf32, #tpu.memory_space<vmem>>, %arg92: memref<512xf32, #tpu.memory_space<vmem>>, %arg93: memref<512xf32, #tpu.memory_space<vmem>>, %arg94: memref<512xf32, #tpu.memory_space<vmem>>, %arg95: memref<512xf32, #tpu.memory_space<vmem>>, %arg96: memref<512xf32, #tpu.memory_space<vmem>>, %arg97: memref<512xf32, #tpu.memory_space<vmem>>, %arg98: memref<512xf32, #tpu.memory_space<vmem>>, %arg99: memref<512xf32, #tpu.memory_space<vmem>>, %arg100: memref<512xf32, #tpu.memory_space<vmem>>, %arg101: memref<!tpu.dma_semaphore, #tpu.memory_space<semaphore_mem>>, %arg102: memref<!tpu.dma_semaphore, #tpu.memory_space<semaphore_mem>>, %arg103: memref<!tpu.dma_semaphore, #tpu.memory_space<semaphore_mem>>, %arg104: memref<!tpu.dma_semaphore, #tpu.memory_space<semaphore_mem>>, %arg105: memref<!tpu.dma_semaphore, #tpu.memory_space<semaphore_mem>>, %arg106: memref<!tpu.dma_semaphore, #tpu.memory_space<semaphore_mem>>) attributes {dimension_semantics = [#tpu.dimension_semantics<core_parallel>, #tpu.dimension_semantics<subcore_parallel>], iteration_bounds = array<i64: 2, 16>, scalar_prefetch = 0 : i64, scratch_operands = 101 : i64, tpu.core_type = #tpu.core_type<sc_vector_subcore>, window_params = [{transform_indices = #map}, {transform_indices = #map}, {transform_indices = #map}, {transform_indices = #map}]} {
    %mul3A = arith.constant 2 : i32
    %mul3A_0 = arith.muli %arg1, %mul3A : i32
    %add3A = arith.addi %mul3A_0, %arg0 : i32
    %mul3A_1 = arith.constant 32256 : i32
    %mul3A_2 = arith.muli %add3A, %mul3A_1 : i32
    "tpu.region"() ({
      %run_scoped3A = tpu.sem_alloc : memref<!tpu.dma_semaphore, #tpu.memory_space<semaphore_mem>>
      %dma_start3A_111 = tpu.memref_slice %arg2[%mul3A_2] : memref<1032192xf32, #tpu.memory_space<hbm>> -> memref<32256xf32, #tpu.memory_space<hbm>>
      %dma_start3A_112 = tpu.memref_slice %arg2[%mul3A_2] : memref<1032192xf32, #tpu.memory_space<hbm>> -> memref<32256xf32, #tpu.memory_space<hbm>>
      tpu.enqueue_dma source(%dma_start3A_112 : memref<32256xf32, #tpu.memory_space<hbm>>) target(%arg6 : memref<32256xf32, #tpu.memory_space<vmem>>) target_semaphore(%run_scoped3A : memref<!tpu.dma_semaphore, #tpu.memory_space<semaphore_mem>>)
      %dma_wait3A_113 = tpu.memref_slice %arg2[%mul3A_2] : memref<1032192xf32, #tpu.memory_space<hbm>> -> memref<32256xf32, #tpu.memory_space<hbm>>
      %dma_wait3A_114 = tpu.memref_slice %arg2[%mul3A_2] : memref<1032192xf32, #tpu.memory_space<hbm>> -> memref<32256xf32, #tpu.memory_space<hbm>>
      tpu.wait_dma2 semaphore(%run_scoped3A : memref<!tpu.dma_semaphore, #tpu.memory_space<semaphore_mem>>) src(%dma_wait3A_114 : memref<32256xf32, #tpu.memory_space<hbm>>) dst(%arg6 : memref<32256xf32, #tpu.memory_space<vmem>>)
      tpu.yield
    }) : () -> ()
    "tpu.region"() ({
      %run_scoped3A = tpu.sem_alloc : memref<!tpu.dma_semaphore, #tpu.memory_space<semaphore_mem>>
      %dma_start3A_111 = tpu.memref_slice %arg3[%mul3A_2] : memref<1032192xf32, #tpu.memory_space<hbm>> -> memref<32256xf32, #tpu.memory_space<hbm>>
      %dma_start3A_112 = tpu.memref_slice %arg3[%mul3A_2] : memref<1032192xf32, #tpu.memory_space<hbm>> -> memref<32256xf32, #tpu.memory_space<hbm>>
      tpu.enqueue_dma source(%dma_start3A_112 : memref<32256xf32, #tpu.memory_space<hbm>>) target(%arg7 : memref<32256xf32, #tpu.memory_space<vmem>>) target_semaphore(%run_scoped3A : memref<!tpu.dma_semaphore, #tpu.memory_space<semaphore_mem>>)
      %dma_wait3A_113 = tpu.memref_slice %arg3[%mul3A_2] : memref<1032192xf32, #tpu.memory_space<hbm>> -> memref<32256xf32, #tpu.memory_space<hbm>>
      %dma_wait3A_114 = tpu.memref_slice %arg3[%mul3A_2] : memref<1032192xf32, #tpu.memory_space<hbm>> -> memref<32256xf32, #tpu.memory_space<hbm>>
      tpu.wait_dma2 semaphore(%run_scoped3A : memref<!tpu.dma_semaphore, #tpu.memory_space<semaphore_mem>>) src(%dma_wait3A_114 : memref<32256xf32, #tpu.memory_space<hbm>>) dst(%arg7 : memref<32256xf32, #tpu.memory_space<vmem>>)
      tpu.yield
    }) : () -> ()
    %scan3A = arith.constant 0 : i32
    %scan3A_3 = arith.constant 0 : i32
    %scan3A_4 = arith.constant 32 : i32
    %scan3A_5 = arith.addi %scan3A_3, %scan3A_4 : i32
    %scan3A_6 = arith.constant 2 : i32
    %scan3A_7 = scf.for %scan3A_111 = %scan3A_3 to %scan3A_5 step %scan3A_6 iter_args(%scan3A_112 = %scan3A) -> (i32)  : i32 {
      %mul3A_113 = arith.constant 16 : i32
      %mul3A_114 = arith.muli %scan3A_111, %mul3A_113 : i32
      %mul3A_115 = arith.constant 16 : i32
      %mul3A_116 = arith.muli %scan3A_111, %mul3A_115 : i32
      %add3A_117 = arith.constant 0 : i32
      %add3A_118 = arith.addi %add3A_117, %mul3A_116 : i32
      %get3A = arith.index_cast %add3A_118 : i32 to index
      %get3A_119 = tpu.vector_load %arg6[%get3A] {strides = array<i32>} : memref<32256xf32, #tpu.memory_space<vmem>>, vector<16xf32>,
      %mul3A_120 = arith.constant 4.096000e+03 : f32
      %mul3A_121 = vector.broadcast %mul3A_120 : f32 to vector<16xf32>
      %mul3A_122 = arith.mulf %get3A_119, %mul3A_121 : vector<16xf32>
      %get3A_123 = arith.index_cast %add3A_118 : i32 to index
      %get3A_124 = tpu.vector_load %arg7[%get3A_123] {strides = array<i32>} : memref<32256xf32, #tpu.memory_space<vmem>>, vector<16xf32>,
      %mul3A_125 = arith.constant 4.096000e+03 : f32
      %mul3A_126 = vector.broadcast %mul3A_125 : f32 to vector<16xf32>
      %mul3A_127 = arith.mulf %get3A_124, %mul3A_126 : vector<16xf32>
      %convert_element_type3A = arith.fptosi %mul3A_122 : vector<16xf32> to vector<16xi32>
      %convert_element_type3A_128 = arith.fptosi %mul3A_127 : vector<16xf32> to vector<16xi32>
      %convert_element_type3A_129 = arith.sitofp %convert_element_type3A : vector<16xi32> to vector<16xf32>
      %sub3A = arith.subf %mul3A_122, %convert_element_type3A_129 : vector<16xf32>
      %convert_element_type3A_130 = arith.sitofp %convert_element_type3A_128 : vector<16xi32> to vector<16xf32>
      %sub3A_131 = arith.subf %mul3A_127, %convert_element_type3A_130 : vector<16xf32>
      %jit3A = arith.constant 0 : i32
      %jit3A_132 = arith.constant 4095 : i32
      %max3A = vector.broadcast %jit3A : i32 to vector<16xi32>
      %max3A_133 = arith.maxsi %max3A, %convert_element_type3A : vector<16xi32>
      %min3A = vector.broadcast %jit3A_132 : i32 to vector<16xi32>
      %min3A_134 = arith.minsi %min3A, %max3A_133 : vector<16xi32>
      %jit3A_135 = arith.constant 0 : i32
      %jit3A_136 = arith.constant 4095 : i32
      %max3A_137 = vector.broadcast %jit3A_135 : i32 to vector<16xi32>
      %max3A_138 = arith.maxsi %max3A_137, %convert_element_type3A_128 : vector<16xi32>
      %min3A_139 = vector.broadcast %jit3A_136 : i32 to vector<16xi32>
      %min3A_140 = arith.minsi %min3A_139, %max3A_138 : vector<16xi32>
      %add3A_141 = arith.constant 1 : i32
      %add3A_142 = vector.broadcast %add3A_141 : i32 to vector<16xi32>
      %add3A_143 = arith.addi %min3A_134, %add3A_142 : vector<16xi32>
      %min3A_144 = arith.constant 4095 : i32
      %min3A_145 = vector.broadcast %min3A_144 : i32 to vector<16xi32>
      %min3A_146 = arith.minsi %add3A_143, %min3A_145 : vector<16xi32>
      %add3A_147 = arith.constant 1 : i32
      %add3A_148 = vector.broadcast %add3A_147 : i32 to vector<16xi32>
      %add3A_149 = arith.addi %min3A_140, %add3A_148 : vector<16xi32>
      %min3A_150 = arith.constant 4095 : i32
      %min3A_151 = vector.broadcast %min3A_150 : i32 to vector<16xi32>
      %min3A_152 = arith.minsi %add3A_149, %min3A_151 : vector<16xi32>
      %shift_left3A = arith.constant 12 : i32
      %shift_left3A_153 = vector.broadcast %shift_left3A : i32 to vector<16xi32>
      %shift_left3A_154 = arith.shli %min3A_140, %shift_left3A_153 : vector<16xi32>
      %shift_left3A_155 = arith.constant 12 : i32
      %shift_left3A_156 = vector.broadcast %shift_left3A_155 : i32 to vector<16xi32>
      %shift_left3A_157 = arith.shli %min3A_152, %shift_left3A_156 : vector<16xi32>
      %add3A_158 = arith.addi %shift_left3A_154, %min3A_134 : vector<16xi32>
      %add3A_159 = arith.addi %shift_left3A_154, %min3A_146 : vector<16xi32>
      %add3A_160 = arith.addi %shift_left3A_157, %min3A_134 : vector<16xi32>
      %add3A_161 = arith.addi %shift_left3A_157, %min3A_146 : vector<16xi32>
      %add3A_162 = arith.constant 0 : i32
      %add3A_163 = vector.broadcast %add3A_162 : i32 to vector<16xi32>
      %add3A_164 = arith.addi %add3A_158, %add3A_163 : vector<16xi32>
      %swap3A = arith.index_cast %mul3A_114 : i32 to index
      %swap3A_165 = tpu.vector_load %arg8[%swap3A] {strides = array<i32>} : memref<512xi32, #tpu.memory_space<vmem>>, vector<16xi32>,
      tpu.vector_store %arg8[%swap3A], %add3A_164 {strides = array<i32>} : memref<512xi32, #tpu.memory_space<vmem>>, vector<16xi32>,
      %add3A_166 = arith.constant 16777216 : i32
      %add3A_167 = vector.broadcast %add3A_166 : i32 to vector<16xi32>
      %add3A_168 = arith.addi %add3A_158, %add3A_167 : vector<16xi32>
      %swap3A_169 = arith.index_cast %mul3A_114 : i32 to index
      %swap3A_170 = tpu.vector_load %arg9[%swap3A_169] {strides = array<i32>} : memref<512xi32, #tpu.memory_space<vmem>>, vector<16xi32>,
      tpu.vector_store %arg9[%swap3A_169], %add3A_168 {strides = array<i32>} : memref<512xi32, #tpu.memory_space<vmem>>, vector<16xi32>,
      %add3A_171 = arith.constant 33554432 : i32
      %add3A_172 = vector.broadcast %add3A_171 : i32 to vector<16xi32>
      %add3A_173 = arith.addi %add3A_158, %add3A_172 : vector<16xi32>
      %swap3A_174 = arith.index_cast %mul3A_114 : i32 to index
      %swap3A_175 = tpu.vector_load %arg10[%swap3A_174] {strides = array<i32>} : memref<512xi32, #tpu.memory_space<vmem>>, vector<16xi32>,
      tpu.vector_store %arg10[%swap3A_174], %add3A_173 {strides = array<i32>} : memref<512xi32, #tpu.memory_space<vmem>>, vector<16xi32>,
      %add3A_176 = arith.constant 0 : i32
      %add3A_177 = vector.broadcast %add3A_176 : i32 to vector<16xi32>
      %add3A_178 = arith.addi %add3A_159, %add3A_177 : vector<16xi32>
      %swap3A_179 = arith.index_cast %mul3A_114 : i32 to index
      %swap3A_180 = tpu.vector_load %arg11[%swap3A_179] {strides = array<i32>} : memref<512xi32, #tpu.memory_space<vmem>>, vector<16xi32>,
      tpu.vector_store %arg11[%swap3A_179], %add3A_178 {strides = array<i32>} : memref<512xi32, #tpu.memory_space<vmem>>, vector<16xi32>,
      %add3A_181 = arith.constant 16777216 : i32
      %add3A_182 = vector.broadcast %add3A_181 : i32 to vector<16xi32>
      %add3A_183 = arith.addi %add3A_159, %add3A_182 : vector<16xi32>
      %swap3A_184 = arith.index_cast %mul3A_114 : i32 to index
      %swap3A_185 = tpu.vector_load %arg12[%swap3A_184] {strides = array<i32>} : memref<512xi32, #tpu.memory_space<vmem>>, vector<16xi32>,
      tpu.vector_store %arg12[%swap3A_184], %add3A_183 {strides = array<i32>} : memref<512xi32, #tpu.memory_space<vmem>>, vector<16xi32>,
      %add3A_186 = arith.constant 33554432 : i32
      %add3A_187 = vector.broadcast %add3A_186 : i32 to vector<16xi32>
      %add3A_188 = arith.addi %add3A_159, %add3A_187 : vector<16xi32>
      %swap3A_189 = arith.index_cast %mul3A_114 : i32 to index
      %swap3A_190 = tpu.vector_load %arg13[%swap3A_189] {strides = array<i32>} : memref<512xi32, #tpu.memory_space<vmem>>, vector<16xi32>,
      tpu.vector_store %arg13[%swap3A_189], %add3A_188 {strides = array<i32>} : memref<512xi32, #tpu.memory_space<vmem>>, vector<16xi32>,
      %add3A_191 = arith.constant 0 : i32
      %add3A_192 = vector.broadcast %add3A_191 : i32 to vector<16xi32>
      %add3A_193 = arith.addi %add3A_160, %add3A_192 : vector<16xi32>
      %swap3A_194 = arith.index_cast %mul3A_114 : i32 to index
      %swap3A_195 = tpu.vector_load %arg14[%swap3A_194] {strides = array<i32>} : memref<512xi32, #tpu.memory_space<vmem>>, vector<16xi32>,
      tpu.vector_store %arg14[%swap3A_194], %add3A_193 {strides = array<i32>} : memref<512xi32, #tpu.memory_space<vmem>>, vector<16xi32>,
      %add3A_196 = arith.constant 16777216 : i32
      %add3A_197 = vector.broadcast %add3A_196 : i32 to vector<16xi32>
      %add3A_198 = arith.addi %add3A_160, %add3A_197 : vector<16xi32>
      %swap3A_199 = arith.index_cast %mul3A_114 : i32 to index
      %swap3A_200 = tpu.vector_load %arg15[%swap3A_199] {strides = array<i32>} : memref<512xi32, #tpu.memory_space<vmem>>, vector<16xi32>,
      tpu.vector_store %arg15[%swap3A_199], %add3A_198 {strides = array<i32>} : memref<512xi32, #tpu.memory_space<vmem>>, vector<16xi32>,
      %add3A_201 = arith.constant 33554432 : i32
      %add3A_202 = vector.broadcast %add3A_201 : i32 to vector<16xi32>
      %add3A_203 = arith.addi %add3A_160, %add3A_202 : vector<16xi32>
      %swap3A_204 = arith.index_cast %mul3A_114 : i32 to index
      %swap3A_205 = tpu.vector_load %arg16[%swap3A_204] {strides = array<i32>} : memref<512xi32, #tpu.memory_space<vmem>>, vector<16xi32>,
      tpu.vector_store %arg16[%swap3A_204], %add3A_203 {strides = array<i32>} : memref<512xi32, #tpu.memory_space<vmem>>, vector<16xi32>,
      %add3A_206 = arith.constant 0 : i32
      %add3A_207 = vector.broadcast %add3A_206 : i32 to vector<16xi32>
      %add3A_208 = arith.addi %add3A_161, %add3A_207 : vector<16xi32>
      %swap3A_209 = arith.index_cast %mul3A_114 : i32 to index
      %swap3A_210 = tpu.vector_load %arg17[%swap3A_209] {strides = array<i32>} : memref<512xi32, #tpu.memory_space<vmem>>, vector<16xi32>,
      tpu.vector_store %arg17[%swap3A_209], %add3A_208 {strides = array<i32>} : memref<512xi32, #tpu.memory_space<vmem>>, vector<16xi32>,
      %add3A_211 = arith.constant 16777216 : i32
      %add3A_212 = vector.broadcast %add3A_211 : i32 to vector<16xi32>
      %add3A_213 = arith.addi %add3A_161, %add3A_212 : vector<16xi32>
      %swap3A_214 = arith.index_cast %mul3A_114 : i32 to index
      %swap3A_215 = tpu.vector_load %arg18[%swap3A_214] {strides = array<i32>} : memref<512xi32, #tpu.memory_space<vmem>>, vector<16xi32>,
      tpu.vector_store %arg18[%swap3A_214], %add3A_213 {strides = array<i32>} : memref<512xi32, #tpu.memory_space<vmem>>, vector<16xi32>,
      %add3A_216 = arith.constant 33554432 : i32
      %add3A_217 = vector.broadcast %add3A_216 : i32 to vector<16xi32>
      %add3A_218 = arith.addi %add3A_161, %add3A_217 : vector<16xi32>
      %swap3A_219 = arith.index_cast %mul3A_114 : i32 to index
      %swap3A_220 = tpu.vector_load %arg19[%swap3A_219] {strides = array<i32>} : memref<512xi32, #tpu.memory_space<vmem>>, vector<16xi32>,
      tpu.vector_store %arg19[%swap3A_219], %add3A_218 {strides = array<i32>} : memref<512xi32, #tpu.memory_space<vmem>>, vector<16xi32>,
      %sub3A_221 = arith.constant 1.000000e+00 : f32
      %sub3A_222 = vector.broadcast %sub3A_221 : f32 to vector<16xf32>
      %sub3A_223 = arith.subf %sub3A_222, %sub3A : vector<16xf32>
      %sub3A_224 = arith.constant 1.000000e+00 : f32
      %sub3A_225 = vector.broadcast %sub3A_224 : f32 to vector<16xf32>
      %sub3A_226 = arith.subf %sub3A_225, %sub3A_131 : vector<16xf32>
      %mul3A_227 = arith.mulf %sub3A_223, %sub3A_226 : vector<16xf32>
      %swap3A_228 = arith.index_cast %mul3A_114 : i32 to index
      %swap3A_229 = tpu.vector_load %arg20[%swap3A_228] {strides = array<i32>} : memref<512xf32, #tpu.memory_space<vmem>>, vector<16xf32>,
      tpu.vector_store %arg20[%swap3A_228], %mul3A_227 {strides = array<i32>} : memref<512xf32, #tpu.memory_space<vmem>>, vector<16xf32>,
      %mul3A_230 = arith.mulf %sub3A, %sub3A_226 : vector<16xf32>
      %swap3A_231 = arith.index_cast %mul3A_114 : i32 to index
      %swap3A_232 = tpu.vector_load %arg21[%swap3A_231] {strides = array<i32>} : memref<512xf32, #tpu.memory_space<vmem>>, vector<16xf32>,
      tpu.vector_store %arg21[%swap3A_231], %mul3A_230 {strides = array<i32>} : memref<512xf32, #tpu.memory_space<vmem>>, vector<16xf32>,
      %mul3A_233 = arith.mulf %sub3A_223, %sub3A_131 : vector<16xf32>
      %swap3A_234 = arith.index_cast %mul3A_114 : i32 to index
      %swap3A_235 = tpu.vector_load %arg22[%swap3A_234] {strides = array<i32>} : memref<512xf32, #tpu.memory_space<vmem>>, vector<16xf32>,
      tpu.vector_store %arg22[%swap3A_234], %mul3A_233 {strides = array<i32>} : memref<512xf32, #tpu.memory_space<vmem>>, vector<16xf32>,
      %mul3A_236 = arith.mulf %sub3A, %sub3A_131 : vector<16xf32>
      %swap3A_237 = arith.index_cast %mul3A_114 : i32 to index
      %swap3A_238 = tpu.vector_load %arg23[%swap3A_237] {strides = array<i32>} : memref<512xf32, #tpu.memory_space<vmem>>, vector<16xf32>,
      tpu.vector_store %arg23[%swap3A_237], %mul3A_236 {strides = array<i32>} : memref<512xf32, #tpu.memory_space<vmem>>, vector<16xf32>,
      %scan3A_239 = arith.constant 0 : i32
      %scan3A_240 = arith.constant 1 : i32
      %scan3A_241 = arith.addi %scan3A_111, %scan3A_240 : i32
      %mul3A_242 = arith.constant 16 : i32
      %mul3A_243 = arith.muli %scan3A_241, %mul3A_242 : i32
      %mul3A_244 = arith.constant 16 : i32
      %mul3A_245 = arith.muli %scan3A_241, %mul3A_244 : i32
      %add3A_246 = arith.constant 0 : i32
      %add3A_247 = arith.addi %add3A_246, %mul3A_245 : i32
      %get3A_248 = arith.index_cast %add3A_247 : i32 to index
      %get3A_249 = tpu.vector_load %arg6[%get3A_248] {strides = array<i32>} : memref<32256xf32, #tpu.memory_space<vmem>>, vector<16xf32>,
      %mul3A_250 = arith.constant 4.096000e+03 : f32
      %mul3A_251 = vector.broadcast %mul3A_250 : f32 to vector<16xf32>
      %mul3A_252 = arith.mulf %get3A_249, %mul3A_251 : vector<16xf32>
      %get3A_253 = arith.index_cast %add3A_247 : i32 to index
      %get3A_254 = tpu.vector_load %arg7[%get3A_253] {strides = array<i32>} : memref<32256xf32, #tpu.memory_space<vmem>>, vector<16xf32>,
      %mul3A_255 = arith.constant 4.096000e+03 : f32
      %mul3A_256 = vector.broadcast %mul3A_255 : f32 to vector<16xf32>
      %mul3A_257 = arith.mulf %get3A_254, %mul3A_256 : vector<16xf32>
      %convert_element_type3A_258 = arith.fptosi %mul3A_252 : vector<16xf32> to vector<16xi32>
      %convert_element_type3A_259 = arith.fptosi %mul3A_257 : vector<16xf32> to vector<16xi32>
      %convert_element_type3A_260 = arith.sitofp %convert_element_type3A_258 : vector<16xi32> to vector<16xf32>
      %sub3A_261 = arith.subf %mul3A_252, %convert_element_type3A_260 : vector<16xf32>
      %convert_element_type3A_262 = arith.sitofp %convert_element_type3A_259 : vector<16xi32> to vector<16xf32>
      %sub3A_263 = arith.subf %mul3A_257, %convert_element_type3A_262 : vector<16xf32>
      %jit3A_264 = arith.constant 0 : i32
      %jit3A_265 = arith.constant 4095 : i32
      %max3A_266 = vector.broadcast %jit3A_264 : i32 to vector<16xi32>
      %max3A_267 = arith.maxsi %max3A_266, %convert_element_type3A_258 : vector<16xi32>
      %min3A_268 = vector.broadcast %jit3A_265 : i32 to vector<16xi32>
      %min3A_269 = arith.minsi %min3A_268, %max3A_267 : vector<16xi32>
      %jit3A_270 = arith.constant 0 : i32
      %jit3A_271 = arith.constant 4095 : i32
      %max3A_272 = vector.broadcast %jit3A_270 : i32 to vector<16xi32>
      %max3A_273 = arith.maxsi %max3A_272, %convert_element_type3A_259 : vector<16xi32>
      %min3A_274 = vector.broadcast %jit3A_271 : i32 to vector<16xi32>
      %min3A_275 = arith.minsi %min3A_274, %max3A_273 : vector<16xi32>
      %add3A_276 = arith.constant 1 : i32
      %add3A_277 = vector.broadcast %add3A_276 : i32 to vector<16xi32>
      %add3A_278 = arith.addi %min3A_269, %add3A_277 : vector<16xi32>
      %min3A_279 = arith.constant 4095 : i32
      %min3A_280 = vector.broadcast %min3A_279 : i32 to vector<16xi32>
      %min3A_281 = arith.minsi %add3A_278, %min3A_280 : vector<16xi32>
      %add3A_282 = arith.constant 1 : i32
      %add3A_283 = vector.broadcast %add3A_282 : i32 to vector<16xi32>
      %add3A_284 = arith.addi %min3A_275, %add3A_283 : vector<16xi32>
      %min3A_285 = arith.constant 4095 : i32
      %min3A_286 = vector.broadcast %min3A_285 : i32 to vector<16xi32>
      %min3A_287 = arith.minsi %add3A_284, %min3A_286 : vector<16xi32>
      %shift_left3A_288 = arith.constant 12 : i32
      %shift_left3A_289 = vector.broadcast %shift_left3A_288 : i32 to vector<16xi32>
      %shift_left3A_290 = arith.shli %min3A_275, %shift_left3A_289 : vector<16xi32>
      %shift_left3A_291 = arith.constant 12 : i32
      %shift_left3A_292 = vector.broadcast %shift_left3A_291 : i32 to vector<16xi32>
      %shift_left3A_293 = arith.shli %min3A_287, %shift_left3A_292 : vector<16xi32>
      %add3A_294 = arith.addi %shift_left3A_290, %min3A_269 : vector<16xi32>
      %add3A_295 = arith.addi %shift_left3A_290, %min3A_281 : vector<16xi32>
      %add3A_296 = arith.addi %shift_left3A_293, %min3A_269 : vector<16xi32>
      %add3A_297 = arith.addi %shift_left3A_293, %min3A_281 : vector<16xi32>
      %add3A_298 = arith.constant 0 : i32
      %add3A_299 = vector.broadcast %add3A_298 : i32 to vector<16xi32>
      %add3A_300 = arith.addi %add3A_294, %add3A_299 : vector<16xi32>
      %swap3A_301 = arith.index_cast %mul3A_243 : i32 to index
      %swap3A_302 = tpu.vector_load %arg8[%swap3A_301] {strides = array<i32>} : memref<512xi32, #tpu.memory_space<vmem>>, vector<16xi32>,
      tpu.vector_store %arg8[%swap3A_301], %add3A_300 {strides = array<i32>} : memref<512xi32, #tpu.memory_space<vmem>>, vector<16xi32>,
      %add3A_303 = arith.constant 16777216 : i32
      %add3A_304 = vector.broadcast %add3A_303 : i32 to vector<16xi32>
      %add3A_305 = arith.addi %add3A_294, %add3A_304 : vector<16xi32>
      %swap3A_306 = arith.index_cast %mul3A_243 : i32 to index
      %swap3A_307 = tpu.vector_load %arg9[%swap3A_306] {strides = array<i32>} : memref<512xi32, #tpu.memory_space<vmem>>, vector<16xi32>,
      tpu.vector_store %arg9[%swap3A_306], %add3A_305 {strides = array<i32>} : memref<512xi32, #tpu.memory_space<vmem>>, vector<16xi32>,
      %add3A_308 = arith.constant 33554432 : i32
      %add3A_309 = vector.broadcast %add3A_308 : i32 to vector<16xi32>
      %add3A_310 = arith.addi %add3A_294, %add3A_309 : vector<16xi32>
      %swap3A_311 = arith.index_cast %mul3A_243 : i32 to index
      %swap3A_312 = tpu.vector_load %arg10[%swap3A_311] {strides = array<i32>} : memref<512xi32, #tpu.memory_space<vmem>>, vector<16xi32>,
      tpu.vector_store %arg10[%swap3A_311], %add3A_310 {strides = array<i32>} : memref<512xi32, #tpu.memory_space<vmem>>, vector<16xi32>,
      %add3A_313 = arith.constant 0 : i32
      %add3A_314 = vector.broadcast %add3A_313 : i32 to vector<16xi32>
      %add3A_315 = arith.addi %add3A_295, %add3A_314 : vector<16xi32>
      %swap3A_316 = arith.index_cast %mul3A_243 : i32 to index
      %swap3A_317 = tpu.vector_load %arg11[%swap3A_316] {strides = array<i32>} : memref<512xi32, #tpu.memory_space<vmem>>, vector<16xi32>,
      tpu.vector_store %arg11[%swap3A_316], %add3A_315 {strides = array<i32>} : memref<512xi32, #tpu.memory_space<vmem>>, vector<16xi32>,
      %add3A_318 = arith.constant 16777216 : i32
      %add3A_319 = vector.broadcast %add3A_318 : i32 to vector<16xi32>
      %add3A_320 = arith.addi %add3A_295, %add3A_319 : vector<16xi32>
      %swap3A_321 = arith.index_cast %mul3A_243 : i32 to index
      %swap3A_322 = tpu.vector_load %arg12[%swap3A_321] {strides = array<i32>} : memref<512xi32, #tpu.memory_space<vmem>>, vector<16xi32>,
      tpu.vector_store %arg12[%swap3A_321], %add3A_320 {strides = array<i32>} : memref<512xi32, #tpu.memory_space<vmem>>, vector<16xi32>,
      %add3A_323 = arith.constant 33554432 : i32
      %add3A_324 = vector.broadcast %add3A_323 : i32 to vector<16xi32>
      %add3A_325 = arith.addi %add3A_295, %add3A_324 : vector<16xi32>
      %swap3A_326 = arith.index_cast %mul3A_243 : i32 to index
      %swap3A_327 = tpu.vector_load %arg13[%swap3A_326] {strides = array<i32>} : memref<512xi32, #tpu.memory_space<vmem>>, vector<16xi32>,
      tpu.vector_store %arg13[%swap3A_326], %add3A_325 {strides = array<i32>} : memref<512xi32, #tpu.memory_space<vmem>>, vector<16xi32>,
      %add3A_328 = arith.constant 0 : i32
      %add3A_329 = vector.broadcast %add3A_328 : i32 to vector<16xi32>
      %add3A_330 = arith.addi %add3A_296, %add3A_329 : vector<16xi32>
      %swap3A_331 = arith.index_cast %mul3A_243 : i32 to index
      %swap3A_332 = tpu.vector_load %arg14[%swap3A_331] {strides = array<i32>} : memref<512xi32, #tpu.memory_space<vmem>>, vector<16xi32>,
      tpu.vector_store %arg14[%swap3A_331], %add3A_330 {strides = array<i32>} : memref<512xi32, #tpu.memory_space<vmem>>, vector<16xi32>,
      %add3A_333 = arith.constant 16777216 : i32
      %add3A_334 = vector.broadcast %add3A_333 : i32 to vector<16xi32>
      %add3A_335 = arith.addi %add3A_296, %add3A_334 : vector<16xi32>
      %swap3A_336 = arith.index_cast %mul3A_243 : i32 to index
      %swap3A_337 = tpu.vector_load %arg15[%swap3A_336] {strides = array<i32>} : memref<512xi32, #tpu.memory_space<vmem>>, vector<16xi32>,
      tpu.vector_store %arg15[%swap3A_336], %add3A_335 {strides = array<i32>} : memref<512xi32, #tpu.memory_space<vmem>>, vector<16xi32>,
      %add3A_338 = arith.constant 33554432 : i32
      %add3A_339 = vector.broadcast %add3A_338 : i32 to vector<16xi32>
      %add3A_340 = arith.addi %add3A_296, %add3A_339 : vector<16xi32>
      %swap3A_341 = arith.index_cast %mul3A_243 : i32 to index
      %swap3A_342 = tpu.vector_load %arg16[%swap3A_341] {strides = array<i32>} : memref<512xi32, #tpu.memory_space<vmem>>, vector<16xi32>,
      tpu.vector_store %arg16[%swap3A_341], %add3A_340 {strides = array<i32>} : memref<512xi32, #tpu.memory_space<vmem>>, vector<16xi32>,
      %add3A_343 = arith.constant 0 : i32
      %add3A_344 = vector.broadcast %add3A_343 : i32 to vector<16xi32>
      %add3A_345 = arith.addi %add3A_297, %add3A_344 : vector<16xi32>
      %swap3A_346 = arith.index_cast %mul3A_243 : i32 to index
      %swap3A_347 = tpu.vector_load %arg17[%swap3A_346] {strides = array<i32>} : memref<512xi32, #tpu.memory_space<vmem>>, vector<16xi32>,
      tpu.vector_store %arg17[%swap3A_346], %add3A_345 {strides = array<i32>} : memref<512xi32, #tpu.memory_space<vmem>>, vector<16xi32>,
      %add3A_348 = arith.constant 16777216 : i32
      %add3A_349 = vector.broadcast %add3A_348 : i32 to vector<16xi32>
      %add3A_350 = arith.addi %add3A_297, %add3A_349 : vector<16xi32>
      %swap3A_351 = arith.index_cast %mul3A_243 : i32 to index
      %swap3A_352 = tpu.vector_load %arg18[%swap3A_351] {strides = array<i32>} : memref<512xi32, #tpu.memory_space<vmem>>, vector<16xi32>,
      tpu.vector_store %arg18[%swap3A_351], %add3A_350 {strides = array<i32>} : memref<512xi32, #tpu.memory_space<vmem>>, vector<16xi32>,
      %add3A_353 = arith.constant 33554432 : i32
      %add3A_354 = vector.broadcast %add3A_353 : i32 to vector<16xi32>
      %add3A_355 = arith.addi %add3A_297, %add3A_354 : vector<16xi32>
      %swap3A_356 = arith.index_cast %mul3A_243 : i32 to index
      %swap3A_357 = tpu.vector_load %arg19[%swap3A_356] {strides = array<i32>} : memref<512xi32, #tpu.memory_space<vmem>>, vector<16xi32>,
      tpu.vector_store %arg19[%swap3A_356], %add3A_355 {strides = array<i32>} : memref<512xi32, #tpu.memory_space<vmem>>, vector<16xi32>,
      %sub3A_358 = arith.constant 1.000000e+00 : f32
      %sub3A_359 = vector.broadcast %sub3A_358 : f32 to vector<16xf32>
      %sub3A_360 = arith.subf %sub3A_359, %sub3A_261 : vector<16xf32>
      %sub3A_361 = arith.constant 1.000000e+00 : f32
      %sub3A_362 = vector.broadcast %sub3A_361 : f32 to vector<16xf32>
      %sub3A_363 = arith.subf %sub3A_362, %sub3A_263 : vector<16xf32>
      %mul3A_364 = arith.mulf %sub3A_360, %sub3A_363 : vector<16xf32>
      %swap3A_365 = arith.index_cast %mul3A_243 : i32 to index
      %swap3A_366 = tpu.vector_load %arg20[%swap3A_365] {strides = array<i32>} : memref<512xf32, #tpu.memory_space<vmem>>, vector<16xf32>,
      tpu.vector_store %arg20[%swap3A_365], %mul3A_364 {strides = array<i32>} : memref<512xf32, #tpu.memory_space<vmem>>, vector<16xf32>,
      %mul3A_367 = arith.mulf %sub3A_261, %sub3A_363 : vector<16xf32>
      %swap3A_368 = arith.index_cast %mul3A_243 : i32 to index
      %swap3A_369 = tpu.vector_load %arg21[%swap3A_368] {strides = array<i32>} : memref<512xf32, #tpu.memory_space<vmem>>, vector<16xf32>,
      tpu.vector_store %arg21[%swap3A_368], %mul3A_367 {strides = array<i32>} : memref<512xf32, #tpu.memory_space<vmem>>, vector<16xf32>,
      %mul3A_370 = arith.mulf %sub3A_360, %sub3A_263 : vector<16xf32>
      %swap3A_371 = arith.index_cast %mul3A_243 : i32 to index
      %swap3A_372 = tpu.vector_load %arg22[%swap3A_371] {strides = array<i32>} : memref<512xf32, #tpu.memory_space<vmem>>, vector<16xf32>,
      tpu.vector_store %arg22[%swap3A_371], %mul3A_370 {strides = array<i32>} : memref<512xf32, #tpu.memory_space<vmem>>, vector<16xf32>,
      %mul3A_373 = arith.mulf %sub3A_261, %sub3A_263 : vector<16xf32>
      %swap3A_374 = arith.index_cast %mul3A_243 : i32 to index
      %swap3A_375 = tpu.vector_load %arg23[%swap3A_374] {strides = array<i32>} : memref<512xf32, #tpu.memory_space<vmem>>, vector<16xf32>,
      tpu.vector_store %arg23[%swap3A_374], %mul3A_373 {strides = array<i32>} : memref<512xf32, #tpu.memory_space<vmem>>, vector<16xf32>,
      %scan3A_376 = arith.constant 0 : i32
      scf.yield %scan3A_376 : i32
    }
    %scan3A_8 = arith.constant 32 : i32
    %dma_start3A = arith.constant 0 : i32
    %dma_start3A_9 = tpu.memref_slice %arg4[%dma_start3A] : memref<50331648xf32, #tpu.memory_space<hbm>> -> memref<50331648xf32, #tpu.memory_space<hbm>>
    tpu.enqueue_indirect_dma source(%dma_start3A_9 : memref<50331648xf32, #tpu.memory_space<hbm>>) target(%arg24 : memref<512xf32, #tpu.memory_space<vmem>>) offsets(%arg8 : memref<512xi32, #tpu.memory_space<vmem>>) semaphore(%arg101 : memref<!tpu.dma_semaphore, #tpu.memory_space<semaphore_mem>>)
    %dma_start3A_10 = arith.constant 0 : i32
    %dma_start3A_11 = tpu.memref_slice %arg4[%dma_start3A_10] : memref<50331648xf32, #tpu.memory_space<hbm>> -> memref<50331648xf32, #tpu.memory_space<hbm>>
    tpu.enqueue_indirect_dma source(%dma_start3A_11 : memref<50331648xf32, #tpu.memory_space<hbm>>) target(%arg25 : memref<512xf32, #tpu.memory_space<vmem>>) offsets(%arg9 : memref<512xi32, #tpu.memory_space<vmem>>) semaphore(%arg101 : memref<!tpu.dma_semaphore, #tpu.memory_space<semaphore_mem>>)
    %dma_start3A_12 = arith.constant 0 : i32
    %dma_start3A_13 = tpu.memref_slice %arg4[%dma_start3A_12] : memref<50331648xf32, #tpu.memory_space<hbm>> -> memref<50331648xf32, #tpu.memory_space<hbm>>
    tpu.enqueue_indirect_dma source(%dma_start3A_13 : memref<50331648xf32, #tpu.memory_space<hbm>>) target(%arg26 : memref<512xf32, #tpu.memory_space<vmem>>) offsets(%arg10 : memref<512xi32, #tpu.memory_space<vmem>>) semaphore(%arg101 : memref<!tpu.dma_semaphore, #tpu.memory_space<semaphore_mem>>)
    %dma_start3A_14 = arith.constant 0 : i32
    %dma_start3A_15 = tpu.memref_slice %arg4[%dma_start3A_14] : memref<50331648xf32, #tpu.memory_space<hbm>> -> memref<50331648xf32, #tpu.memory_space<hbm>>
    tpu.enqueue_indirect_dma source(%dma_start3A_15 : memref<50331648xf32, #tpu.memory_space<hbm>>) target(%arg27 : memref<512xf32, #tpu.memory_space<vmem>>) offsets(%arg11 : memref<512xi32, #tpu.memory_space<vmem>>) semaphore(%arg101 : memref<!tpu.dma_semaphore, #tpu.memory_space<semaphore_mem>>)
    %dma_start3A_16 = arith.constant 0 : i32
    %dma_start3A_17 = tpu.memref_slice %arg4[%dma_start3A_16] : memref<50331648xf32, #tpu.memory_space<hbm>> -> memref<50331648xf32, #tpu.memory_space<hbm>>
    tpu.enqueue_indirect_dma source(%dma_start3A_17 : memref<50331648xf32, #tpu.memory_space<hbm>>) target(%arg28 : memref<512xf32, #tpu.memory_space<vmem>>) offsets(%arg12 : memref<512xi32, #tpu.memory_space<vmem>>) semaphore(%arg101 : memref<!tpu.dma_semaphore, #tpu.memory_space<semaphore_mem>>)
    %dma_start3A_18 = arith.constant 0 : i32
    %dma_start3A_19 = tpu.memref_slice %arg4[%dma_start3A_18] : memref<50331648xf32, #tpu.memory_space<hbm>> -> memref<50331648xf32, #tpu.memory_space<hbm>>
    tpu.enqueue_indirect_dma source(%dma_start3A_19 : memref<50331648xf32, #tpu.memory_space<hbm>>) target(%arg29 : memref<512xf32, #tpu.memory_space<vmem>>) offsets(%arg13 : memref<512xi32, #tpu.memory_space<vmem>>) semaphore(%arg101 : memref<!tpu.dma_semaphore, #tpu.memory_space<semaphore_mem>>)
    %dma_start3A_20 = arith.constant 0 : i32
    %dma_start3A_21 = tpu.memref_slice %arg4[%dma_start3A_20] : memref<50331648xf32, #tpu.memory_space<hbm>> -> memref<50331648xf32, #tpu.memory_space<hbm>>
    tpu.enqueue_indirect_dma source(%dma_start3A_21 : memref<50331648xf32, #tpu.memory_space<hbm>>) target(%arg30 : memref<512xf32, #tpu.memory_space<vmem>>) offsets(%arg14 : memref<512xi32, #tpu.memory_space<vmem>>) semaphore(%arg101 : memref<!tpu.dma_semaphore, #tpu.memory_space<semaphore_mem>>)
    %dma_start3A_22 = arith.constant 0 : i32
    %dma_start3A_23 = tpu.memref_slice %arg4[%dma_start3A_22] : memref<50331648xf32, #tpu.memory_space<hbm>> -> memref<50331648xf32, #tpu.memory_space<hbm>>
    tpu.enqueue_indirect_dma source(%dma_start3A_23 : memref<50331648xf32, #tpu.memory_space<hbm>>) target(%arg31 : memref<512xf32, #tpu.memory_space<vmem>>) offsets(%arg15 : memref<512xi32, #tpu.memory_space<vmem>>) semaphore(%arg101 : memref<!tpu.dma_semaphore, #tpu.memory_space<semaphore_mem>>)
    %dma_start3A_24 = arith.constant 0 : i32
    %dma_start3A_25 = tpu.memref_slice %arg4[%dma_start3A_24] : memref<50331648xf32, #tpu.memory_space<hbm>> -> memref<50331648xf32, #tpu.memory_space<hbm>>
    tpu.enqueue_indirect_dma source(%dma_start3A_25 : memref<50331648xf32, #tpu.memory_space<hbm>>) target(%arg32 : memref<512xf32, #tpu.memory_space<vmem>>) offsets(%arg16 : memref<512xi32, #tpu.memory_space<vmem>>) semaphore(%arg101 : memref<!tpu.dma_semaphore, #tpu.memory_space<semaphore_mem>>)
    %dma_start3A_26 = arith.constant 0 : i32
    %dma_start3A_27 = tpu.memref_slice %arg4[%dma_start3A_26] : memref<50331648xf32, #tpu.memory_space<hbm>> -> memref<50331648xf32, #tpu.memory_space<hbm>>
    tpu.enqueue_indirect_dma source(%dma_start3A_27 : memref<50331648xf32, #tpu.memory_space<hbm>>) target(%arg33 : memref<512xf32, #tpu.memory_space<vmem>>) offsets(%arg17 : memref<512xi32, #tpu.memory_space<vmem>>) semaphore(%arg101 : memref<!tpu.dma_semaphore, #tpu.memory_space<semaphore_mem>>)
    %dma_start3A_28 = arith.constant 0 : i32
    %dma_start3A_29 = tpu.memref_slice %arg4[%dma_start3A_28] : memref<50331648xf32, #tpu.memory_space<hbm>> -> memref<50331648xf32, #tpu.memory_space<hbm>>
    tpu.enqueue_indirect_dma source(%dma_start3A_29 : memref<50331648xf32, #tpu.memory_space<hbm>>) target(%arg34 : memref<512xf32, #tpu.memory_space<vmem>>) offsets(%arg18 : memref<512xi32, #tpu.memory_space<vmem>>) semaphore(%arg101 : memref<!tpu.dma_semaphore, #tpu.memory_space<semaphore_mem>>)
    %dma_start3A_30 = arith.constant 0 : i32
    %dma_start3A_31 = tpu.memref_slice %arg4[%dma_start3A_30] : memref<50331648xf32, #tpu.memory_space<hbm>> -> memref<50331648xf32, #tpu.memory_space<hbm>>
    tpu.enqueue_indirect_dma source(%dma_start3A_31 : memref<50331648xf32, #tpu.memory_space<hbm>>) target(%arg35 : memref<512xf32, #tpu.memory_space<vmem>>) offsets(%arg19 : memref<512xi32, #tpu.memory_space<vmem>>) semaphore(%arg101 : memref<!tpu.dma_semaphore, #tpu.memory_space<semaphore_mem>>)
    %scan3A_32 = arith.constant 0 : i32
    %scan3A_33 = arith.constant 0 : i32
    %scan3A_34 = arith.constant 32 : i32
    %scan3A_35 = arith.addi %scan3A_33, %scan3A_34 : i32
    %scan3A_36 = arith.constant 2 : i32
    %scan3A_37 = scf.for %scan3A_111 = %scan3A_33 to %scan3A_35 step %scan3A_36 iter_args(%scan3A_112 = %scan3A_32) -> (i32)  : i32 {
      %mul3A_113 = arith.constant 16 : i32
      %mul3A_114 = arith.muli %scan3A_111, %mul3A_113 : i32
      %mul3A_115 = arith.constant 16 : i32
      %mul3A_116 = arith.muli %scan3A_111, %mul3A_115 : i32
      %add3A_117 = arith.constant 512 : i32
      %add3A_118 = arith.addi %add3A_117, %mul3A_116 : i32
      %get3A = arith.index_cast %add3A_118 : i32 to index
      %get3A_119 = tpu.vector_load %arg6[%get3A] {strides = array<i32>} : memref<32256xf32, #tpu.memory_space<vmem>>, vector<16xf32>,
      %mul3A_120 = arith.constant 4.096000e+03 : f32
      %mul3A_121 = vector.broadcast %mul3A_120 : f32 to vector<16xf32>
      %mul3A_122 = arith.mulf %get3A_119, %mul3A_121 : vector<16xf32>
      %get3A_123 = arith.index_cast %add3A_118 : i32 to index
      %get3A_124 = tpu.vector_load %arg7[%get3A_123] {strides = array<i32>} : memref<32256xf32, #tpu.memory_space<vmem>>, vector<16xf32>,
      %mul3A_125 = arith.constant 4.096000e+03 : f32
      %mul3A_126 = vector.broadcast %mul3A_125 : f32 to vector<16xf32>
      %mul3A_127 = arith.mulf %get3A_124, %mul3A_126 : vector<16xf32>
      %convert_element_type3A = arith.fptosi %mul3A_122 : vector<16xf32> to vector<16xi32>
      %convert_element_type3A_128 = arith.fptosi %mul3A_127 : vector<16xf32> to vector<16xi32>
      %convert_element_type3A_129 = arith.sitofp %convert_element_type3A : vector<16xi32> to vector<16xf32>
      %sub3A = arith.subf %mul3A_122, %convert_element_type3A_129 : vector<16xf32>
      %convert_element_type3A_130 = arith.sitofp %convert_element_type3A_128 : vector<16xi32> to vector<16xf32>
      %sub3A_131 = arith.subf %mul3A_127, %convert_element_type3A_130 : vector<16xf32>
      %jit3A = arith.constant 0 : i32
      %jit3A_132 = arith.constant 4095 : i32
      %max3A = vector.broadcast %jit3A : i32 to vector<16xi32>
      %max3A_133 = arith.maxsi %max3A, %convert_element_type3A : vector<16xi32>
      %min3A = vector.broadcast %jit3A_132 : i32 to vector<16xi32>
      %min3A_134 = arith.minsi %min3A, %max3A_133 : vector<16xi32>
      %jit3A_135 = arith.constant 0 : i32
      %jit3A_136 = arith.constant 4095 : i32
      %max3A_137 = vector.broadcast %jit3A_135 : i32 to vector<16xi32>
      %max3A_138 = arith.maxsi %max3A_137, %convert_element_type3A_128 : vector<16xi32>
      %min3A_139 = vector.broadcast %jit3A_136 : i32 to vector<16xi32>
      %min3A_140 = arith.minsi %min3A_139, %max3A_138 : vector<16xi32>
      %add3A_141 = arith.constant 1 : i32
      %add3A_142 = vector.broadcast %add3A_141 : i32 to vector<16xi32>
      %add3A_143 = arith.addi %min3A_134, %add3A_142 : vector<16xi32>
      %min3A_144 = arith.constant 4095 : i32
      %min3A_145 = vector.broadcast %min3A_144 : i32 to vector<16xi32>
      %min3A_146 = arith.minsi %add3A_143, %min3A_145 : vector<16xi32>
      %add3A_147 = arith.constant 1 : i32
      %add3A_148 = vector.broadcast %add3A_147 : i32 to vector<16xi32>
      %add3A_149 = arith.addi %min3A_140, %add3A_148 : vector<16xi32>
      %min3A_150 = arith.constant 4095 : i32
      %min3A_151 = vector.broadcast %min3A_150 : i32 to vector<16xi32>
      %min3A_152 = arith.minsi %add3A_149, %min3A_151 : vector<16xi32>
      %shift_left3A = arith.constant 12 : i32
      %shift_left3A_153 = vector.broadcast %shift_left3A : i32 to vector<16xi32>
      %shift_left3A_154 = arith.shli %min3A_140, %shift_left3A_153 : vector<16xi32>
      %shift_left3A_155 = arith.constant 12 : i32
      %shift_left3A_156 = vector.broadcast %shift_left3A_155 : i32 to vector<16xi32>
      %shift_left3A_157 = arith.shli %min3A_152, %shift_left3A_156 : vector<16xi32>
      %add3A_158 = arith.addi %shift_left3A_154, %min3A_134 : vector<16xi32>
      %add3A_159 = arith.addi %shift_left3A_154, %min3A_146 : vector<16xi32>
      %add3A_160 = arith.addi %shift_left3A_157, %min3A_134 : vector<16xi32>
      %add3A_161 = arith.addi %shift_left3A_157, %min3A_146 : vector<16xi32>
      %add3A_162 = arith.constant 0 : i32
      %add3A_163 = vector.broadcast %add3A_162 : i32 to vector<16xi32>
      %add3A_164 = arith.addi %add3A_158, %add3A_163 : vector<16xi32>
      %swap3A = arith.index_cast %mul3A_114 : i32 to index
      %swap3A_165 = tpu.vector_load %arg39[%swap3A] {strides = array<i32>} : memref<512xi32, #tpu.memory_space<vmem>>, vector<16xi32>,
      tpu.vector_store %arg39[%swap3A], %add3A_164 {strides = array<i32>} : memref<512xi32, #tpu.memory_space<vmem>>, vector<16xi32>,
      %add3A_166 = arith.constant 16777216 : i32
      %add3A_167 = vector.broadcast %add3A_166 : i32 to vector<16xi32>
      %add3A_168 = arith.addi %add3A_158, %add3A_167 : vector<16xi32>
      %swap3A_169 = arith.index_cast %mul3A_114 : i32 to index
      %swap3A_170 = tpu.vector_load %arg40[%swap3A_169] {strides = array<i32>} : memref<512xi32, #tpu.memory_space<vmem>>, vector<16xi32>,
      tpu.vector_store %arg40[%swap3A_169], %add3A_168 {strides = array<i32>} : memref<512xi32, #tpu.memory_space<vmem>>, vector<16xi32>,
      %add3A_171 = arith.constant 33554432 : i32
      %add3A_172 = vector.broadcast %add3A_171 : i32 to vector<16xi32>
      %add3A_173 = arith.addi %add3A_158, %add3A_172 : vector<16xi32>
      %swap3A_174 = arith.index_cast %mul3A_114 : i32 to index
      %swap3A_175 = tpu.vector_load %arg41[%swap3A_174] {strides = array<i32>} : memref<512xi32, #tpu.memory_space<vmem>>, vector<16xi32>,
      tpu.vector_store %arg41[%swap3A_174], %add3A_173 {strides = array<i32>} : memref<512xi32, #tpu.memory_space<vmem>>, vector<16xi32>,
      %add3A_176 = arith.constant 0 : i32
      %add3A_177 = vector.broadcast %add3A_176 : i32 to vector<16xi32>
      %add3A_178 = arith.addi %add3A_159, %add3A_177 : vector<16xi32>
      %swap3A_179 = arith.index_cast %mul3A_114 : i32 to index
      %swap3A_180 = tpu.vector_load %arg42[%swap3A_179] {strides = array<i32>} : memref<512xi32, #tpu.memory_space<vmem>>, vector<16xi32>,
      tpu.vector_store %arg42[%swap3A_179], %add3A_178 {strides = array<i32>} : memref<512xi32, #tpu.memory_space<vmem>>, vector<16xi32>,
      %add3A_181 = arith.constant 16777216 : i32
      %add3A_182 = vector.broadcast %add3A_181 : i32 to vector<16xi32>
      %add3A_183 = arith.addi %add3A_159, %add3A_182 : vector<16xi32>
      %swap3A_184 = arith.index_cast %mul3A_114 : i32 to index
      %swap3A_185 = tpu.vector_load %arg43[%swap3A_184] {strides = array<i32>} : memref<512xi32, #tpu.memory_space<vmem>>, vector<16xi32>,
      tpu.vector_store %arg43[%swap3A_184], %add3A_183 {strides = array<i32>} : memref<512xi32, #tpu.memory_space<vmem>>, vector<16xi32>,
      %add3A_186 = arith.constant 33554432 : i32
      %add3A_187 = vector.broadcast %add3A_186 : i32 to vector<16xi32>
      %add3A_188 = arith.addi %add3A_159, %add3A_187 : vector<16xi32>
      %swap3A_189 = arith.index_cast %mul3A_114 : i32 to index
      %swap3A_190 = tpu.vector_load %arg44[%swap3A_189] {strides = array<i32>} : memref<512xi32, #tpu.memory_space<vmem>>, vector<16xi32>,
      tpu.vector_store %arg44[%swap3A_189], %add3A_188 {strides = array<i32>} : memref<512xi32, #tpu.memory_space<vmem>>, vector<16xi32>,
      %add3A_191 = arith.constant 0 : i32
      %add3A_192 = vector.broadcast %add3A_191 : i32 to vector<16xi32>
      %add3A_193 = arith.addi %add3A_160, %add3A_192 : vector<16xi32>
      %swap3A_194 = arith.index_cast %mul3A_114 : i32 to index
      %swap3A_195 = tpu.vector_load %arg45[%swap3A_194] {strides = array<i32>} : memref<512xi32, #tpu.memory_space<vmem>>, vector<16xi32>,
      tpu.vector_store %arg45[%swap3A_194], %add3A_193 {strides = array<i32>} : memref<512xi32, #tpu.memory_space<vmem>>, vector<16xi32>,
      %add3A_196 = arith.constant 16777216 : i32
      %add3A_197 = vector.broadcast %add3A_196 : i32 to vector<16xi32>
      %add3A_198 = arith.addi %add3A_160, %add3A_197 : vector<16xi32>
      %swap3A_199 = arith.index_cast %mul3A_114 : i32 to index
      %swap3A_200 = tpu.vector_load %arg46[%swap3A_199] {strides = array<i32>} : memref<512xi32, #tpu.memory_space<vmem>>, vector<16xi32>,
      tpu.vector_store %arg46[%swap3A_199], %add3A_198 {strides = array<i32>} : memref<512xi32, #tpu.memory_space<vmem>>, vector<16xi32>,
      %add3A_201 = arith.constant 33554432 : i32
      %add3A_202 = vector.broadcast %add3A_201 : i32 to vector<16xi32>
      %add3A_203 = arith.addi %add3A_160, %add3A_202 : vector<16xi32>
      %swap3A_204 = arith.index_cast %mul3A_114 : i32 to index
      %swap3A_205 = tpu.vector_load %arg47[%swap3A_204] {strides = array<i32>} : memref<512xi32, #tpu.memory_space<vmem>>, vector<16xi32>,
      tpu.vector_store %arg47[%swap3A_204], %add3A_203 {strides = array<i32>} : memref<512xi32, #tpu.memory_space<vmem>>, vector<16xi32>,
      %add3A_206 = arith.constant 0 : i32
      %add3A_207 = vector.broadcast %add3A_206 : i32 to vector<16xi32>
      %add3A_208 = arith.addi %add3A_161, %add3A_207 : vector<16xi32>
      %swap3A_209 = arith.index_cast %mul3A_114 : i32 to index
      %swap3A_210 = tpu.vector_load %arg48[%swap3A_209] {strides = array<i32>} : memref<512xi32, #tpu.memory_space<vmem>>, vector<16xi32>,
      tpu.vector_store %arg48[%swap3A_209], %add3A_208 {strides = array<i32>} : memref<512xi32, #tpu.memory_space<vmem>>, vector<16xi32>,
      %add3A_211 = arith.constant 16777216 : i32
      %add3A_212 = vector.broadcast %add3A_211 : i32 to vector<16xi32>
      %add3A_213 = arith.addi %add3A_161, %add3A_212 : vector<16xi32>
      %swap3A_214 = arith.index_cast %mul3A_114 : i32 to index
      %swap3A_215 = tpu.vector_load %arg49[%swap3A_214] {strides = array<i32>} : memref<512xi32, #tpu.memory_space<vmem>>, vector<16xi32>,
      tpu.vector_store %arg49[%swap3A_214], %add3A_213 {strides = array<i32>} : memref<512xi32, #tpu.memory_space<vmem>>, vector<16xi32>,
      %add3A_216 = arith.constant 33554432 : i32
      %add3A_217 = vector.broadcast %add3A_216 : i32 to vector<16xi32>
      %add3A_218 = arith.addi %add3A_161, %add3A_217 : vector<16xi32>
      %swap3A_219 = arith.index_cast %mul3A_114 : i32 to index
      %swap3A_220 = tpu.vector_load %arg50[%swap3A_219] {strides = array<i32>} : memref<512xi32, #tpu.memory_space<vmem>>, vector<16xi32>,
      tpu.vector_store %arg50[%swap3A_219], %add3A_218 {strides = array<i32>} : memref<512xi32, #tpu.memory_space<vmem>>, vector<16xi32>,
      %sub3A_221 = arith.constant 1.000000e+00 : f32
      %sub3A_222 = vector.broadcast %sub3A_221 : f32 to vector<16xf32>
      %sub3A_223 = arith.subf %sub3A_222, %sub3A : vector<16xf32>
      %sub3A_224 = arith.constant 1.000000e+00 : f32
      %sub3A_225 = vector.broadcast %sub3A_224 : f32 to vector<16xf32>
      %sub3A_226 = arith.subf %sub3A_225, %sub3A_131 : vector<16xf32>
      %mul3A_227 = arith.mulf %sub3A_223, %sub3A_226 : vector<16xf32>
      %swap3A_228 = arith.index_cast %mul3A_114 : i32 to index
      %swap3A_229 = tpu.vector_load %arg51[%swap3A_228] {strides = array<i32>} : memref<512xf32, #tpu.memory_space<vmem>>, vector<16xf32>,
      tpu.vector_store %arg51[%swap3A_228], %mul3A_227 {strides = array<i32>} : memref<512xf32, #tpu.memory_space<vmem>>, vector<16xf32>,
      %mul3A_230 = arith.mulf %sub3A, %sub3A_226 : vector<16xf32>
      %swap3A_231 = arith.index_cast %mul3A_114 : i32 to index
      %swap3A_232 = tpu.vector_load %arg52[%swap3A_231] {strides = array<i32>} : memref<512xf32, #tpu.memory_space<vmem>>, vector<16xf32>,
      tpu.vector_store %arg52[%swap3A_231], %mul3A_230 {strides = array<i32>} : memref<512xf32, #tpu.memory_space<vmem>>, vector<16xf32>,
      %mul3A_233 = arith.mulf %sub3A_223, %sub3A_131 : vector<16xf32>
      %swap3A_234 = arith.index_cast %mul3A_114 : i32 to index
      %swap3A_235 = tpu.vector_load %arg53[%swap3A_234] {strides = array<i32>} : memref<512xf32, #tpu.memory_space<vmem>>, vector<16xf32>,
      tpu.vector_store %arg53[%swap3A_234], %mul3A_233 {strides = array<i32>} : memref<512xf32, #tpu.memory_space<vmem>>, vector<16xf32>,
      %mul3A_236 = arith.mulf %sub3A, %sub3A_131 : vector<16xf32>
      %swap3A_237 = arith.index_cast %mul3A_114 : i32 to index
      %swap3A_238 = tpu.vector_load %arg54[%swap3A_237] {strides = array<i32>} : memref<512xf32, #tpu.memory_space<vmem>>, vector<16xf32>,
      tpu.vector_store %arg54[%swap3A_237], %mul3A_236 {strides = array<i32>} : memref<512xf32, #tpu.memory_space<vmem>>, vector<16xf32>,
      %scan3A_239 = arith.constant 0 : i32
      %scan3A_240 = arith.constant 1 : i32
      %scan3A_241 = arith.addi %scan3A_111, %scan3A_240 : i32
      %mul3A_242 = arith.constant 16 : i32
      %mul3A_243 = arith.muli %scan3A_241, %mul3A_242 : i32
      %mul3A_244 = arith.constant 16 : i32
      %mul3A_245 = arith.muli %scan3A_241, %mul3A_244 : i32
      %add3A_246 = arith.constant 512 : i32
      %add3A_247 = arith.addi %add3A_246, %mul3A_245 : i32
      %get3A_248 = arith.index_cast %add3A_247 : i32 to index
      %get3A_249 = tpu.vector_load %arg6[%get3A_248] {strides = array<i32>} : memref<32256xf32, #tpu.memory_space<vmem>>, vector<16xf32>,
      %mul3A_250 = arith.constant 4.096000e+03 : f32
      %mul3A_251 = vector.broadcast %mul3A_250 : f32 to vector<16xf32>
      %mul3A_252 = arith.mulf %get3A_249, %mul3A_251 : vector<16xf32>
      %get3A_253 = arith.index_cast %add3A_247 : i32 to index
      %get3A_254 = tpu.vector_load %arg7[%get3A_253] {strides = array<i32>} : memref<32256xf32, #tpu.memory_space<vmem>>, vector<16xf32>,
      %mul3A_255 = arith.constant 4.096000e+03 : f32
      %mul3A_256 = vector.broadcast %mul3A_255 : f32 to vector<16xf32>
      %mul3A_257 = arith.mulf %get3A_254, %mul3A_256 : vector<16xf32>
      %convert_element_type3A_258 = arith.fptosi %mul3A_252 : vector<16xf32> to vector<16xi32>
      %convert_element_type3A_259 = arith.fptosi %mul3A_257 : vector<16xf32> to vector<16xi32>
      %convert_element_type3A_260 = arith.sitofp %convert_element_type3A_258 : vector<16xi32> to vector<16xf32>
      %sub3A_261 = arith.subf %mul3A_252, %convert_element_type3A_260 : vector<16xf32>
      %convert_element_type3A_262 = arith.sitofp %convert_element_type3A_259 : vector<16xi32> to vector<16xf32>
      %sub3A_263 = arith.subf %mul3A_257, %convert_element_type3A_262 : vector<16xf32>
      %jit3A_264 = arith.constant 0 : i32
      %jit3A_265 = arith.constant 4095 : i32
      %max3A_266 = vector.broadcast %jit3A_264 : i32 to vector<16xi32>
      %max3A_267 = arith.maxsi %max3A_266, %convert_element_type3A_258 : vector<16xi32>
      %min3A_268 = vector.broadcast %jit3A_265 : i32 to vector<16xi32>
      %min3A_269 = arith.minsi %min3A_268, %max3A_267 : vector<16xi32>
      %jit3A_270 = arith.constant 0 : i32
      %jit3A_271 = arith.constant 4095 : i32
      %max3A_272 = vector.broadcast %jit3A_270 : i32 to vector<16xi32>
      %max3A_273 = arith.maxsi %max3A_272, %convert_element_type3A_259 : vector<16xi32>
      %min3A_274 = vector.broadcast %jit3A_271 : i32 to vector<16xi32>
      %min3A_275 = arith.minsi %min3A_274, %max3A_273 : vector<16xi32>
      %add3A_276 = arith.constant 1 : i32
      %add3A_277 = vector.broadcast %add3A_276 : i32 to vector<16xi32>
      %add3A_278 = arith.addi %min3A_269, %add3A_277 : vector<16xi32>
      %min3A_279 = arith.constant 4095 : i32
      %min3A_280 = vector.broadcast %min3A_279 : i32 to vector<16xi32>
      %min3A_281 = arith.minsi %add3A_278, %min3A_280 : vector<16xi32>
      %add3A_282 = arith.constant 1 : i32
      %add3A_283 = vector.broadcast %add3A_282 : i32 to vector<16xi32>
      %add3A_284 = arith.addi %min3A_275, %add3A_283 : vector<16xi32>
      %min3A_285 = arith.constant 4095 : i32
      %min3A_286 = vector.broadcast %min3A_285 : i32 to vector<16xi32>
      %min3A_287 = arith.minsi %add3A_284, %min3A_286 : vector<16xi32>
      %shift_left3A_288 = arith.constant 12 : i32
      %shift_left3A_289 = vector.broadcast %shift_left3A_288 : i32 to vector<16xi32>
      %shift_left3A_290 = arith.shli %min3A_275, %shift_left3A_289 : vector<16xi32>
      %shift_left3A_291 = arith.constant 12 : i32
      %shift_left3A_292 = vector.broadcast %shift_left3A_291 : i32 to vector<16xi32>
      %shift_left3A_293 = arith.shli %min3A_287, %shift_left3A_292 : vector<16xi32>
      %add3A_294 = arith.addi %shift_left3A_290, %min3A_269 : vector<16xi32>
      %add3A_295 = arith.addi %shift_left3A_290, %min3A_281 : vector<16xi32>
      %add3A_296 = arith.addi %shift_left3A_293, %min3A_269 : vector<16xi32>
      %add3A_297 = arith.addi %shift_left3A_293, %min3A_281 : vector<16xi32>
      %add3A_298 = arith.constant 0 : i32
      %add3A_299 = vector.broadcast %add3A_298 : i32 to vector<16xi32>
      %add3A_300 = arith.addi %add3A_294, %add3A_299 : vector<16xi32>
      %swap3A_301 = arith.index_cast %mul3A_243 : i32 to index
      %swap3A_302 = tpu.vector_load %arg39[%swap3A_301] {strides = array<i32>} : memref<512xi32, #tpu.memory_space<vmem>>, vector<16xi32>,
      tpu.vector_store %arg39[%swap3A_301], %add3A_300 {strides = array<i32>} : memref<512xi32, #tpu.memory_space<vmem>>, vector<16xi32>,
      %add3A_303 = arith.constant 16777216 : i32
      %add3A_304 = vector.broadcast %add3A_303 : i32 to vector<16xi32>
      %add3A_305 = arith.addi %add3A_294, %add3A_304 : vector<16xi32>
      %swap3A_306 = arith.index_cast %mul3A_243 : i32 to index
      %swap3A_307 = tpu.vector_load %arg40[%swap3A_306] {strides = array<i32>} : memref<512xi32, #tpu.memory_space<vmem>>, vector<16xi32>,
      tpu.vector_store %arg40[%swap3A_306], %add3A_305 {strides = array<i32>} : memref<512xi32, #tpu.memory_space<vmem>>, vector<16xi32>,
      %add3A_308 = arith.constant 33554432 : i32
      %add3A_309 = vector.broadcast %add3A_308 : i32 to vector<16xi32>
      %add3A_310 = arith.addi %add3A_294, %add3A_309 : vector<16xi32>
      %swap3A_311 = arith.index_cast %mul3A_243 : i32 to index
      %swap3A_312 = tpu.vector_load %arg41[%swap3A_311] {strides = array<i32>} : memref<512xi32, #tpu.memory_space<vmem>>, vector<16xi32>,
      tpu.vector_store %arg41[%swap3A_311], %add3A_310 {strides = array<i32>} : memref<512xi32, #tpu.memory_space<vmem>>, vector<16xi32>,
      %add3A_313 = arith.constant 0 : i32
      %add3A_314 = vector.broadcast %add3A_313 : i32 to vector<16xi32>
      %add3A_315 = arith.addi %add3A_295, %add3A_314 : vector<16xi32>
      %swap3A_316 = arith.index_cast %mul3A_243 : i32 to index
      %swap3A_317 = tpu.vector_load %arg42[%swap3A_316] {strides = array<i32>} : memref<512xi32, #tpu.memory_space<vmem>>, vector<16xi32>,
      tpu.vector_store %arg42[%swap3A_316], %add3A_315 {strides = array<i32>} : memref<512xi32, #tpu.memory_space<vmem>>, vector<16xi32>,
      %add3A_318 = arith.constant 16777216 : i32
      %add3A_319 = vector.broadcast %add3A_318 : i32 to vector<16xi32>
      %add3A_320 = arith.addi %add3A_295, %add3A_319 : vector<16xi32>
      %swap3A_321 = arith.index_cast %mul3A_243 : i32 to index
      %swap3A_322 = tpu.vector_load %arg43[%swap3A_321] {strides = array<i32>} : memref<512xi32, #tpu.memory_space<vmem>>, vector<16xi32>,
      tpu.vector_store %arg43[%swap3A_321], %add3A_320 {strides = array<i32>} : memref<512xi32, #tpu.memory_space<vmem>>, vector<16xi32>,
      %add3A_323 = arith.constant 33554432 : i32
      %add3A_324 = vector.broadcast %add3A_323 : i32 to vector<16xi32>
      %add3A_325 = arith.addi %add3A_295, %add3A_324 : vector<16xi32>
      %swap3A_326 = arith.index_cast %mul3A_243 : i32 to index
      %swap3A_327 = tpu.vector_load %arg44[%swap3A_326] {strides = array<i32>} : memref<512xi32, #tpu.memory_space<vmem>>, vector<16xi32>,
      tpu.vector_store %arg44[%swap3A_326], %add3A_325 {strides = array<i32>} : memref<512xi32, #tpu.memory_space<vmem>>, vector<16xi32>,
      %add3A_328 = arith.constant 0 : i32
      %add3A_329 = vector.broadcast %add3A_328 : i32 to vector<16xi32>
      %add3A_330 = arith.addi %add3A_296, %add3A_329 : vector<16xi32>
      %swap3A_331 = arith.index_cast %mul3A_243 : i32 to index
      %swap3A_332 = tpu.vector_load %arg45[%swap3A_331] {strides = array<i32>} : memref<512xi32, #tpu.memory_space<vmem>>, vector<16xi32>,
      tpu.vector_store %arg45[%swap3A_331], %add3A_330 {strides = array<i32>} : memref<512xi32, #tpu.memory_space<vmem>>, vector<16xi32>,
      %add3A_333 = arith.constant 16777216 : i32
      %add3A_334 = vector.broadcast %add3A_333 : i32 to vector<16xi32>
      %add3A_335 = arith.addi %add3A_296, %add3A_334 : vector<16xi32>
      %swap3A_336 = arith.index_cast %mul3A_243 : i32 to index
      %swap3A_337 = tpu.vector_load %arg46[%swap3A_336] {strides = array<i32>} : memref<512xi32, #tpu.memory_space<vmem>>, vector<16xi32>,
      tpu.vector_store %arg46[%swap3A_336], %add3A_335 {strides = array<i32>} : memref<512xi32, #tpu.memory_space<vmem>>, vector<16xi32>,
      %add3A_338 = arith.constant 33554432 : i32
      %add3A_339 = vector.broadcast %add3A_338 : i32 to vector<16xi32>
      %add3A_340 = arith.addi %add3A_296, %add3A_339 : vector<16xi32>
      %swap3A_341 = arith.index_cast %mul3A_243 : i32 to index
      %swap3A_342 = tpu.vector_load %arg47[%swap3A_341] {strides = array<i32>} : memref<512xi32, #tpu.memory_space<vmem>>, vector<16xi32>,
      tpu.vector_store %arg47[%swap3A_341], %add3A_340 {strides = array<i32>} : memref<512xi32, #tpu.memory_space<vmem>>, vector<16xi32>,
      %add3A_343 = arith.constant 0 : i32
      %add3A_344 = vector.broadcast %add3A_343 : i32 to vector<16xi32>
      %add3A_345 = arith.addi %add3A_297, %add3A_344 : vector<16xi32>
      %swap3A_346 = arith.index_cast %mul3A_243 : i32 to index
      %swap3A_347 = tpu.vector_load %arg48[%swap3A_346] {strides = array<i32>} : memref<512xi32, #tpu.memory_space<vmem>>, vector<16xi32>,
      tpu.vector_store %arg48[%swap3A_346], %add3A_345 {strides = array<i32>} : memref<512xi32, #tpu.memory_space<vmem>>, vector<16xi32>,
      %add3A_348 = arith.constant 16777216 : i32
      %add3A_349 = vector.broadcast %add3A_348 : i32 to vector<16xi32>
      %add3A_350 = arith.addi %add3A_297, %add3A_349 : vector<16xi32>
      %swap3A_351 = arith.index_cast %mul3A_243 : i32 to index
      %swap3A_352 = tpu.vector_load %arg49[%swap3A_351] {strides = array<i32>} : memref<512xi32, #tpu.memory_space<vmem>>, vector<16xi32>,
      tpu.vector_store %arg49[%swap3A_351], %add3A_350 {strides = array<i32>} : memref<512xi32, #tpu.memory_space<vmem>>, vector<16xi32>,
      %add3A_353 = arith.constant 33554432 : i32
      %add3A_354 = vector.broadcast %add3A_353 : i32 to vector<16xi32>
      %add3A_355 = arith.addi %add3A_297, %add3A_354 : vector<16xi32>
      %swap3A_356 = arith.index_cast %mul3A_243 : i32 to index
      %swap3A_357 = tpu.vector_load %arg50[%swap3A_356] {strides = array<i32>} : memref<512xi32, #tpu.memory_space<vmem>>, vector<16xi32>,
      tpu.vector_store %arg50[%swap3A_356], %add3A_355 {strides = array<i32>} : memref<512xi32, #tpu.memory_space<vmem>>, vector<16xi32>,
      %sub3A_358 = arith.constant 1.000000e+00 : f32
      %sub3A_359 = vector.broadcast %sub3A_358 : f32 to vector<16xf32>
      %sub3A_360 = arith.subf %sub3A_359, %sub3A_261 : vector<16xf32>
      %sub3A_361 = arith.constant 1.000000e+00 : f32
      %sub3A_362 = vector.broadcast %sub3A_361 : f32 to vector<16xf32>
      %sub3A_363 = arith.subf %sub3A_362, %sub3A_263 : vector<16xf32>
      %mul3A_364 = arith.mulf %sub3A_360, %sub3A_363 : vector<16xf32>
      %swap3A_365 = arith.index_cast %mul3A_243 : i32 to index
      %swap3A_366 = tpu.vector_load %arg51[%swap3A_365] {strides = array<i32>} : memref<512xf32, #tpu.memory_space<vmem>>, vector<16xf32>,
      tpu.vector_store %arg51[%swap3A_365], %mul3A_364 {strides = array<i32>} : memref<512xf32, #tpu.memory_space<vmem>>, vector<16xf32>,
      %mul3A_367 = arith.mulf %sub3A_261, %sub3A_363 : vector<16xf32>
      %swap3A_368 = arith.index_cast %mul3A_243 : i32 to index
      %swap3A_369 = tpu.vector_load %arg52[%swap3A_368] {strides = array<i32>} : memref<512xf32, #tpu.memory_space<vmem>>, vector<16xf32>,
      tpu.vector_store %arg52[%swap3A_368], %mul3A_367 {strides = array<i32>} : memref<512xf32, #tpu.memory_space<vmem>>, vector<16xf32>,
      %mul3A_370 = arith.mulf %sub3A_360, %sub3A_263 : vector<16xf32>
      %swap3A_371 = arith.index_cast %mul3A_243 : i32 to index
      %swap3A_372 = tpu.vector_load %arg53[%swap3A_371] {strides = array<i32>} : memref<512xf32, #tpu.memory_space<vmem>>, vector<16xf32>,
      tpu.vector_store %arg53[%swap3A_371], %mul3A_370 {strides = array<i32>} : memref<512xf32, #tpu.memory_space<vmem>>, vector<16xf32>,
      %mul3A_373 = arith.mulf %sub3A_261, %sub3A_263 : vector<16xf32>
      %swap3A_374 = arith.index_cast %mul3A_243 : i32 to index
      %swap3A_375 = tpu.vector_load %arg54[%swap3A_374] {strides = array<i32>} : memref<512xf32, #tpu.memory_space<vmem>>, vector<16xf32>,
      tpu.vector_store %arg54[%swap3A_374], %mul3A_373 {strides = array<i32>} : memref<512xf32, #tpu.memory_space<vmem>>, vector<16xf32>,
      %scan3A_376 = arith.constant 0 : i32
      scf.yield %scan3A_376 : i32
    }
    %scan3A_38 = arith.constant 32 : i32
    %dma_start3A_39 = arith.constant 0 : i32
    %dma_start3A_40 = tpu.memref_slice %arg4[%dma_start3A_39] : memref<50331648xf32, #tpu.memory_space<hbm>> -> memref<50331648xf32, #tpu.memory_space<hbm>>
    tpu.enqueue_indirect_dma source(%dma_start3A_40 : memref<50331648xf32, #tpu.memory_space<hbm>>) target(%arg55 : memref<512xf32, #tpu.memory_space<vmem>>) offsets(%arg39 : memref<512xi32, #tpu.memory_space<vmem>>) semaphore(%arg102 : memref<!tpu.dma_semaphore, #tpu.memory_space<semaphore_mem>>)
    %dma_start3A_41 = arith.constant 0 : i32
    %dma_start3A_42 = tpu.memref_slice %arg4[%dma_start3A_41] : memref<50331648xf32, #tpu.memory_space<hbm>> -> memref<50331648xf32, #tpu.memory_space<hbm>>
    tpu.enqueue_indirect_dma source(%dma_start3A_42 : memref<50331648xf32, #tpu.memory_space<hbm>>) target(%arg56 : memref<512xf32, #tpu.memory_space<vmem>>) offsets(%arg40 : memref<512xi32, #tpu.memory_space<vmem>>) semaphore(%arg102 : memref<!tpu.dma_semaphore, #tpu.memory_space<semaphore_mem>>)
    %dma_start3A_43 = arith.constant 0 : i32
    %dma_start3A_44 = tpu.memref_slice %arg4[%dma_start3A_43] : memref<50331648xf32, #tpu.memory_space<hbm>> -> memref<50331648xf32, #tpu.memory_space<hbm>>
    tpu.enqueue_indirect_dma source(%dma_start3A_44 : memref<50331648xf32, #tpu.memory_space<hbm>>) target(%arg57 : memref<512xf32, #tpu.memory_space<vmem>>) offsets(%arg41 : memref<512xi32, #tpu.memory_space<vmem>>) semaphore(%arg102 : memref<!tpu.dma_semaphore, #tpu.memory_space<semaphore_mem>>)
    %dma_start3A_45 = arith.constant 0 : i32
    %dma_start3A_46 = tpu.memref_slice %arg4[%dma_start3A_45] : memref<50331648xf32, #tpu.memory_space<hbm>> -> memref<50331648xf32, #tpu.memory_space<hbm>>
    tpu.enqueue_indirect_dma source(%dma_start3A_46 : memref<50331648xf32, #tpu.memory_space<hbm>>) target(%arg58 : memref<512xf32, #tpu.memory_space<vmem>>) offsets(%arg42 : memref<512xi32, #tpu.memory_space<vmem>>) semaphore(%arg102 : memref<!tpu.dma_semaphore, #tpu.memory_space<semaphore_mem>>)
    %dma_start3A_47 = arith.constant 0 : i32
    %dma_start3A_48 = tpu.memref_slice %arg4[%dma_start3A_47] : memref<50331648xf32, #tpu.memory_space<hbm>> -> memref<50331648xf32, #tpu.memory_space<hbm>>
    tpu.enqueue_indirect_dma source(%dma_start3A_48 : memref<50331648xf32, #tpu.memory_space<hbm>>) target(%arg59 : memref<512xf32, #tpu.memory_space<vmem>>) offsets(%arg43 : memref<512xi32, #tpu.memory_space<vmem>>) semaphore(%arg102 : memref<!tpu.dma_semaphore, #tpu.memory_space<semaphore_mem>>)
    %dma_start3A_49 = arith.constant 0 : i32
    %dma_start3A_50 = tpu.memref_slice %arg4[%dma_start3A_49] : memref<50331648xf32, #tpu.memory_space<hbm>> -> memref<50331648xf32, #tpu.memory_space<hbm>>
    tpu.enqueue_indirect_dma source(%dma_start3A_50 : memref<50331648xf32, #tpu.memory_space<hbm>>) target(%arg60 : memref<512xf32, #tpu.memory_space<vmem>>) offsets(%arg44 : memref<512xi32, #tpu.memory_space<vmem>>) semaphore(%arg102 : memref<!tpu.dma_semaphore, #tpu.memory_space<semaphore_mem>>)
    %dma_start3A_51 = arith.constant 0 : i32
    %dma_start3A_52 = tpu.memref_slice %arg4[%dma_start3A_51] : memref<50331648xf32, #tpu.memory_space<hbm>> -> memref<50331648xf32, #tpu.memory_space<hbm>>
    tpu.enqueue_indirect_dma source(%dma_start3A_52 : memref<50331648xf32, #tpu.memory_space<hbm>>) target(%arg61 : memref<512xf32, #tpu.memory_space<vmem>>) offsets(%arg45 : memref<512xi32, #tpu.memory_space<vmem>>) semaphore(%arg102 : memref<!tpu.dma_semaphore, #tpu.memory_space<semaphore_mem>>)
    %dma_start3A_53 = arith.constant 0 : i32
    %dma_start3A_54 = tpu.memref_slice %arg4[%dma_start3A_53] : memref<50331648xf32, #tpu.memory_space<hbm>> -> memref<50331648xf32, #tpu.memory_space<hbm>>
    tpu.enqueue_indirect_dma source(%dma_start3A_54 : memref<50331648xf32, #tpu.memory_space<hbm>>) target(%arg62 : memref<512xf32, #tpu.memory_space<vmem>>) offsets(%arg46 : memref<512xi32, #tpu.memory_space<vmem>>) semaphore(%arg102 : memref<!tpu.dma_semaphore, #tpu.memory_space<semaphore_mem>>)
    %dma_start3A_55 = arith.constant 0 : i32
    %dma_start3A_56 = tpu.memref_slice %arg4[%dma_start3A_55] : memref<50331648xf32, #tpu.memory_space<hbm>> -> memref<50331648xf32, #tpu.memory_space<hbm>>
    tpu.enqueue_indirect_dma source(%dma_start3A_56 : memref<50331648xf32, #tpu.memory_space<hbm>>) target(%arg63 : memref<512xf32, #tpu.memory_space<vmem>>) offsets(%arg47 : memref<512xi32, #tpu.memory_space<vmem>>) semaphore(%arg102 : memref<!tpu.dma_semaphore, #tpu.memory_space<semaphore_mem>>)
    %dma_start3A_57 = arith.constant 0 : i32
    %dma_start3A_58 = tpu.memref_slice %arg4[%dma_start3A_57] : memref<50331648xf32, #tpu.memory_space<hbm>> -> memref<50331648xf32, #tpu.memory_space<hbm>>
    tpu.enqueue_indirect_dma source(%dma_start3A_58 : memref<50331648xf32, #tpu.memory_space<hbm>>) target(%arg64 : memref<512xf32, #tpu.memory_space<vmem>>) offsets(%arg48 : memref<512xi32, #tpu.memory_space<vmem>>) semaphore(%arg102 : memref<!tpu.dma_semaphore, #tpu.memory_space<semaphore_mem>>)
    %dma_start3A_59 = arith.constant 0 : i32
    %dma_start3A_60 = tpu.memref_slice %arg4[%dma_start3A_59] : memref<50331648xf32, #tpu.memory_space<hbm>> -> memref<50331648xf32, #tpu.memory_space<hbm>>
    tpu.enqueue_indirect_dma source(%dma_start3A_60 : memref<50331648xf32, #tpu.memory_space<hbm>>) target(%arg65 : memref<512xf32, #tpu.memory_space<vmem>>) offsets(%arg49 : memref<512xi32, #tpu.memory_space<vmem>>) semaphore(%arg102 : memref<!tpu.dma_semaphore, #tpu.memory_space<semaphore_mem>>)
    %dma_start3A_61 = arith.constant 0 : i32
    %dma_start3A_62 = tpu.memref_slice %arg4[%dma_start3A_61] : memref<50331648xf32, #tpu.memory_space<hbm>> -> memref<50331648xf32, #tpu.memory_space<hbm>>
    tpu.enqueue_indirect_dma source(%dma_start3A_62 : memref<50331648xf32, #tpu.memory_space<hbm>>) target(%arg66 : memref<512xf32, #tpu.memory_space<vmem>>) offsets(%arg50 : memref<512xi32, #tpu.memory_space<vmem>>) semaphore(%arg102 : memref<!tpu.dma_semaphore, #tpu.memory_space<semaphore_mem>>)
    %scan3A_63 = arith.constant 0 : i32
    %scan3A_64 = arith.constant 0 : i32
    %scan3A_65 = arith.constant 21 : i32
    %scan3A_66 = arith.addi %scan3A_64, %scan3A_65 : i32
    %scan3A_67 = arith.constant 1 : i32
    %scan3A_68 = scf.for %scan3A_111 = %scan3A_64 to %scan3A_66 step %scan3A_67 iter_args(%scan3A_112 = %scan3A_63) -> (i32)  : i32 {
      %mul3A_113 = arith.constant 3 : i32
      %mul3A_114 = arith.muli %mul3A_113, %scan3A_111 : i32
      %add3A_115 = arith.constant 0 : i32
      %add3A_116 = arith.addi %mul3A_114, %add3A_115 : i32
      %dma_wait3A_117 = arith.constant 0 : i32
      %dma_wait3A_118 = tpu.memref_slice %arg4[%dma_wait3A_117] : memref<50331648xf32, #tpu.memory_space<hbm>> -> memref<50331648xf32, #tpu.memory_space<hbm>>
      tpu.wait_indirect_dma semaphore(%arg101 : memref<!tpu.dma_semaphore, #tpu.memory_space<semaphore_mem>>) src(%dma_wait3A_118 : memref<50331648xf32, #tpu.memory_space<hbm>>) dst(%arg24 : memref<512xf32, #tpu.memory_space<vmem>>)
      %dma_wait3A_119 = arith.constant 0 : i32
      %dma_wait3A_120 = tpu.memref_slice %arg4[%dma_wait3A_119] : memref<50331648xf32, #tpu.memory_space<hbm>> -> memref<50331648xf32, #tpu.memory_space<hbm>>
      tpu.wait_indirect_dma semaphore(%arg101 : memref<!tpu.dma_semaphore, #tpu.memory_space<semaphore_mem>>) src(%dma_wait3A_120 : memref<50331648xf32, #tpu.memory_space<hbm>>) dst(%arg25 : memref<512xf32, #tpu.memory_space<vmem>>)
      %dma_wait3A_121 = arith.constant 0 : i32
      %dma_wait3A_122 = tpu.memref_slice %arg4[%dma_wait3A_121] : memref<50331648xf32, #tpu.memory_space<hbm>> -> memref<50331648xf32, #tpu.memory_space<hbm>>
      tpu.wait_indirect_dma semaphore(%arg101 : memref<!tpu.dma_semaphore, #tpu.memory_space<semaphore_mem>>) src(%dma_wait3A_122 : memref<50331648xf32, #tpu.memory_space<hbm>>) dst(%arg26 : memref<512xf32, #tpu.memory_space<vmem>>)
      %dma_wait3A_123 = arith.constant 0 : i32
      %dma_wait3A_124 = tpu.memref_slice %arg4[%dma_wait3A_123] : memref<50331648xf32, #tpu.memory_space<hbm>> -> memref<50331648xf32, #tpu.memory_space<hbm>>
      tpu.wait_indirect_dma semaphore(%arg101 : memref<!tpu.dma_semaphore, #tpu.memory_space<semaphore_mem>>) src(%dma_wait3A_124 : memref<50331648xf32, #tpu.memory_space<hbm>>) dst(%arg27 : memref<512xf32, #tpu.memory_space<vmem>>)
      %dma_wait3A_125 = arith.constant 0 : i32
      %dma_wait3A_126 = tpu.memref_slice %arg4[%dma_wait3A_125] : memref<50331648xf32, #tpu.memory_space<hbm>> -> memref<50331648xf32, #tpu.memory_space<hbm>>
      tpu.wait_indirect_dma semaphore(%arg101 : memref<!tpu.dma_semaphore, #tpu.memory_space<semaphore_mem>>) src(%dma_wait3A_126 : memref<50331648xf32, #tpu.memory_space<hbm>>) dst(%arg28 : memref<512xf32, #tpu.memory_space<vmem>>)
      %dma_wait3A_127 = arith.constant 0 : i32
      %dma_wait3A_128 = tpu.memref_slice %arg4[%dma_wait3A_127] : memref<50331648xf32, #tpu.memory_space<hbm>> -> memref<50331648xf32, #tpu.memory_space<hbm>>
      tpu.wait_indirect_dma semaphore(%arg101 : memref<!tpu.dma_semaphore, #tpu.memory_space<semaphore_mem>>) src(%dma_wait3A_128 : memref<50331648xf32, #tpu.memory_space<hbm>>) dst(%arg29 : memref<512xf32, #tpu.memory_space<vmem>>)
      %dma_wait3A_129 = arith.constant 0 : i32
      %dma_wait3A_130 = tpu.memref_slice %arg4[%dma_wait3A_129] : memref<50331648xf32, #tpu.memory_space<hbm>> -> memref<50331648xf32, #tpu.memory_space<hbm>>
      tpu.wait_indirect_dma semaphore(%arg101 : memref<!tpu.dma_semaphore, #tpu.memory_space<semaphore_mem>>) src(%dma_wait3A_130 : memref<50331648xf32, #tpu.memory_space<hbm>>) dst(%arg30 : memref<512xf32, #tpu.memory_space<vmem>>)
      %dma_wait3A_131 = arith.constant 0 : i32
      %dma_wait3A_132 = tpu.memref_slice %arg4[%dma_wait3A_131] : memref<50331648xf32, #tpu.memory_space<hbm>> -> memref<50331648xf32, #tpu.memory_space<hbm>>
      tpu.wait_indirect_dma semaphore(%arg101 : memref<!tpu.dma_semaphore, #tpu.memory_space<semaphore_mem>>) src(%dma_wait3A_132 : memref<50331648xf32, #tpu.memory_space<hbm>>) dst(%arg31 : memref<512xf32, #tpu.memory_space<vmem>>)
      %dma_wait3A_133 = arith.constant 0 : i32
      %dma_wait3A_134 = tpu.memref_slice %arg4[%dma_wait3A_133] : memref<50331648xf32, #tpu.memory_space<hbm>> -> memref<50331648xf32, #tpu.memory_space<hbm>>
      tpu.wait_indirect_dma semaphore(%arg101 : memref<!tpu.dma_semaphore, #tpu.memory_space<semaphore_mem>>) src(%dma_wait3A_134 : memref<50331648xf32, #tpu.memory_space<hbm>>) dst(%arg32 : memref<512xf32, #tpu.memory_space<vmem>>)
      %dma_wait3A_135 = arith.constant 0 : i32
      %dma_wait3A_136 = tpu.memref_slice %arg4[%dma_wait3A_135] : memref<50331648xf32, #tpu.memory_space<hbm>> -> memref<50331648xf32, #tpu.memory_space<hbm>>
      tpu.wait_indirect_dma semaphore(%arg101 : memref<!tpu.dma_semaphore, #tpu.memory_space<semaphore_mem>>) src(%dma_wait3A_136 : memref<50331648xf32, #tpu.memory_space<hbm>>) dst(%arg33 : memref<512xf32, #tpu.memory_space<vmem>>)
      %dma_wait3A_137 = arith.constant 0 : i32
      %dma_wait3A_138 = tpu.memref_slice %arg4[%dma_wait3A_137] : memref<50331648xf32, #tpu.memory_space<hbm>> -> memref<50331648xf32, #tpu.memory_space<hbm>>
      tpu.wait_indirect_dma semaphore(%arg101 : memref<!tpu.dma_semaphore, #tpu.memory_space<semaphore_mem>>) src(%dma_wait3A_138 : memref<50331648xf32, #tpu.memory_space<hbm>>) dst(%arg34 : memref<512xf32, #tpu.memory_space<vmem>>)
      %dma_wait3A_139 = arith.constant 0 : i32
      %dma_wait3A_140 = tpu.memref_slice %arg4[%dma_wait3A_139] : memref<50331648xf32, #tpu.memory_space<hbm>> -> memref<50331648xf32, #tpu.memory_space<hbm>>
      tpu.wait_indirect_dma semaphore(%arg101 : memref<!tpu.dma_semaphore, #tpu.memory_space<semaphore_mem>>) src(%dma_wait3A_140 : memref<50331648xf32, #tpu.memory_space<hbm>>) dst(%arg35 : memref<512xf32, #tpu.memory_space<vmem>>)
      %ge3A = arith.constant 3 : i32
      %ge3A_141 = arith.cmpi sge, %add3A_116, %ge3A : i32
      %convert_element_type3A = arith.extui %ge3A_141 : i1 to i32
      %cond3A = arith.constant 0 : i32
      %cond3A_142 = arith.cmpi ne, %convert_element_type3A, %cond3A : i32
      scf.if %cond3A_142 {
        %sub3A = arith.constant 3 : i32
        %sub3A_296 = arith.subi %add3A_116, %sub3A : i32
        %mul3A_297 = arith.constant 512 : i32
        %mul3A_298 = arith.muli %sub3A_296, %mul3A_297 : i32
        %add3A_299 = arith.addi %mul3A_2, %mul3A_298 : i32
        %add3A_300 = arith.constant 0 : i32
        %add3A_301 = arith.addi %add3A_300, %add3A_299 : i32
        %dma_wait3A_302 = tpu.memref_slice %arg5[%add3A_301] : memref<3096576xf32, #tpu.memory_space<hbm>> -> memref<512xf32, #tpu.memory_space<hbm>>
        %dma_wait3A_303 = tpu.memref_slice %arg5[%add3A_301] : memref<3096576xf32, #tpu.memory_space<hbm>> -> memref<512xf32, #tpu.memory_space<hbm>>
        tpu.wait_dma2 semaphore(%arg104 : memref<!tpu.dma_semaphore, #tpu.memory_space<semaphore_mem>>) src(%arg36 : memref<512xf32, #tpu.memory_space<vmem>>) dst(%dma_wait3A_303 : memref<512xf32, #tpu.memory_space<hbm>>)
        %add3A_304 = arith.constant 1032192 : i32
        %add3A_305 = arith.addi %add3A_304, %add3A_299 : i32
        %dma_wait3A_306 = tpu.memref_slice %arg5[%add3A_305] : memref<3096576xf32, #tpu.memory_space<hbm>> -> memref<512xf32, #tpu.memory_space<hbm>>
        %dma_wait3A_307 = tpu.memref_slice %arg5[%add3A_305] : memref<3096576xf32, #tpu.memory_space<hbm>> -> memref<512xf32, #tpu.memory_space<hbm>>
        tpu.wait_dma2 semaphore(%arg104 : memref<!tpu.dma_semaphore, #tpu.memory_space<semaphore_mem>>) src(%arg37 : memref<512xf32, #tpu.memory_space<vmem>>) dst(%dma_wait3A_307 : memref<512xf32, #tpu.memory_space<hbm>>)
        %add3A_308 = arith.constant 2064384 : i32
        %add3A_309 = arith.addi %add3A_308, %add3A_299 : i32
        %dma_wait3A_310 = tpu.memref_slice %arg5[%add3A_309] : memref<3096576xf32, #tpu.memory_space<hbm>> -> memref<512xf32, #tpu.memory_space<hbm>>
        %dma_wait3A_311 = tpu.memref_slice %arg5[%add3A_309] : memref<3096576xf32, #tpu.memory_space<hbm>> -> memref<512xf32, #tpu.memory_space<hbm>>
        tpu.wait_dma2 semaphore(%arg104 : memref<!tpu.dma_semaphore, #tpu.memory_space<semaphore_mem>>) src(%arg38 : memref<512xf32, #tpu.memory_space<vmem>>) dst(%dma_wait3A_311 : memref<512xf32, #tpu.memory_space<hbm>>)
      } else {
      }
      %mul3A_143 = arith.constant 512 : i32
      %mul3A_144 = arith.muli %add3A_116, %mul3A_143 : i32
      %add3A_145 = arith.addi %mul3A_2, %mul3A_144 : i32
      %scan3A_146 = arith.constant 0 : i32
      %scan3A_147 = arith.constant 0 : i32
      %scan3A_148 = arith.constant 32 : i32
      %scan3A_149 = arith.addi %scan3A_147, %scan3A_148 : i32
      %scan3A_150 = arith.constant 2 : i32
      %scan3A_151 = scf.for %scan3A_296 = %scan3A_147 to %scan3A_149 step %scan3A_150 iter_args(%scan3A_297 = %scan3A_146) -> (i32)  : i32 {
        %mul3A_298 = arith.constant 16 : i32
        %mul3A_299 = arith.muli %scan3A_296, %mul3A_298 : i32
        %get3A = arith.index_cast %mul3A_299 : i32 to index
        %get3A_300 = tpu.vector_load %arg20[%get3A] {strides = array<i32>} : memref<512xf32, #tpu.memory_space<vmem>>, vector<16xf32>,
        %get3A_301 = arith.index_cast %mul3A_299 : i32 to index
        %get3A_302 = tpu.vector_load %arg21[%get3A_301] {strides = array<i32>} : memref<512xf32, #tpu.memory_space<vmem>>, vector<16xf32>,
        %get3A_303 = arith.index_cast %mul3A_299 : i32 to index
        %get3A_304 = tpu.vector_load %arg22[%get3A_303] {strides = array<i32>} : memref<512xf32, #tpu.memory_space<vmem>>, vector<16xf32>,
        %get3A_305 = arith.index_cast %mul3A_299 : i32 to index
        %get3A_306 = tpu.vector_load %arg23[%get3A_305] {strides = array<i32>} : memref<512xf32, #tpu.memory_space<vmem>>, vector<16xf32>,
        %get3A_307 = arith.index_cast %mul3A_299 : i32 to index
        %get3A_308 = tpu.vector_load %arg24[%get3A_307] {strides = array<i32>} : memref<512xf32, #tpu.memory_space<vmem>>, vector<16xf32>,
        %mul3A_309 = arith.mulf %get3A_308, %get3A_300 : vector<16xf32>
        %get3A_310 = arith.index_cast %mul3A_299 : i32 to index
        %get3A_311 = tpu.vector_load %arg27[%get3A_310] {strides = array<i32>} : memref<512xf32, #tpu.memory_space<vmem>>, vector<16xf32>,
        %mul3A_312 = arith.mulf %get3A_311, %get3A_302 : vector<16xf32>
        %add3A_313 = arith.addf %mul3A_309, %mul3A_312 : vector<16xf32>
        %get3A_314 = arith.index_cast %mul3A_299 : i32 to index
        %get3A_315 = tpu.vector_load %arg30[%get3A_314] {strides = array<i32>} : memref<512xf32, #tpu.memory_space<vmem>>, vector<16xf32>,
        %mul3A_316 = arith.mulf %get3A_315, %get3A_304 : vector<16xf32>
        %add3A_317 = arith.addf %add3A_313, %mul3A_316 : vector<16xf32>
        %get3A_318 = arith.index_cast %mul3A_299 : i32 to index
        %get3A_319 = tpu.vector_load %arg33[%get3A_318] {strides = array<i32>} : memref<512xf32, #tpu.memory_space<vmem>>, vector<16xf32>,
        %mul3A_320 = arith.mulf %get3A_319, %get3A_306 : vector<16xf32>
        %add3A_321 = arith.addf %add3A_317, %mul3A_320 : vector<16xf32>
        %swap3A = arith.index_cast %mul3A_299 : i32 to index
        %swap3A_322 = tpu.vector_load %arg36[%swap3A] {strides = array<i32>} : memref<512xf32, #tpu.memory_space<vmem>>, vector<16xf32>,
        tpu.vector_store %arg36[%swap3A], %add3A_321 {strides = array<i32>} : memref<512xf32, #tpu.memory_space<vmem>>, vector<16xf32>,
        %get3A_323 = arith.index_cast %mul3A_299 : i32 to index
        %get3A_324 = tpu.vector_load %arg25[%get3A_323] {strides = array<i32>} : memref<512xf32, #tpu.memory_space<vmem>>, vector<16xf32>,
        %mul3A_325 = arith.mulf %get3A_324, %get3A_300 : vector<16xf32>
        %get3A_326 = arith.index_cast %mul3A_299 : i32 to index
        %get3A_327 = tpu.vector_load %arg28[%get3A_326] {strides = array<i32>} : memref<512xf32, #tpu.memory_space<vmem>>, vector<16xf32>,
        %mul3A_328 = arith.mulf %get3A_327, %get3A_302 : vector<16xf32>
        %add3A_329 = arith.addf %mul3A_325, %mul3A_328 : vector<16xf32>
        %get3A_330 = arith.index_cast %mul3A_299 : i32 to index
        %get3A_331 = tpu.vector_load %arg31[%get3A_330] {strides = array<i32>} : memref<512xf32, #tpu.memory_space<vmem>>, vector<16xf32>,
        %mul3A_332 = arith.mulf %get3A_331, %get3A_304 : vector<16xf32>
        %add3A_333 = arith.addf %add3A_329, %mul3A_332 : vector<16xf32>
        %get3A_334 = arith.index_cast %mul3A_299 : i32 to index
        %get3A_335 = tpu.vector_load %arg34[%get3A_334] {strides = array<i32>} : memref<512xf32, #tpu.memory_space<vmem>>, vector<16xf32>,
        %mul3A_336 = arith.mulf %get3A_335, %get3A_306 : vector<16xf32>
        %add3A_337 = arith.addf %add3A_333, %mul3A_336 : vector<16xf32>
        %swap3A_338 = arith.index_cast %mul3A_299 : i32 to index
        %swap3A_339 = tpu.vector_load %arg37[%swap3A_338] {strides = array<i32>} : memref<512xf32, #tpu.memory_space<vmem>>, vector<16xf32>,
        tpu.vector_store %arg37[%swap3A_338], %add3A_337 {strides = array<i32>} : memref<512xf32, #tpu.memory_space<vmem>>, vector<16xf32>,
        %get3A_340 = arith.index_cast %mul3A_299 : i32 to index
        %get3A_341 = tpu.vector_load %arg26[%get3A_340] {strides = array<i32>} : memref<512xf32, #tpu.memory_space<vmem>>, vector<16xf32>,
        %mul3A_342 = arith.mulf %get3A_341, %get3A_300 : vector<16xf32>
        %get3A_343 = arith.index_cast %mul3A_299 : i32 to index
        %get3A_344 = tpu.vector_load %arg29[%get3A_343] {strides = array<i32>} : memref<512xf32, #tpu.memory_space<vmem>>, vector<16xf32>,
        %mul3A_345 = arith.mulf %get3A_344, %get3A_302 : vector<16xf32>
        %add3A_346 = arith.addf %mul3A_342, %mul3A_345 : vector<16xf32>
        %get3A_347 = arith.index_cast %mul3A_299 : i32 to index
        %get3A_348 = tpu.vector_load %arg32[%get3A_347] {strides = array<i32>} : memref<512xf32, #tpu.memory_space<vmem>>, vector<16xf32>,
        %mul3A_349 = arith.mulf %get3A_348, %get3A_304 : vector<16xf32>
        %add3A_350 = arith.addf %add3A_346, %mul3A_349 : vector<16xf32>
        %get3A_351 = arith.index_cast %mul3A_299 : i32 to index
        %get3A_352 = tpu.vector_load %arg35[%get3A_351] {strides = array<i32>} : memref<512xf32, #tpu.memory_space<vmem>>, vector<16xf32>,
        %mul3A_353 = arith.mulf %get3A_352, %get3A_306 : vector<16xf32>
        %add3A_354 = arith.addf %add3A_350, %mul3A_353 : vector<16xf32>
        %swap3A_355 = arith.index_cast %mul3A_299 : i32 to index
        %swap3A_356 = tpu.vector_load %arg38[%swap3A_355] {strides = array<i32>} : memref<512xf32, #tpu.memory_space<vmem>>, vector<16xf32>,
        tpu.vector_store %arg38[%swap3A_355], %add3A_354 {strides = array<i32>} : memref<512xf32, #tpu.memory_space<vmem>>, vector<16xf32>,
        %scan3A_357 = arith.constant 0 : i32
        %scan3A_358 = arith.constant 1 : i32
        %scan3A_359 = arith.addi %scan3A_296, %scan3A_358 : i32
        %mul3A_360 = arith.constant 16 : i32
        %mul3A_361 = arith.muli %scan3A_359, %mul3A_360 : i32
        %get3A_362 = arith.index_cast %mul3A_361 : i32 to index
        %get3A_363 = tpu.vector_load %arg20[%get3A_362] {strides = array<i32>} : memref<512xf32, #tpu.memory_space<vmem>>, vector<16xf32>,
        %get3A_364 = arith.index_cast %mul3A_361 : i32 to index
        %get3A_365 = tpu.vector_load %arg21[%get3A_364] {strides = array<i32>} : memref<512xf32, #tpu.memory_space<vmem>>, vector<16xf32>,
        %get3A_366 = arith.index_cast %mul3A_361 : i32 to index
        %get3A_367 = tpu.vector_load %arg22[%get3A_366] {strides = array<i32>} : memref<512xf32, #tpu.memory_space<vmem>>, vector<16xf32>,
        %get3A_368 = arith.index_cast %mul3A_361 : i32 to index
        %get3A_369 = tpu.vector_load %arg23[%get3A_368] {strides = array<i32>} : memref<512xf32, #tpu.memory_space<vmem>>, vector<16xf32>,
        %get3A_370 = arith.index_cast %mul3A_361 : i32 to index
        %get3A_371 = tpu.vector_load %arg24[%get3A_370] {strides = array<i32>} : memref<512xf32, #tpu.memory_space<vmem>>, vector<16xf32>,
        %mul3A_372 = arith.mulf %get3A_371, %get3A_363 : vector<16xf32>
        %get3A_373 = arith.index_cast %mul3A_361 : i32 to index
        %get3A_374 = tpu.vector_load %arg27[%get3A_373] {strides = array<i32>} : memref<512xf32, #tpu.memory_space<vmem>>, vector<16xf32>,
        %mul3A_375 = arith.mulf %get3A_374, %get3A_365 : vector<16xf32>
        %add3A_376 = arith.addf %mul3A_372, %mul3A_375 : vector<16xf32>
        %get3A_377 = arith.index_cast %mul3A_361 : i32 to index
        %get3A_378 = tpu.vector_load %arg30[%get3A_377] {strides = array<i32>} : memref<512xf32, #tpu.memory_space<vmem>>, vector<16xf32>,
        %mul3A_379 = arith.mulf %get3A_378, %get3A_367 : vector<16xf32>
        %add3A_380 = arith.addf %add3A_376, %mul3A_379 : vector<16xf32>
        %get3A_381 = arith.index_cast %mul3A_361 : i32 to index
        %get3A_382 = tpu.vector_load %arg33[%get3A_381] {strides = array<i32>} : memref<512xf32, #tpu.memory_space<vmem>>, vector<16xf32>,
        %mul3A_383 = arith.mulf %get3A_382, %get3A_369 : vector<16xf32>
        %add3A_384 = arith.addf %add3A_380, %mul3A_383 : vector<16xf32>
        %swap3A_385 = arith.index_cast %mul3A_361 : i32 to index
        %swap3A_386 = tpu.vector_load %arg36[%swap3A_385] {strides = array<i32>} : memref<512xf32, #tpu.memory_space<vmem>>, vector<16xf32>,
        tpu.vector_store %arg36[%swap3A_385], %add3A_384 {strides = array<i32>} : memref<512xf32, #tpu.memory_space<vmem>>, vector<16xf32>,
        %get3A_387 = arith.index_cast %mul3A_361 : i32 to index
        %get3A_388 = tpu.vector_load %arg25[%get3A_387] {strides = array<i32>} : memref<512xf32, #tpu.memory_space<vmem>>, vector<16xf32>,
        %mul3A_389 = arith.mulf %get3A_388, %get3A_363 : vector<16xf32>
        %get3A_390 = arith.index_cast %mul3A_361 : i32 to index
        %get3A_391 = tpu.vector_load %arg28[%get3A_390] {strides = array<i32>} : memref<512xf32, #tpu.memory_space<vmem>>, vector<16xf32>,
        %mul3A_392 = arith.mulf %get3A_391, %get3A_365 : vector<16xf32>
        %add3A_393 = arith.addf %mul3A_389, %mul3A_392 : vector<16xf32>
        %get3A_394 = arith.index_cast %mul3A_361 : i32 to index
        %get3A_395 = tpu.vector_load %arg31[%get3A_394] {strides = array<i32>} : memref<512xf32, #tpu.memory_space<vmem>>, vector<16xf32>,
        %mul3A_396 = arith.mulf %get3A_395, %get3A_367 : vector<16xf32>
        %add3A_397 = arith.addf %add3A_393, %mul3A_396 : vector<16xf32>
        %get3A_398 = arith.index_cast %mul3A_361 : i32 to index
        %get3A_399 = tpu.vector_load %arg34[%get3A_398] {strides = array<i32>} : memref<512xf32, #tpu.memory_space<vmem>>, vector<16xf32>,
        %mul3A_400 = arith.mulf %get3A_399, %get3A_369 : vector<16xf32>
        %add3A_401 = arith.addf %add3A_397, %mul3A_400 : vector<16xf32>
        %swap3A_402 = arith.index_cast %mul3A_361 : i32 to index
        %swap3A_403 = tpu.vector_load %arg37[%swap3A_402] {strides = array<i32>} : memref<512xf32, #tpu.memory_space<vmem>>, vector<16xf32>,
        tpu.vector_store %arg37[%swap3A_402], %add3A_401 {strides = array<i32>} : memref<512xf32, #tpu.memory_space<vmem>>, vector<16xf32>,
        %get3A_404 = arith.index_cast %mul3A_361 : i32 to index
        %get3A_405 = tpu.vector_load %arg26[%get3A_404] {strides = array<i32>} : memref<512xf32, #tpu.memory_space<vmem>>, vector<16xf32>,
        %mul3A_406 = arith.mulf %get3A_405, %get3A_363 : vector<16xf32>
        %get3A_407 = arith.index_cast %mul3A_361 : i32 to index
        %get3A_408 = tpu.vector_load %arg29[%get3A_407] {strides = array<i32>} : memref<512xf32, #tpu.memory_space<vmem>>, vector<16xf32>,
        %mul3A_409 = arith.mulf %get3A_408, %get3A_365 : vector<16xf32>
        %add3A_410 = arith.addf %mul3A_406, %mul3A_409 : vector<16xf32>
        %get3A_411 = arith.index_cast %mul3A_361 : i32 to index
        %get3A_412 = tpu.vector_load %arg32[%get3A_411] {strides = array<i32>} : memref<512xf32, #tpu.memory_space<vmem>>, vector<16xf32>,
        %mul3A_413 = arith.mulf %get3A_412, %get3A_367 : vector<16xf32>
        %add3A_414 = arith.addf %add3A_410, %mul3A_413 : vector<16xf32>
        %get3A_415 = arith.index_cast %mul3A_361 : i32 to index
        %get3A_416 = tpu.vector_load %arg35[%get3A_415] {strides = array<i32>} : memref<512xf32, #tpu.memory_space<vmem>>, vector<16xf32>,
        %mul3A_417 = arith.mulf %get3A_416, %get3A_369 : vector<16xf32>
        %add3A_418 = arith.addf %add3A_414, %mul3A_417 : vector<16xf32>
        %swap3A_419 = arith.index_cast %mul3A_361 : i32 to index
        %swap3A_420 = tpu.vector_load %arg38[%swap3A_419] {strides = array<i32>} : memref<512xf32, #tpu.memory_space<vmem>>, vector<16xf32>,
        tpu.vector_store %arg38[%swap3A_419], %add3A_418 {strides = array<i32>} : memref<512xf32, #tpu.memory_space<vmem>>, vector<16xf32>,
        %scan3A_421 = arith.constant 0 : i32
        scf.yield %scan3A_421 : i32
      }
      %scan3A_152 = arith.constant 32 : i32
      %add3A_153 = arith.constant 0 : i32
      %add3A_154 = arith.addi %add3A_153, %add3A_145 : i32
      %dma_start3A_155 = tpu.memref_slice %arg5[%add3A_154] : memref<3096576xf32, #tpu.memory_space<hbm>> -> memref<512xf32, #tpu.memory_space<hbm>>
      %dma_start3A_156 = tpu.memref_slice %arg5[%add3A_154] : memref<3096576xf32, #tpu.memory_space<hbm>> -> memref<512xf32, #tpu.memory_space<hbm>>
      tpu.enqueue_dma source(%arg36 : memref<512xf32, #tpu.memory_space<vmem>>) target(%dma_start3A_156 : memref<512xf32, #tpu.memory_space<hbm>>) target_semaphore(%arg104 : memref<!tpu.dma_semaphore, #tpu.memory_space<semaphore_mem>>)
      %add3A_157 = arith.constant 1032192 : i32
      %add3A_158 = arith.addi %add3A_157, %add3A_145 : i32
      %dma_start3A_159 = tpu.memref_slice %arg5[%add3A_158] : memref<3096576xf32, #tpu.memory_space<hbm>> -> memref<512xf32, #tpu.memory_space<hbm>>
      %dma_start3A_160 = tpu.memref_slice %arg5[%add3A_158] : memref<3096576xf32, #tpu.memory_space<hbm>> -> memref<512xf32, #tpu.memory_space<hbm>>
      tpu.enqueue_dma source(%arg37 : memref<512xf32, #tpu.memory_space<vmem>>) target(%dma_start3A_160 : memref<512xf32, #tpu.memory_space<hbm>>) target_semaphore(%arg104 : memref<!tpu.dma_semaphore, #tpu.memory_space<semaphore_mem>>)
      %add3A_161 = arith.constant 2064384 : i32
      %add3A_162 = arith.addi %add3A_161, %add3A_145 : i32
      %dma_start3A_163 = tpu.memref_slice %arg5[%add3A_162] : memref<3096576xf32, #tpu.memory_space<hbm>> -> memref<512xf32, #tpu.memory_space<hbm>>
      %dma_start3A_164 = tpu.memref_slice %arg5[%add3A_162] : memref<3096576xf32, #tpu.memory_space<hbm>> -> memref<512xf32, #tpu.memory_space<hbm>>
      tpu.enqueue_dma source(%arg38 : memref<512xf32, #tpu.memory_space<vmem>>) target(%dma_start3A_164 : memref<512xf32, #tpu.memory_space<hbm>>) target_semaphore(%arg104 : memref<!tpu.dma_semaphore, #tpu.memory_space<semaphore_mem>>)
      %add3A_165 = arith.constant 2 : i32
      %add3A_166 = arith.addi %add3A_116, %add3A_165 : i32
      %lt3A = arith.constant 63 : i32
      %lt3A_167 = arith.cmpi slt, %add3A_166, %lt3A : i32
      %convert_element_type3A_168 = arith.extui %lt3A_167 : i1 to i32
      %cond3A_169 = arith.constant 0 : i32
      %cond3A_170 = arith.cmpi ne, %convert_element_type3A_168, %cond3A_169 : i32
      scf.if %cond3A_170 {
        %add3A_296 = arith.constant 2 : i32
        %add3A_297 = arith.addi %add3A_116, %add3A_296 : i32
        %mul3A_298 = arith.constant 512 : i32
        %mul3A_299 = arith.muli %add3A_297, %mul3A_298 : i32
        %scan3A_300 = arith.constant 0 : i32
        %scan3A_301 = arith.constant 0 : i32
        %scan3A_302 = arith.constant 32 : i32
        %scan3A_303 = arith.addi %scan3A_301, %scan3A_302 : i32
        %scan3A_304 = arith.constant 2 : i32
        %scan3A_305 = scf.for %scan3A_331 = %scan3A_301 to %scan3A_303 step %scan3A_304 iter_args(%scan3A_332 = %scan3A_300) -> (i32)  : i32 {
          %mul3A_333 = arith.constant 16 : i32
          %mul3A_334 = arith.muli %scan3A_331, %mul3A_333 : i32
          %mul3A_335 = arith.constant 16 : i32
          %mul3A_336 = arith.muli %scan3A_331, %mul3A_335 : i32
          %add3A_337 = arith.addi %mul3A_299, %mul3A_336 : i32
          %get3A = arith.index_cast %add3A_337 : i32 to index
          %get3A_338 = tpu.vector_load %arg6[%get3A] {strides = array<i32>} : memref<32256xf32, #tpu.memory_space<vmem>>, vector<16xf32>,
          %mul3A_339 = arith.constant 4.096000e+03 : f32
          %mul3A_340 = vector.broadcast %mul3A_339 : f32 to vector<16xf32>
          %mul3A_341 = arith.mulf %get3A_338, %mul3A_340 : vector<16xf32>
          %get3A_342 = arith.index_cast %add3A_337 : i32 to index
          %get3A_343 = tpu.vector_load %arg7[%get3A_342] {strides = array<i32>} : memref<32256xf32, #tpu.memory_space<vmem>>, vector<16xf32>,
          %mul3A_344 = arith.constant 4.096000e+03 : f32
          %mul3A_345 = vector.broadcast %mul3A_344 : f32 to vector<16xf32>
          %mul3A_346 = arith.mulf %get3A_343, %mul3A_345 : vector<16xf32>
          %convert_element_type3A_347 = arith.fptosi %mul3A_341 : vector<16xf32> to vector<16xi32>
          %convert_element_type3A_348 = arith.fptosi %mul3A_346 : vector<16xf32> to vector<16xi32>
          %convert_element_type3A_349 = arith.sitofp %convert_element_type3A_347 : vector<16xi32> to vector<16xf32>
          %sub3A = arith.subf %mul3A_341, %convert_element_type3A_349 : vector<16xf32>
          %convert_element_type3A_350 = arith.sitofp %convert_element_type3A_348 : vector<16xi32> to vector<16xf32>
          %sub3A_351 = arith.subf %mul3A_346, %convert_element_type3A_350 : vector<16xf32>
          %jit3A = arith.constant 0 : i32
          %jit3A_352 = arith.constant 4095 : i32
          %max3A = vector.broadcast %jit3A : i32 to vector<16xi32>
          %max3A_353 = arith.maxsi %max3A, %convert_element_type3A_347 : vector<16xi32>
          %min3A = vector.broadcast %jit3A_352 : i32 to vector<16xi32>
          %min3A_354 = arith.minsi %min3A, %max3A_353 : vector<16xi32>
          %jit3A_355 = arith.constant 0 : i32
          %jit3A_356 = arith.constant 4095 : i32
          %max3A_357 = vector.broadcast %jit3A_355 : i32 to vector<16xi32>
          %max3A_358 = arith.maxsi %max3A_357, %convert_element_type3A_348 : vector<16xi32>
          %min3A_359 = vector.broadcast %jit3A_356 : i32 to vector<16xi32>
          %min3A_360 = arith.minsi %min3A_359, %max3A_358 : vector<16xi32>
          %add3A_361 = arith.constant 1 : i32
          %add3A_362 = vector.broadcast %add3A_361 : i32 to vector<16xi32>
          %add3A_363 = arith.addi %min3A_354, %add3A_362 : vector<16xi32>
          %min3A_364 = arith.constant 4095 : i32
          %min3A_365 = vector.broadcast %min3A_364 : i32 to vector<16xi32>
          %min3A_366 = arith.minsi %add3A_363, %min3A_365 : vector<16xi32>
          %add3A_367 = arith.constant 1 : i32
          %add3A_368 = vector.broadcast %add3A_367 : i32 to vector<16xi32>
          %add3A_369 = arith.addi %min3A_360, %add3A_368 : vector<16xi32>
          %min3A_370 = arith.constant 4095 : i32
          %min3A_371 = vector.broadcast %min3A_370 : i32 to vector<16xi32>
          %min3A_372 = arith.minsi %add3A_369, %min3A_371 : vector<16xi32>
          %shift_left3A = arith.constant 12 : i32
          %shift_left3A_373 = vector.broadcast %shift_left3A : i32 to vector<16xi32>
          %shift_left3A_374 = arith.shli %min3A_360, %shift_left3A_373 : vector<16xi32>
          %shift_left3A_375 = arith.constant 12 : i32
          %shift_left3A_376 = vector.broadcast %shift_left3A_375 : i32 to vector<16xi32>
          %shift_left3A_377 = arith.shli %min3A_372, %shift_left3A_376 : vector<16xi32>
          %add3A_378 = arith.addi %shift_left3A_374, %min3A_354 : vector<16xi32>
          %add3A_379 = arith.addi %shift_left3A_374, %min3A_366 : vector<16xi32>
          %add3A_380 = arith.addi %shift_left3A_377, %min3A_354 : vector<16xi32>
          %add3A_381 = arith.addi %shift_left3A_377, %min3A_366 : vector<16xi32>
          %add3A_382 = arith.constant 0 : i32
          %add3A_383 = vector.broadcast %add3A_382 : i32 to vector<16xi32>
          %add3A_384 = arith.addi %add3A_378, %add3A_383 : vector<16xi32>
          %swap3A = arith.index_cast %mul3A_334 : i32 to index
          %swap3A_385 = tpu.vector_load %arg70[%swap3A] {strides = array<i32>} : memref<512xi32, #tpu.memory_space<vmem>>, vector<16xi32>,
          tpu.vector_store %arg70[%swap3A], %add3A_384 {strides = array<i32>} : memref<512xi32, #tpu.memory_space<vmem>>, vector<16xi32>,
          %add3A_386 = arith.constant 16777216 : i32
          %add3A_387 = vector.broadcast %add3A_386 : i32 to vector<16xi32>
          %add3A_388 = arith.addi %add3A_378, %add3A_387 : vector<16xi32>
          %swap3A_389 = arith.index_cast %mul3A_334 : i32 to index
          %swap3A_390 = tpu.vector_load %arg71[%swap3A_389] {strides = array<i32>} : memref<512xi32, #tpu.memory_space<vmem>>, vector<16xi32>,
          tpu.vector_store %arg71[%swap3A_389], %add3A_388 {strides = array<i32>} : memref<512xi32, #tpu.memory_space<vmem>>, vector<16xi32>,
          %add3A_391 = arith.constant 33554432 : i32
          %add3A_392 = vector.broadcast %add3A_391 : i32 to vector<16xi32>
          %add3A_393 = arith.addi %add3A_378, %add3A_392 : vector<16xi32>
          %swap3A_394 = arith.index_cast %mul3A_334 : i32 to index
          %swap3A_395 = tpu.vector_load %arg72[%swap3A_394] {strides = array<i32>} : memref<512xi32, #tpu.memory_space<vmem>>, vector<16xi32>,
          tpu.vector_store %arg72[%swap3A_394], %add3A_393 {strides = array<i32>} : memref<512xi32, #tpu.memory_space<vmem>>, vector<16xi32>,
          %add3A_396 = arith.constant 0 : i32
          %add3A_397 = vector.broadcast %add3A_396 : i32 to vector<16xi32>
          %add3A_398 = arith.addi %add3A_379, %add3A_397 : vector<16xi32>
          %swap3A_399 = arith.index_cast %mul3A_334 : i32 to index
          %swap3A_400 = tpu.vector_load %arg73[%swap3A_399] {strides = array<i32>} : memref<512xi32, #tpu.memory_space<vmem>>, vector<16xi32>,
          tpu.vector_store %arg73[%swap3A_399], %add3A_398 {strides = array<i32>} : memref<512xi32, #tpu.memory_space<vmem>>, vector<16xi32>,
          %add3A_401 = arith.constant 16777216 : i32
          %add3A_402 = vector.broadcast %add3A_401 : i32 to vector<16xi32>
          %add3A_403 = arith.addi %add3A_379, %add3A_402 : vector<16xi32>
          %swap3A_404 = arith.index_cast %mul3A_334 : i32 to index
          %swap3A_405 = tpu.vector_load %arg74[%swap3A_404] {strides = array<i32>} : memref<512xi32, #tpu.memory_space<vmem>>, vector<16xi32>,
          tpu.vector_store %arg74[%swap3A_404], %add3A_403 {strides = array<i32>} : memref<512xi32, #tpu.memory_space<vmem>>, vector<16xi32>,
          %add3A_406 = arith.constant 33554432 : i32
          %add3A_407 = vector.broadcast %add3A_406 : i32 to vector<16xi32>
          %add3A_408 = arith.addi %add3A_379, %add3A_407 : vector<16xi32>
          %swap3A_409 = arith.index_cast %mul3A_334 : i32 to index
          %swap3A_410 = tpu.vector_load %arg75[%swap3A_409] {strides = array<i32>} : memref<512xi32, #tpu.memory_space<vmem>>, vector<16xi32>,
          tpu.vector_store %arg75[%swap3A_409], %add3A_408 {strides = array<i32>} : memref<512xi32, #tpu.memory_space<vmem>>, vector<16xi32>,
          %add3A_411 = arith.constant 0 : i32
          %add3A_412 = vector.broadcast %add3A_411 : i32 to vector<16xi32>
          %add3A_413 = arith.addi %add3A_380, %add3A_412 : vector<16xi32>
          %swap3A_414 = arith.index_cast %mul3A_334 : i32 to index
          %swap3A_415 = tpu.vector_load %arg76[%swap3A_414] {strides = array<i32>} : memref<512xi32, #tpu.memory_space<vmem>>, vector<16xi32>,
          tpu.vector_store %arg76[%swap3A_414], %add3A_413 {strides = array<i32>} : memref<512xi32, #tpu.memory_space<vmem>>, vector<16xi32>,
          %add3A_416 = arith.constant 16777216 : i32
          %add3A_417 = vector.broadcast %add3A_416 : i32 to vector<16xi32>
          %add3A_418 = arith.addi %add3A_380, %add3A_417 : vector<16xi32>
          %swap3A_419 = arith.index_cast %mul3A_334 : i32 to index
          %swap3A_420 = tpu.vector_load %arg77[%swap3A_419] {strides = array<i32>} : memref<512xi32, #tpu.memory_space<vmem>>, vector<16xi32>,
          tpu.vector_store %arg77[%swap3A_419], %add3A_418 {strides = array<i32>} : memref<512xi32, #tpu.memory_space<vmem>>, vector<16xi32>,
          %add3A_421 = arith.constant 33554432 : i32
          %add3A_422 = vector.broadcast %add3A_421 : i32 to vector<16xi32>
          %add3A_423 = arith.addi %add3A_380, %add3A_422 : vector<16xi32>
          %swap3A_424 = arith.index_cast %mul3A_334 : i32 to index
          %swap3A_425 = tpu.vector_load %arg78[%swap3A_424] {strides = array<i32>} : memref<512xi32, #tpu.memory_space<vmem>>, vector<16xi32>,
          tpu.vector_store %arg78[%swap3A_424], %add3A_423 {strides = array<i32>} : memref<512xi32, #tpu.memory_space<vmem>>, vector<16xi32>,
          %add3A_426 = arith.constant 0 : i32
          %add3A_427 = vector.broadcast %add3A_426 : i32 to vector<16xi32>
          %add3A_428 = arith.addi %add3A_381, %add3A_427 : vector<16xi32>
          %swap3A_429 = arith.index_cast %mul3A_334 : i32 to index
          %swap3A_430 = tpu.vector_load %arg79[%swap3A_429] {strides = array<i32>} : memref<512xi32, #tpu.memory_space<vmem>>, vector<16xi32>,
          tpu.vector_store %arg79[%swap3A_429], %add3A_428 {strides = array<i32>} : memref<512xi32, #tpu.memory_space<vmem>>, vector<16xi32>,
          %add3A_431 = arith.constant 16777216 : i32
          %add3A_432 = vector.broadcast %add3A_431 : i32 to vector<16xi32>
          %add3A_433 = arith.addi %add3A_381, %add3A_432 : vector<16xi32>
          %swap3A_434 = arith.index_cast %mul3A_334 : i32 to index
          %swap3A_435 = tpu.vector_load %arg80[%swap3A_434] {strides = array<i32>} : memref<512xi32, #tpu.memory_space<vmem>>, vector<16xi32>,
          tpu.vector_store %arg80[%swap3A_434], %add3A_433 {strides = array<i32>} : memref<512xi32, #tpu.memory_space<vmem>>, vector<16xi32>,
          %add3A_436 = arith.constant 33554432 : i32
          %add3A_437 = vector.broadcast %add3A_436 : i32 to vector<16xi32>
          %add3A_438 = arith.addi %add3A_381, %add3A_437 : vector<16xi32>
          %swap3A_439 = arith.index_cast %mul3A_334 : i32 to index
          %swap3A_440 = tpu.vector_load %arg81[%swap3A_439] {strides = array<i32>} : memref<512xi32, #tpu.memory_space<vmem>>, vector<16xi32>,
          tpu.vector_store %arg81[%swap3A_439], %add3A_438 {strides = array<i32>} : memref<512xi32, #tpu.memory_space<vmem>>, vector<16xi32>,
          %sub3A_441 = arith.constant 1.000000e+00 : f32
          %sub3A_442 = vector.broadcast %sub3A_441 : f32 to vector<16xf32>
          %sub3A_443 = arith.subf %sub3A_442, %sub3A : vector<16xf32>
          %sub3A_444 = arith.constant 1.000000e+00 : f32
          %sub3A_445 = vector.broadcast %sub3A_444 : f32 to vector<16xf32>
          %sub3A_446 = arith.subf %sub3A_445, %sub3A_351 : vector<16xf32>
          %mul3A_447 = arith.mulf %sub3A_443, %sub3A_446 : vector<16xf32>
          %swap3A_448 = arith.index_cast %mul3A_334 : i32 to index
          %swap3A_449 = tpu.vector_load %arg82[%swap3A_448] {strides = array<i32>} : memref<512xf32, #tpu.memory_space<vmem>>, vector<16xf32>,
          tpu.vector_store %arg82[%swap3A_448], %mul3A_447 {strides = array<i32>} : memref<512xf32, #tpu.memory_space<vmem>>, vector<16xf32>,
          %mul3A_450 = arith.mulf %sub3A, %sub3A_446 : vector<16xf32>
          %swap3A_451 = arith.index_cast %mul3A_334 : i32 to index
          %swap3A_452 = tpu.vector_load %arg83[%swap3A_451] {strides = array<i32>} : memref<512xf32, #tpu.memory_space<vmem>>, vector<16xf32>,
          tpu.vector_store %arg83[%swap3A_451], %mul3A_450 {strides = array<i32>} : memref<512xf32, #tpu.memory_space<vmem>>, vector<16xf32>,
          %mul3A_453 = arith.mulf %sub3A_443, %sub3A_351 : vector<16xf32>
          %swap3A_454 = arith.index_cast %mul3A_334 : i32 to index
          %swap3A_455 = tpu.vector_load %arg84[%swap3A_454] {strides = array<i32>} : memref<512xf32, #tpu.memory_space<vmem>>, vector<16xf32>,
          tpu.vector_store %arg84[%swap3A_454], %mul3A_453 {strides = array<i32>} : memref<512xf32, #tpu.memory_space<vmem>>, vector<16xf32>,
          %mul3A_456 = arith.mulf %sub3A, %sub3A_351 : vector<16xf32>
          %swap3A_457 = arith.index_cast %mul3A_334 : i32 to index
          %swap3A_458 = tpu.vector_load %arg85[%swap3A_457] {strides = array<i32>} : memref<512xf32, #tpu.memory_space<vmem>>, vector<16xf32>,
          tpu.vector_store %arg85[%swap3A_457], %mul3A_456 {strides = array<i32>} : memref<512xf32, #tpu.memory_space<vmem>>, vector<16xf32>,
          %scan3A_459 = arith.constant 0 : i32
          %scan3A_460 = arith.constant 1 : i32
          %scan3A_461 = arith.addi %scan3A_331, %scan3A_460 : i32
          %mul3A_462 = arith.constant 16 : i32
          %mul3A_463 = arith.muli %scan3A_461, %mul3A_462 : i32
          %mul3A_464 = arith.constant 16 : i32
          %mul3A_465 = arith.muli %scan3A_461, %mul3A_464 : i32
          %add3A_466 = arith.addi %mul3A_299, %mul3A_465 : i32
          %get3A_467 = arith.index_cast %add3A_466 : i32 to index
          %get3A_468 = tpu.vector_load %arg6[%get3A_467] {strides = array<i32>} : memref<32256xf32, #tpu.memory_space<vmem>>, vector<16xf32>,
          %mul3A_469 = arith.constant 4.096000e+03 : f32
          %mul3A_470 = vector.broadcast %mul3A_469 : f32 to vector<16xf32>
          %mul3A_471 = arith.mulf %get3A_468, %mul3A_470 : vector<16xf32>
          %get3A_472 = arith.index_cast %add3A_466 : i32 to index
          %get3A_473 = tpu.vector_load %arg7[%get3A_472] {strides = array<i32>} : memref<32256xf32, #tpu.memory_space<vmem>>, vector<16xf32>,
          %mul3A_474 = arith.constant 4.096000e+03 : f32
          %mul3A_475 = vector.broadcast %mul3A_474 : f32 to vector<16xf32>
          %mul3A_476 = arith.mulf %get3A_473, %mul3A_475 : vector<16xf32>
          %convert_element_type3A_477 = arith.fptosi %mul3A_471 : vector<16xf32> to vector<16xi32>
          %convert_element_type3A_478 = arith.fptosi %mul3A_476 : vector<16xf32> to vector<16xi32>
          %convert_element_type3A_479 = arith.sitofp %convert_element_type3A_477 : vector<16xi32> to vector<16xf32>
          %sub3A_480 = arith.subf %mul3A_471, %convert_element_type3A_479 : vector<16xf32>
          %convert_element_type3A_481 = arith.sitofp %convert_element_type3A_478 : vector<16xi32> to vector<16xf32>
          %sub3A_482 = arith.subf %mul3A_476, %convert_element_type3A_481 : vector<16xf32>
          %jit3A_483 = arith.constant 0 : i32
          %jit3A_484 = arith.constant 4095 : i32
          %max3A_485 = vector.broadcast %jit3A_483 : i32 to vector<16xi32>
          %max3A_486 = arith.maxsi %max3A_485, %convert_element_type3A_477 : vector<16xi32>
          %min3A_487 = vector.broadcast %jit3A_484 : i32 to vector<16xi32>
          %min3A_488 = arith.minsi %min3A_487, %max3A_486 : vector<16xi32>
          %jit3A_489 = arith.constant 0 : i32
          %jit3A_490 = arith.constant 4095 : i32
          %max3A_491 = vector.broadcast %jit3A_489 : i32 to vector<16xi32>
          %max3A_492 = arith.maxsi %max3A_491, %convert_element_type3A_478 : vector<16xi32>
          %min3A_493 = vector.broadcast %jit3A_490 : i32 to vector<16xi32>
          %min3A_494 = arith.minsi %min3A_493, %max3A_492 : vector<16xi32>
          %add3A_495 = arith.constant 1 : i32
          %add3A_496 = vector.broadcast %add3A_495 : i32 to vector<16xi32>
          %add3A_497 = arith.addi %min3A_488, %add3A_496 : vector<16xi32>
          %min3A_498 = arith.constant 4095 : i32
          %min3A_499 = vector.broadcast %min3A_498 : i32 to vector<16xi32>
          %min3A_500 = arith.minsi %add3A_497, %min3A_499 : vector<16xi32>
          %add3A_501 = arith.constant 1 : i32
          %add3A_502 = vector.broadcast %add3A_501 : i32 to vector<16xi32>
          %add3A_503 = arith.addi %min3A_494, %add3A_502 : vector<16xi32>
          %min3A_504 = arith.constant 4095 : i32
          %min3A_505 = vector.broadcast %min3A_504 : i32 to vector<16xi32>
          %min3A_506 = arith.minsi %add3A_503, %min3A_505 : vector<16xi32>
          %shift_left3A_507 = arith.constant 12 : i32
          %shift_left3A_508 = vector.broadcast %shift_left3A_507 : i32 to vector<16xi32>
          %shift_left3A_509 = arith.shli %min3A_494, %shift_left3A_508 : vector<16xi32>
          %shift_left3A_510 = arith.constant 12 : i32
          %shift_left3A_511 = vector.broadcast %shift_left3A_510 : i32 to vector<16xi32>
          %shift_left3A_512 = arith.shli %min3A_506, %shift_left3A_511 : vector<16xi32>
          %add3A_513 = arith.addi %shift_left3A_509, %min3A_488 : vector<16xi32>
          %add3A_514 = arith.addi %shift_left3A_509, %min3A_500 : vector<16xi32>
          %add3A_515 = arith.addi %shift_left3A_512, %min3A_488 : vector<16xi32>
          %add3A_516 = arith.addi %shift_left3A_512, %min3A_500 : vector<16xi32>
          %add3A_517 = arith.constant 0 : i32
          %add3A_518 = vector.broadcast %add3A_517 : i32 to vector<16xi32>
          %add3A_519 = arith.addi %add3A_513, %add3A_518 : vector<16xi32>
          %swap3A_520 = arith.index_cast %mul3A_463 : i32 to index
          %swap3A_521 = tpu.vector_load %arg70[%swap3A_520] {strides = array<i32>} : memref<512xi32, #tpu.memory_space<vmem>>, vector<16xi32>,
          tpu.vector_store %arg70[%swap3A_520], %add3A_519 {strides = array<i32>} : memref<512xi32, #tpu.memory_space<vmem>>, vector<16xi32>,
          %add3A_522 = arith.constant 16777216 : i32
          %add3A_523 = vector.broadcast %add3A_522 : i32 to vector<16xi32>
          %add3A_524 = arith.addi %add3A_513, %add3A_523 : vector<16xi32>
          %swap3A_525 = arith.index_cast %mul3A_463 : i32 to index
          %swap3A_526 = tpu.vector_load %arg71[%swap3A_525] {strides = array<i32>} : memref<512xi32, #tpu.memory_space<vmem>>, vector<16xi32>,
          tpu.vector_store %arg71[%swap3A_525], %add3A_524 {strides = array<i32>} : memref<512xi32, #tpu.memory_space<vmem>>, vector<16xi32>,
          %add3A_527 = arith.constant 33554432 : i32
          %add3A_528 = vector.broadcast %add3A_527 : i32 to vector<16xi32>
          %add3A_529 = arith.addi %add3A_513, %add3A_528 : vector<16xi32>
          %swap3A_530 = arith.index_cast %mul3A_463 : i32 to index
          %swap3A_531 = tpu.vector_load %arg72[%swap3A_530] {strides = array<i32>} : memref<512xi32, #tpu.memory_space<vmem>>, vector<16xi32>,
          tpu.vector_store %arg72[%swap3A_530], %add3A_529 {strides = array<i32>} : memref<512xi32, #tpu.memory_space<vmem>>, vector<16xi32>,
          %add3A_532 = arith.constant 0 : i32
          %add3A_533 = vector.broadcast %add3A_532 : i32 to vector<16xi32>
          %add3A_534 = arith.addi %add3A_514, %add3A_533 : vector<16xi32>
          %swap3A_535 = arith.index_cast %mul3A_463 : i32 to index
          %swap3A_536 = tpu.vector_load %arg73[%swap3A_535] {strides = array<i32>} : memref<512xi32, #tpu.memory_space<vmem>>, vector<16xi32>,
          tpu.vector_store %arg73[%swap3A_535], %add3A_534 {strides = array<i32>} : memref<512xi32, #tpu.memory_space<vmem>>, vector<16xi32>,
          %add3A_537 = arith.constant 16777216 : i32
          %add3A_538 = vector.broadcast %add3A_537 : i32 to vector<16xi32>
          %add3A_539 = arith.addi %add3A_514, %add3A_538 : vector<16xi32>
          %swap3A_540 = arith.index_cast %mul3A_463 : i32 to index
          %swap3A_541 = tpu.vector_load %arg74[%swap3A_540] {strides = array<i32>} : memref<512xi32, #tpu.memory_space<vmem>>, vector<16xi32>,
          tpu.vector_store %arg74[%swap3A_540], %add3A_539 {strides = array<i32>} : memref<512xi32, #tpu.memory_space<vmem>>, vector<16xi32>,
          %add3A_542 = arith.constant 33554432 : i32
          %add3A_543 = vector.broadcast %add3A_542 : i32 to vector<16xi32>
          %add3A_544 = arith.addi %add3A_514, %add3A_543 : vector<16xi32>
          %swap3A_545 = arith.index_cast %mul3A_463 : i32 to index
          %swap3A_546 = tpu.vector_load %arg75[%swap3A_545] {strides = array<i32>} : memref<512xi32, #tpu.memory_space<vmem>>, vector<16xi32>,
          tpu.vector_store %arg75[%swap3A_545], %add3A_544 {strides = array<i32>} : memref<512xi32, #tpu.memory_space<vmem>>, vector<16xi32>,
          %add3A_547 = arith.constant 0 : i32
          %add3A_548 = vector.broadcast %add3A_547 : i32 to vector<16xi32>
          %add3A_549 = arith.addi %add3A_515, %add3A_548 : vector<16xi32>
          %swap3A_550 = arith.index_cast %mul3A_463 : i32 to index
          %swap3A_551 = tpu.vector_load %arg76[%swap3A_550] {strides = array<i32>} : memref<512xi32, #tpu.memory_space<vmem>>, vector<16xi32>,
          tpu.vector_store %arg76[%swap3A_550], %add3A_549 {strides = array<i32>} : memref<512xi32, #tpu.memory_space<vmem>>, vector<16xi32>,
          %add3A_552 = arith.constant 16777216 : i32
          %add3A_553 = vector.broadcast %add3A_552 : i32 to vector<16xi32>
          %add3A_554 = arith.addi %add3A_515, %add3A_553 : vector<16xi32>
          %swap3A_555 = arith.index_cast %mul3A_463 : i32 to index
          %swap3A_556 = tpu.vector_load %arg77[%swap3A_555] {strides = array<i32>} : memref<512xi32, #tpu.memory_space<vmem>>, vector<16xi32>,
          tpu.vector_store %arg77[%swap3A_555], %add3A_554 {strides = array<i32>} : memref<512xi32, #tpu.memory_space<vmem>>, vector<16xi32>,
          %add3A_557 = arith.constant 33554432 : i32
          %add3A_558 = vector.broadcast %add3A_557 : i32 to vector<16xi32>
          %add3A_559 = arith.addi %add3A_515, %add3A_558 : vector<16xi32>
          %swap3A_560 = arith.index_cast %mul3A_463 : i32 to index
          %swap3A_561 = tpu.vector_load %arg78[%swap3A_560] {strides = array<i32>} : memref<512xi32, #tpu.memory_space<vmem>>, vector<16xi32>,
          tpu.vector_store %arg78[%swap3A_560], %add3A_559 {strides = array<i32>} : memref<512xi32, #tpu.memory_space<vmem>>, vector<16xi32>,
          %add3A_562 = arith.constant 0 : i32
          %add3A_563 = vector.broadcast %add3A_562 : i32 to vector<16xi32>
          %add3A_564 = arith.addi %add3A_516, %add3A_563 : vector<16xi32>
          %swap3A_565 = arith.index_cast %mul3A_463 : i32 to index
          %swap3A_566 = tpu.vector_load %arg79[%swap3A_565] {strides = array<i32>} : memref<512xi32, #tpu.memory_space<vmem>>, vector<16xi32>,
          tpu.vector_store %arg79[%swap3A_565], %add3A_564 {strides = array<i32>} : memref<512xi32, #tpu.memory_space<vmem>>, vector<16xi32>,
          %add3A_567 = arith.constant 16777216 : i32
          %add3A_568 = vector.broadcast %add3A_567 : i32 to vector<16xi32>
          %add3A_569 = arith.addi %add3A_516, %add3A_568 : vector<16xi32>
          %swap3A_570 = arith.index_cast %mul3A_463 : i32 to index
          %swap3A_571 = tpu.vector_load %arg80[%swap3A_570] {strides = array<i32>} : memref<512xi32, #tpu.memory_space<vmem>>, vector<16xi32>,
          tpu.vector_store %arg80[%swap3A_570], %add3A_569 {strides = array<i32>} : memref<512xi32, #tpu.memory_space<vmem>>, vector<16xi32>,
          %add3A_572 = arith.constant 33554432 : i32
          %add3A_573 = vector.broadcast %add3A_572 : i32 to vector<16xi32>
          %add3A_574 = arith.addi %add3A_516, %add3A_573 : vector<16xi32>
          %swap3A_575 = arith.index_cast %mul3A_463 : i32 to index
          %swap3A_576 = tpu.vector_load %arg81[%swap3A_575] {strides = array<i32>} : memref<512xi32, #tpu.memory_space<vmem>>, vector<16xi32>,
          tpu.vector_store %arg81[%swap3A_575], %add3A_574 {strides = array<i32>} : memref<512xi32, #tpu.memory_space<vmem>>, vector<16xi32>,
          %sub3A_577 = arith.constant 1.000000e+00 : f32
          %sub3A_578 = vector.broadcast %sub3A_577 : f32 to vector<16xf32>
          %sub3A_579 = arith.subf %sub3A_578, %sub3A_480 : vector<16xf32>
          %sub3A_580 = arith.constant 1.000000e+00 : f32
          %sub3A_581 = vector.broadcast %sub3A_580 : f32 to vector<16xf32>
          %sub3A_582 = arith.subf %sub3A_581, %sub3A_482 : vector<16xf32>
          %mul3A_583 = arith.mulf %sub3A_579, %sub3A_582 : vector<16xf32>
          %swap3A_584 = arith.index_cast %mul3A_463 : i32 to index
          %swap3A_585 = tpu.vector_load %arg82[%swap3A_584] {strides = array<i32>} : memref<512xf32, #tpu.memory_space<vmem>>, vector<16xf32>,
          tpu.vector_store %arg82[%swap3A_584], %mul3A_583 {strides = array<i32>} : memref<512xf32, #tpu.memory_space<vmem>>, vector<16xf32>,
          %mul3A_586 = arith.mulf %sub3A_480, %sub3A_582 : vector<16xf32>
          %swap3A_587 = arith.index_cast %mul3A_463 : i32 to index
          %swap3A_588 = tpu.vector_load %arg83[%swap3A_587] {strides = array<i32>} : memref<512xf32, #tpu.memory_space<vmem>>, vector<16xf32>,
          tpu.vector_store %arg83[%swap3A_587], %mul3A_586 {strides = array<i32>} : memref<512xf32, #tpu.memory_space<vmem>>, vector<16xf32>,
          %mul3A_589 = arith.mulf %sub3A_579, %sub3A_482 : vector<16xf32>
          %swap3A_590 = arith.index_cast %mul3A_463 : i32 to index
          %swap3A_591 = tpu.vector_load %arg84[%swap3A_590] {strides = array<i32>} : memref<512xf32, #tpu.memory_space<vmem>>, vector<16xf32>,
          tpu.vector_store %arg84[%swap3A_590], %mul3A_589 {strides = array<i32>} : memref<512xf32, #tpu.memory_space<vmem>>, vector<16xf32>,
          %mul3A_592 = arith.mulf %sub3A_480, %sub3A_482 : vector<16xf32>
          %swap3A_593 = arith.index_cast %mul3A_463 : i32 to index
          %swap3A_594 = tpu.vector_load %arg85[%swap3A_593] {strides = array<i32>} : memref<512xf32, #tpu.memory_space<vmem>>, vector<16xf32>,
          tpu.vector_store %arg85[%swap3A_593], %mul3A_592 {strides = array<i32>} : memref<512xf32, #tpu.memory_space<vmem>>, vector<16xf32>,
          %scan3A_595 = arith.constant 0 : i32
          scf.yield %scan3A_595 : i32
        }
        %scan3A_306 = arith.constant 32 : i32
        %dma_start3A_307 = arith.constant 0 : i32
        %dma_start3A_308 = tpu.memref_slice %arg4[%dma_start3A_307] : memref<50331648xf32, #tpu.memory_space<hbm>> -> memref<50331648xf32, #tpu.memory_space<hbm>>
        tpu.enqueue_indirect_dma source(%dma_start3A_308 : memref<50331648xf32, #tpu.memory_space<hbm>>) target(%arg86 : memref<512xf32, #tpu.memory_space<vmem>>) offsets(%arg70 : memref<512xi32, #tpu.memory_space<vmem>>) semaphore(%arg103 : memref<!tpu.dma_semaphore, #tpu.memory_space<semaphore_mem>>)
        %dma_start3A_309 = arith.constant 0 : i32
        %dma_start3A_310 = tpu.memref_slice %arg4[%dma_start3A_309] : memref<50331648xf32, #tpu.memory_space<hbm>> -> memref<50331648xf32, #tpu.memory_space<hbm>>
        tpu.enqueue_indirect_dma source(%dma_start3A_310 : memref<50331648xf32, #tpu.memory_space<hbm>>) target(%arg87 : memref<512xf32, #tpu.memory_space<vmem>>) offsets(%arg71 : memref<512xi32, #tpu.memory_space<vmem>>) semaphore(%arg103 : memref<!tpu.dma_semaphore, #tpu.memory_space<semaphore_mem>>)
        %dma_start3A_311 = arith.constant 0 : i32
        %dma_start3A_312 = tpu.memref_slice %arg4[%dma_start3A_311] : memref<50331648xf32, #tpu.memory_space<hbm>> -> memref<50331648xf32, #tpu.memory_space<hbm>>
        tpu.enqueue_indirect_dma source(%dma_start3A_312 : memref<50331648xf32, #tpu.memory_space<hbm>>) target(%arg88 : memref<512xf32, #tpu.memory_space<vmem>>) offsets(%arg72 : memref<512xi32, #tpu.memory_space<vmem>>) semaphore(%arg103 : memref<!tpu.dma_semaphore, #tpu.memory_space<semaphore_mem>>)
        %dma_start3A_313 = arith.constant 0 : i32
        %dma_start3A_314 = tpu.memref_slice %arg4[%dma_start3A_313] : memref<50331648xf32, #tpu.memory_space<hbm>> -> memref<50331648xf32, #tpu.memory_space<hbm>>
        tpu.enqueue_indirect_dma source(%dma_start3A_314 : memref<50331648xf32, #tpu.memory_space<hbm>>) target(%arg89 : memref<512xf32, #tpu.memory_space<vmem>>) offsets(%arg73 : memref<512xi32, #tpu.memory_space<vmem>>) semaphore(%arg103 : memref<!tpu.dma_semaphore, #tpu.memory_space<semaphore_mem>>)
        %dma_start3A_315 = arith.constant 0 : i32
        %dma_start3A_316 = tpu.memref_slice %arg4[%dma_start3A_315] : memref<50331648xf32, #tpu.memory_space<hbm>> -> memref<50331648xf32, #tpu.memory_space<hbm>>
        tpu.enqueue_indirect_dma source(%dma_start3A_316 : memref<50331648xf32, #tpu.memory_space<hbm>>) target(%arg90 : memref<512xf32, #tpu.memory_space<vmem>>) offsets(%arg74 : memref<512xi32, #tpu.memory_space<vmem>>) semaphore(%arg103 : memref<!tpu.dma_semaphore, #tpu.memory_space<semaphore_mem>>)
        %dma_start3A_317 = arith.constant 0 : i32
        %dma_start3A_318 = tpu.memref_slice %arg4[%dma_start3A_317] : memref<50331648xf32, #tpu.memory_space<hbm>> -> memref<50331648xf32, #tpu.memory_space<hbm>>
        tpu.enqueue_indirect_dma source(%dma_start3A_318 : memref<50331648xf32, #tpu.memory_space<hbm>>) target(%arg91 : memref<512xf32, #tpu.memory_space<vmem>>) offsets(%arg75 : memref<512xi32, #tpu.memory_space<vmem>>) semaphore(%arg103 : memref<!tpu.dma_semaphore, #tpu.memory_space<semaphore_mem>>)
        %dma_start3A_319 = arith.constant 0 : i32
        %dma_start3A_320 = tpu.memref_slice %arg4[%dma_start3A_319] : memref<50331648xf32, #tpu.memory_space<hbm>> -> memref<50331648xf32, #tpu.memory_space<hbm>>
        tpu.enqueue_indirect_dma source(%dma_start3A_320 : memref<50331648xf32, #tpu.memory_space<hbm>>) target(%arg92 : memref<512xf32, #tpu.memory_space<vmem>>) offsets(%arg76 : memref<512xi32, #tpu.memory_space<vmem>>) semaphore(%arg103 : memref<!tpu.dma_semaphore, #tpu.memory_space<semaphore_mem>>)
        %dma_start3A_321 = arith.constant 0 : i32
        %dma_start3A_322 = tpu.memref_slice %arg4[%dma_start3A_321] : memref<50331648xf32, #tpu.memory_space<hbm>> -> memref<50331648xf32, #tpu.memory_space<hbm>>
        tpu.enqueue_indirect_dma source(%dma_start3A_322 : memref<50331648xf32, #tpu.memory_space<hbm>>) target(%arg93 : memref<512xf32, #tpu.memory_space<vmem>>) offsets(%arg77 : memref<512xi32, #tpu.memory_space<vmem>>) semaphore(%arg103 : memref<!tpu.dma_semaphore, #tpu.memory_space<semaphore_mem>>)
        %dma_start3A_323 = arith.constant 0 : i32
        %dma_start3A_324 = tpu.memref_slice %arg4[%dma_start3A_323] : memref<50331648xf32, #tpu.memory_space<hbm>> -> memref<50331648xf32, #tpu.memory_space<hbm>>
        tpu.enqueue_indirect_dma source(%dma_start3A_324 : memref<50331648xf32, #tpu.memory_space<hbm>>) target(%arg94 : memref<512xf32, #tpu.memory_space<vmem>>) offsets(%arg78 : memref<512xi32, #tpu.memory_space<vmem>>) semaphore(%arg103 : memref<!tpu.dma_semaphore, #tpu.memory_space<semaphore_mem>>)
        %dma_start3A_325 = arith.constant 0 : i32
        %dma_start3A_326 = tpu.memref_slice %arg4[%dma_start3A_325] : memref<50331648xf32, #tpu.memory_space<hbm>> -> memref<50331648xf32, #tpu.memory_space<hbm>>
        tpu.enqueue_indirect_dma source(%dma_start3A_326 : memref<50331648xf32, #tpu.memory_space<hbm>>) target(%arg95 : memref<512xf32, #tpu.memory_space<vmem>>) offsets(%arg79 : memref<512xi32, #tpu.memory_space<vmem>>) semaphore(%arg103 : memref<!tpu.dma_semaphore, #tpu.memory_space<semaphore_mem>>)
        %dma_start3A_327 = arith.constant 0 : i32
        %dma_start3A_328 = tpu.memref_slice %arg4[%dma_start3A_327] : memref<50331648xf32, #tpu.memory_space<hbm>> -> memref<50331648xf32, #tpu.memory_space<hbm>>
        tpu.enqueue_indirect_dma source(%dma_start3A_328 : memref<50331648xf32, #tpu.memory_space<hbm>>) target(%arg96 : memref<512xf32, #tpu.memory_space<vmem>>) offsets(%arg80 : memref<512xi32, #tpu.memory_space<vmem>>) semaphore(%arg103 : memref<!tpu.dma_semaphore, #tpu.memory_space<semaphore_mem>>)
        %dma_start3A_329 = arith.constant 0 : i32
        %dma_start3A_330 = tpu.memref_slice %arg4[%dma_start3A_329] : memref<50331648xf32, #tpu.memory_space<hbm>> -> memref<50331648xf32, #tpu.memory_space<hbm>>
        tpu.enqueue_indirect_dma source(%dma_start3A_330 : memref<50331648xf32, #tpu.memory_space<hbm>>) target(%arg97 : memref<512xf32, #tpu.memory_space<vmem>>) offsets(%arg81 : memref<512xi32, #tpu.memory_space<vmem>>) semaphore(%arg103 : memref<!tpu.dma_semaphore, #tpu.memory_space<semaphore_mem>>)
      } else {
      }
      %mul3A_171 = arith.constant 3 : i32
      %mul3A_172 = arith.muli %mul3A_171, %scan3A_111 : i32
      %add3A_173 = arith.constant 1 : i32
      %add3A_174 = arith.addi %mul3A_172, %add3A_173 : i32
      %dma_wait3A_175 = arith.constant 0 : i32
      %dma_wait3A_176 = tpu.memref_slice %arg4[%dma_wait3A_175] : memref<50331648xf32, #tpu.memory_space<hbm>> -> memref<50331648xf32, #tpu.memory_space<hbm>>
      tpu.wait_indirect_dma semaphore(%arg102 : memref<!tpu.dma_semaphore, #tpu.memory_space<semaphore_mem>>) src(%dma_wait3A_176 : memref<50331648xf32, #tpu.memory_space<hbm>>) dst(%arg55 : memref<512xf32, #tpu.memory_space<vmem>>)
      %dma_wait3A_177 = arith.constant 0 : i32
      %dma_wait3A_178 = tpu.memref_slice %arg4[%dma_wait3A_177] : memref<50331648xf32, #tpu.memory_space<hbm>> -> memref<50331648xf32, #tpu.memory_space<hbm>>
      tpu.wait_indirect_dma semaphore(%arg102 : memref<!tpu.dma_semaphore, #tpu.memory_space<semaphore_mem>>) src(%dma_wait3A_178 : memref<50331648xf32, #tpu.memory_space<hbm>>) dst(%arg56 : memref<512xf32, #tpu.memory_space<vmem>>)
      %dma_wait3A_179 = arith.constant 0 : i32
      %dma_wait3A_180 = tpu.memref_slice %arg4[%dma_wait3A_179] : memref<50331648xf32, #tpu.memory_space<hbm>> -> memref<50331648xf32, #tpu.memory_space<hbm>>
      tpu.wait_indirect_dma semaphore(%arg102 : memref<!tpu.dma_semaphore, #tpu.memory_space<semaphore_mem>>) src(%dma_wait3A_180 : memref<50331648xf32, #tpu.memory_space<hbm>>) dst(%arg57 : memref<512xf32, #tpu.memory_space<vmem>>)
      %dma_wait3A_181 = arith.constant 0 : i32
      %dma_wait3A_182 = tpu.memref_slice %arg4[%dma_wait3A_181] : memref<50331648xf32, #tpu.memory_space<hbm>> -> memref<50331648xf32, #tpu.memory_space<hbm>>
      tpu.wait_indirect_dma semaphore(%arg102 : memref<!tpu.dma_semaphore, #tpu.memory_space<semaphore_mem>>) src(%dma_wait3A_182 : memref<50331648xf32, #tpu.memory_space<hbm>>) dst(%arg58 : memref<512xf32, #tpu.memory_space<vmem>>)
      %dma_wait3A_183 = arith.constant 0 : i32
      %dma_wait3A_184 = tpu.memref_slice %arg4[%dma_wait3A_183] : memref<50331648xf32, #tpu.memory_space<hbm>> -> memref<50331648xf32, #tpu.memory_space<hbm>>
      tpu.wait_indirect_dma semaphore(%arg102 : memref<!tpu.dma_semaphore, #tpu.memory_space<semaphore_mem>>) src(%dma_wait3A_184 : memref<50331648xf32, #tpu.memory_space<hbm>>) dst(%arg59 : memref<512xf32, #tpu.memory_space<vmem>>)
      %dma_wait3A_185 = arith.constant 0 : i32
      %dma_wait3A_186 = tpu.memref_slice %arg4[%dma_wait3A_185] : memref<50331648xf32, #tpu.memory_space<hbm>> -> memref<50331648xf32, #tpu.memory_space<hbm>>
      tpu.wait_indirect_dma semaphore(%arg102 : memref<!tpu.dma_semaphore, #tpu.memory_space<semaphore_mem>>) src(%dma_wait3A_186 : memref<50331648xf32, #tpu.memory_space<hbm>>) dst(%arg60 : memref<512xf32, #tpu.memory_space<vmem>>)
      %dma_wait3A_187 = arith.constant 0 : i32
      %dma_wait3A_188 = tpu.memref_slice %arg4[%dma_wait3A_187] : memref<50331648xf32, #tpu.memory_space<hbm>> -> memref<50331648xf32, #tpu.memory_space<hbm>>
      tpu.wait_indirect_dma semaphore(%arg102 : memref<!tpu.dma_semaphore, #tpu.memory_space<semaphore_mem>>) src(%dma_wait3A_188 : memref<50331648xf32, #tpu.memory_space<hbm>>) dst(%arg61 : memref<512xf32, #tpu.memory_space<vmem>>)
      %dma_wait3A_189 = arith.constant 0 : i32
      %dma_wait3A_190 = tpu.memref_slice %arg4[%dma_wait3A_189] : memref<50331648xf32, #tpu.memory_space<hbm>> -> memref<50331648xf32, #tpu.memory_space<hbm>>
      tpu.wait_indirect_dma semaphore(%arg102 : memref<!tpu.dma_semaphore, #tpu.memory_space<semaphore_mem>>) src(%dma_wait3A_190 : memref<50331648xf32, #tpu.memory_space<hbm>>) dst(%arg62 : memref<512xf32, #tpu.memory_space<vmem>>)
      %dma_wait3A_191 = arith.constant 0 : i32
      %dma_wait3A_192 = tpu.memref_slice %arg4[%dma_wait3A_191] : memref<50331648xf32, #tpu.memory_space<hbm>> -> memref<50331648xf32, #tpu.memory_space<hbm>>
      tpu.wait_indirect_dma semaphore(%arg102 : memref<!tpu.dma_semaphore, #tpu.memory_space<semaphore_mem>>) src(%dma_wait3A_192 : memref<50331648xf32, #tpu.memory_space<hbm>>) dst(%arg63 : memref<512xf32, #tpu.memory_space<vmem>>)
      %dma_wait3A_193 = arith.constant 0 : i32
      %dma_wait3A_194 = tpu.memref_slice %arg4[%dma_wait3A_193] : memref<50331648xf32, #tpu.memory_space<hbm>> -> memref<50331648xf32, #tpu.memory_space<hbm>>
      tpu.wait_indirect_dma semaphore(%arg102 : memref<!tpu.dma_semaphore, #tpu.memory_space<semaphore_mem>>) src(%dma_wait3A_194 : memref<50331648xf32, #tpu.memory_space<hbm>>) dst(%arg64 : memref<512xf32, #tpu.memory_space<vmem>>)
      %dma_wait3A_195 = arith.constant 0 : i32
      %dma_wait3A_196 = tpu.memref_slice %arg4[%dma_wait3A_195] : memref<50331648xf32, #tpu.memory_space<hbm>> -> memref<50331648xf32, #tpu.memory_space<hbm>>
      tpu.wait_indirect_dma semaphore(%arg102 : memref<!tpu.dma_semaphore, #tpu.memory_space<semaphore_mem>>) src(%dma_wait3A_196 : memref<50331648xf32, #tpu.memory_space<hbm>>) dst(%arg65 : memref<512xf32, #tpu.memory_space<vmem>>)
      %dma_wait3A_197 = arith.constant 0 : i32
      %dma_wait3A_198 = tpu.memref_slice %arg4[%dma_wait3A_197] : memref<50331648xf32, #tpu.memory_space<hbm>> -> memref<50331648xf32, #tpu.memory_space<hbm>>
      tpu.wait_indirect_dma semaphore(%arg102 : memref<!tpu.dma_semaphore, #tpu.memory_space<semaphore_mem>>) src(%dma_wait3A_198 : memref<50331648xf32, #tpu.memory_space<hbm>>) dst(%arg66 : memref<512xf32, #tpu.memory_space<vmem>>)
      %ge3A_199 = arith.constant 3 : i32
      %ge3A_200 = arith.cmpi sge, %add3A_174, %ge3A_199 : i32
      %convert_element_type3A_201 = arith.extui %ge3A_200 : i1 to i32
      %cond3A_202 = arith.constant 0 : i32
      %cond3A_203 = arith.cmpi ne, %convert_element_type3A_201, %cond3A_202 : i32
      scf.if %cond3A_203 {
        %sub3A = arith.constant 3 : i32
        %sub3A_296 = arith.subi %add3A_174, %sub3A : i32
        %mul3A_297 = arith.constant 512 : i32
        %mul3A_298 = arith.muli %sub3A_296, %mul3A_297 : i32
        %add3A_299 = arith.addi %mul3A_2, %mul3A_298 : i32
        %add3A_300 = arith.constant 0 : i32
        %add3A_301 = arith.addi %add3A_300, %add3A_299 : i32
        %dma_wait3A_302 = tpu.memref_slice %arg5[%add3A_301] : memref<3096576xf32, #tpu.memory_space<hbm>> -> memref<512xf32, #tpu.memory_space<hbm>>
        %dma_wait3A_303 = tpu.memref_slice %arg5[%add3A_301] : memref<3096576xf32, #tpu.memory_space<hbm>> -> memref<512xf32, #tpu.memory_space<hbm>>
        tpu.wait_dma2 semaphore(%arg105 : memref<!tpu.dma_semaphore, #tpu.memory_space<semaphore_mem>>) src(%arg67 : memref<512xf32, #tpu.memory_space<vmem>>) dst(%dma_wait3A_303 : memref<512xf32, #tpu.memory_space<hbm>>)
        %add3A_304 = arith.constant 1032192 : i32
        %add3A_305 = arith.addi %add3A_304, %add3A_299 : i32
        %dma_wait3A_306 = tpu.memref_slice %arg5[%add3A_305] : memref<3096576xf32, #tpu.memory_space<hbm>> -> memref<512xf32, #tpu.memory_space<hbm>>
        %dma_wait3A_307 = tpu.memref_slice %arg5[%add3A_305] : memref<3096576xf32, #tpu.memory_space<hbm>> -> memref<512xf32, #tpu.memory_space<hbm>>
        tpu.wait_dma2 semaphore(%arg105 : memref<!tpu.dma_semaphore, #tpu.memory_space<semaphore_mem>>) src(%arg68 : memref<512xf32, #tpu.memory_space<vmem>>) dst(%dma_wait3A_307 : memref<512xf32, #tpu.memory_space<hbm>>)
        %add3A_308 = arith.constant 2064384 : i32
        %add3A_309 = arith.addi %add3A_308, %add3A_299 : i32
        %dma_wait3A_310 = tpu.memref_slice %arg5[%add3A_309] : memref<3096576xf32, #tpu.memory_space<hbm>> -> memref<512xf32, #tpu.memory_space<hbm>>
        %dma_wait3A_311 = tpu.memref_slice %arg5[%add3A_309] : memref<3096576xf32, #tpu.memory_space<hbm>> -> memref<512xf32, #tpu.memory_space<hbm>>
        tpu.wait_dma2 semaphore(%arg105 : memref<!tpu.dma_semaphore, #tpu.memory_space<semaphore_mem>>) src(%arg69 : memref<512xf32, #tpu.memory_space<vmem>>) dst(%dma_wait3A_311 : memref<512xf32, #tpu.memory_space<hbm>>)
      } else {
      }
      %mul3A_204 = arith.constant 512 : i32
      %mul3A_205 = arith.muli %add3A_174, %mul3A_204 : i32
      %add3A_206 = arith.addi %mul3A_2, %mul3A_205 : i32
      %scan3A_207 = arith.constant 0 : i32
      %scan3A_208 = arith.constant 0 : i32
      %scan3A_209 = arith.constant 32 : i32
      %scan3A_210 = arith.addi %scan3A_208, %scan3A_209 : i32
      %scan3A_211 = arith.constant 2 : i32
      %scan3A_212 = scf.for %scan3A_296 = %scan3A_208 to %scan3A_210 step %scan3A_211 iter_args(%scan3A_297 = %scan3A_207) -> (i32)  : i32 {
        %mul3A_298 = arith.constant 16 : i32
        %mul3A_299 = arith.muli %scan3A_296, %mul3A_298 : i32
        %get3A = arith.index_cast %mul3A_299 : i32 to index
        %get3A_300 = tpu.vector_load %arg51[%get3A] {strides = array<i32>} : memref<512xf32, #tpu.memory_space<vmem>>, vector<16xf32>,
        %get3A_301 = arith.index_cast %mul3A_299 : i32 to index
        %get3A_302 = tpu.vector_load %arg52[%get3A_301] {strides = array<i32>} : memref<512xf32, #tpu.memory_space<vmem>>, vector<16xf32>,
        %get3A_303 = arith.index_cast %mul3A_299 : i32 to index
        %get3A_304 = tpu.vector_load %arg53[%get3A_303] {strides = array<i32>} : memref<512xf32, #tpu.memory_space<vmem>>, vector<16xf32>,
        %get3A_305 = arith.index_cast %mul3A_299 : i32 to index
        %get3A_306 = tpu.vector_load %arg54[%get3A_305] {strides = array<i32>} : memref<512xf32, #tpu.memory_space<vmem>>, vector<16xf32>,
        %get3A_307 = arith.index_cast %mul3A_299 : i32 to index
        %get3A_308 = tpu.vector_load %arg55[%get3A_307] {strides = array<i32>} : memref<512xf32, #tpu.memory_space<vmem>>, vector<16xf32>,
        %mul3A_309 = arith.mulf %get3A_308, %get3A_300 : vector<16xf32>
        %get3A_310 = arith.index_cast %mul3A_299 : i32 to index
        %get3A_311 = tpu.vector_load %arg58[%get3A_310] {strides = array<i32>} : memref<512xf32, #tpu.memory_space<vmem>>, vector<16xf32>,
        %mul3A_312 = arith.mulf %get3A_311, %get3A_302 : vector<16xf32>
        %add3A_313 = arith.addf %mul3A_309, %mul3A_312 : vector<16xf32>
        %get3A_314 = arith.index_cast %mul3A_299 : i32 to index
        %get3A_315 = tpu.vector_load %arg61[%get3A_314] {strides = array<i32>} : memref<512xf32, #tpu.memory_space<vmem>>, vector<16xf32>,
        %mul3A_316 = arith.mulf %get3A_315, %get3A_304 : vector<16xf32>
        %add3A_317 = arith.addf %add3A_313, %mul3A_316 : vector<16xf32>
        %get3A_318 = arith.index_cast %mul3A_299 : i32 to index
        %get3A_319 = tpu.vector_load %arg64[%get3A_318] {strides = array<i32>} : memref<512xf32, #tpu.memory_space<vmem>>, vector<16xf32>,
        %mul3A_320 = arith.mulf %get3A_319, %get3A_306 : vector<16xf32>
        %add3A_321 = arith.addf %add3A_317, %mul3A_320 : vector<16xf32>
        %swap3A = arith.index_cast %mul3A_299 : i32 to index
        %swap3A_322 = tpu.vector_load %arg67[%swap3A] {strides = array<i32>} : memref<512xf32, #tpu.memory_space<vmem>>, vector<16xf32>,
        tpu.vector_store %arg67[%swap3A], %add3A_321 {strides = array<i32>} : memref<512xf32, #tpu.memory_space<vmem>>, vector<16xf32>,
        %get3A_323 = arith.index_cast %mul3A_299 : i32 to index
        %get3A_324 = tpu.vector_load %arg56[%get3A_323] {strides = array<i32>} : memref<512xf32, #tpu.memory_space<vmem>>, vector<16xf32>,
        %mul3A_325 = arith.mulf %get3A_324, %get3A_300 : vector<16xf32>
        %get3A_326 = arith.index_cast %mul3A_299 : i32 to index
        %get3A_327 = tpu.vector_load %arg59[%get3A_326] {strides = array<i32>} : memref<512xf32, #tpu.memory_space<vmem>>, vector<16xf32>,
        %mul3A_328 = arith.mulf %get3A_327, %get3A_302 : vector<16xf32>
        %add3A_329 = arith.addf %mul3A_325, %mul3A_328 : vector<16xf32>
        %get3A_330 = arith.index_cast %mul3A_299 : i32 to index
        %get3A_331 = tpu.vector_load %arg62[%get3A_330] {strides = array<i32>} : memref<512xf32, #tpu.memory_space<vmem>>, vector<16xf32>,
        %mul3A_332 = arith.mulf %get3A_331, %get3A_304 : vector<16xf32>
        %add3A_333 = arith.addf %add3A_329, %mul3A_332 : vector<16xf32>
        %get3A_334 = arith.index_cast %mul3A_299 : i32 to index
        %get3A_335 = tpu.vector_load %arg65[%get3A_334] {strides = array<i32>} : memref<512xf32, #tpu.memory_space<vmem>>, vector<16xf32>,
        %mul3A_336 = arith.mulf %get3A_335, %get3A_306 : vector<16xf32>
        %add3A_337 = arith.addf %add3A_333, %mul3A_336 : vector<16xf32>
        %swap3A_338 = arith.index_cast %mul3A_299 : i32 to index
        %swap3A_339 = tpu.vector_load %arg68[%swap3A_338] {strides = array<i32>} : memref<512xf32, #tpu.memory_space<vmem>>, vector<16xf32>,
        tpu.vector_store %arg68[%swap3A_338], %add3A_337 {strides = array<i32>} : memref<512xf32, #tpu.memory_space<vmem>>, vector<16xf32>,
        %get3A_340 = arith.index_cast %mul3A_299 : i32 to index
        %get3A_341 = tpu.vector_load %arg57[%get3A_340] {strides = array<i32>} : memref<512xf32, #tpu.memory_space<vmem>>, vector<16xf32>,
        %mul3A_342 = arith.mulf %get3A_341, %get3A_300 : vector<16xf32>
        %get3A_343 = arith.index_cast %mul3A_299 : i32 to index
        %get3A_344 = tpu.vector_load %arg60[%get3A_343] {strides = array<i32>} : memref<512xf32, #tpu.memory_space<vmem>>, vector<16xf32>,
        %mul3A_345 = arith.mulf %get3A_344, %get3A_302 : vector<16xf32>
        %add3A_346 = arith.addf %mul3A_342, %mul3A_345 : vector<16xf32>
        %get3A_347 = arith.index_cast %mul3A_299 : i32 to index
        %get3A_348 = tpu.vector_load %arg63[%get3A_347] {strides = array<i32>} : memref<512xf32, #tpu.memory_space<vmem>>, vector<16xf32>,
        %mul3A_349 = arith.mulf %get3A_348, %get3A_304 : vector<16xf32>
        %add3A_350 = arith.addf %add3A_346, %mul3A_349 : vector<16xf32>
        %get3A_351 = arith.index_cast %mul3A_299 : i32 to index
        %get3A_352 = tpu.vector_load %arg66[%get3A_351] {strides = array<i32>} : memref<512xf32, #tpu.memory_space<vmem>>, vector<16xf32>,
        %mul3A_353 = arith.mulf %get3A_352, %get3A_306 : vector<16xf32>
        %add3A_354 = arith.addf %add3A_350, %mul3A_353 : vector<16xf32>
        %swap3A_355 = arith.index_cast %mul3A_299 : i32 to index
        %swap3A_356 = tpu.vector_load %arg69[%swap3A_355] {strides = array<i32>} : memref<512xf32, #tpu.memory_space<vmem>>, vector<16xf32>,
        tpu.vector_store %arg69[%swap3A_355], %add3A_354 {strides = array<i32>} : memref<512xf32, #tpu.memory_space<vmem>>, vector<16xf32>,
        %scan3A_357 = arith.constant 0 : i32
        %scan3A_358 = arith.constant 1 : i32
        %scan3A_359 = arith.addi %scan3A_296, %scan3A_358 : i32
        %mul3A_360 = arith.constant 16 : i32
        %mul3A_361 = arith.muli %scan3A_359, %mul3A_360 : i32
        %get3A_362 = arith.index_cast %mul3A_361 : i32 to index
        %get3A_363 = tpu.vector_load %arg51[%get3A_362] {strides = array<i32>} : memref<512xf32, #tpu.memory_space<vmem>>, vector<16xf32>,
        %get3A_364 = arith.index_cast %mul3A_361 : i32 to index
        %get3A_365 = tpu.vector_load %arg52[%get3A_364] {strides = array<i32>} : memref<512xf32, #tpu.memory_space<vmem>>, vector<16xf32>,
        %get3A_366 = arith.index_cast %mul3A_361 : i32 to index
        %get3A_367 = tpu.vector_load %arg53[%get3A_366] {strides = array<i32>} : memref<512xf32, #tpu.memory_space<vmem>>, vector<16xf32>,
        %get3A_368 = arith.index_cast %mul3A_361 : i32 to index
        %get3A_369 = tpu.vector_load %arg54[%get3A_368] {strides = array<i32>} : memref<512xf32, #tpu.memory_space<vmem>>, vector<16xf32>,
        %get3A_370 = arith.index_cast %mul3A_361 : i32 to index
        %get3A_371 = tpu.vector_load %arg55[%get3A_370] {strides = array<i32>} : memref<512xf32, #tpu.memory_space<vmem>>, vector<16xf32>,
        %mul3A_372 = arith.mulf %get3A_371, %get3A_363 : vector<16xf32>
        %get3A_373 = arith.index_cast %mul3A_361 : i32 to index
        %get3A_374 = tpu.vector_load %arg58[%get3A_373] {strides = array<i32>} : memref<512xf32, #tpu.memory_space<vmem>>, vector<16xf32>,
        %mul3A_375 = arith.mulf %get3A_374, %get3A_365 : vector<16xf32>
        %add3A_376 = arith.addf %mul3A_372, %mul3A_375 : vector<16xf32>
        %get3A_377 = arith.index_cast %mul3A_361 : i32 to index
        %get3A_378 = tpu.vector_load %arg61[%get3A_377] {strides = array<i32>} : memref<512xf32, #tpu.memory_space<vmem>>, vector<16xf32>,
        %mul3A_379 = arith.mulf %get3A_378, %get3A_367 : vector<16xf32>
        %add3A_380 = arith.addf %add3A_376, %mul3A_379 : vector<16xf32>
        %get3A_381 = arith.index_cast %mul3A_361 : i32 to index
        %get3A_382 = tpu.vector_load %arg64[%get3A_381] {strides = array<i32>} : memref<512xf32, #tpu.memory_space<vmem>>, vector<16xf32>,
        %mul3A_383 = arith.mulf %get3A_382, %get3A_369 : vector<16xf32>
        %add3A_384 = arith.addf %add3A_380, %mul3A_383 : vector<16xf32>
        %swap3A_385 = arith.index_cast %mul3A_361 : i32 to index
        %swap3A_386 = tpu.vector_load %arg67[%swap3A_385] {strides = array<i32>} : memref<512xf32, #tpu.memory_space<vmem>>, vector<16xf32>,
        tpu.vector_store %arg67[%swap3A_385], %add3A_384 {strides = array<i32>} : memref<512xf32, #tpu.memory_space<vmem>>, vector<16xf32>,
        %get3A_387 = arith.index_cast %mul3A_361 : i32 to index
        %get3A_388 = tpu.vector_load %arg56[%get3A_387] {strides = array<i32>} : memref<512xf32, #tpu.memory_space<vmem>>, vector<16xf32>,
        %mul3A_389 = arith.mulf %get3A_388, %get3A_363 : vector<16xf32>
        %get3A_390 = arith.index_cast %mul3A_361 : i32 to index
        %get3A_391 = tpu.vector_load %arg59[%get3A_390] {strides = array<i32>} : memref<512xf32, #tpu.memory_space<vmem>>, vector<16xf32>,
        %mul3A_392 = arith.mulf %get3A_391, %get3A_365 : vector<16xf32>
        %add3A_393 = arith.addf %mul3A_389, %mul3A_392 : vector<16xf32>
        %get3A_394 = arith.index_cast %mul3A_361 : i32 to index
        %get3A_395 = tpu.vector_load %arg62[%get3A_394] {strides = array<i32>} : memref<512xf32, #tpu.memory_space<vmem>>, vector<16xf32>,
        %mul3A_396 = arith.mulf %get3A_395, %get3A_367 : vector<16xf32>
        %add3A_397 = arith.addf %add3A_393, %mul3A_396 : vector<16xf32>
        %get3A_398 = arith.index_cast %mul3A_361 : i32 to index
        %get3A_399 = tpu.vector_load %arg65[%get3A_398] {strides = array<i32>} : memref<512xf32, #tpu.memory_space<vmem>>, vector<16xf32>,
        %mul3A_400 = arith.mulf %get3A_399, %get3A_369 : vector<16xf32>
        %add3A_401 = arith.addf %add3A_397, %mul3A_400 : vector<16xf32>
        %swap3A_402 = arith.index_cast %mul3A_361 : i32 to index
        %swap3A_403 = tpu.vector_load %arg68[%swap3A_402] {strides = array<i32>} : memref<512xf32, #tpu.memory_space<vmem>>, vector<16xf32>,
        tpu.vector_store %arg68[%swap3A_402], %add3A_401 {strides = array<i32>} : memref<512xf32, #tpu.memory_space<vmem>>, vector<16xf32>,
        %get3A_404 = arith.index_cast %mul3A_361 : i32 to index
        %get3A_405 = tpu.vector_load %arg57[%get3A_404] {strides = array<i32>} : memref<512xf32, #tpu.memory_space<vmem>>, vector<16xf32>,
        %mul3A_406 = arith.mulf %get3A_405, %get3A_363 : vector<16xf32>
        %get3A_407 = arith.index_cast %mul3A_361 : i32 to index
        %get3A_408 = tpu.vector_load %arg60[%get3A_407] {strides = array<i32>} : memref<512xf32, #tpu.memory_space<vmem>>, vector<16xf32>,
        %mul3A_409 = arith.mulf %get3A_408, %get3A_365 : vector<16xf32>
        %add3A_410 = arith.addf %mul3A_406, %mul3A_409 : vector<16xf32>
        %get3A_411 = arith.index_cast %mul3A_361 : i32 to index
        %get3A_412 = tpu.vector_load %arg63[%get3A_411] {strides = array<i32>} : memref<512xf32, #tpu.memory_space<vmem>>, vector<16xf32>,
        %mul3A_413 = arith.mulf %get3A_412, %get3A_367 : vector<16xf32>
        %add3A_414 = arith.addf %add3A_410, %mul3A_413 : vector<16xf32>
        %get3A_415 = arith.index_cast %mul3A_361 : i32 to index
        %get3A_416 = tpu.vector_load %arg66[%get3A_415] {strides = array<i32>} : memref<512xf32, #tpu.memory_space<vmem>>, vector<16xf32>,
        %mul3A_417 = arith.mulf %get3A_416, %get3A_369 : vector<16xf32>
        %add3A_418 = arith.addf %add3A_414, %mul3A_417 : vector<16xf32>
        %swap3A_419 = arith.index_cast %mul3A_361 : i32 to index
        %swap3A_420 = tpu.vector_load %arg69[%swap3A_419] {strides = array<i32>} : memref<512xf32, #tpu.memory_space<vmem>>, vector<16xf32>,
        tpu.vector_store %arg69[%swap3A_419], %add3A_418 {strides = array<i32>} : memref<512xf32, #tpu.memory_space<vmem>>, vector<16xf32>,
        %scan3A_421 = arith.constant 0 : i32
        scf.yield %scan3A_421 : i32
      }
      %scan3A_213 = arith.constant 32 : i32
      %add3A_214 = arith.constant 0 : i32
      %add3A_215 = arith.addi %add3A_214, %add3A_206 : i32
      %dma_start3A_216 = tpu.memref_slice %arg5[%add3A_215] : memref<3096576xf32, #tpu.memory_space<hbm>> -> memref<512xf32, #tpu.memory_space<hbm>>
      %dma_start3A_217 = tpu.memref_slice %arg5[%add3A_215] : memref<3096576xf32, #tpu.memory_space<hbm>> -> memref<512xf32, #tpu.memory_space<hbm>>
      tpu.enqueue_dma source(%arg67 : memref<512xf32, #tpu.memory_space<vmem>>) target(%dma_start3A_217 : memref<512xf32, #tpu.memory_space<hbm>>) target_semaphore(%arg105 : memref<!tpu.dma_semaphore, #tpu.memory_space<semaphore_mem>>)
      %add3A_218 = arith.constant 1032192 : i32
      %add3A_219 = arith.addi %add3A_218, %add3A_206 : i32
      %dma_start3A_220 = tpu.memref_slice %arg5[%add3A_219] : memref<3096576xf32, #tpu.memory_space<hbm>> -> memref<512xf32, #tpu.memory_space<hbm>>
      %dma_start3A_221 = tpu.memref_slice %arg5[%add3A_219] : memref<3096576xf32, #tpu.memory_space<hbm>> -> memref<512xf32, #tpu.memory_space<hbm>>
      tpu.enqueue_dma source(%arg68 : memref<512xf32, #tpu.memory_space<vmem>>) target(%dma_start3A_221 : memref<512xf32, #tpu.memory_space<hbm>>) target_semaphore(%arg105 : memref<!tpu.dma_semaphore, #tpu.memory_space<semaphore_mem>>)
      %add3A_222 = arith.constant 2064384 : i32
      %add3A_223 = arith.addi %add3A_222, %add3A_206 : i32
      %dma_start3A_224 = tpu.memref_slice %arg5[%add3A_223] : memref<3096576xf32, #tpu.memory_space<hbm>> -> memref<512xf32, #tpu.memory_space<hbm>>
      %dma_start3A_225 = tpu.memref_slice %arg5[%add3A_223] : memref<3096576xf32, #tpu.memory_space<hbm>> -> memref<512xf32, #tpu.memory_space<hbm>>
      tpu.enqueue_dma source(%arg69 : memref<512xf32, #tpu.memory_space<vmem>>) target(%dma_start3A_225 : memref<512xf32, #tpu.memory_space<hbm>>) target_semaphore(%arg105 : memref<!tpu.dma_semaphore, #tpu.memory_space<semaphore_mem>>)
      %add3A_226 = arith.constant 2 : i32
      %add3A_227 = arith.addi %add3A_174, %add3A_226 : i32
      %lt3A_228 = arith.constant 63 : i32
      %lt3A_229 = arith.cmpi slt, %add3A_227, %lt3A_228 : i32
      %convert_element_type3A_230 = arith.extui %lt3A_229 : i1 to i32
      %cond3A_231 = arith.constant 0 : i32
      %cond3A_232 = arith.cmpi ne, %convert_element_type3A_230, %cond3A_231 : i32
      scf.if %cond3A_232 {
        %add3A_296 = arith.constant 2 : i32
        %add3A_297 = arith.addi %add3A_174, %add3A_296 : i32
        %mul3A_298 = arith.constant 512 : i32
        %mul3A_299 = arith.muli %add3A_297, %mul3A_298 : i32
        %scan3A_300 = arith.constant 0 : i32
        %scan3A_301 = arith.constant 0 : i32
        %scan3A_302 = arith.constant 32 : i32
        %scan3A_303 = arith.addi %scan3A_301, %scan3A_302 : i32
        %scan3A_304 = arith.constant 2 : i32
        %scan3A_305 = scf.for %scan3A_331 = %scan3A_301 to %scan3A_303 step %scan3A_304 iter_args(%scan3A_332 = %scan3A_300) -> (i32)  : i32 {
          %mul3A_333 = arith.constant 16 : i32
          %mul3A_334 = arith.muli %scan3A_331, %mul3A_333 : i32
          %mul3A_335 = arith.constant 16 : i32
          %mul3A_336 = arith.muli %scan3A_331, %mul3A_335 : i32
          %add3A_337 = arith.addi %mul3A_299, %mul3A_336 : i32
          %get3A = arith.index_cast %add3A_337 : i32 to index
          %get3A_338 = tpu.vector_load %arg6[%get3A] {strides = array<i32>} : memref<32256xf32, #tpu.memory_space<vmem>>, vector<16xf32>,
          %mul3A_339 = arith.constant 4.096000e+03 : f32
          %mul3A_340 = vector.broadcast %mul3A_339 : f32 to vector<16xf32>
          %mul3A_341 = arith.mulf %get3A_338, %mul3A_340 : vector<16xf32>
          %get3A_342 = arith.index_cast %add3A_337 : i32 to index
          %get3A_343 = tpu.vector_load %arg7[%get3A_342] {strides = array<i32>} : memref<32256xf32, #tpu.memory_space<vmem>>, vector<16xf32>,
          %mul3A_344 = arith.constant 4.096000e+03 : f32
          %mul3A_345 = vector.broadcast %mul3A_344 : f32 to vector<16xf32>
          %mul3A_346 = arith.mulf %get3A_343, %mul3A_345 : vector<16xf32>
          %convert_element_type3A_347 = arith.fptosi %mul3A_341 : vector<16xf32> to vector<16xi32>
          %convert_element_type3A_348 = arith.fptosi %mul3A_346 : vector<16xf32> to vector<16xi32>
          %convert_element_type3A_349 = arith.sitofp %convert_element_type3A_347 : vector<16xi32> to vector<16xf32>
          %sub3A = arith.subf %mul3A_341, %convert_element_type3A_349 : vector<16xf32>
          %convert_element_type3A_350 = arith.sitofp %convert_element_type3A_348 : vector<16xi32> to vector<16xf32>
          %sub3A_351 = arith.subf %mul3A_346, %convert_element_type3A_350 : vector<16xf32>
          %jit3A = arith.constant 0 : i32
          %jit3A_352 = arith.constant 4095 : i32
          %max3A = vector.broadcast %jit3A : i32 to vector<16xi32>
          %max3A_353 = arith.maxsi %max3A, %convert_element_type3A_347 : vector<16xi32>
          %min3A = vector.broadcast %jit3A_352 : i32 to vector<16xi32>
          %min3A_354 = arith.minsi %min3A, %max3A_353 : vector<16xi32>
          %jit3A_355 = arith.constant 0 : i32
          %jit3A_356 = arith.constant 4095 : i32
          %max3A_357 = vector.broadcast %jit3A_355 : i32 to vector<16xi32>
          %max3A_358 = arith.maxsi %max3A_357, %convert_element_type3A_348 : vector<16xi32>
          %min3A_359 = vector.broadcast %jit3A_356 : i32 to vector<16xi32>
          %min3A_360 = arith.minsi %min3A_359, %max3A_358 : vector<16xi32>
          %add3A_361 = arith.constant 1 : i32
          %add3A_362 = vector.broadcast %add3A_361 : i32 to vector<16xi32>
          %add3A_363 = arith.addi %min3A_354, %add3A_362 : vector<16xi32>
          %min3A_364 = arith.constant 4095 : i32
          %min3A_365 = vector.broadcast %min3A_364 : i32 to vector<16xi32>
          %min3A_366 = arith.minsi %add3A_363, %min3A_365 : vector<16xi32>
          %add3A_367 = arith.constant 1 : i32
          %add3A_368 = vector.broadcast %add3A_367 : i32 to vector<16xi32>
          %add3A_369 = arith.addi %min3A_360, %add3A_368 : vector<16xi32>
          %min3A_370 = arith.constant 4095 : i32
          %min3A_371 = vector.broadcast %min3A_370 : i32 to vector<16xi32>
          %min3A_372 = arith.minsi %add3A_369, %min3A_371 : vector<16xi32>
          %shift_left3A = arith.constant 12 : i32
          %shift_left3A_373 = vector.broadcast %shift_left3A : i32 to vector<16xi32>
          %shift_left3A_374 = arith.shli %min3A_360, %shift_left3A_373 : vector<16xi32>
          %shift_left3A_375 = arith.constant 12 : i32
          %shift_left3A_376 = vector.broadcast %shift_left3A_375 : i32 to vector<16xi32>
          %shift_left3A_377 = arith.shli %min3A_372, %shift_left3A_376 : vector<16xi32>
          %add3A_378 = arith.addi %shift_left3A_374, %min3A_354 : vector<16xi32>
          %add3A_379 = arith.addi %shift_left3A_374, %min3A_366 : vector<16xi32>
          %add3A_380 = arith.addi %shift_left3A_377, %min3A_354 : vector<16xi32>
          %add3A_381 = arith.addi %shift_left3A_377, %min3A_366 : vector<16xi32>
          %add3A_382 = arith.constant 0 : i32
          %add3A_383 = vector.broadcast %add3A_382 : i32 to vector<16xi32>
          %add3A_384 = arith.addi %add3A_378, %add3A_383 : vector<16xi32>
          %swap3A = arith.index_cast %mul3A_334 : i32 to index
          %swap3A_385 = tpu.vector_load %arg8[%swap3A] {strides = array<i32>} : memref<512xi32, #tpu.memory_space<vmem>>, vector<16xi32>,
          tpu.vector_store %arg8[%swap3A], %add3A_384 {strides = array<i32>} : memref<512xi32, #tpu.memory_space<vmem>>, vector<16xi32>,
          %add3A_386 = arith.constant 16777216 : i32
          %add3A_387 = vector.broadcast %add3A_386 : i32 to vector<16xi32>
          %add3A_388 = arith.addi %add3A_378, %add3A_387 : vector<16xi32>
          %swap3A_389 = arith.index_cast %mul3A_334 : i32 to index
          %swap3A_390 = tpu.vector_load %arg9[%swap3A_389] {strides = array<i32>} : memref<512xi32, #tpu.memory_space<vmem>>, vector<16xi32>,
          tpu.vector_store %arg9[%swap3A_389], %add3A_388 {strides = array<i32>} : memref<512xi32, #tpu.memory_space<vmem>>, vector<16xi32>,
          %add3A_391 = arith.constant 33554432 : i32
          %add3A_392 = vector.broadcast %add3A_391 : i32 to vector<16xi32>
          %add3A_393 = arith.addi %add3A_378, %add3A_392 : vector<16xi32>
          %swap3A_394 = arith.index_cast %mul3A_334 : i32 to index
          %swap3A_395 = tpu.vector_load %arg10[%swap3A_394] {strides = array<i32>} : memref<512xi32, #tpu.memory_space<vmem>>, vector<16xi32>,
          tpu.vector_store %arg10[%swap3A_394], %add3A_393 {strides = array<i32>} : memref<512xi32, #tpu.memory_space<vmem>>, vector<16xi32>,
          %add3A_396 = arith.constant 0 : i32
          %add3A_397 = vector.broadcast %add3A_396 : i32 to vector<16xi32>
          %add3A_398 = arith.addi %add3A_379, %add3A_397 : vector<16xi32>
          %swap3A_399 = arith.index_cast %mul3A_334 : i32 to index
          %swap3A_400 = tpu.vector_load %arg11[%swap3A_399] {strides = array<i32>} : memref<512xi32, #tpu.memory_space<vmem>>, vector<16xi32>,
          tpu.vector_store %arg11[%swap3A_399], %add3A_398 {strides = array<i32>} : memref<512xi32, #tpu.memory_space<vmem>>, vector<16xi32>,
          %add3A_401 = arith.constant 16777216 : i32
          %add3A_402 = vector.broadcast %add3A_401 : i32 to vector<16xi32>
          %add3A_403 = arith.addi %add3A_379, %add3A_402 : vector<16xi32>
          %swap3A_404 = arith.index_cast %mul3A_334 : i32 to index
          %swap3A_405 = tpu.vector_load %arg12[%swap3A_404] {strides = array<i32>} : memref<512xi32, #tpu.memory_space<vmem>>, vector<16xi32>,
          tpu.vector_store %arg12[%swap3A_404], %add3A_403 {strides = array<i32>} : memref<512xi32, #tpu.memory_space<vmem>>, vector<16xi32>,
          %add3A_406 = arith.constant 33554432 : i32
          %add3A_407 = vector.broadcast %add3A_406 : i32 to vector<16xi32>
          %add3A_408 = arith.addi %add3A_379, %add3A_407 : vector<16xi32>
          %swap3A_409 = arith.index_cast %mul3A_334 : i32 to index
          %swap3A_410 = tpu.vector_load %arg13[%swap3A_409] {strides = array<i32>} : memref<512xi32, #tpu.memory_space<vmem>>, vector<16xi32>,
          tpu.vector_store %arg13[%swap3A_409], %add3A_408 {strides = array<i32>} : memref<512xi32, #tpu.memory_space<vmem>>, vector<16xi32>,
          %add3A_411 = arith.constant 0 : i32
          %add3A_412 = vector.broadcast %add3A_411 : i32 to vector<16xi32>
          %add3A_413 = arith.addi %add3A_380, %add3A_412 : vector<16xi32>
          %swap3A_414 = arith.index_cast %mul3A_334 : i32 to index
          %swap3A_415 = tpu.vector_load %arg14[%swap3A_414] {strides = array<i32>} : memref<512xi32, #tpu.memory_space<vmem>>, vector<16xi32>,
          tpu.vector_store %arg14[%swap3A_414], %add3A_413 {strides = array<i32>} : memref<512xi32, #tpu.memory_space<vmem>>, vector<16xi32>,
          %add3A_416 = arith.constant 16777216 : i32
          %add3A_417 = vector.broadcast %add3A_416 : i32 to vector<16xi32>
          %add3A_418 = arith.addi %add3A_380, %add3A_417 : vector<16xi32>
          %swap3A_419 = arith.index_cast %mul3A_334 : i32 to index
          %swap3A_420 = tpu.vector_load %arg15[%swap3A_419] {strides = array<i32>} : memref<512xi32, #tpu.memory_space<vmem>>, vector<16xi32>,
          tpu.vector_store %arg15[%swap3A_419], %add3A_418 {strides = array<i32>} : memref<512xi32, #tpu.memory_space<vmem>>, vector<16xi32>,
          %add3A_421 = arith.constant 33554432 : i32
          %add3A_422 = vector.broadcast %add3A_421 : i32 to vector<16xi32>
          %add3A_423 = arith.addi %add3A_380, %add3A_422 : vector<16xi32>
          %swap3A_424 = arith.index_cast %mul3A_334 : i32 to index
          %swap3A_425 = tpu.vector_load %arg16[%swap3A_424] {strides = array<i32>} : memref<512xi32, #tpu.memory_space<vmem>>, vector<16xi32>,
          tpu.vector_store %arg16[%swap3A_424], %add3A_423 {strides = array<i32>} : memref<512xi32, #tpu.memory_space<vmem>>, vector<16xi32>,
          %add3A_426 = arith.constant 0 : i32
          %add3A_427 = vector.broadcast %add3A_426 : i32 to vector<16xi32>
          %add3A_428 = arith.addi %add3A_381, %add3A_427 : vector<16xi32>
          %swap3A_429 = arith.index_cast %mul3A_334 : i32 to index
          %swap3A_430 = tpu.vector_load %arg17[%swap3A_429] {strides = array<i32>} : memref<512xi32, #tpu.memory_space<vmem>>, vector<16xi32>,
          tpu.vector_store %arg17[%swap3A_429], %add3A_428 {strides = array<i32>} : memref<512xi32, #tpu.memory_space<vmem>>, vector<16xi32>,
          %add3A_431 = arith.constant 16777216 : i32
          %add3A_432 = vector.broadcast %add3A_431 : i32 to vector<16xi32>
          %add3A_433 = arith.addi %add3A_381, %add3A_432 : vector<16xi32>
          %swap3A_434 = arith.index_cast %mul3A_334 : i32 to index
          %swap3A_435 = tpu.vector_load %arg18[%swap3A_434] {strides = array<i32>} : memref<512xi32, #tpu.memory_space<vmem>>, vector<16xi32>,
          tpu.vector_store %arg18[%swap3A_434], %add3A_433 {strides = array<i32>} : memref<512xi32, #tpu.memory_space<vmem>>, vector<16xi32>,
          %add3A_436 = arith.constant 33554432 : i32
          %add3A_437 = vector.broadcast %add3A_436 : i32 to vector<16xi32>
          %add3A_438 = arith.addi %add3A_381, %add3A_437 : vector<16xi32>
          %swap3A_439 = arith.index_cast %mul3A_334 : i32 to index
          %swap3A_440 = tpu.vector_load %arg19[%swap3A_439] {strides = array<i32>} : memref<512xi32, #tpu.memory_space<vmem>>, vector<16xi32>,
          tpu.vector_store %arg19[%swap3A_439], %add3A_438 {strides = array<i32>} : memref<512xi32, #tpu.memory_space<vmem>>, vector<16xi32>,
          %sub3A_441 = arith.constant 1.000000e+00 : f32
          %sub3A_442 = vector.broadcast %sub3A_441 : f32 to vector<16xf32>
          %sub3A_443 = arith.subf %sub3A_442, %sub3A : vector<16xf32>
          %sub3A_444 = arith.constant 1.000000e+00 : f32
          %sub3A_445 = vector.broadcast %sub3A_444 : f32 to vector<16xf32>
          %sub3A_446 = arith.subf %sub3A_445, %sub3A_351 : vector<16xf32>
          %mul3A_447 = arith.mulf %sub3A_443, %sub3A_446 : vector<16xf32>
          %swap3A_448 = arith.index_cast %mul3A_334 : i32 to index
          %swap3A_449 = tpu.vector_load %arg20[%swap3A_448] {strides = array<i32>} : memref<512xf32, #tpu.memory_space<vmem>>, vector<16xf32>,
          tpu.vector_store %arg20[%swap3A_448], %mul3A_447 {strides = array<i32>} : memref<512xf32, #tpu.memory_space<vmem>>, vector<16xf32>,
          %mul3A_450 = arith.mulf %sub3A, %sub3A_446 : vector<16xf32>
          %swap3A_451 = arith.index_cast %mul3A_334 : i32 to index
          %swap3A_452 = tpu.vector_load %arg21[%swap3A_451] {strides = array<i32>} : memref<512xf32, #tpu.memory_space<vmem>>, vector<16xf32>,
          tpu.vector_store %arg21[%swap3A_451], %mul3A_450 {strides = array<i32>} : memref<512xf32, #tpu.memory_space<vmem>>, vector<16xf32>,
          %mul3A_453 = arith.mulf %sub3A_443, %sub3A_351 : vector<16xf32>
          %swap3A_454 = arith.index_cast %mul3A_334 : i32 to index
          %swap3A_455 = tpu.vector_load %arg22[%swap3A_454] {strides = array<i32>} : memref<512xf32, #tpu.memory_space<vmem>>, vector<16xf32>,
          tpu.vector_store %arg22[%swap3A_454], %mul3A_453 {strides = array<i32>} : memref<512xf32, #tpu.memory_space<vmem>>, vector<16xf32>,
          %mul3A_456 = arith.mulf %sub3A, %sub3A_351 : vector<16xf32>
          %swap3A_457 = arith.index_cast %mul3A_334 : i32 to index
          %swap3A_458 = tpu.vector_load %arg23[%swap3A_457] {strides = array<i32>} : memref<512xf32, #tpu.memory_space<vmem>>, vector<16xf32>,
          tpu.vector_store %arg23[%swap3A_457], %mul3A_456 {strides = array<i32>} : memref<512xf32, #tpu.memory_space<vmem>>, vector<16xf32>,
          %scan3A_459 = arith.constant 0 : i32
          %scan3A_460 = arith.constant 1 : i32
          %scan3A_461 = arith.addi %scan3A_331, %scan3A_460 : i32
          %mul3A_462 = arith.constant 16 : i32
          %mul3A_463 = arith.muli %scan3A_461, %mul3A_462 : i32
          %mul3A_464 = arith.constant 16 : i32
          %mul3A_465 = arith.muli %scan3A_461, %mul3A_464 : i32
          %add3A_466 = arith.addi %mul3A_299, %mul3A_465 : i32
          %get3A_467 = arith.index_cast %add3A_466 : i32 to index
          %get3A_468 = tpu.vector_load %arg6[%get3A_467] {strides = array<i32>} : memref<32256xf32, #tpu.memory_space<vmem>>, vector<16xf32>,
          %mul3A_469 = arith.constant 4.096000e+03 : f32
          %mul3A_470 = vector.broadcast %mul3A_469 : f32 to vector<16xf32>
          %mul3A_471 = arith.mulf %get3A_468, %mul3A_470 : vector<16xf32>
          %get3A_472 = arith.index_cast %add3A_466 : i32 to index
          %get3A_473 = tpu.vector_load %arg7[%get3A_472] {strides = array<i32>} : memref<32256xf32, #tpu.memory_space<vmem>>, vector<16xf32>,
          %mul3A_474 = arith.constant 4.096000e+03 : f32
          %mul3A_475 = vector.broadcast %mul3A_474 : f32 to vector<16xf32>
          %mul3A_476 = arith.mulf %get3A_473, %mul3A_475 : vector<16xf32>
          %convert_element_type3A_477 = arith.fptosi %mul3A_471 : vector<16xf32> to vector<16xi32>
          %convert_element_type3A_478 = arith.fptosi %mul3A_476 : vector<16xf32> to vector<16xi32>
          %convert_element_type3A_479 = arith.sitofp %convert_element_type3A_477 : vector<16xi32> to vector<16xf32>
          %sub3A_480 = arith.subf %mul3A_471, %convert_element_type3A_479 : vector<16xf32>
          %convert_element_type3A_481 = arith.sitofp %convert_element_type3A_478 : vector<16xi32> to vector<16xf32>
          %sub3A_482 = arith.subf %mul3A_476, %convert_element_type3A_481 : vector<16xf32>
          %jit3A_483 = arith.constant 0 : i32
          %jit3A_484 = arith.constant 4095 : i32
          %max3A_485 = vector.broadcast %jit3A_483 : i32 to vector<16xi32>
          %max3A_486 = arith.maxsi %max3A_485, %convert_element_type3A_477 : vector<16xi32>
          %min3A_487 = vector.broadcast %jit3A_484 : i32 to vector<16xi32>
          %min3A_488 = arith.minsi %min3A_487, %max3A_486 : vector<16xi32>
          %jit3A_489 = arith.constant 0 : i32
          %jit3A_490 = arith.constant 4095 : i32
          %max3A_491 = vector.broadcast %jit3A_489 : i32 to vector<16xi32>
          %max3A_492 = arith.maxsi %max3A_491, %convert_element_type3A_478 : vector<16xi32>
          %min3A_493 = vector.broadcast %jit3A_490 : i32 to vector<16xi32>
          %min3A_494 = arith.minsi %min3A_493, %max3A_492 : vector<16xi32>
          %add3A_495 = arith.constant 1 : i32
          %add3A_496 = vector.broadcast %add3A_495 : i32 to vector<16xi32>
          %add3A_497 = arith.addi %min3A_488, %add3A_496 : vector<16xi32>
          %min3A_498 = arith.constant 4095 : i32
          %min3A_499 = vector.broadcast %min3A_498 : i32 to vector<16xi32>
          %min3A_500 = arith.minsi %add3A_497, %min3A_499 : vector<16xi32>
          %add3A_501 = arith.constant 1 : i32
          %add3A_502 = vector.broadcast %add3A_501 : i32 to vector<16xi32>
          %add3A_503 = arith.addi %min3A_494, %add3A_502 : vector<16xi32>
          %min3A_504 = arith.constant 4095 : i32
          %min3A_505 = vector.broadcast %min3A_504 : i32 to vector<16xi32>
          %min3A_506 = arith.minsi %add3A_503, %min3A_505 : vector<16xi32>
          %shift_left3A_507 = arith.constant 12 : i32
          %shift_left3A_508 = vector.broadcast %shift_left3A_507 : i32 to vector<16xi32>
          %shift_left3A_509 = arith.shli %min3A_494, %shift_left3A_508 : vector<16xi32>
          %shift_left3A_510 = arith.constant 12 : i32
          %shift_left3A_511 = vector.broadcast %shift_left3A_510 : i32 to vector<16xi32>
          %shift_left3A_512 = arith.shli %min3A_506, %shift_left3A_511 : vector<16xi32>
          %add3A_513 = arith.addi %shift_left3A_509, %min3A_488 : vector<16xi32>
          %add3A_514 = arith.addi %shift_left3A_509, %min3A_500 : vector<16xi32>
          %add3A_515 = arith.addi %shift_left3A_512, %min3A_488 : vector<16xi32>
          %add3A_516 = arith.addi %shift_left3A_512, %min3A_500 : vector<16xi32>
          %add3A_517 = arith.constant 0 : i32
          %add3A_518 = vector.broadcast %add3A_517 : i32 to vector<16xi32>
          %add3A_519 = arith.addi %add3A_513, %add3A_518 : vector<16xi32>
          %swap3A_520 = arith.index_cast %mul3A_463 : i32 to index
          %swap3A_521 = tpu.vector_load %arg8[%swap3A_520] {strides = array<i32>} : memref<512xi32, #tpu.memory_space<vmem>>, vector<16xi32>,
          tpu.vector_store %arg8[%swap3A_520], %add3A_519 {strides = array<i32>} : memref<512xi32, #tpu.memory_space<vmem>>, vector<16xi32>,
          %add3A_522 = arith.constant 16777216 : i32
          %add3A_523 = vector.broadcast %add3A_522 : i32 to vector<16xi32>
          %add3A_524 = arith.addi %add3A_513, %add3A_523 : vector<16xi32>
          %swap3A_525 = arith.index_cast %mul3A_463 : i32 to index
          %swap3A_526 = tpu.vector_load %arg9[%swap3A_525] {strides = array<i32>} : memref<512xi32, #tpu.memory_space<vmem>>, vector<16xi32>,
          tpu.vector_store %arg9[%swap3A_525], %add3A_524 {strides = array<i32>} : memref<512xi32, #tpu.memory_space<vmem>>, vector<16xi32>,
          %add3A_527 = arith.constant 33554432 : i32
          %add3A_528 = vector.broadcast %add3A_527 : i32 to vector<16xi32>
          %add3A_529 = arith.addi %add3A_513, %add3A_528 : vector<16xi32>
          %swap3A_530 = arith.index_cast %mul3A_463 : i32 to index
          %swap3A_531 = tpu.vector_load %arg10[%swap3A_530] {strides = array<i32>} : memref<512xi32, #tpu.memory_space<vmem>>, vector<16xi32>,
          tpu.vector_store %arg10[%swap3A_530], %add3A_529 {strides = array<i32>} : memref<512xi32, #tpu.memory_space<vmem>>, vector<16xi32>,
          %add3A_532 = arith.constant 0 : i32
          %add3A_533 = vector.broadcast %add3A_532 : i32 to vector<16xi32>
          %add3A_534 = arith.addi %add3A_514, %add3A_533 : vector<16xi32>
          %swap3A_535 = arith.index_cast %mul3A_463 : i32 to index
          %swap3A_536 = tpu.vector_load %arg11[%swap3A_535] {strides = array<i32>} : memref<512xi32, #tpu.memory_space<vmem>>, vector<16xi32>,
          tpu.vector_store %arg11[%swap3A_535], %add3A_534 {strides = array<i32>} : memref<512xi32, #tpu.memory_space<vmem>>, vector<16xi32>,
          %add3A_537 = arith.constant 16777216 : i32
          %add3A_538 = vector.broadcast %add3A_537 : i32 to vector<16xi32>
          %add3A_539 = arith.addi %add3A_514, %add3A_538 : vector<16xi32>
          %swap3A_540 = arith.index_cast %mul3A_463 : i32 to index
          %swap3A_541 = tpu.vector_load %arg12[%swap3A_540] {strides = array<i32>} : memref<512xi32, #tpu.memory_space<vmem>>, vector<16xi32>,
          tpu.vector_store %arg12[%swap3A_540], %add3A_539 {strides = array<i32>} : memref<512xi32, #tpu.memory_space<vmem>>, vector<16xi32>,
          %add3A_542 = arith.constant 33554432 : i32
          %add3A_543 = vector.broadcast %add3A_542 : i32 to vector<16xi32>
          %add3A_544 = arith.addi %add3A_514, %add3A_543 : vector<16xi32>
          %swap3A_545 = arith.index_cast %mul3A_463 : i32 to index
          %swap3A_546 = tpu.vector_load %arg13[%swap3A_545] {strides = array<i32>} : memref<512xi32, #tpu.memory_space<vmem>>, vector<16xi32>,
          tpu.vector_store %arg13[%swap3A_545], %add3A_544 {strides = array<i32>} : memref<512xi32, #tpu.memory_space<vmem>>, vector<16xi32>,
          %add3A_547 = arith.constant 0 : i32
          %add3A_548 = vector.broadcast %add3A_547 : i32 to vector<16xi32>
          %add3A_549 = arith.addi %add3A_515, %add3A_548 : vector<16xi32>
          %swap3A_550 = arith.index_cast %mul3A_463 : i32 to index
          %swap3A_551 = tpu.vector_load %arg14[%swap3A_550] {strides = array<i32>} : memref<512xi32, #tpu.memory_space<vmem>>, vector<16xi32>,
          tpu.vector_store %arg14[%swap3A_550], %add3A_549 {strides = array<i32>} : memref<512xi32, #tpu.memory_space<vmem>>, vector<16xi32>,
          %add3A_552 = arith.constant 16777216 : i32
          %add3A_553 = vector.broadcast %add3A_552 : i32 to vector<16xi32>
          %add3A_554 = arith.addi %add3A_515, %add3A_553 : vector<16xi32>
          %swap3A_555 = arith.index_cast %mul3A_463 : i32 to index
          %swap3A_556 = tpu.vector_load %arg15[%swap3A_555] {strides = array<i32>} : memref<512xi32, #tpu.memory_space<vmem>>, vector<16xi32>,
          tpu.vector_store %arg15[%swap3A_555], %add3A_554 {strides = array<i32>} : memref<512xi32, #tpu.memory_space<vmem>>, vector<16xi32>,
          %add3A_557 = arith.constant 33554432 : i32
          %add3A_558 = vector.broadcast %add3A_557 : i32 to vector<16xi32>
          %add3A_559 = arith.addi %add3A_515, %add3A_558 : vector<16xi32>
          %swap3A_560 = arith.index_cast %mul3A_463 : i32 to index
          %swap3A_561 = tpu.vector_load %arg16[%swap3A_560] {strides = array<i32>} : memref<512xi32, #tpu.memory_space<vmem>>, vector<16xi32>,
          tpu.vector_store %arg16[%swap3A_560], %add3A_559 {strides = array<i32>} : memref<512xi32, #tpu.memory_space<vmem>>, vector<16xi32>,
          %add3A_562 = arith.constant 0 : i32
          %add3A_563 = vector.broadcast %add3A_562 : i32 to vector<16xi32>
          %add3A_564 = arith.addi %add3A_516, %add3A_563 : vector<16xi32>
          %swap3A_565 = arith.index_cast %mul3A_463 : i32 to index
          %swap3A_566 = tpu.vector_load %arg17[%swap3A_565] {strides = array<i32>} : memref<512xi32, #tpu.memory_space<vmem>>, vector<16xi32>,
          tpu.vector_store %arg17[%swap3A_565], %add3A_564 {strides = array<i32>} : memref<512xi32, #tpu.memory_space<vmem>>, vector<16xi32>,
          %add3A_567 = arith.constant 16777216 : i32
          %add3A_568 = vector.broadcast %add3A_567 : i32 to vector<16xi32>
          %add3A_569 = arith.addi %add3A_516, %add3A_568 : vector<16xi32>
          %swap3A_570 = arith.index_cast %mul3A_463 : i32 to index
          %swap3A_571 = tpu.vector_load %arg18[%swap3A_570] {strides = array<i32>} : memref<512xi32, #tpu.memory_space<vmem>>, vector<16xi32>,
          tpu.vector_store %arg18[%swap3A_570], %add3A_569 {strides = array<i32>} : memref<512xi32, #tpu.memory_space<vmem>>, vector<16xi32>,
          %add3A_572 = arith.constant 33554432 : i32
          %add3A_573 = vector.broadcast %add3A_572 : i32 to vector<16xi32>
          %add3A_574 = arith.addi %add3A_516, %add3A_573 : vector<16xi32>
          %swap3A_575 = arith.index_cast %mul3A_463 : i32 to index
          %swap3A_576 = tpu.vector_load %arg19[%swap3A_575] {strides = array<i32>} : memref<512xi32, #tpu.memory_space<vmem>>, vector<16xi32>,
          tpu.vector_store %arg19[%swap3A_575], %add3A_574 {strides = array<i32>} : memref<512xi32, #tpu.memory_space<vmem>>, vector<16xi32>,
          %sub3A_577 = arith.constant 1.000000e+00 : f32
          %sub3A_578 = vector.broadcast %sub3A_577 : f32 to vector<16xf32>
          %sub3A_579 = arith.subf %sub3A_578, %sub3A_480 : vector<16xf32>
          %sub3A_580 = arith.constant 1.000000e+00 : f32
          %sub3A_581 = vector.broadcast %sub3A_580 : f32 to vector<16xf32>
          %sub3A_582 = arith.subf %sub3A_581, %sub3A_482 : vector<16xf32>
          %mul3A_583 = arith.mulf %sub3A_579, %sub3A_582 : vector<16xf32>
          %swap3A_584 = arith.index_cast %mul3A_463 : i32 to index
          %swap3A_585 = tpu.vector_load %arg20[%swap3A_584] {strides = array<i32>} : memref<512xf32, #tpu.memory_space<vmem>>, vector<16xf32>,
          tpu.vector_store %arg20[%swap3A_584], %mul3A_583 {strides = array<i32>} : memref<512xf32, #tpu.memory_space<vmem>>, vector<16xf32>,
          %mul3A_586 = arith.mulf %sub3A_480, %sub3A_582 : vector<16xf32>
          %swap3A_587 = arith.index_cast %mul3A_463 : i32 to index
          %swap3A_588 = tpu.vector_load %arg21[%swap3A_587] {strides = array<i32>} : memref<512xf32, #tpu.memory_space<vmem>>, vector<16xf32>,
          tpu.vector_store %arg21[%swap3A_587], %mul3A_586 {strides = array<i32>} : memref<512xf32, #tpu.memory_space<vmem>>, vector<16xf32>,
          %mul3A_589 = arith.mulf %sub3A_579, %sub3A_482 : vector<16xf32>
          %swap3A_590 = arith.index_cast %mul3A_463 : i32 to index
          %swap3A_591 = tpu.vector_load %arg22[%swap3A_590] {strides = array<i32>} : memref<512xf32, #tpu.memory_space<vmem>>, vector<16xf32>,
          tpu.vector_store %arg22[%swap3A_590], %mul3A_589 {strides = array<i32>} : memref<512xf32, #tpu.memory_space<vmem>>, vector<16xf32>,
          %mul3A_592 = arith.mulf %sub3A_480, %sub3A_482 : vector<16xf32>
          %swap3A_593 = arith.index_cast %mul3A_463 : i32 to index
          %swap3A_594 = tpu.vector_load %arg23[%swap3A_593] {strides = array<i32>} : memref<512xf32, #tpu.memory_space<vmem>>, vector<16xf32>,
          tpu.vector_store %arg23[%swap3A_593], %mul3A_592 {strides = array<i32>} : memref<512xf32, #tpu.memory_space<vmem>>, vector<16xf32>,
          %scan3A_595 = arith.constant 0 : i32
          scf.yield %scan3A_595 : i32
        }
        %scan3A_306 = arith.constant 32 : i32
        %dma_start3A_307 = arith.constant 0 : i32
        %dma_start3A_308 = tpu.memref_slice %arg4[%dma_start3A_307] : memref<50331648xf32, #tpu.memory_space<hbm>> -> memref<50331648xf32, #tpu.memory_space<hbm>>
        tpu.enqueue_indirect_dma source(%dma_start3A_308 : memref<50331648xf32, #tpu.memory_space<hbm>>) target(%arg24 : memref<512xf32, #tpu.memory_space<vmem>>) offsets(%arg8 : memref<512xi32, #tpu.memory_space<vmem>>) semaphore(%arg101 : memref<!tpu.dma_semaphore, #tpu.memory_space<semaphore_mem>>)
        %dma_start3A_309 = arith.constant 0 : i32
        %dma_start3A_310 = tpu.memref_slice %arg4[%dma_start3A_309] : memref<50331648xf32, #tpu.memory_space<hbm>> -> memref<50331648xf32, #tpu.memory_space<hbm>>
        tpu.enqueue_indirect_dma source(%dma_start3A_310 : memref<50331648xf32, #tpu.memory_space<hbm>>) target(%arg25 : memref<512xf32, #tpu.memory_space<vmem>>) offsets(%arg9 : memref<512xi32, #tpu.memory_space<vmem>>) semaphore(%arg101 : memref<!tpu.dma_semaphore, #tpu.memory_space<semaphore_mem>>)
        %dma_start3A_311 = arith.constant 0 : i32
        %dma_start3A_312 = tpu.memref_slice %arg4[%dma_start3A_311] : memref<50331648xf32, #tpu.memory_space<hbm>> -> memref<50331648xf32, #tpu.memory_space<hbm>>
        tpu.enqueue_indirect_dma source(%dma_start3A_312 : memref<50331648xf32, #tpu.memory_space<hbm>>) target(%arg26 : memref<512xf32, #tpu.memory_space<vmem>>) offsets(%arg10 : memref<512xi32, #tpu.memory_space<vmem>>) semaphore(%arg101 : memref<!tpu.dma_semaphore, #tpu.memory_space<semaphore_mem>>)
        %dma_start3A_313 = arith.constant 0 : i32
        %dma_start3A_314 = tpu.memref_slice %arg4[%dma_start3A_313] : memref<50331648xf32, #tpu.memory_space<hbm>> -> memref<50331648xf32, #tpu.memory_space<hbm>>
        tpu.enqueue_indirect_dma source(%dma_start3A_314 : memref<50331648xf32, #tpu.memory_space<hbm>>) target(%arg27 : memref<512xf32, #tpu.memory_space<vmem>>) offsets(%arg11 : memref<512xi32, #tpu.memory_space<vmem>>) semaphore(%arg101 : memref<!tpu.dma_semaphore, #tpu.memory_space<semaphore_mem>>)
        %dma_start3A_315 = arith.constant 0 : i32
        %dma_start3A_316 = tpu.memref_slice %arg4[%dma_start3A_315] : memref<50331648xf32, #tpu.memory_space<hbm>> -> memref<50331648xf32, #tpu.memory_space<hbm>>
        tpu.enqueue_indirect_dma source(%dma_start3A_316 : memref<50331648xf32, #tpu.memory_space<hbm>>) target(%arg28 : memref<512xf32, #tpu.memory_space<vmem>>) offsets(%arg12 : memref<512xi32, #tpu.memory_space<vmem>>) semaphore(%arg101 : memref<!tpu.dma_semaphore, #tpu.memory_space<semaphore_mem>>)
        %dma_start3A_317 = arith.constant 0 : i32
        %dma_start3A_318 = tpu.memref_slice %arg4[%dma_start3A_317] : memref<50331648xf32, #tpu.memory_space<hbm>> -> memref<50331648xf32, #tpu.memory_space<hbm>>
        tpu.enqueue_indirect_dma source(%dma_start3A_318 : memref<50331648xf32, #tpu.memory_space<hbm>>) target(%arg29 : memref<512xf32, #tpu.memory_space<vmem>>) offsets(%arg13 : memref<512xi32, #tpu.memory_space<vmem>>) semaphore(%arg101 : memref<!tpu.dma_semaphore, #tpu.memory_space<semaphore_mem>>)
        %dma_start3A_319 = arith.constant 0 : i32
        %dma_start3A_320 = tpu.memref_slice %arg4[%dma_start3A_319] : memref<50331648xf32, #tpu.memory_space<hbm>> -> memref<50331648xf32, #tpu.memory_space<hbm>>
        tpu.enqueue_indirect_dma source(%dma_start3A_320 : memref<50331648xf32, #tpu.memory_space<hbm>>) target(%arg30 : memref<512xf32, #tpu.memory_space<vmem>>) offsets(%arg14 : memref<512xi32, #tpu.memory_space<vmem>>) semaphore(%arg101 : memref<!tpu.dma_semaphore, #tpu.memory_space<semaphore_mem>>)
        %dma_start3A_321 = arith.constant 0 : i32
        %dma_start3A_322 = tpu.memref_slice %arg4[%dma_start3A_321] : memref<50331648xf32, #tpu.memory_space<hbm>> -> memref<50331648xf32, #tpu.memory_space<hbm>>
        tpu.enqueue_indirect_dma source(%dma_start3A_322 : memref<50331648xf32, #tpu.memory_space<hbm>>) target(%arg31 : memref<512xf32, #tpu.memory_space<vmem>>) offsets(%arg15 : memref<512xi32, #tpu.memory_space<vmem>>) semaphore(%arg101 : memref<!tpu.dma_semaphore, #tpu.memory_space<semaphore_mem>>)
        %dma_start3A_323 = arith.constant 0 : i32
        %dma_start3A_324 = tpu.memref_slice %arg4[%dma_start3A_323] : memref<50331648xf32, #tpu.memory_space<hbm>> -> memref<50331648xf32, #tpu.memory_space<hbm>>
        tpu.enqueue_indirect_dma source(%dma_start3A_324 : memref<50331648xf32, #tpu.memory_space<hbm>>) target(%arg32 : memref<512xf32, #tpu.memory_space<vmem>>) offsets(%arg16 : memref<512xi32, #tpu.memory_space<vmem>>) semaphore(%arg101 : memref<!tpu.dma_semaphore, #tpu.memory_space<semaphore_mem>>)
        %dma_start3A_325 = arith.constant 0 : i32
        %dma_start3A_326 = tpu.memref_slice %arg4[%dma_start3A_325] : memref<50331648xf32, #tpu.memory_space<hbm>> -> memref<50331648xf32, #tpu.memory_space<hbm>>
        tpu.enqueue_indirect_dma source(%dma_start3A_326 : memref<50331648xf32, #tpu.memory_space<hbm>>) target(%arg33 : memref<512xf32, #tpu.memory_space<vmem>>) offsets(%arg17 : memref<512xi32, #tpu.memory_space<vmem>>) semaphore(%arg101 : memref<!tpu.dma_semaphore, #tpu.memory_space<semaphore_mem>>)
        %dma_start3A_327 = arith.constant 0 : i32
        %dma_start3A_328 = tpu.memref_slice %arg4[%dma_start3A_327] : memref<50331648xf32, #tpu.memory_space<hbm>> -> memref<50331648xf32, #tpu.memory_space<hbm>>
        tpu.enqueue_indirect_dma source(%dma_start3A_328 : memref<50331648xf32, #tpu.memory_space<hbm>>) target(%arg34 : memref<512xf32, #tpu.memory_space<vmem>>) offsets(%arg18 : memref<512xi32, #tpu.memory_space<vmem>>) semaphore(%arg101 : memref<!tpu.dma_semaphore, #tpu.memory_space<semaphore_mem>>)
        %dma_start3A_329 = arith.constant 0 : i32
        %dma_start3A_330 = tpu.memref_slice %arg4[%dma_start3A_329] : memref<50331648xf32, #tpu.memory_space<hbm>> -> memref<50331648xf32, #tpu.memory_space<hbm>>
        tpu.enqueue_indirect_dma source(%dma_start3A_330 : memref<50331648xf32, #tpu.memory_space<hbm>>) target(%arg35 : memref<512xf32, #tpu.memory_space<vmem>>) offsets(%arg19 : memref<512xi32, #tpu.memory_space<vmem>>) semaphore(%arg101 : memref<!tpu.dma_semaphore, #tpu.memory_space<semaphore_mem>>)
      } else {
      }
      %mul3A_233 = arith.constant 3 : i32
      %mul3A_234 = arith.muli %mul3A_233, %scan3A_111 : i32
      %add3A_235 = arith.constant 2 : i32
      %add3A_236 = arith.addi %mul3A_234, %add3A_235 : i32
      %dma_wait3A_237 = arith.constant 0 : i32
      %dma_wait3A_238 = tpu.memref_slice %arg4[%dma_wait3A_237] : memref<50331648xf32, #tpu.memory_space<hbm>> -> memref<50331648xf32, #tpu.memory_space<hbm>>
      tpu.wait_indirect_dma semaphore(%arg103 : memref<!tpu.dma_semaphore, #tpu.memory_space<semaphore_mem>>) src(%dma_wait3A_238 : memref<50331648xf32, #tpu.memory_space<hbm>>) dst(%arg86 : memref<512xf32, #tpu.memory_space<vmem>>)
      %dma_wait3A_239 = arith.constant 0 : i32
      %dma_wait3A_240 = tpu.memref_slice %arg4[%dma_wait3A_239] : memref<50331648xf32, #tpu.memory_space<hbm>> -> memref<50331648xf32, #tpu.memory_space<hbm>>
      tpu.wait_indirect_dma semaphore(%arg103 : memref<!tpu.dma_semaphore, #tpu.memory_space<semaphore_mem>>) src(%dma_wait3A_240 : memref<50331648xf32, #tpu.memory_space<hbm>>) dst(%arg87 : memref<512xf32, #tpu.memory_space<vmem>>)
      %dma_wait3A_241 = arith.constant 0 : i32
      %dma_wait3A_242 = tpu.memref_slice %arg4[%dma_wait3A_241] : memref<50331648xf32, #tpu.memory_space<hbm>> -> memref<50331648xf32, #tpu.memory_space<hbm>>
      tpu.wait_indirect_dma semaphore(%arg103 : memref<!tpu.dma_semaphore, #tpu.memory_space<semaphore_mem>>) src(%dma_wait3A_242 : memref<50331648xf32, #tpu.memory_space<hbm>>) dst(%arg88 : memref<512xf32, #tpu.memory_space<vmem>>)
      %dma_wait3A_243 = arith.constant 0 : i32
      %dma_wait3A_244 = tpu.memref_slice %arg4[%dma_wait3A_243] : memref<50331648xf32, #tpu.memory_space<hbm>> -> memref<50331648xf32, #tpu.memory_space<hbm>>
      tpu.wait_indirect_dma semaphore(%arg103 : memref<!tpu.dma_semaphore, #tpu.memory_space<semaphore_mem>>) src(%dma_wait3A_244 : memref<50331648xf32, #tpu.memory_space<hbm>>) dst(%arg89 : memref<512xf32, #tpu.memory_space<vmem>>)
      %dma_wait3A_245 = arith.constant 0 : i32
      %dma_wait3A_246 = tpu.memref_slice %arg4[%dma_wait3A_245] : memref<50331648xf32, #tpu.memory_space<hbm>> -> memref<50331648xf32, #tpu.memory_space<hbm>>
      tpu.wait_indirect_dma semaphore(%arg103 : memref<!tpu.dma_semaphore, #tpu.memory_space<semaphore_mem>>) src(%dma_wait3A_246 : memref<50331648xf32, #tpu.memory_space<hbm>>) dst(%arg90 : memref<512xf32, #tpu.memory_space<vmem>>)
      %dma_wait3A_247 = arith.constant 0 : i32
      %dma_wait3A_248 = tpu.memref_slice %arg4[%dma_wait3A_247] : memref<50331648xf32, #tpu.memory_space<hbm>> -> memref<50331648xf32, #tpu.memory_space<hbm>>
      tpu.wait_indirect_dma semaphore(%arg103 : memref<!tpu.dma_semaphore, #tpu.memory_space<semaphore_mem>>) src(%dma_wait3A_248 : memref<50331648xf32, #tpu.memory_space<hbm>>) dst(%arg91 : memref<512xf32, #tpu.memory_space<vmem>>)
      %dma_wait3A_249 = arith.constant 0 : i32
      %dma_wait3A_250 = tpu.memref_slice %arg4[%dma_wait3A_249] : memref<50331648xf32, #tpu.memory_space<hbm>> -> memref<50331648xf32, #tpu.memory_space<hbm>>
      tpu.wait_indirect_dma semaphore(%arg103 : memref<!tpu.dma_semaphore, #tpu.memory_space<semaphore_mem>>) src(%dma_wait3A_250 : memref<50331648xf32, #tpu.memory_space<hbm>>) dst(%arg92 : memref<512xf32, #tpu.memory_space<vmem>>)
      %dma_wait3A_251 = arith.constant 0 : i32
      %dma_wait3A_252 = tpu.memref_slice %arg4[%dma_wait3A_251] : memref<50331648xf32, #tpu.memory_space<hbm>> -> memref<50331648xf32, #tpu.memory_space<hbm>>
      tpu.wait_indirect_dma semaphore(%arg103 : memref<!tpu.dma_semaphore, #tpu.memory_space<semaphore_mem>>) src(%dma_wait3A_252 : memref<50331648xf32, #tpu.memory_space<hbm>>) dst(%arg93 : memref<512xf32, #tpu.memory_space<vmem>>)
      %dma_wait3A_253 = arith.constant 0 : i32
      %dma_wait3A_254 = tpu.memref_slice %arg4[%dma_wait3A_253] : memref<50331648xf32, #tpu.memory_space<hbm>> -> memref<50331648xf32, #tpu.memory_space<hbm>>
      tpu.wait_indirect_dma semaphore(%arg103 : memref<!tpu.dma_semaphore, #tpu.memory_space<semaphore_mem>>) src(%dma_wait3A_254 : memref<50331648xf32, #tpu.memory_space<hbm>>) dst(%arg94 : memref<512xf32, #tpu.memory_space<vmem>>)
      %dma_wait3A_255 = arith.constant 0 : i32
      %dma_wait3A_256 = tpu.memref_slice %arg4[%dma_wait3A_255] : memref<50331648xf32, #tpu.memory_space<hbm>> -> memref<50331648xf32, #tpu.memory_space<hbm>>
      tpu.wait_indirect_dma semaphore(%arg103 : memref<!tpu.dma_semaphore, #tpu.memory_space<semaphore_mem>>) src(%dma_wait3A_256 : memref<50331648xf32, #tpu.memory_space<hbm>>) dst(%arg95 : memref<512xf32, #tpu.memory_space<vmem>>)
      %dma_wait3A_257 = arith.constant 0 : i32
      %dma_wait3A_258 = tpu.memref_slice %arg4[%dma_wait3A_257] : memref<50331648xf32, #tpu.memory_space<hbm>> -> memref<50331648xf32, #tpu.memory_space<hbm>>
      tpu.wait_indirect_dma semaphore(%arg103 : memref<!tpu.dma_semaphore, #tpu.memory_space<semaphore_mem>>) src(%dma_wait3A_258 : memref<50331648xf32, #tpu.memory_space<hbm>>) dst(%arg96 : memref<512xf32, #tpu.memory_space<vmem>>)
      %dma_wait3A_259 = arith.constant 0 : i32
      %dma_wait3A_260 = tpu.memref_slice %arg4[%dma_wait3A_259] : memref<50331648xf32, #tpu.memory_space<hbm>> -> memref<50331648xf32, #tpu.memory_space<hbm>>
      tpu.wait_indirect_dma semaphore(%arg103 : memref<!tpu.dma_semaphore, #tpu.memory_space<semaphore_mem>>) src(%dma_wait3A_260 : memref<50331648xf32, #tpu.memory_space<hbm>>) dst(%arg97 : memref<512xf32, #tpu.memory_space<vmem>>)
      %ge3A_261 = arith.constant 3 : i32
      %ge3A_262 = arith.cmpi sge, %add3A_236, %ge3A_261 : i32
      %convert_element_type3A_263 = arith.extui %ge3A_262 : i1 to i32
      %cond3A_264 = arith.constant 0 : i32
      %cond3A_265 = arith.cmpi ne, %convert_element_type3A_263, %cond3A_264 : i32
      scf.if %cond3A_265 {
        %sub3A = arith.constant 3 : i32
        %sub3A_296 = arith.subi %add3A_236, %sub3A : i32
        %mul3A_297 = arith.constant 512 : i32
        %mul3A_298 = arith.muli %sub3A_296, %mul3A_297 : i32
        %add3A_299 = arith.addi %mul3A_2, %mul3A_298 : i32
        %add3A_300 = arith.constant 0 : i32
        %add3A_301 = arith.addi %add3A_300, %add3A_299 : i32
        %dma_wait3A_302 = tpu.memref_slice %arg5[%add3A_301] : memref<3096576xf32, #tpu.memory_space<hbm>> -> memref<512xf32, #tpu.memory_space<hbm>>
        %dma_wait3A_303 = tpu.memref_slice %arg5[%add3A_301] : memref<3096576xf32, #tpu.memory_space<hbm>> -> memref<512xf32, #tpu.memory_space<hbm>>
        tpu.wait_dma2 semaphore(%arg106 : memref<!tpu.dma_semaphore, #tpu.memory_space<semaphore_mem>>) src(%arg98 : memref<512xf32, #tpu.memory_space<vmem>>) dst(%dma_wait3A_303 : memref<512xf32, #tpu.memory_space<hbm>>)
        %add3A_304 = arith.constant 1032192 : i32
        %add3A_305 = arith.addi %add3A_304, %add3A_299 : i32
        %dma_wait3A_306 = tpu.memref_slice %arg5[%add3A_305] : memref<3096576xf32, #tpu.memory_space<hbm>> -> memref<512xf32, #tpu.memory_space<hbm>>
        %dma_wait3A_307 = tpu.memref_slice %arg5[%add3A_305] : memref<3096576xf32, #tpu.memory_space<hbm>> -> memref<512xf32, #tpu.memory_space<hbm>>
        tpu.wait_dma2 semaphore(%arg106 : memref<!tpu.dma_semaphore, #tpu.memory_space<semaphore_mem>>) src(%arg99 : memref<512xf32, #tpu.memory_space<vmem>>) dst(%dma_wait3A_307 : memref<512xf32, #tpu.memory_space<hbm>>)
        %add3A_308 = arith.constant 2064384 : i32
        %add3A_309 = arith.addi %add3A_308, %add3A_299 : i32
        %dma_wait3A_310 = tpu.memref_slice %arg5[%add3A_309] : memref<3096576xf32, #tpu.memory_space<hbm>> -> memref<512xf32, #tpu.memory_space<hbm>>
        %dma_wait3A_311 = tpu.memref_slice %arg5[%add3A_309] : memref<3096576xf32, #tpu.memory_space<hbm>> -> memref<512xf32, #tpu.memory_space<hbm>>
        tpu.wait_dma2 semaphore(%arg106 : memref<!tpu.dma_semaphore, #tpu.memory_space<semaphore_mem>>) src(%arg100 : memref<512xf32, #tpu.memory_space<vmem>>) dst(%dma_wait3A_311 : memref<512xf32, #tpu.memory_space<hbm>>)
      } else {
      }
      %mul3A_266 = arith.constant 512 : i32
      %mul3A_267 = arith.muli %add3A_236, %mul3A_266 : i32
      %add3A_268 = arith.addi %mul3A_2, %mul3A_267 : i32
      %scan3A_269 = arith.constant 0 : i32
      %scan3A_270 = arith.constant 0 : i32
      %scan3A_271 = arith.constant 32 : i32
      %scan3A_272 = arith.addi %scan3A_270, %scan3A_271 : i32
      %scan3A_273 = arith.constant 2 : i32
      %scan3A_274 = scf.for %scan3A_296 = %scan3A_270 to %scan3A_272 step %scan3A_273 iter_args(%scan3A_297 = %scan3A_269) -> (i32)  : i32 {
        %mul3A_298 = arith.constant 16 : i32
        %mul3A_299 = arith.muli %scan3A_296, %mul3A_298 : i32
        %get3A = arith.index_cast %mul3A_299 : i32 to index
        %get3A_300 = tpu.vector_load %arg82[%get3A] {strides = array<i32>} : memref<512xf32, #tpu.memory_space<vmem>>, vector<16xf32>,
        %get3A_301 = arith.index_cast %mul3A_299 : i32 to index
        %get3A_302 = tpu.vector_load %arg83[%get3A_301] {strides = array<i32>} : memref<512xf32, #tpu.memory_space<vmem>>, vector<16xf32>,
        %get3A_303 = arith.index_cast %mul3A_299 : i32 to index
        %get3A_304 = tpu.vector_load %arg84[%get3A_303] {strides = array<i32>} : memref<512xf32, #tpu.memory_space<vmem>>, vector<16xf32>,
        %get3A_305 = arith.index_cast %mul3A_299 : i32 to index
        %get3A_306 = tpu.vector_load %arg85[%get3A_305] {strides = array<i32>} : memref<512xf32, #tpu.memory_space<vmem>>, vector<16xf32>,
        %get3A_307 = arith.index_cast %mul3A_299 : i32 to index
        %get3A_308 = tpu.vector_load %arg86[%get3A_307] {strides = array<i32>} : memref<512xf32, #tpu.memory_space<vmem>>, vector<16xf32>,
        %mul3A_309 = arith.mulf %get3A_308, %get3A_300 : vector<16xf32>
        %get3A_310 = arith.index_cast %mul3A_299 : i32 to index
        %get3A_311 = tpu.vector_load %arg89[%get3A_310] {strides = array<i32>} : memref<512xf32, #tpu.memory_space<vmem>>, vector<16xf32>,
        %mul3A_312 = arith.mulf %get3A_311, %get3A_302 : vector<16xf32>
        %add3A_313 = arith.addf %mul3A_309, %mul3A_312 : vector<16xf32>
        %get3A_314 = arith.index_cast %mul3A_299 : i32 to index
        %get3A_315 = tpu.vector_load %arg92[%get3A_314] {strides = array<i32>} : memref<512xf32, #tpu.memory_space<vmem>>, vector<16xf32>,
        %mul3A_316 = arith.mulf %get3A_315, %get3A_304 : vector<16xf32>
        %add3A_317 = arith.addf %add3A_313, %mul3A_316 : vector<16xf32>
        %get3A_318 = arith.index_cast %mul3A_299 : i32 to index
        %get3A_319 = tpu.vector_load %arg95[%get3A_318] {strides = array<i32>} : memref<512xf32, #tpu.memory_space<vmem>>, vector<16xf32>,
        %mul3A_320 = arith.mulf %get3A_319, %get3A_306 : vector<16xf32>
        %add3A_321 = arith.addf %add3A_317, %mul3A_320 : vector<16xf32>
        %swap3A = arith.index_cast %mul3A_299 : i32 to index
        %swap3A_322 = tpu.vector_load %arg98[%swap3A] {strides = array<i32>} : memref<512xf32, #tpu.memory_space<vmem>>, vector<16xf32>,
        tpu.vector_store %arg98[%swap3A], %add3A_321 {strides = array<i32>} : memref<512xf32, #tpu.memory_space<vmem>>, vector<16xf32>,
        %get3A_323 = arith.index_cast %mul3A_299 : i32 to index
        %get3A_324 = tpu.vector_load %arg87[%get3A_323] {strides = array<i32>} : memref<512xf32, #tpu.memory_space<vmem>>, vector<16xf32>,
        %mul3A_325 = arith.mulf %get3A_324, %get3A_300 : vector<16xf32>
        %get3A_326 = arith.index_cast %mul3A_299 : i32 to index
        %get3A_327 = tpu.vector_load %arg90[%get3A_326] {strides = array<i32>} : memref<512xf32, #tpu.memory_space<vmem>>, vector<16xf32>,
        %mul3A_328 = arith.mulf %get3A_327, %get3A_302 : vector<16xf32>
        %add3A_329 = arith.addf %mul3A_325, %mul3A_328 : vector<16xf32>
        %get3A_330 = arith.index_cast %mul3A_299 : i32 to index
        %get3A_331 = tpu.vector_load %arg93[%get3A_330] {strides = array<i32>} : memref<512xf32, #tpu.memory_space<vmem>>, vector<16xf32>,
        %mul3A_332 = arith.mulf %get3A_331, %get3A_304 : vector<16xf32>
        %add3A_333 = arith.addf %add3A_329, %mul3A_332 : vector<16xf32>
        %get3A_334 = arith.index_cast %mul3A_299 : i32 to index
        %get3A_335 = tpu.vector_load %arg96[%get3A_334] {strides = array<i32>} : memref<512xf32, #tpu.memory_space<vmem>>, vector<16xf32>,
        %mul3A_336 = arith.mulf %get3A_335, %get3A_306 : vector<16xf32>
        %add3A_337 = arith.addf %add3A_333, %mul3A_336 : vector<16xf32>
        %swap3A_338 = arith.index_cast %mul3A_299 : i32 to index
        %swap3A_339 = tpu.vector_load %arg99[%swap3A_338] {strides = array<i32>} : memref<512xf32, #tpu.memory_space<vmem>>, vector<16xf32>,
        tpu.vector_store %arg99[%swap3A_338], %add3A_337 {strides = array<i32>} : memref<512xf32, #tpu.memory_space<vmem>>, vector<16xf32>,
        %get3A_340 = arith.index_cast %mul3A_299 : i32 to index
        %get3A_341 = tpu.vector_load %arg88[%get3A_340] {strides = array<i32>} : memref<512xf32, #tpu.memory_space<vmem>>, vector<16xf32>,
        %mul3A_342 = arith.mulf %get3A_341, %get3A_300 : vector<16xf32>
        %get3A_343 = arith.index_cast %mul3A_299 : i32 to index
        %get3A_344 = tpu.vector_load %arg91[%get3A_343] {strides = array<i32>} : memref<512xf32, #tpu.memory_space<vmem>>, vector<16xf32>,
        %mul3A_345 = arith.mulf %get3A_344, %get3A_302 : vector<16xf32>
        %add3A_346 = arith.addf %mul3A_342, %mul3A_345 : vector<16xf32>
        %get3A_347 = arith.index_cast %mul3A_299 : i32 to index
        %get3A_348 = tpu.vector_load %arg94[%get3A_347] {strides = array<i32>} : memref<512xf32, #tpu.memory_space<vmem>>, vector<16xf32>,
        %mul3A_349 = arith.mulf %get3A_348, %get3A_304 : vector<16xf32>
        %add3A_350 = arith.addf %add3A_346, %mul3A_349 : vector<16xf32>
        %get3A_351 = arith.index_cast %mul3A_299 : i32 to index
        %get3A_352 = tpu.vector_load %arg97[%get3A_351] {strides = array<i32>} : memref<512xf32, #tpu.memory_space<vmem>>, vector<16xf32>,
        %mul3A_353 = arith.mulf %get3A_352, %get3A_306 : vector<16xf32>
        %add3A_354 = arith.addf %add3A_350, %mul3A_353 : vector<16xf32>
        %swap3A_355 = arith.index_cast %mul3A_299 : i32 to index
        %swap3A_356 = tpu.vector_load %arg100[%swap3A_355] {strides = array<i32>} : memref<512xf32, #tpu.memory_space<vmem>>, vector<16xf32>,
        tpu.vector_store %arg100[%swap3A_355], %add3A_354 {strides = array<i32>} : memref<512xf32, #tpu.memory_space<vmem>>, vector<16xf32>,
        %scan3A_357 = arith.constant 0 : i32
        %scan3A_358 = arith.constant 1 : i32
        %scan3A_359 = arith.addi %scan3A_296, %scan3A_358 : i32
        %mul3A_360 = arith.constant 16 : i32
        %mul3A_361 = arith.muli %scan3A_359, %mul3A_360 : i32
        %get3A_362 = arith.index_cast %mul3A_361 : i32 to index
        %get3A_363 = tpu.vector_load %arg82[%get3A_362] {strides = array<i32>} : memref<512xf32, #tpu.memory_space<vmem>>, vector<16xf32>,
        %get3A_364 = arith.index_cast %mul3A_361 : i32 to index
        %get3A_365 = tpu.vector_load %arg83[%get3A_364] {strides = array<i32>} : memref<512xf32, #tpu.memory_space<vmem>>, vector<16xf32>,
        %get3A_366 = arith.index_cast %mul3A_361 : i32 to index
        %get3A_367 = tpu.vector_load %arg84[%get3A_366] {strides = array<i32>} : memref<512xf32, #tpu.memory_space<vmem>>, vector<16xf32>,
        %get3A_368 = arith.index_cast %mul3A_361 : i32 to index
        %get3A_369 = tpu.vector_load %arg85[%get3A_368] {strides = array<i32>} : memref<512xf32, #tpu.memory_space<vmem>>, vector<16xf32>,
        %get3A_370 = arith.index_cast %mul3A_361 : i32 to index
        %get3A_371 = tpu.vector_load %arg86[%get3A_370] {strides = array<i32>} : memref<512xf32, #tpu.memory_space<vmem>>, vector<16xf32>,
        %mul3A_372 = arith.mulf %get3A_371, %get3A_363 : vector<16xf32>
        %get3A_373 = arith.index_cast %mul3A_361 : i32 to index
        %get3A_374 = tpu.vector_load %arg89[%get3A_373] {strides = array<i32>} : memref<512xf32, #tpu.memory_space<vmem>>, vector<16xf32>,
        %mul3A_375 = arith.mulf %get3A_374, %get3A_365 : vector<16xf32>
        %add3A_376 = arith.addf %mul3A_372, %mul3A_375 : vector<16xf32>
        %get3A_377 = arith.index_cast %mul3A_361 : i32 to index
        %get3A_378 = tpu.vector_load %arg92[%get3A_377] {strides = array<i32>} : memref<512xf32, #tpu.memory_space<vmem>>, vector<16xf32>,
        %mul3A_379 = arith.mulf %get3A_378, %get3A_367 : vector<16xf32>
        %add3A_380 = arith.addf %add3A_376, %mul3A_379 : vector<16xf32>
        %get3A_381 = arith.index_cast %mul3A_361 : i32 to index
        %get3A_382 = tpu.vector_load %arg95[%get3A_381] {strides = array<i32>} : memref<512xf32, #tpu.memory_space<vmem>>, vector<16xf32>,
        %mul3A_383 = arith.mulf %get3A_382, %get3A_369 : vector<16xf32>
        %add3A_384 = arith.addf %add3A_380, %mul3A_383 : vector<16xf32>
        %swap3A_385 = arith.index_cast %mul3A_361 : i32 to index
        %swap3A_386 = tpu.vector_load %arg98[%swap3A_385] {strides = array<i32>} : memref<512xf32, #tpu.memory_space<vmem>>, vector<16xf32>,
        tpu.vector_store %arg98[%swap3A_385], %add3A_384 {strides = array<i32>} : memref<512xf32, #tpu.memory_space<vmem>>, vector<16xf32>,
        %get3A_387 = arith.index_cast %mul3A_361 : i32 to index
        %get3A_388 = tpu.vector_load %arg87[%get3A_387] {strides = array<i32>} : memref<512xf32, #tpu.memory_space<vmem>>, vector<16xf32>,
        %mul3A_389 = arith.mulf %get3A_388, %get3A_363 : vector<16xf32>
        %get3A_390 = arith.index_cast %mul3A_361 : i32 to index
        %get3A_391 = tpu.vector_load %arg90[%get3A_390] {strides = array<i32>} : memref<512xf32, #tpu.memory_space<vmem>>, vector<16xf32>,
        %mul3A_392 = arith.mulf %get3A_391, %get3A_365 : vector<16xf32>
        %add3A_393 = arith.addf %mul3A_389, %mul3A_392 : vector<16xf32>
        %get3A_394 = arith.index_cast %mul3A_361 : i32 to index
        %get3A_395 = tpu.vector_load %arg93[%get3A_394] {strides = array<i32>} : memref<512xf32, #tpu.memory_space<vmem>>, vector<16xf32>,
        %mul3A_396 = arith.mulf %get3A_395, %get3A_367 : vector<16xf32>
        %add3A_397 = arith.addf %add3A_393, %mul3A_396 : vector<16xf32>
        %get3A_398 = arith.index_cast %mul3A_361 : i32 to index
        %get3A_399 = tpu.vector_load %arg96[%get3A_398] {strides = array<i32>} : memref<512xf32, #tpu.memory_space<vmem>>, vector<16xf32>,
        %mul3A_400 = arith.mulf %get3A_399, %get3A_369 : vector<16xf32>
        %add3A_401 = arith.addf %add3A_397, %mul3A_400 : vector<16xf32>
        %swap3A_402 = arith.index_cast %mul3A_361 : i32 to index
        %swap3A_403 = tpu.vector_load %arg99[%swap3A_402] {strides = array<i32>} : memref<512xf32, #tpu.memory_space<vmem>>, vector<16xf32>,
        tpu.vector_store %arg99[%swap3A_402], %add3A_401 {strides = array<i32>} : memref<512xf32, #tpu.memory_space<vmem>>, vector<16xf32>,
        %get3A_404 = arith.index_cast %mul3A_361 : i32 to index
        %get3A_405 = tpu.vector_load %arg88[%get3A_404] {strides = array<i32>} : memref<512xf32, #tpu.memory_space<vmem>>, vector<16xf32>,
        %mul3A_406 = arith.mulf %get3A_405, %get3A_363 : vector<16xf32>
        %get3A_407 = arith.index_cast %mul3A_361 : i32 to index
        %get3A_408 = tpu.vector_load %arg91[%get3A_407] {strides = array<i32>} : memref<512xf32, #tpu.memory_space<vmem>>, vector<16xf32>,
        %mul3A_409 = arith.mulf %get3A_408, %get3A_365 : vector<16xf32>
        %add3A_410 = arith.addf %mul3A_406, %mul3A_409 : vector<16xf32>
        %get3A_411 = arith.index_cast %mul3A_361 : i32 to index
        %get3A_412 = tpu.vector_load %arg94[%get3A_411] {strides = array<i32>} : memref<512xf32, #tpu.memory_space<vmem>>, vector<16xf32>,
        %mul3A_413 = arith.mulf %get3A_412, %get3A_367 : vector<16xf32>
        %add3A_414 = arith.addf %add3A_410, %mul3A_413 : vector<16xf32>
        %get3A_415 = arith.index_cast %mul3A_361 : i32 to index
        %get3A_416 = tpu.vector_load %arg97[%get3A_415] {strides = array<i32>} : memref<512xf32, #tpu.memory_space<vmem>>, vector<16xf32>,
        %mul3A_417 = arith.mulf %get3A_416, %get3A_369 : vector<16xf32>
        %add3A_418 = arith.addf %add3A_414, %mul3A_417 : vector<16xf32>
        %swap3A_419 = arith.index_cast %mul3A_361 : i32 to index
        %swap3A_420 = tpu.vector_load %arg100[%swap3A_419] {strides = array<i32>} : memref<512xf32, #tpu.memory_space<vmem>>, vector<16xf32>,
        tpu.vector_store %arg100[%swap3A_419], %add3A_418 {strides = array<i32>} : memref<512xf32, #tpu.memory_space<vmem>>, vector<16xf32>,
        %scan3A_421 = arith.constant 0 : i32
        scf.yield %scan3A_421 : i32
      }
      %scan3A_275 = arith.constant 32 : i32
      %add3A_276 = arith.constant 0 : i32
      %add3A_277 = arith.addi %add3A_276, %add3A_268 : i32
      %dma_start3A_278 = tpu.memref_slice %arg5[%add3A_277] : memref<3096576xf32, #tpu.memory_space<hbm>> -> memref<512xf32, #tpu.memory_space<hbm>>
      %dma_start3A_279 = tpu.memref_slice %arg5[%add3A_277] : memref<3096576xf32, #tpu.memory_space<hbm>> -> memref<512xf32, #tpu.memory_space<hbm>>
      tpu.enqueue_dma source(%arg98 : memref<512xf32, #tpu.memory_space<vmem>>) target(%dma_start3A_279 : memref<512xf32, #tpu.memory_space<hbm>>) target_semaphore(%arg106 : memref<!tpu.dma_semaphore, #tpu.memory_space<semaphore_mem>>)
      %add3A_280 = arith.constant 1032192 : i32
      %add3A_281 = arith.addi %add3A_280, %add3A_268 : i32
      %dma_start3A_282 = tpu.memref_slice %arg5[%add3A_281] : memref<3096576xf32, #tpu.memory_space<hbm>> -> memref<512xf32, #tpu.memory_space<hbm>>
      %dma_start3A_283 = tpu.memref_slice %arg5[%add3A_281] : memref<3096576xf32, #tpu.memory_space<hbm>> -> memref<512xf32, #tpu.memory_space<hbm>>
      tpu.enqueue_dma source(%arg99 : memref<512xf32, #tpu.memory_space<vmem>>) target(%dma_start3A_283 : memref<512xf32, #tpu.memory_space<hbm>>) target_semaphore(%arg106 : memref<!tpu.dma_semaphore, #tpu.memory_space<semaphore_mem>>)
      %add3A_284 = arith.constant 2064384 : i32
      %add3A_285 = arith.addi %add3A_284, %add3A_268 : i32
      %dma_start3A_286 = tpu.memref_slice %arg5[%add3A_285] : memref<3096576xf32, #tpu.memory_space<hbm>> -> memref<512xf32, #tpu.memory_space<hbm>>
      %dma_start3A_287 = tpu.memref_slice %arg5[%add3A_285] : memref<3096576xf32, #tpu.memory_space<hbm>> -> memref<512xf32, #tpu.memory_space<hbm>>
      tpu.enqueue_dma source(%arg100 : memref<512xf32, #tpu.memory_space<vmem>>) target(%dma_start3A_287 : memref<512xf32, #tpu.memory_space<hbm>>) target_semaphore(%arg106 : memref<!tpu.dma_semaphore, #tpu.memory_space<semaphore_mem>>)
      %add3A_288 = arith.constant 2 : i32
      %add3A_289 = arith.addi %add3A_236, %add3A_288 : i32
      %lt3A_290 = arith.constant 63 : i32
      %lt3A_291 = arith.cmpi slt, %add3A_289, %lt3A_290 : i32
      %convert_element_type3A_292 = arith.extui %lt3A_291 : i1 to i32
      %cond3A_293 = arith.constant 0 : i32
      %cond3A_294 = arith.cmpi ne, %convert_element_type3A_292, %cond3A_293 : i32
      scf.if %cond3A_294 {
        %add3A_296 = arith.constant 2 : i32
        %add3A_297 = arith.addi %add3A_236, %add3A_296 : i32
        %mul3A_298 = arith.constant 512 : i32
        %mul3A_299 = arith.muli %add3A_297, %mul3A_298 : i32
        %scan3A_300 = arith.constant 0 : i32
        %scan3A_301 = arith.constant 0 : i32
        %scan3A_302 = arith.constant 32 : i32
        %scan3A_303 = arith.addi %scan3A_301, %scan3A_302 : i32
        %scan3A_304 = arith.constant 2 : i32
        %scan3A_305 = scf.for %scan3A_331 = %scan3A_301 to %scan3A_303 step %scan3A_304 iter_args(%scan3A_332 = %scan3A_300) -> (i32)  : i32 {
          %mul3A_333 = arith.constant 16 : i32
          %mul3A_334 = arith.muli %scan3A_331, %mul3A_333 : i32
          %mul3A_335 = arith.constant 16 : i32
          %mul3A_336 = arith.muli %scan3A_331, %mul3A_335 : i32
          %add3A_337 = arith.addi %mul3A_299, %mul3A_336 : i32
          %get3A = arith.index_cast %add3A_337 : i32 to index
          %get3A_338 = tpu.vector_load %arg6[%get3A] {strides = array<i32>} : memref<32256xf32, #tpu.memory_space<vmem>>, vector<16xf32>,
          %mul3A_339 = arith.constant 4.096000e+03 : f32
          %mul3A_340 = vector.broadcast %mul3A_339 : f32 to vector<16xf32>
          %mul3A_341 = arith.mulf %get3A_338, %mul3A_340 : vector<16xf32>
          %get3A_342 = arith.index_cast %add3A_337 : i32 to index
          %get3A_343 = tpu.vector_load %arg7[%get3A_342] {strides = array<i32>} : memref<32256xf32, #tpu.memory_space<vmem>>, vector<16xf32>,
          %mul3A_344 = arith.constant 4.096000e+03 : f32
          %mul3A_345 = vector.broadcast %mul3A_344 : f32 to vector<16xf32>
          %mul3A_346 = arith.mulf %get3A_343, %mul3A_345 : vector<16xf32>
          %convert_element_type3A_347 = arith.fptosi %mul3A_341 : vector<16xf32> to vector<16xi32>
          %convert_element_type3A_348 = arith.fptosi %mul3A_346 : vector<16xf32> to vector<16xi32>
          %convert_element_type3A_349 = arith.sitofp %convert_element_type3A_347 : vector<16xi32> to vector<16xf32>
          %sub3A = arith.subf %mul3A_341, %convert_element_type3A_349 : vector<16xf32>
          %convert_element_type3A_350 = arith.sitofp %convert_element_type3A_348 : vector<16xi32> to vector<16xf32>
          %sub3A_351 = arith.subf %mul3A_346, %convert_element_type3A_350 : vector<16xf32>
          %jit3A = arith.constant 0 : i32
          %jit3A_352 = arith.constant 4095 : i32
          %max3A = vector.broadcast %jit3A : i32 to vector<16xi32>
          %max3A_353 = arith.maxsi %max3A, %convert_element_type3A_347 : vector<16xi32>
          %min3A = vector.broadcast %jit3A_352 : i32 to vector<16xi32>
          %min3A_354 = arith.minsi %min3A, %max3A_353 : vector<16xi32>
          %jit3A_355 = arith.constant 0 : i32
          %jit3A_356 = arith.constant 4095 : i32
          %max3A_357 = vector.broadcast %jit3A_355 : i32 to vector<16xi32>
          %max3A_358 = arith.maxsi %max3A_357, %convert_element_type3A_348 : vector<16xi32>
          %min3A_359 = vector.broadcast %jit3A_356 : i32 to vector<16xi32>
          %min3A_360 = arith.minsi %min3A_359, %max3A_358 : vector<16xi32>
          %add3A_361 = arith.constant 1 : i32
          %add3A_362 = vector.broadcast %add3A_361 : i32 to vector<16xi32>
          %add3A_363 = arith.addi %min3A_354, %add3A_362 : vector<16xi32>
          %min3A_364 = arith.constant 4095 : i32
          %min3A_365 = vector.broadcast %min3A_364 : i32 to vector<16xi32>
          %min3A_366 = arith.minsi %add3A_363, %min3A_365 : vector<16xi32>
          %add3A_367 = arith.constant 1 : i32
          %add3A_368 = vector.broadcast %add3A_367 : i32 to vector<16xi32>
          %add3A_369 = arith.addi %min3A_360, %add3A_368 : vector<16xi32>
          %min3A_370 = arith.constant 4095 : i32
          %min3A_371 = vector.broadcast %min3A_370 : i32 to vector<16xi32>
          %min3A_372 = arith.minsi %add3A_369, %min3A_371 : vector<16xi32>
          %shift_left3A = arith.constant 12 : i32
          %shift_left3A_373 = vector.broadcast %shift_left3A : i32 to vector<16xi32>
          %shift_left3A_374 = arith.shli %min3A_360, %shift_left3A_373 : vector<16xi32>
          %shift_left3A_375 = arith.constant 12 : i32
          %shift_left3A_376 = vector.broadcast %shift_left3A_375 : i32 to vector<16xi32>
          %shift_left3A_377 = arith.shli %min3A_372, %shift_left3A_376 : vector<16xi32>
          %add3A_378 = arith.addi %shift_left3A_374, %min3A_354 : vector<16xi32>
          %add3A_379 = arith.addi %shift_left3A_374, %min3A_366 : vector<16xi32>
          %add3A_380 = arith.addi %shift_left3A_377, %min3A_354 : vector<16xi32>
          %add3A_381 = arith.addi %shift_left3A_377, %min3A_366 : vector<16xi32>
          %add3A_382 = arith.constant 0 : i32
          %add3A_383 = vector.broadcast %add3A_382 : i32 to vector<16xi32>
          %add3A_384 = arith.addi %add3A_378, %add3A_383 : vector<16xi32>
          %swap3A = arith.index_cast %mul3A_334 : i32 to index
          %swap3A_385 = tpu.vector_load %arg39[%swap3A] {strides = array<i32>} : memref<512xi32, #tpu.memory_space<vmem>>, vector<16xi32>,
          tpu.vector_store %arg39[%swap3A], %add3A_384 {strides = array<i32>} : memref<512xi32, #tpu.memory_space<vmem>>, vector<16xi32>,
          %add3A_386 = arith.constant 16777216 : i32
          %add3A_387 = vector.broadcast %add3A_386 : i32 to vector<16xi32>
          %add3A_388 = arith.addi %add3A_378, %add3A_387 : vector<16xi32>
          %swap3A_389 = arith.index_cast %mul3A_334 : i32 to index
          %swap3A_390 = tpu.vector_load %arg40[%swap3A_389] {strides = array<i32>} : memref<512xi32, #tpu.memory_space<vmem>>, vector<16xi32>,
          tpu.vector_store %arg40[%swap3A_389], %add3A_388 {strides = array<i32>} : memref<512xi32, #tpu.memory_space<vmem>>, vector<16xi32>,
          %add3A_391 = arith.constant 33554432 : i32
          %add3A_392 = vector.broadcast %add3A_391 : i32 to vector<16xi32>
          %add3A_393 = arith.addi %add3A_378, %add3A_392 : vector<16xi32>
          %swap3A_394 = arith.index_cast %mul3A_334 : i32 to index
          %swap3A_395 = tpu.vector_load %arg41[%swap3A_394] {strides = array<i32>} : memref<512xi32, #tpu.memory_space<vmem>>, vector<16xi32>,
          tpu.vector_store %arg41[%swap3A_394], %add3A_393 {strides = array<i32>} : memref<512xi32, #tpu.memory_space<vmem>>, vector<16xi32>,
          %add3A_396 = arith.constant 0 : i32
          %add3A_397 = vector.broadcast %add3A_396 : i32 to vector<16xi32>
          %add3A_398 = arith.addi %add3A_379, %add3A_397 : vector<16xi32>
          %swap3A_399 = arith.index_cast %mul3A_334 : i32 to index
          %swap3A_400 = tpu.vector_load %arg42[%swap3A_399] {strides = array<i32>} : memref<512xi32, #tpu.memory_space<vmem>>, vector<16xi32>,
          tpu.vector_store %arg42[%swap3A_399], %add3A_398 {strides = array<i32>} : memref<512xi32, #tpu.memory_space<vmem>>, vector<16xi32>,
          %add3A_401 = arith.constant 16777216 : i32
          %add3A_402 = vector.broadcast %add3A_401 : i32 to vector<16xi32>
          %add3A_403 = arith.addi %add3A_379, %add3A_402 : vector<16xi32>
          %swap3A_404 = arith.index_cast %mul3A_334 : i32 to index
          %swap3A_405 = tpu.vector_load %arg43[%swap3A_404] {strides = array<i32>} : memref<512xi32, #tpu.memory_space<vmem>>, vector<16xi32>,
          tpu.vector_store %arg43[%swap3A_404], %add3A_403 {strides = array<i32>} : memref<512xi32, #tpu.memory_space<vmem>>, vector<16xi32>,
          %add3A_406 = arith.constant 33554432 : i32
          %add3A_407 = vector.broadcast %add3A_406 : i32 to vector<16xi32>
          %add3A_408 = arith.addi %add3A_379, %add3A_407 : vector<16xi32>
          %swap3A_409 = arith.index_cast %mul3A_334 : i32 to index
          %swap3A_410 = tpu.vector_load %arg44[%swap3A_409] {strides = array<i32>} : memref<512xi32, #tpu.memory_space<vmem>>, vector<16xi32>,
          tpu.vector_store %arg44[%swap3A_409], %add3A_408 {strides = array<i32>} : memref<512xi32, #tpu.memory_space<vmem>>, vector<16xi32>,
          %add3A_411 = arith.constant 0 : i32
          %add3A_412 = vector.broadcast %add3A_411 : i32 to vector<16xi32>
          %add3A_413 = arith.addi %add3A_380, %add3A_412 : vector<16xi32>
          %swap3A_414 = arith.index_cast %mul3A_334 : i32 to index
          %swap3A_415 = tpu.vector_load %arg45[%swap3A_414] {strides = array<i32>} : memref<512xi32, #tpu.memory_space<vmem>>, vector<16xi32>,
          tpu.vector_store %arg45[%swap3A_414], %add3A_413 {strides = array<i32>} : memref<512xi32, #tpu.memory_space<vmem>>, vector<16xi32>,
          %add3A_416 = arith.constant 16777216 : i32
          %add3A_417 = vector.broadcast %add3A_416 : i32 to vector<16xi32>
          %add3A_418 = arith.addi %add3A_380, %add3A_417 : vector<16xi32>
          %swap3A_419 = arith.index_cast %mul3A_334 : i32 to index
          %swap3A_420 = tpu.vector_load %arg46[%swap3A_419] {strides = array<i32>} : memref<512xi32, #tpu.memory_space<vmem>>, vector<16xi32>,
          tpu.vector_store %arg46[%swap3A_419], %add3A_418 {strides = array<i32>} : memref<512xi32, #tpu.memory_space<vmem>>, vector<16xi32>,
          %add3A_421 = arith.constant 33554432 : i32
          %add3A_422 = vector.broadcast %add3A_421 : i32 to vector<16xi32>
          %add3A_423 = arith.addi %add3A_380, %add3A_422 : vector<16xi32>
          %swap3A_424 = arith.index_cast %mul3A_334 : i32 to index
          %swap3A_425 = tpu.vector_load %arg47[%swap3A_424] {strides = array<i32>} : memref<512xi32, #tpu.memory_space<vmem>>, vector<16xi32>,
          tpu.vector_store %arg47[%swap3A_424], %add3A_423 {strides = array<i32>} : memref<512xi32, #tpu.memory_space<vmem>>, vector<16xi32>,
          %add3A_426 = arith.constant 0 : i32
          %add3A_427 = vector.broadcast %add3A_426 : i32 to vector<16xi32>
          %add3A_428 = arith.addi %add3A_381, %add3A_427 : vector<16xi32>
          %swap3A_429 = arith.index_cast %mul3A_334 : i32 to index
          %swap3A_430 = tpu.vector_load %arg48[%swap3A_429] {strides = array<i32>} : memref<512xi32, #tpu.memory_space<vmem>>, vector<16xi32>,
          tpu.vector_store %arg48[%swap3A_429], %add3A_428 {strides = array<i32>} : memref<512xi32, #tpu.memory_space<vmem>>, vector<16xi32>,
          %add3A_431 = arith.constant 16777216 : i32
          %add3A_432 = vector.broadcast %add3A_431 : i32 to vector<16xi32>
          %add3A_433 = arith.addi %add3A_381, %add3A_432 : vector<16xi32>
          %swap3A_434 = arith.index_cast %mul3A_334 : i32 to index
          %swap3A_435 = tpu.vector_load %arg49[%swap3A_434] {strides = array<i32>} : memref<512xi32, #tpu.memory_space<vmem>>, vector<16xi32>,
          tpu.vector_store %arg49[%swap3A_434], %add3A_433 {strides = array<i32>} : memref<512xi32, #tpu.memory_space<vmem>>, vector<16xi32>,
          %add3A_436 = arith.constant 33554432 : i32
          %add3A_437 = vector.broadcast %add3A_436 : i32 to vector<16xi32>
          %add3A_438 = arith.addi %add3A_381, %add3A_437 : vector<16xi32>
          %swap3A_439 = arith.index_cast %mul3A_334 : i32 to index
          %swap3A_440 = tpu.vector_load %arg50[%swap3A_439] {strides = array<i32>} : memref<512xi32, #tpu.memory_space<vmem>>, vector<16xi32>,
          tpu.vector_store %arg50[%swap3A_439], %add3A_438 {strides = array<i32>} : memref<512xi32, #tpu.memory_space<vmem>>, vector<16xi32>,
          %sub3A_441 = arith.constant 1.000000e+00 : f32
          %sub3A_442 = vector.broadcast %sub3A_441 : f32 to vector<16xf32>
          %sub3A_443 = arith.subf %sub3A_442, %sub3A : vector<16xf32>
          %sub3A_444 = arith.constant 1.000000e+00 : f32
          %sub3A_445 = vector.broadcast %sub3A_444 : f32 to vector<16xf32>
          %sub3A_446 = arith.subf %sub3A_445, %sub3A_351 : vector<16xf32>
          %mul3A_447 = arith.mulf %sub3A_443, %sub3A_446 : vector<16xf32>
          %swap3A_448 = arith.index_cast %mul3A_334 : i32 to index
          %swap3A_449 = tpu.vector_load %arg51[%swap3A_448] {strides = array<i32>} : memref<512xf32, #tpu.memory_space<vmem>>, vector<16xf32>,
          tpu.vector_store %arg51[%swap3A_448], %mul3A_447 {strides = array<i32>} : memref<512xf32, #tpu.memory_space<vmem>>, vector<16xf32>,
          %mul3A_450 = arith.mulf %sub3A, %sub3A_446 : vector<16xf32>
          %swap3A_451 = arith.index_cast %mul3A_334 : i32 to index
          %swap3A_452 = tpu.vector_load %arg52[%swap3A_451] {strides = array<i32>} : memref<512xf32, #tpu.memory_space<vmem>>, vector<16xf32>,
          tpu.vector_store %arg52[%swap3A_451], %mul3A_450 {strides = array<i32>} : memref<512xf32, #tpu.memory_space<vmem>>, vector<16xf32>,
          %mul3A_453 = arith.mulf %sub3A_443, %sub3A_351 : vector<16xf32>
          %swap3A_454 = arith.index_cast %mul3A_334 : i32 to index
          %swap3A_455 = tpu.vector_load %arg53[%swap3A_454] {strides = array<i32>} : memref<512xf32, #tpu.memory_space<vmem>>, vector<16xf32>,
          tpu.vector_store %arg53[%swap3A_454], %mul3A_453 {strides = array<i32>} : memref<512xf32, #tpu.memory_space<vmem>>, vector<16xf32>,
          %mul3A_456 = arith.mulf %sub3A, %sub3A_351 : vector<16xf32>
          %swap3A_457 = arith.index_cast %mul3A_334 : i32 to index
          %swap3A_458 = tpu.vector_load %arg54[%swap3A_457] {strides = array<i32>} : memref<512xf32, #tpu.memory_space<vmem>>, vector<16xf32>,
          tpu.vector_store %arg54[%swap3A_457], %mul3A_456 {strides = array<i32>} : memref<512xf32, #tpu.memory_space<vmem>>, vector<16xf32>,
          %scan3A_459 = arith.constant 0 : i32
          %scan3A_460 = arith.constant 1 : i32
          %scan3A_461 = arith.addi %scan3A_331, %scan3A_460 : i32
          %mul3A_462 = arith.constant 16 : i32
          %mul3A_463 = arith.muli %scan3A_461, %mul3A_462 : i32
          %mul3A_464 = arith.constant 16 : i32
          %mul3A_465 = arith.muli %scan3A_461, %mul3A_464 : i32
          %add3A_466 = arith.addi %mul3A_299, %mul3A_465 : i32
          %get3A_467 = arith.index_cast %add3A_466 : i32 to index
          %get3A_468 = tpu.vector_load %arg6[%get3A_467] {strides = array<i32>} : memref<32256xf32, #tpu.memory_space<vmem>>, vector<16xf32>,
          %mul3A_469 = arith.constant 4.096000e+03 : f32
          %mul3A_470 = vector.broadcast %mul3A_469 : f32 to vector<16xf32>
          %mul3A_471 = arith.mulf %get3A_468, %mul3A_470 : vector<16xf32>
          %get3A_472 = arith.index_cast %add3A_466 : i32 to index
          %get3A_473 = tpu.vector_load %arg7[%get3A_472] {strides = array<i32>} : memref<32256xf32, #tpu.memory_space<vmem>>, vector<16xf32>,
          %mul3A_474 = arith.constant 4.096000e+03 : f32
          %mul3A_475 = vector.broadcast %mul3A_474 : f32 to vector<16xf32>
          %mul3A_476 = arith.mulf %get3A_473, %mul3A_475 : vector<16xf32>
          %convert_element_type3A_477 = arith.fptosi %mul3A_471 : vector<16xf32> to vector<16xi32>
          %convert_element_type3A_478 = arith.fptosi %mul3A_476 : vector<16xf32> to vector<16xi32>
          %convert_element_type3A_479 = arith.sitofp %convert_element_type3A_477 : vector<16xi32> to vector<16xf32>
          %sub3A_480 = arith.subf %mul3A_471, %convert_element_type3A_479 : vector<16xf32>
          %convert_element_type3A_481 = arith.sitofp %convert_element_type3A_478 : vector<16xi32> to vector<16xf32>
          %sub3A_482 = arith.subf %mul3A_476, %convert_element_type3A_481 : vector<16xf32>
          %jit3A_483 = arith.constant 0 : i32
          %jit3A_484 = arith.constant 4095 : i32
          %max3A_485 = vector.broadcast %jit3A_483 : i32 to vector<16xi32>
          %max3A_486 = arith.maxsi %max3A_485, %convert_element_type3A_477 : vector<16xi32>
          %min3A_487 = vector.broadcast %jit3A_484 : i32 to vector<16xi32>
          %min3A_488 = arith.minsi %min3A_487, %max3A_486 : vector<16xi32>
          %jit3A_489 = arith.constant 0 : i32
          %jit3A_490 = arith.constant 4095 : i32
          %max3A_491 = vector.broadcast %jit3A_489 : i32 to vector<16xi32>
          %max3A_492 = arith.maxsi %max3A_491, %convert_element_type3A_478 : vector<16xi32>
          %min3A_493 = vector.broadcast %jit3A_490 : i32 to vector<16xi32>
          %min3A_494 = arith.minsi %min3A_493, %max3A_492 : vector<16xi32>
          %add3A_495 = arith.constant 1 : i32
          %add3A_496 = vector.broadcast %add3A_495 : i32 to vector<16xi32>
          %add3A_497 = arith.addi %min3A_488, %add3A_496 : vector<16xi32>
          %min3A_498 = arith.constant 4095 : i32
          %min3A_499 = vector.broadcast %min3A_498 : i32 to vector<16xi32>
          %min3A_500 = arith.minsi %add3A_497, %min3A_499 : vector<16xi32>
          %add3A_501 = arith.constant 1 : i32
          %add3A_502 = vector.broadcast %add3A_501 : i32 to vector<16xi32>
          %add3A_503 = arith.addi %min3A_494, %add3A_502 : vector<16xi32>
          %min3A_504 = arith.constant 4095 : i32
          %min3A_505 = vector.broadcast %min3A_504 : i32 to vector<16xi32>
          %min3A_506 = arith.minsi %add3A_503, %min3A_505 : vector<16xi32>
          %shift_left3A_507 = arith.constant 12 : i32
          %shift_left3A_508 = vector.broadcast %shift_left3A_507 : i32 to vector<16xi32>
          %shift_left3A_509 = arith.shli %min3A_494, %shift_left3A_508 : vector<16xi32>
          %shift_left3A_510 = arith.constant 12 : i32
          %shift_left3A_511 = vector.broadcast %shift_left3A_510 : i32 to vector<16xi32>
          %shift_left3A_512 = arith.shli %min3A_506, %shift_left3A_511 : vector<16xi32>
          %add3A_513 = arith.addi %shift_left3A_509, %min3A_488 : vector<16xi32>
          %add3A_514 = arith.addi %shift_left3A_509, %min3A_500 : vector<16xi32>
          %add3A_515 = arith.addi %shift_left3A_512, %min3A_488 : vector<16xi32>
          %add3A_516 = arith.addi %shift_left3A_512, %min3A_500 : vector<16xi32>
          %add3A_517 = arith.constant 0 : i32
          %add3A_518 = vector.broadcast %add3A_517 : i32 to vector<16xi32>
          %add3A_519 = arith.addi %add3A_513, %add3A_518 : vector<16xi32>
          %swap3A_520 = arith.index_cast %mul3A_463 : i32 to index
          %swap3A_521 = tpu.vector_load %arg39[%swap3A_520] {strides = array<i32>} : memref<512xi32, #tpu.memory_space<vmem>>, vector<16xi32>,
          tpu.vector_store %arg39[%swap3A_520], %add3A_519 {strides = array<i32>} : memref<512xi32, #tpu.memory_space<vmem>>, vector<16xi32>,
          %add3A_522 = arith.constant 16777216 : i32
          %add3A_523 = vector.broadcast %add3A_522 : i32 to vector<16xi32>
          %add3A_524 = arith.addi %add3A_513, %add3A_523 : vector<16xi32>
          %swap3A_525 = arith.index_cast %mul3A_463 : i32 to index
          %swap3A_526 = tpu.vector_load %arg40[%swap3A_525] {strides = array<i32>} : memref<512xi32, #tpu.memory_space<vmem>>, vector<16xi32>,
          tpu.vector_store %arg40[%swap3A_525], %add3A_524 {strides = array<i32>} : memref<512xi32, #tpu.memory_space<vmem>>, vector<16xi32>,
          %add3A_527 = arith.constant 33554432 : i32
          %add3A_528 = vector.broadcast %add3A_527 : i32 to vector<16xi32>
          %add3A_529 = arith.addi %add3A_513, %add3A_528 : vector<16xi32>
          %swap3A_530 = arith.index_cast %mul3A_463 : i32 to index
          %swap3A_531 = tpu.vector_load %arg41[%swap3A_530] {strides = array<i32>} : memref<512xi32, #tpu.memory_space<vmem>>, vector<16xi32>,
          tpu.vector_store %arg41[%swap3A_530], %add3A_529 {strides = array<i32>} : memref<512xi32, #tpu.memory_space<vmem>>, vector<16xi32>,
          %add3A_532 = arith.constant 0 : i32
          %add3A_533 = vector.broadcast %add3A_532 : i32 to vector<16xi32>
          %add3A_534 = arith.addi %add3A_514, %add3A_533 : vector<16xi32>
          %swap3A_535 = arith.index_cast %mul3A_463 : i32 to index
          %swap3A_536 = tpu.vector_load %arg42[%swap3A_535] {strides = array<i32>} : memref<512xi32, #tpu.memory_space<vmem>>, vector<16xi32>,
          tpu.vector_store %arg42[%swap3A_535], %add3A_534 {strides = array<i32>} : memref<512xi32, #tpu.memory_space<vmem>>, vector<16xi32>,
          %add3A_537 = arith.constant 16777216 : i32
          %add3A_538 = vector.broadcast %add3A_537 : i32 to vector<16xi32>
          %add3A_539 = arith.addi %add3A_514, %add3A_538 : vector<16xi32>
          %swap3A_540 = arith.index_cast %mul3A_463 : i32 to index
          %swap3A_541 = tpu.vector_load %arg43[%swap3A_540] {strides = array<i32>} : memref<512xi32, #tpu.memory_space<vmem>>, vector<16xi32>,
          tpu.vector_store %arg43[%swap3A_540], %add3A_539 {strides = array<i32>} : memref<512xi32, #tpu.memory_space<vmem>>, vector<16xi32>,
          %add3A_542 = arith.constant 33554432 : i32
          %add3A_543 = vector.broadcast %add3A_542 : i32 to vector<16xi32>
          %add3A_544 = arith.addi %add3A_514, %add3A_543 : vector<16xi32>
          %swap3A_545 = arith.index_cast %mul3A_463 : i32 to index
          %swap3A_546 = tpu.vector_load %arg44[%swap3A_545] {strides = array<i32>} : memref<512xi32, #tpu.memory_space<vmem>>, vector<16xi32>,
          tpu.vector_store %arg44[%swap3A_545], %add3A_544 {strides = array<i32>} : memref<512xi32, #tpu.memory_space<vmem>>, vector<16xi32>,
          %add3A_547 = arith.constant 0 : i32
          %add3A_548 = vector.broadcast %add3A_547 : i32 to vector<16xi32>
          %add3A_549 = arith.addi %add3A_515, %add3A_548 : vector<16xi32>
          %swap3A_550 = arith.index_cast %mul3A_463 : i32 to index
          %swap3A_551 = tpu.vector_load %arg45[%swap3A_550] {strides = array<i32>} : memref<512xi32, #tpu.memory_space<vmem>>, vector<16xi32>,
          tpu.vector_store %arg45[%swap3A_550], %add3A_549 {strides = array<i32>} : memref<512xi32, #tpu.memory_space<vmem>>, vector<16xi32>,
          %add3A_552 = arith.constant 16777216 : i32
          %add3A_553 = vector.broadcast %add3A_552 : i32 to vector<16xi32>
          %add3A_554 = arith.addi %add3A_515, %add3A_553 : vector<16xi32>
          %swap3A_555 = arith.index_cast %mul3A_463 : i32 to index
          %swap3A_556 = tpu.vector_load %arg46[%swap3A_555] {strides = array<i32>} : memref<512xi32, #tpu.memory_space<vmem>>, vector<16xi32>,
          tpu.vector_store %arg46[%swap3A_555], %add3A_554 {strides = array<i32>} : memref<512xi32, #tpu.memory_space<vmem>>, vector<16xi32>,
          %add3A_557 = arith.constant 33554432 : i32
          %add3A_558 = vector.broadcast %add3A_557 : i32 to vector<16xi32>
          %add3A_559 = arith.addi %add3A_515, %add3A_558 : vector<16xi32>
          %swap3A_560 = arith.index_cast %mul3A_463 : i32 to index
          %swap3A_561 = tpu.vector_load %arg47[%swap3A_560] {strides = array<i32>} : memref<512xi32, #tpu.memory_space<vmem>>, vector<16xi32>,
          tpu.vector_store %arg47[%swap3A_560], %add3A_559 {strides = array<i32>} : memref<512xi32, #tpu.memory_space<vmem>>, vector<16xi32>,
          %add3A_562 = arith.constant 0 : i32
          %add3A_563 = vector.broadcast %add3A_562 : i32 to vector<16xi32>
          %add3A_564 = arith.addi %add3A_516, %add3A_563 : vector<16xi32>
          %swap3A_565 = arith.index_cast %mul3A_463 : i32 to index
          %swap3A_566 = tpu.vector_load %arg48[%swap3A_565] {strides = array<i32>} : memref<512xi32, #tpu.memory_space<vmem>>, vector<16xi32>,
          tpu.vector_store %arg48[%swap3A_565], %add3A_564 {strides = array<i32>} : memref<512xi32, #tpu.memory_space<vmem>>, vector<16xi32>,
          %add3A_567 = arith.constant 16777216 : i32
          %add3A_568 = vector.broadcast %add3A_567 : i32 to vector<16xi32>
          %add3A_569 = arith.addi %add3A_516, %add3A_568 : vector<16xi32>
          %swap3A_570 = arith.index_cast %mul3A_463 : i32 to index
          %swap3A_571 = tpu.vector_load %arg49[%swap3A_570] {strides = array<i32>} : memref<512xi32, #tpu.memory_space<vmem>>, vector<16xi32>,
          tpu.vector_store %arg49[%swap3A_570], %add3A_569 {strides = array<i32>} : memref<512xi32, #tpu.memory_space<vmem>>, vector<16xi32>,
          %add3A_572 = arith.constant 33554432 : i32
          %add3A_573 = vector.broadcast %add3A_572 : i32 to vector<16xi32>
          %add3A_574 = arith.addi %add3A_516, %add3A_573 : vector<16xi32>
          %swap3A_575 = arith.index_cast %mul3A_463 : i32 to index
          %swap3A_576 = tpu.vector_load %arg50[%swap3A_575] {strides = array<i32>} : memref<512xi32, #tpu.memory_space<vmem>>, vector<16xi32>,
          tpu.vector_store %arg50[%swap3A_575], %add3A_574 {strides = array<i32>} : memref<512xi32, #tpu.memory_space<vmem>>, vector<16xi32>,
          %sub3A_577 = arith.constant 1.000000e+00 : f32
          %sub3A_578 = vector.broadcast %sub3A_577 : f32 to vector<16xf32>
          %sub3A_579 = arith.subf %sub3A_578, %sub3A_480 : vector<16xf32>
          %sub3A_580 = arith.constant 1.000000e+00 : f32
          %sub3A_581 = vector.broadcast %sub3A_580 : f32 to vector<16xf32>
          %sub3A_582 = arith.subf %sub3A_581, %sub3A_482 : vector<16xf32>
          %mul3A_583 = arith.mulf %sub3A_579, %sub3A_582 : vector<16xf32>
          %swap3A_584 = arith.index_cast %mul3A_463 : i32 to index
          %swap3A_585 = tpu.vector_load %arg51[%swap3A_584] {strides = array<i32>} : memref<512xf32, #tpu.memory_space<vmem>>, vector<16xf32>,
          tpu.vector_store %arg51[%swap3A_584], %mul3A_583 {strides = array<i32>} : memref<512xf32, #tpu.memory_space<vmem>>, vector<16xf32>,
          %mul3A_586 = arith.mulf %sub3A_480, %sub3A_582 : vector<16xf32>
          %swap3A_587 = arith.index_cast %mul3A_463 : i32 to index
          %swap3A_588 = tpu.vector_load %arg52[%swap3A_587] {strides = array<i32>} : memref<512xf32, #tpu.memory_space<vmem>>, vector<16xf32>,
          tpu.vector_store %arg52[%swap3A_587], %mul3A_586 {strides = array<i32>} : memref<512xf32, #tpu.memory_space<vmem>>, vector<16xf32>,
          %mul3A_589 = arith.mulf %sub3A_579, %sub3A_482 : vector<16xf32>
          %swap3A_590 = arith.index_cast %mul3A_463 : i32 to index
          %swap3A_591 = tpu.vector_load %arg53[%swap3A_590] {strides = array<i32>} : memref<512xf32, #tpu.memory_space<vmem>>, vector<16xf32>,
          tpu.vector_store %arg53[%swap3A_590], %mul3A_589 {strides = array<i32>} : memref<512xf32, #tpu.memory_space<vmem>>, vector<16xf32>,
          %mul3A_592 = arith.mulf %sub3A_480, %sub3A_482 : vector<16xf32>
          %swap3A_593 = arith.index_cast %mul3A_463 : i32 to index
          %swap3A_594 = tpu.vector_load %arg54[%swap3A_593] {strides = array<i32>} : memref<512xf32, #tpu.memory_space<vmem>>, vector<16xf32>,
          tpu.vector_store %arg54[%swap3A_593], %mul3A_592 {strides = array<i32>} : memref<512xf32, #tpu.memory_space<vmem>>, vector<16xf32>,
          %scan3A_595 = arith.constant 0 : i32
          scf.yield %scan3A_595 : i32
        }
        %scan3A_306 = arith.constant 32 : i32
        %dma_start3A_307 = arith.constant 0 : i32
        %dma_start3A_308 = tpu.memref_slice %arg4[%dma_start3A_307] : memref<50331648xf32, #tpu.memory_space<hbm>> -> memref<50331648xf32, #tpu.memory_space<hbm>>
        tpu.enqueue_indirect_dma source(%dma_start3A_308 : memref<50331648xf32, #tpu.memory_space<hbm>>) target(%arg55 : memref<512xf32, #tpu.memory_space<vmem>>) offsets(%arg39 : memref<512xi32, #tpu.memory_space<vmem>>) semaphore(%arg102 : memref<!tpu.dma_semaphore, #tpu.memory_space<semaphore_mem>>)
        %dma_start3A_309 = arith.constant 0 : i32
        %dma_start3A_310 = tpu.memref_slice %arg4[%dma_start3A_309] : memref<50331648xf32, #tpu.memory_space<hbm>> -> memref<50331648xf32, #tpu.memory_space<hbm>>
        tpu.enqueue_indirect_dma source(%dma_start3A_310 : memref<50331648xf32, #tpu.memory_space<hbm>>) target(%arg56 : memref<512xf32, #tpu.memory_space<vmem>>) offsets(%arg40 : memref<512xi32, #tpu.memory_space<vmem>>) semaphore(%arg102 : memref<!tpu.dma_semaphore, #tpu.memory_space<semaphore_mem>>)
        %dma_start3A_311 = arith.constant 0 : i32
        %dma_start3A_312 = tpu.memref_slice %arg4[%dma_start3A_311] : memref<50331648xf32, #tpu.memory_space<hbm>> -> memref<50331648xf32, #tpu.memory_space<hbm>>
        tpu.enqueue_indirect_dma source(%dma_start3A_312 : memref<50331648xf32, #tpu.memory_space<hbm>>) target(%arg57 : memref<512xf32, #tpu.memory_space<vmem>>) offsets(%arg41 : memref<512xi32, #tpu.memory_space<vmem>>) semaphore(%arg102 : memref<!tpu.dma_semaphore, #tpu.memory_space<semaphore_mem>>)
        %dma_start3A_313 = arith.constant 0 : i32
        %dma_start3A_314 = tpu.memref_slice %arg4[%dma_start3A_313] : memref<50331648xf32, #tpu.memory_space<hbm>> -> memref<50331648xf32, #tpu.memory_space<hbm>>
        tpu.enqueue_indirect_dma source(%dma_start3A_314 : memref<50331648xf32, #tpu.memory_space<hbm>>) target(%arg58 : memref<512xf32, #tpu.memory_space<vmem>>) offsets(%arg42 : memref<512xi32, #tpu.memory_space<vmem>>) semaphore(%arg102 : memref<!tpu.dma_semaphore, #tpu.memory_space<semaphore_mem>>)
        %dma_start3A_315 = arith.constant 0 : i32
        %dma_start3A_316 = tpu.memref_slice %arg4[%dma_start3A_315] : memref<50331648xf32, #tpu.memory_space<hbm>> -> memref<50331648xf32, #tpu.memory_space<hbm>>
        tpu.enqueue_indirect_dma source(%dma_start3A_316 : memref<50331648xf32, #tpu.memory_space<hbm>>) target(%arg59 : memref<512xf32, #tpu.memory_space<vmem>>) offsets(%arg43 : memref<512xi32, #tpu.memory_space<vmem>>) semaphore(%arg102 : memref<!tpu.dma_semaphore, #tpu.memory_space<semaphore_mem>>)
        %dma_start3A_317 = arith.constant 0 : i32
        %dma_start3A_318 = tpu.memref_slice %arg4[%dma_start3A_317] : memref<50331648xf32, #tpu.memory_space<hbm>> -> memref<50331648xf32, #tpu.memory_space<hbm>>
        tpu.enqueue_indirect_dma source(%dma_start3A_318 : memref<50331648xf32, #tpu.memory_space<hbm>>) target(%arg60 : memref<512xf32, #tpu.memory_space<vmem>>) offsets(%arg44 : memref<512xi32, #tpu.memory_space<vmem>>) semaphore(%arg102 : memref<!tpu.dma_semaphore, #tpu.memory_space<semaphore_mem>>)
        %dma_start3A_319 = arith.constant 0 : i32
        %dma_start3A_320 = tpu.memref_slice %arg4[%dma_start3A_319] : memref<50331648xf32, #tpu.memory_space<hbm>> -> memref<50331648xf32, #tpu.memory_space<hbm>>
        tpu.enqueue_indirect_dma source(%dma_start3A_320 : memref<50331648xf32, #tpu.memory_space<hbm>>) target(%arg61 : memref<512xf32, #tpu.memory_space<vmem>>) offsets(%arg45 : memref<512xi32, #tpu.memory_space<vmem>>) semaphore(%arg102 : memref<!tpu.dma_semaphore, #tpu.memory_space<semaphore_mem>>)
        %dma_start3A_321 = arith.constant 0 : i32
        %dma_start3A_322 = tpu.memref_slice %arg4[%dma_start3A_321] : memref<50331648xf32, #tpu.memory_space<hbm>> -> memref<50331648xf32, #tpu.memory_space<hbm>>
        tpu.enqueue_indirect_dma source(%dma_start3A_322 : memref<50331648xf32, #tpu.memory_space<hbm>>) target(%arg62 : memref<512xf32, #tpu.memory_space<vmem>>) offsets(%arg46 : memref<512xi32, #tpu.memory_space<vmem>>) semaphore(%arg102 : memref<!tpu.dma_semaphore, #tpu.memory_space<semaphore_mem>>)
        %dma_start3A_323 = arith.constant 0 : i32
        %dma_start3A_324 = tpu.memref_slice %arg4[%dma_start3A_323] : memref<50331648xf32, #tpu.memory_space<hbm>> -> memref<50331648xf32, #tpu.memory_space<hbm>>
        tpu.enqueue_indirect_dma source(%dma_start3A_324 : memref<50331648xf32, #tpu.memory_space<hbm>>) target(%arg63 : memref<512xf32, #tpu.memory_space<vmem>>) offsets(%arg47 : memref<512xi32, #tpu.memory_space<vmem>>) semaphore(%arg102 : memref<!tpu.dma_semaphore, #tpu.memory_space<semaphore_mem>>)
        %dma_start3A_325 = arith.constant 0 : i32
        %dma_start3A_326 = tpu.memref_slice %arg4[%dma_start3A_325] : memref<50331648xf32, #tpu.memory_space<hbm>> -> memref<50331648xf32, #tpu.memory_space<hbm>>
        tpu.enqueue_indirect_dma source(%dma_start3A_326 : memref<50331648xf32, #tpu.memory_space<hbm>>) target(%arg64 : memref<512xf32, #tpu.memory_space<vmem>>) offsets(%arg48 : memref<512xi32, #tpu.memory_space<vmem>>) semaphore(%arg102 : memref<!tpu.dma_semaphore, #tpu.memory_space<semaphore_mem>>)
        %dma_start3A_327 = arith.constant 0 : i32
        %dma_start3A_328 = tpu.memref_slice %arg4[%dma_start3A_327] : memref<50331648xf32, #tpu.memory_space<hbm>> -> memref<50331648xf32, #tpu.memory_space<hbm>>
        tpu.enqueue_indirect_dma source(%dma_start3A_328 : memref<50331648xf32, #tpu.memory_space<hbm>>) target(%arg65 : memref<512xf32, #tpu.memory_space<vmem>>) offsets(%arg49 : memref<512xi32, #tpu.memory_space<vmem>>) semaphore(%arg102 : memref<!tpu.dma_semaphore, #tpu.memory_space<semaphore_mem>>)
        %dma_start3A_329 = arith.constant 0 : i32
        %dma_start3A_330 = tpu.memref_slice %arg4[%dma_start3A_329] : memref<50331648xf32, #tpu.memory_space<hbm>> -> memref<50331648xf32, #tpu.memory_space<hbm>>
        tpu.enqueue_indirect_dma source(%dma_start3A_330 : memref<50331648xf32, #tpu.memory_space<hbm>>) target(%arg66 : memref<512xf32, #tpu.memory_space<vmem>>) offsets(%arg50 : memref<512xi32, #tpu.memory_space<vmem>>) semaphore(%arg102 : memref<!tpu.dma_semaphore, #tpu.memory_space<semaphore_mem>>)
      } else {
      }
      %scan3A_295 = arith.constant 0 : i32
      scf.yield %scan3A_295 : i32
    }
    %scan3A_69 = arith.constant 21 : i32
    %add3A_70 = arith.constant 30720 : i32
    %add3A_71 = arith.addi %mul3A_2, %add3A_70 : i32
    %add3A_72 = arith.constant 0 : i32
    %add3A_73 = arith.addi %add3A_72, %add3A_71 : i32
    %dma_wait3A = tpu.memref_slice %arg5[%add3A_73] : memref<3096576xf32, #tpu.memory_space<hbm>> -> memref<512xf32, #tpu.memory_space<hbm>>
    %dma_wait3A_74 = tpu.memref_slice %arg5[%add3A_73] : memref<3096576xf32, #tpu.memory_space<hbm>> -> memref<512xf32, #tpu.memory_space<hbm>>
    tpu.wait_dma2 semaphore(%arg104 : memref<!tpu.dma_semaphore, #tpu.memory_space<semaphore_mem>>) src(%arg36 : memref<512xf32, #tpu.memory_space<vmem>>) dst(%dma_wait3A_74 : memref<512xf32, #tpu.memory_space<hbm>>)
    %add3A_75 = arith.constant 1032192 : i32
    %add3A_76 = arith.addi %add3A_75, %add3A_71 : i32
    %dma_wait3A_77 = tpu.memref_slice %arg5[%add3A_76] : memref<3096576xf32, #tpu.memory_space<hbm>> -> memref<512xf32, #tpu.memory_space<hbm>>
    %dma_wait3A_78 = tpu.memref_slice %arg5[%add3A_76] : memref<3096576xf32, #tpu.memory_space<hbm>> -> memref<512xf32, #tpu.memory_space<hbm>>
    tpu.wait_dma2 semaphore(%arg104 : memref<!tpu.dma_semaphore, #tpu.memory_space<semaphore_mem>>) src(%arg37 : memref<512xf32, #tpu.memory_space<vmem>>) dst(%dma_wait3A_78 : memref<512xf32, #tpu.memory_space<hbm>>)
    %add3A_79 = arith.constant 2064384 : i32
    %add3A_80 = arith.addi %add3A_79, %add3A_71 : i32
    %dma_wait3A_81 = tpu.memref_slice %arg5[%add3A_80] : memref<3096576xf32, #tpu.memory_space<hbm>> -> memref<512xf32, #tpu.memory_space<hbm>>
    %dma_wait3A_82 = tpu.memref_slice %arg5[%add3A_80] : memref<3096576xf32, #tpu.memory_space<hbm>> -> memref<512xf32, #tpu.memory_space<hbm>>
    tpu.wait_dma2 semaphore(%arg104 : memref<!tpu.dma_semaphore, #tpu.memory_space<semaphore_mem>>) src(%arg38 : memref<512xf32, #tpu.memory_space<vmem>>) dst(%dma_wait3A_82 : memref<512xf32, #tpu.memory_space<hbm>>)
    %add3A_83 = arith.constant 31232 : i32
    %add3A_84 = arith.addi %mul3A_2, %add3A_83 : i32
    %add3A_85 = arith.constant 0 : i32
    %add3A_86 = arith.addi %add3A_85, %add3A_84 : i32
    %dma_wait3A_87 = tpu.memref_slice %arg5[%add3A_86] : memref<3096576xf32, #tpu.memory_space<hbm>> -> memref<512xf32, #tpu.memory_space<hbm>>
    %dma_wait3A_88 = tpu.memref_slice %arg5[%add3A_86] : memref<3096576xf32, #tpu.memory_space<hbm>> -> memref<512xf32, #tpu.memory_space<hbm>>
    tpu.wait_dma2 semaphore(%arg105 : memref<!tpu.dma_semaphore, #tpu.memory_space<semaphore_mem>>) src(%arg67 : memref<512xf32, #tpu.memory_space<vmem>>) dst(%dma_wait3A_88 : memref<512xf32, #tpu.memory_space<hbm>>)
    %add3A_89 = arith.constant 1032192 : i32
    %add3A_90 = arith.addi %add3A_89, %add3A_84 : i32
    %dma_wait3A_91 = tpu.memref_slice %arg5[%add3A_90] : memref<3096576xf32, #tpu.memory_space<hbm>> -> memref<512xf32, #tpu.memory_space<hbm>>
    %dma_wait3A_92 = tpu.memref_slice %arg5[%add3A_90] : memref<3096576xf32, #tpu.memory_space<hbm>> -> memref<512xf32, #tpu.memory_space<hbm>>
    tpu.wait_dma2 semaphore(%arg105 : memref<!tpu.dma_semaphore, #tpu.memory_space<semaphore_mem>>) src(%arg68 : memref<512xf32, #tpu.memory_space<vmem>>) dst(%dma_wait3A_92 : memref<512xf32, #tpu.memory_space<hbm>>)
    %add3A_93 = arith.constant 2064384 : i32
    %add3A_94 = arith.addi %add3A_93, %add3A_84 : i32
    %dma_wait3A_95 = tpu.memref_slice %arg5[%add3A_94] : memref<3096576xf32, #tpu.memory_space<hbm>> -> memref<512xf32, #tpu.memory_space<hbm>>
    %dma_wait3A_96 = tpu.memref_slice %arg5[%add3A_94] : memref<3096576xf32, #tpu.memory_space<hbm>> -> memref<512xf32, #tpu.memory_space<hbm>>
    tpu.wait_dma2 semaphore(%arg105 : memref<!tpu.dma_semaphore, #tpu.memory_space<semaphore_mem>>) src(%arg69 : memref<512xf32, #tpu.memory_space<vmem>>) dst(%dma_wait3A_96 : memref<512xf32, #tpu.memory_space<hbm>>)
    %add3A_97 = arith.constant 31744 : i32
    %add3A_98 = arith.addi %mul3A_2, %add3A_97 : i32
    %add3A_99 = arith.constant 0 : i32
    %add3A_100 = arith.addi %add3A_99, %add3A_98 : i32
    %dma_wait3A_101 = tpu.memref_slice %arg5[%add3A_100] : memref<3096576xf32, #tpu.memory_space<hbm>> -> memref<512xf32, #tpu.memory_space<hbm>>
    %dma_wait3A_102 = tpu.memref_slice %arg5[%add3A_100] : memref<3096576xf32, #tpu.memory_space<hbm>> -> memref<512xf32, #tpu.memory_space<hbm>>
    tpu.wait_dma2 semaphore(%arg106 : memref<!tpu.dma_semaphore, #tpu.memory_space<semaphore_mem>>) src(%arg98 : memref<512xf32, #tpu.memory_space<vmem>>) dst(%dma_wait3A_102 : memref<512xf32, #tpu.memory_space<hbm>>)
    %add3A_103 = arith.constant 1032192 : i32
    %add3A_104 = arith.addi %add3A_103, %add3A_98 : i32
    %dma_wait3A_105 = tpu.memref_slice %arg5[%add3A_104] : memref<3096576xf32, #tpu.memory_space<hbm>> -> memref<512xf32, #tpu.memory_space<hbm>>
    %dma_wait3A_106 = tpu.memref_slice %arg5[%add3A_104] : memref<3096576xf32, #tpu.memory_space<hbm>> -> memref<512xf32, #tpu.memory_space<hbm>>
    tpu.wait_dma2 semaphore(%arg106 : memref<!tpu.dma_semaphore, #tpu.memory_space<semaphore_mem>>) src(%arg99 : memref<512xf32, #tpu.memory_space<vmem>>) dst(%dma_wait3A_106 : memref<512xf32, #tpu.memory_space<hbm>>)
    %add3A_107 = arith.constant 2064384 : i32
    %add3A_108 = arith.addi %add3A_107, %add3A_98 : i32
    %dma_wait3A_109 = tpu.memref_slice %arg5[%add3A_108] : memref<3096576xf32, #tpu.memory_space<hbm>> -> memref<512xf32, #tpu.memory_space<hbm>>
    %dma_wait3A_110 = tpu.memref_slice %arg5[%add3A_108] : memref<3096576xf32, #tpu.memory_space<hbm>> -> memref<512xf32, #tpu.memory_space<hbm>>
    tpu.wait_dma2 semaphore(%arg106 : memref<!tpu.dma_semaphore, #tpu.memory_space<semaphore_mem>>) src(%arg100 : memref<512xf32, #tpu.memory_space<vmem>>) dst(%dma_wait3A_110 : memref<512xf32, #tpu.memory_space<hbm>>)
    return
  }
}

</mosaic_0001>

<sc_bundles>
// kernel: kernel.3.cloned.1.call-start
scs
__scs_entry_jumppad:
0x0: {  	(pc) =	sbr.rel $0x88, $3  }
0x1: {  	(tag) =	ssettag $0x0;
	lr =	simm.s32 $0x1  }
0x2: {  	[smem:$0x3F9F] =	sst lr;
	_ =	strace $0xD0000000  }
0x3: {  	_ = 	snop  }
0x4: {  	_ = 	snop  }
0x5: {  	_ = 	snop  }
0x6: {  	_ = 	snop  }
0x7: {  	_ = 	snop  }
__scs_overlays_trampoline_lowered:
0x8: {  	[smem:$0x3FAE] =	sst s0  }
0x9: {  	[smem:$0x3FAF] =	sst s1  }
0xa: {  	[smem:$0x3FB0] =	sst s2  }
0xb: {  	[smem:$0x3FB1] =	sst s3  }
0xc: {  	[smem:$0x3FB2] =	sst s4  }
0xd: {  	[smem:$0x3FB3] =	sst s5  }
0xe: {  	[smem:$0x3FB4] =	sst s6  }
0xf: {  	[smem:$0x3FB5] =	sst s7  }
0x10: {  	[smem:$0x3FB6] =	sst s8  }
0x11: {  	[smem:$0x3FB7] =	sst s9;
	s0 =	simm.s32 @!p0 $0x0  }
0x12: {  	s1 =	sld [smem:$0x3F9D];
	s0 =	simm.s32 @p0 $0x1  }
0x13: {  	[smem:$0x3FB8] =	sst s0;
	s0 =	simm.s32 @!p1 $0x0  }
0x14: {  	s2 =	sld [smem:$0x3F9C];
	s0 =	simm.s32 @p1 $0x1  }
0x15: {  	[smem:$0x3FB9] =	sst s0;
	s0 =	simm.s32 @!p2 $0x0  }
0x16: {  	s3 =	sld [smem:$0x3FDB];
	s0 =	simm.s32 @p2 $0x1  }
0x17: {  	s4 =	simm.s32 $0x1BF5;
	[smem:$0x3FBB] =	sst s0  }
0x18: {  	s0 =	sld [smem:$0x3F9E];
	_ =	swait.ge [sflag:s4], $0x0  }
0x19: {  	s7 =	sld [smem:$0x3F9F]  }
0x1a: {  	s8 =	sadd.s32 $0xFFFFE003, lr  }
0x1b: {  	s9 =	sadd.s32 $0xFFFFFEF7, lr;
	s5 =	simm.s32 $0xFFFFFFFF;
	p2 =	slt.u32 s8, $0xFFFFF086  }
0x1c: {  	p1 =	slt.u32 s9, $0xF7A;
	s5 =	simm.s32 @!p2 $0x0  }
0x1d: {  	s5 =	simm.s32 @p1 $0x1;
	p0 =	seq.s32 s7, s2  }
0x1e: {  	s7 =	smul.u32 @!p0 $0xF7A, s2;
	p2 =	seq.s32 @!p0 s5, $0x0  }
0x1f: {  	s9 =	smul.u32 $0xF7A, s1;
	s8 =	simm.s32 @!p0 $0x1BF5;
	p2 =	por !p2, p0  }
0x20: {  	[sflag:s8] =	ssyncset.s32 @!p0 $0xFFFFF086;
	s6 =	sadd.s32 @!p0 s3, s7;
	s7 =	simm.s32 @!p0 $0x108  }
0x21: {  	s3 =	sadd.s32 s3, s9;
	s6 =	sadd.s32 @!p0 $0x88, s6;
	s7 =	simm.s32 @p2 $0x1082  }
0x22: {  	[simem:s7], [sflag:s8] =	dma.local @!p0 [hbm:s6], $0xF7A  }
0x23: {  	s9 =	sor.u32 $0xD0000000, s2;
	s6 =	simm.s32 $0x108;
	_ =	swait.ge @!p0 [sflag:s8], $0x0  }
0x24: {  	s3 =	sadd.s32 $0x88, s3;
	s6 =	simm.s32 @!p1 $0x1082;
	[sflag:s4] =	ssyncset.s32 $0xFFFFF086  }
0x25: {  	[simem:s6], [sflag:s4] =	dma.local [hbm:s3], $0xF7A  }
0x26: {  	[smem:$0x3F9F] =	sst s1;
	(tag) =	ssettag s2;
	_ =	strace s9  }
0x27: {  	s1 =	sld [smem:$0x3FAF]  }
0x28: {  	s2 =	sld [smem:$0x3FB0]  }
0x29: {  	s4 =	sld [smem:$0x3FB2]  }
0x2a: {  	p0 =	seq.s32 s5, $0x0;
	s5 =	sld [smem:$0x3FB3]  }
0x2b: {  	s6 =	sld [smem:$0x3FB4]  }
0x2c: {  	s7 =	sld [smem:$0x3FB5]  }
0x2d: {  	s3 =	simm.s32 $0x108;
	s8 =	sld [smem:$0x3FB6]  }
0x2e: {  	s3 =	simm.s32 @!p0 $0x1082;
	s9 =	sld [smem:$0x3FB7]  }
0x2f: {  	lr =	sadd.s32 s0, s3;
	s0 =	sld [smem:$0x3FAE]  }
0x30: {  	s3 =	sld [smem:$0x3FB1]  }
0x31: {  	[smem:$0x3FBA] =	sst s10  }
0x32: {  	s10 =	sld [smem:$0x3FB8];
	_ =	sdelay $0x3  }
0x33: {  	p0 =	seq.s32 s10, $0x1;
	s10 =	sld [smem:$0x3FBA];
	_ =	sdelay $0x3  }
0x34: {  	[smem:$0x3FBA] =	sst s10  }
0x35: {  	s10 =	sld [smem:$0x3FB9];
	_ =	sdelay $0x3  }
0x36: {  	p1 =	seq.s32 s10, $0x1;
	s10 =	sld [smem:$0x3FBA];
	_ =	sdelay $0x3  }
0x37: {  	[smem:$0x3FBA] =	sst s10  }
0x38: {  	s10 =	sld [smem:$0x3FBB]  }
0x39: {  	_ = 	snop;
	(pc) =	sbr.ind lr, $3  }
0x3a: {  	_ = 	snop  }
0x3b: {  	_ = 	snop  }
0x3c: {  	p2 =	seq.s32 s10, $0x1;
	s10 =	sld [smem:$0x3FBA]  }
0x3d: {  	_ =	shalt  }
0x3e: {  	_ =	shalt  }
0x3f: {  	_ =	shalt  }
0x40: {  	_ =	shalt  }
0x41: {  	_ =	shalt  }
0x42: {  	_ =	shalt  }
0x43: {  	_ =	shalt  }
0x44: {  	_ =	shalt  }
0x45: {  	_ =	shalt  }
0x46: {  	_ =	shalt  }
0x47: {  	_ =	shalt  }
0x48: {  	_ =	shalt  }
0x49: {  	_ =	shalt  }
0x4a: {  	_ =	shalt  }
0x4b: {  	_ =	shalt  }
0x4c: {  	_ =	shalt  }
0x4d: {  	_ =	shalt  }
0x4e: {  	_ =	shalt  }
0x4f: {  	_ =	shalt  }
0x50: {  	_ =	shalt  }
0x51: {  	_ =	shalt  }
0x52: {  	_ =	shalt  }
0x53: {  	_ =	shalt  }
0x54: {  	_ =	shalt  }
0x55: {  	_ =	shalt  }
0x56: {  	_ =	shalt  }
0x57: {  	_ =	shalt  }
0x58: {  	_ =	shalt  }
0x59: {  	_ =	shalt  }
0x5a: {  	_ =	shalt  }
0x5b: {  	_ =	shalt  }
0x5c: {  	_ =	shalt  }
0x5d: {  	_ =	shalt  }
0x5e: {  	_ =	shalt  }
0x5f: {  	_ =	shalt  }
0x60: {  	_ =	shalt  }
0x61: {  	_ =	shalt  }
0x62: {  	_ =	shalt  }
0x63: {  	_ =	shalt  }
0x64: {  	_ =	shalt  }
0x65: {  	_ =	shalt  }
0x66: {  	_ =	shalt  }
0x67: {  	_ =	shalt  }
0x68: {  	_ =	shalt  }
0x69: {  	_ =	shalt  }
0x6a: {  	_ =	shalt  }
0x6b: {  	_ =	shalt  }
0x6c: {  	_ =	shalt  }
0x6d: {  	_ =	shalt  }
0x6e: {  	_ =	shalt  }
0x6f: {  	_ =	shalt  }
0x70: {  	_ =	shalt  }
0x71: {  	_ =	shalt  }
0x72: {  	_ =	shalt  }
0x73: {  	_ =	shalt  }
0x74: {  	_ =	shalt  }
0x75: {  	_ =	shalt  }
0x76: {  	_ =	shalt  }
0x77: {  	_ =	shalt  }
0x78: {  	_ =	shalt  }
0x79: {  	_ =	shalt  }
0x7a: {  	_ =	shalt  }
0x7b: {  	_ =	shalt  }
0x7c: {  	_ =	shalt  }
0x7d: {  	_ =	shalt  }
0x7e: {  	_ =	shalt  }
0x7f: {  	_ =	shalt  }
0x80: {  	_ =	shalt  }
0x81: {  	_ =	shalt  }
0x82: {  	_ =	shalt  }
0x83: {  	_ =	shalt  }
0x84: {  	_ =	shalt  }
0x85: {  	_ =	shalt  }
0x86: {  	_ =	shalt  }
0x87: {  	_ =	shalt  }
.Lfunc_end0:
.L_simem_size_0:
called_computation.1_lowered:
.L_overlay_start_0:
0x88: {  	s2 =	sld [smem:$0x3FD9]  }
0x89: {  	s3 =	sld [smem:$0x3FFE];
	_ =	sdelay $0x1  }
0x8a: {  	s1 =	srdreg.scid  }
0x8b: {  	s0 =	sand.u32 $0x1, s1  }
0x8c: {  	s17 =	sshll.u32 s0, $0xA;
	s2 =	sadd.s32 s3, s2  }
0x8d: {  	s2 =	sadd.s32 s2, s17  }
0x8e: {  	[smem:$0x3FC6] =	sst s2  }
0x8f: {  	_ = 	snop  }
0x90: {  	s2 =	sld [smem:$0x3FD0];
	(tm) =	ssettm $0x1  }
0x91: {  	s18 =	sld [smem:$0x3FFB];
	_ =	sdelay $0x3  }
0x92: {  	_ =	strace s18  }
0x93: {  	s3 =	sld [smem:$0x3FFC];
	_ =	sdelay $0x3  }
0x94: {  	_ =	strace s3  }
0x95: {  	s3 =	sld [smem:$0x3FFD];
	_ =	sdelay $0x3  }
0x96: {  	_ =	strace s3  }
0x97: {  	_ =	strace $0x8FFFFFFF  }
0x98: {  	s19 =	sld [smem:$0x3FDB];
	_ =	sdelay $0x1  }
0x99: {  	s4 =	simm.s32 $_scs_section_size  }
0x9a: {  	s5 =	simm.s32 $_size__tile_overlayer_lowered;
	s6 =	simm.s32 $_tile_overlayer_lowered  }
0x9b: {  	s22 =	simm.s32 $0x1BFF;
	s21 =	sshll.u32 s6, $0x1;
	s3 =	sadd.s32 s4, s19  }
0x9c: {  	s7 =	simm.s32 $0x0;
	s20 =	sshll.u32 s5, $0x1;
	s5 =	sadd.s32 s21, s3  }
0x9d: {  	[timem:s7], [sflag:s22] =	dma.local [hbm:s5], s20  }
0x9e: {  	_ =	swait.ge [sflag:s22], s20  }
0x9f: {  	s4 =	ssub.s32 $0x0, s20;
	[sflag:s22] =	ssyncset.done $0x0  }
0xa0: {  	[sflag:s22] =	ssyncadd.s32 s4;
	_ =	sdelay $0x1  }
0xa1: {  	s23 =	simm.s32 $0x1B8B  }
0xa2: {  	_ =	swait.ge [sflag:s23], $0x1  }
0xa3: {  	[sflag:s23] =	ssyncset.done $0x0  }
0xa4: {  	s25 =	simm.s32 $0x1B8E;
	s24 =	sld [smem:$0x3FFE];
	[sflag:s23] =	ssyncadd.s32 $0xFFFFFFFF  }
0xa5: {  	s26 =	simm.s32 $execute0_lowered;
	[smem:$0x3FD2] =	sst s25  }
0xa6: {  	s5 =	sshll.u32 s26, $0x1;
	_ =	strace $0x80000049;
	[dreg:$0x1] =	wrdreg $0xFFFFFFFF  }
0xa7: {  	s28 =	simm.s32 $_size_execute0_lowered;
	s3 =	sadd.s32 s3, s5;
	[dreg:$0x0] =	wrdreg $0x0  }
0xa8: {  	s5 =	sshll.u32 s28, $0x1;
	[dreg:$0x2] =	wrdreg s3  }
0xa9: {  	[dreg:$0x3] =	wrdreg s5  }
0xaa: {  	[dreg:$0x4] =	wrdreg $0xC0  }
0xab: {  	_ =	task [dreg:s7], $0x5FFFF  }
0xac: {  	[dreg:$0x1] =	wrdreg $0xFFFFFFFF  }
0xad: {  	[dreg:$0x0] =	wrdreg $0x60  }
0xae: {  	[dreg:$0x2] =	wrdreg s24  }
0xaf: {  	[dreg:$0x3] =	wrdreg s2  }
0xb0: {  	[dreg:$0x4] =	wrdreg $0x9  }
0xb1: {  	_ =	task.clear_ibuf [dreg:s7], $0x5FFFF;
	_ =	strace $0x90000049  }
0xb2: {  	s29 =	simm.s32 $0x9;
	_ =	strace $0x8000004B  }
0xb3: {  	_ =	swait.ge [sflag:s29], $0x1  }
0xb4: {  	[sflag:s29] =	ssyncadd.s32 $0xFFFFFFFF  }
0xb5: {  	_ =	strace $0x9000004B  }
0xb6: {  	_ =	sfence  }
0xb7: {  	s30 =	sld [smem:$0x0];
	_ =	sdelay $0x2  }
0xb8: {  	s31 =	sshll.u32 s1, $0xD;
	s1 =	sshrl.u32 s1, $0x2  }
0xb9: {  	s3 =	sand.u32 $0x4000, s31;
	s1 =	sadd.s32 s1, s30  }
0xba: {  	s0 =	sor.u32 s3, s0;
	s1 =	sshll.u32 s1, $0x11  }
0xbb: {  	s0 =	sor.u32 s1, s0  }
0xbc: {  	s0 =	sadd.s32 $0x8F2B, s0  }
0xbd: {  	[sflag:s0] =	ssyncadd.remote.s32 $0x1  }
0xbe: {  	_ =	sfence.sel $0xFFFF  }
0xbf: {  	[dreg:$0x0] =	wrdreg $0xFFFFFFFF;
	(pc) =	sbr.abs _section_cstart, $3  }
0xc0: {  	[dreg:$0x1] =	wrdreg $0xFFFFFFFF  }
0xc1: {  	_ =	task.clear_ibuf [dreg:s7], $0x2FFFF;
	_ =	strace $0x9FFFFFFF  }
0xc2: {  	(tm) =	ssettm $0x7FFFFFFF  }
0xc3: {  	_ =	shalt  }
tec
execute0_lowered:
.L_overlay_start_1:
0x0: {  	(tag) =	ssettag $0x1  }
0x1: {  	s0 =	srdreg.scid  }
0x2: {  	s2 =	stileid.u32;
	s1 =	rddreg [dreg:$0x0]  }
0x3: {  	s5 =	simm.s32 $0x0;
	s12 =	simm.s32 $0x200;
	s6 =	simm.s32 $0x1  }
0x4: {  	s7 =	simm.s32 $0x18E00;
	s9 =	simm.s32 $0x1AE00;
	s10 =	simm.s32 $0x2  }
0x5: {  	s13 =	simm.s32 $0x17200;
	s14 =	simm.s32 $0x17400;
	s15 =	simm.s32 $0x17600  }
0x6: {  	s16 =	simm.s32 $0x3;
	s0 =	sand.u32 $0x1, s0;
	s3 =	sshll.u32 s2, $0x1  }
0x7: {  	s17 =	simm.s32 $0x1B000;
	s18 =	simm.s32 $0x1B200;
	s3 =	sor.u32 s0, s3  }
0x8: {  	s19 =	simm.s32 $0x1B400;
	s0 =	ssub.s32 $0x2, s0;
	s4 =	smul.u32 $0x7E00, s3  }
0x9: {  	s11 =	simm.s32 $0x0;
	s2 =	rddreg [dreg:$0x1];
	s29 =	sshrl.u32 s0, $0x1  }
.Ltmp0:
0xa: {  	s0 =	ssub.s32 s0, s29;
	s3 =	sshrl.u32 s4, $0x3;
	(pc) =	sbr.rel .LBB2_1-.Ltmp0, $4  }
0xb: {  	[smem:$0x7FF] =	sst s5;
	s0 =	smax.u32 s0, $0x1;
	s3 =	sadd.s32 s3, s1  }
0xc: {  	_ =	strace $0x8000004A;
	[dreg:$0x5] =	wrdreg s0;
	s30 =	sadd.s32 $0x61FA00, s3  }
0xd: {  	s5 =	sadd.s32 $0x200, s1;
	s31 =	sadd.s32 $0x600200, s3;
	[dreg:$0x3] =	wrdreg s30  }
0xe: {  	s8 =	sadd.s32 $0x200, s4;
	s3 =	simm.s32 $0x1AC00;
	[dreg:$0x4] =	wrdreg s31  }
.LBB2_22:
0xf: {  	s0 =	simm.s32 $0x4  }
0x10: {  	_ =	swait.ge [sflag:s0], $0x200  }
0x11: {  	[sflag:s0] =	ssyncset.done $0x0  }
0x12: {  	[sflag:s0] =	ssyncadd.s32 $0xFFFFFE00  }
0x13: {  	_ =	swait.ge [sflag:s0], $0x200  }
0x14: {  	[sflag:s0] =	ssyncset.done $0x0  }
0x15: {  	[sflag:s0] =	ssyncadd.s32 $0xFFFFFE00  }
0x16: {  	_ =	swait.ge [sflag:s0], $0x200  }
0x17: {  	[sflag:s0] =	ssyncset.done $0x0  }
0x18: {  	s30 =	simm.s32 $0x5;
	[sflag:s0] =	ssyncadd.s32 $0xFFFFFE00  }
0x19: {  	_ =	swait.ge [sflag:s30], $0x200  }
0x1a: {  	[sflag:s30] =	ssyncset.done $0x0  }
0x1b: {  	[sflag:s30] =	ssyncadd.s32 $0xFFFFFE00  }
0x1c: {  	_ =	swait.ge [sflag:s30], $0x200  }
0x1d: {  	[sflag:s30] =	ssyncset.done $0x0  }
0x1e: {  	[sflag:s30] =	ssyncadd.s32 $0xFFFFFE00  }
0x1f: {  	_ =	swait.ge [sflag:s30], $0x200  }
0x20: {  	[sflag:s30] =	ssyncset.done $0x0  }
0x21: {  	s1 =	simm.s32 $0x6;
	[sflag:s30] =	ssyncadd.s32 $0xFFFFFE00  }
0x22: {  	_ =	swait.ge [sflag:s1], $0x200  }
0x23: {  	[sflag:s1] =	ssyncset.done $0x0  }
0x24: {  	[sflag:s1] =	ssyncadd.s32 $0xFFFFFE00  }
0x25: {  	_ =	swait.ge [sflag:s1], $0x200  }
0x26: {  	[sflag:s1] =	ssyncset.done $0x0  }
0x27: {  	[sflag:s1] =	ssyncadd.s32 $0xFFFFFE00  }
0x28: {  	_ =	swait.ge [sflag:s1], $0x200  }
0x29: {  	s11 =	rddreg [dreg:$0x6]  }
0x2a: {  	s31 =	rddreg [dreg:$0x5];
	s11 =	sadd.s32 $0x1, s11  }
0x2b: {  	p0 =	sne.s32 s11, s31  }
.Ltmp1:
0x2c: {  	_ = 	snop;
	(pc) =	sbr.rel @!p0 .LBB2_23-.Ltmp1, $3  }
0x2d: {  	_ =	sdelay $0x1  }
0x2e: {  	[sflag:s1] =	ssyncset.done $0x0  }
0x2f: {  	[sflag:s1] =	ssyncadd.s32 $0xFFFFFE00  }
.LBB2_1:
0x30: {  	[dreg:$0x6] =	wrdreg s11  }
0x31: {  	s0 =	simm.s32 $0x0;
	s1 =	rddreg [dreg:$0x3];
	s30 =	simm.s32 $0x7  }
0x32: {  	[tilespmem:s0], [sflag:$0x7] =	stream.linear.gather [hbm4b:s1+s0], $0x7E00, $0x38;
	[tilespmem:$0x1B600] =	vst v63  }
0x33: {  	_ =	swait.ge [sflag:s30], $0x7E00  }
0x34: {  	[sflag:s30] =	ssyncset.done $0x0  }
0x35: {  	s20 =	simm.s32 $0x7E00;
	s31 =	rddreg [dreg:$0x4];
	[sflag:s30] =	ssyncadd.s32 $0xFFFF8200  }
0x36: {  	[tilespmem:s20], [sflag:$0x7] =	stream.linear.gather [hbm4b:s31+s0], $0x7E00, $0x38;
	[tilespmem:$0x1B600] =	vst v63  }
0x37: {  	_ =	swait.ge [sflag:s30], $0x7E00  }
0x38: {  	[sflag:s30] =	ssyncset.done $0x0  }
0x39: {  	s20 =	simm.s32 $0x0;
	[sflag:s30] =	ssyncadd.s32 $0xFFFF8200  }
0x3a: {  	v0 =	vld [tilespmem:s20+$0x10]  }
0x3b: {  	v1 =	vld [tilespmem:s20+$0x0]  }
0x3c: {  	v2 =	vld [tilespmem:s20+$0x7E10]  }
0x3d: {  	v3 =	vld [tilespmem:s20+$0x7E00];
	_ =	sdelay $0x3  }
0x3e: {  	v0 =	vmul.f32 $4.096000000e+03, v0;
	v1 =	vmul.f32 $4.096000000e+03, v1  }
0x3f: {  	v2 =	vmul.f32 $4.096000000e+03, v2;
	v3 =	vmul.f32 $4.096000000e+03, v3  }
0x40: {  	v4 =	vtrunc.f32 v0;
	v5 =	vtrunc.f32 v1  }
0x41: {  	v6 =	vtrunc.f32 v2;
	v8 =	vtrunc.f32 v3  }
0x42: {  	v4 =	vcvt.f32.s32 v4;
	v6 =	vcvt.f32.s32 v6  }
0x43: {  	v5 =	vcvt.f32.s32 v5;
	v8 =	vcvt.f32.s32 v8  }
0x44: {  	v7 =	vcvt.s32.f32 v4;
	vm0 =	vgt.s32 v4, $0x0  }
0x45: {  	vm15 =	vgt.s32 v5, $0x0;
	vm1 =	vgt.s32 v6, $0x0;
	v9 =	vcvt.s32.f32 v8  }
0x46: {  	vm2 =	vgt.s32 v8, $0x0;
	v4 =	vnsel vm0, $0x0, v4;
	v10 =	vsub.f32 v0, v7  }
0x47: {  	v0 =	vcvt.s32.f32 v6;
	v7 =	vcvt.s32.f32 v5;
	v3 =	vsub.f32 v3, v9  }
0x48: {  	v5 =	vnsel vm15, $0x0, v5;
	v16 =	vmin.u32 v4, $0xFFE;
	v18 =	vmin.u32 v4, $0xFFF  }
0x49: {  	v15 =	vmin.u32 v5, $0xFFE;
	v16 =	vadd.s32 $0x1, v16;
	v11 =	vsub.f32 v2, v0  }
0x4a: {  	v0 =	vsub.f32 $1.000000000e+00, v10;
	v1 =	vsub.f32 v1, v7;
	v2 =	vnsel vm1, $0x0, v6  }
0x4b: {  	v6 =	vnsel vm2, $0x0, v8;
	v13 =	vsub.f32 $1.000000000e+00, v3;
	v15 =	vadd.s32 $0x1, v15  }
0x4c: {  	v8 =	vmin.u32 v6, $0xFFE;
	v9 =	vmin.u32 v2, $0xFFE;
	v6 =	vmin.u32 v6, $0xFFF  }
0x4d: {  	v2 =	vmin.u32 v2, $0xFFF;
	v7 =	vmul.f32 v11, v0;
	v8 =	vshll.u32 v8, $0xC  }
0x4e: {  	v12 =	vsub.f32 $1.000000000e+00, v1;
	v9 =	vshll.u32 v9, $0xC;
	v14 =	vsub.f32 $1.000000000e+00, v11  }
0x4f: {  	v6 =	vshll.u32 v6, $0xC;
	v17 =	vshll.u32 v2, $0xC;
	v2 =	vmin.u32 v5, $0xFFF  }
0x50: {  	v4 =	vmul.f32 v13, v1;
	v8 =	vadd.s32 $0x1000, v8;
	v9 =	vadd.s32 $0x1000, v9  }
0x51: {  	v5 =	vmul.f32 v13, v12;
	[tilespmem:s20+$0x11810] =	vst v7;
	v7 =	vor.u32 v2, v8;
	v12 =	vmul.f32 v3, v12  }
0x52: {  	v8 =	vadd.s32 v15, v8;
	v13 =	vmul.f32 v14, v0;
	v19 =	vmul.f32 v14, v10;
	[tilespmem:s20+$0x11600] =	vst v4  }
0x53: {  	v0 =	vor.u32 v2, v6;
	v4 =	vadd.s32 v16, v9;
	v2 =	vadd.s32 v15, v6;
	[tilespmem:s20+$0x11400] =	vst v5  }
0x54: {  	v6 =	vmul.f32 v11, v10;
	v63 =	vadd.s32 $0x1000000, v7;
	v15 =	vor.u32 $0x2000000, v7;
	[tilespmem:s20+$0x11800] =	vst v12  }
0x55: {  	v14 =	vadd.s32 $0x1000000, v8;
	v10 =	vadd.s32 $0x1000000, v4;
	v5 =	vor.u32 v18, v9;
	[tilespmem:s20+$0x11410] =	vst v13  }
0x56: {  	v9 =	vmul.f32 v3, v1;
	v3 =	vor.u32 v18, v17;
	v1 =	vadd.s32 v16, v17;
	[tilespmem:s20+$0x11610] =	vst v19  }
0x57: {  	s1 =	simm.s32 $0x80;
	s0 =	simm.s32 $0x0;
	v12 =	vadd.s32 $0x2000000, v8;
	[tilespmem:s20+$0x10A00] =	vst v63;
	v13 =	vadd.s32 $0x1000000, v5;
	v11 =	vor.u32 $0x2000000, v5  }
.LBB2_2:
0x58: {  	s21 =	sshra.s32 s1, $0x2;
	s0 =	sadd.s32 $0x2, s0;
	v16 =	vor.u32 $0x1000000, v0;
	v17 =	vor.u32 $0x2000000, v0;
	[tilespmem:s20+$0x10C00] =	vst v15;
	v15 =	vadd.s32 $0x2000000, v4  }
0x59: {  	v19 =	vadd.s32 $0x1000000, v2;
	v20 =	vor.u32 $0x2000000, v2;
	v18 =	vld [tilespmem:s21+$0x10];
	p0 =	slt.u32 s0, $0x1E;
	[tilespmem:s20+$0x11000] =	vst v14;
	v14 =	vor.u32 $0x1000000, v3  }
0x5a: {  	v22 =	vadd.s32 $0x1000000, v1;
	v23 =	vor.u32 $0x2000000, v1;
	v21 =	vld [tilespmem:s21+$0x0];
	[tilespmem:s20+$0x11200] =	vst v12;
	v12 =	vor.u32 $0x2000000, v3  }
0x5b: {  	v24 =	vld [tilespmem:s21+$0x7E10];
	[tilespmem:s20+$0x10A10] =	vst v13  }
0x5c: {  	v13 =	vld [tilespmem:s21+$0x7E00];
	[tilespmem:s20+$0x10C10] =	vst v11  }
0x5d: {  	[tilespmem:s20+$0x11010] =	vst v10  }
0x5e: {  	v10 =	vmul.f32 $4.096000000e+03, v18;
	[tilespmem:s20+$0x11210] =	vst v15  }
0x5f: {  	v11 =	vmul.f32 $4.096000000e+03, v21;
	[tilespmem:s20+$0xFE00] =	vst v16  }
0x60: {  	v15 =	vmul.f32 $4.096000000e+03, v24;
	v16 =	vtrunc.f32 v10;
	[tilespmem:s20+$0x10000] =	vst v17  }
0x61: {  	v13 =	vmul.f32 $4.096000000e+03, v13;
	v16 =	vcvt.f32.s32 v16;
	[tilespmem:s20+$0x10400] =	vst v19  }
0x62: {  	v17 =	vtrunc.f32 v11;
	v18 =	vtrunc.f32 v15;
	[tilespmem:s20+$0x10600] =	vst v20  }
0x63: {  	v18 =	vcvt.f32.s32 v18;
	v19 =	vcvt.s32.f32 v16;
	vm0 =	vgt.s32 v16, $0x0;
	[tilespmem:s20+$0x10800] =	vst v7  }
0x64: {  	v7 =	vcvt.f32.s32 v17;
	v17 =	vtrunc.f32 v13;
	v16 =	vnsel vm0, $0x0, v16;
	[tilespmem:s20+$0x10E00] =	vst v8  }
0x65: {  	v8 =	vcvt.f32.s32 v17;
	v10 =	vsub.f32 v10, v19;
	v17 =	vcvt.s32.f32 v18;
	[tilespmem:s20+$0x11A00] =	vst v9  }
0x66: {  	v9 =	vcvt.s32.f32 v7;
	vm0 =	vgt.s32 v7, $0x0;
	vm1 =	vgt.s32 v18, $0x0;
	[tilespmem:s20+$0xFE10] =	vst v14  }
0x67: {  	v14 =	vcvt.s32.f32 v8;
	v15 =	vsub.f32 v15, v17;
	v17 =	vsub.f32 $1.000000000e+00, v10;
	[tilespmem:s20+$0x10010] =	vst v12  }
0x68: {  	vm2 =	vgt.s32 v8, $0x0;
	v9 =	vsub.f32 v11, v9;
	v11 =	vnsel vm1, $0x0, v18;
	[tilespmem:s20+$0x10410] =	vst v22  }
0x69: {  	v8 =	vnsel vm2, $0x0, v8;
	v12 =	vsub.f32 v13, v14;
	v13 =	vmul.f32 v15, v17;
	[tilespmem:s20+$0x10610] =	vst v23  }
0x6a: {  	v7 =	vnsel vm0, $0x0, v7;
	v14 =	vmin.u32 v8, $0xFFE;
	v18 =	vmin.u32 v11, $0xFFE;
	[tilespmem:s20+$0x10810] =	vst v5  }
0x6b: {  	v5 =	vshll.u32 v14, $0xC;
	v14 =	vsub.f32 $1.000000000e+00, v9;
	v19 =	vsub.f32 $1.000000000e+00, v12;
	[tilespmem:s21+$0x11810] =	vst v13  }
0x6c: {  	v8 =	vmin.u32 v8, $0xFFF;
	v13 =	vshll.u32 v18, $0xC;
	v18 =	vsub.f32 $1.000000000e+00, v15;
	[tilespmem:s20+$0x10E10] =	vst v4  }
0x6d: {  	v20 =	vmin.u32 v16, $0xFFE;
	v11 =	vmin.u32 v11, $0xFFF;
	v4 =	vmin.u32 v7, $0xFFE;
	[tilespmem:s20+$0x11A10] =	vst v6  }
0x6e: {  	v13 =	vadd.s32 $0x1000, v13;
	v6 =	vadd.s32 $0x1, v4;
	v4 =	vadd.s32 $0x1000, v5;
	[tilespmem:s20+$0xFC00] =	vst v0  }
0x6f: {  	v20 =	vadd.s32 $0x1, v20;
	v21 =	vshll.u32 v8, $0xC;
	v11 =	vshll.u32 v11, $0xC;
	[tilespmem:s20+$0x10200] =	vst v2  }
0x70: {  	v16 =	vmin.u32 v16, $0xFFF;
	v0 =	vmin.u32 v7, $0xFFF;
	v2 =	vmul.f32 v19, v14;
	[tilespmem:s20+$0xFC10] =	vst v3  }
0x71: {  	v7 =	vor.u32 v0, v4;
	v14 =	vmul.f32 v12, v14;
	v3 =	vmul.f32 v19, v9;
	[tilespmem:s20+$0x10210] =	vst v1;
	s20 =	smov.u32 s21  }
0x72: {  	v17 =	vmul.f32 v18, v17;
	v18 =	vmul.f32 v18, v10;
	v8 =	vadd.s32 v6, v4;
	[tilespmem:s20+$0x11400] =	vst v2  }
.Ltmp2:
0x73: {  	v5 =	vor.u32 v16, v13;
	v0 =	vor.u32 v0, v21;
	v4 =	vadd.s32 v20, v13;
	[tilespmem:s20+$0x11600] =	vst v3;
	(pc) =	sbr.rel @p0 .LBB2_2-.Ltmp2, $4  }
0x74: {  	v9 =	vmul.f32 v12, v9;
	v2 =	vadd.s32 v6, v21;
	v3 =	vor.u32 v16, v11;
	[tilespmem:s20+$0x11800] =	vst v14  }
0x75: {  	v13 =	vadd.s32 $0x1000000, v7;
	v1 =	vadd.s32 v20, v11;
	v6 =	vmul.f32 v15, v10;
	[tilespmem:s20+$0x11410] =	vst v17  }
0x76: {  	v12 =	vadd.s32 $0x2000000, v8;
	v15 =	vor.u32 $0x2000000, v7;
	v14 =	vadd.s32 $0x1000000, v8;
	[tilespmem:s20+$0x11610] =	vst v18  }
0x77: {  	s1 =	sadd.s32 $0x80, s1;
	v10 =	vadd.s32 $0x1000000, v4;
	v11 =	vor.u32 $0x2000000, v5;
	[tilespmem:s20+$0x10A00] =	vst v13;
	v13 =	vadd.s32 $0x1000000, v5  }
0x78: {  	[tilespmem:s20+$0x10C00] =	vst v15  }
0x79: {  	[tilespmem:s20+$0x11000] =	vst v14  }
0x7a: {  	[tilespmem:s20+$0x11200] =	vst v12  }
0x7b: {  	[tilespmem:s20+$0x10A10] =	vst v13  }
0x7c: {  	[tilespmem:s20+$0x10C10] =	vst v11  }
0x7d: {  	[tilespmem:s20+$0x11010] =	vst v10  }
0x7e: {  	[tilespmem:s20+$0x10800] =	vst v7  }
0x7f: {  	[tilespmem:s20+$0x10E00] =	vst v8  }
0x80: {  	[tilespmem:s20+$0x11A00] =	vst v9  }
0x81: {  	[tilespmem:s20+$0x10810] =	vst v5  }
0x82: {  	[tilespmem:s20+$0x10E10] =	vst v4  }
0x83: {  	[tilespmem:s20+$0x11A10] =	vst v6  }
0x84: {  	[tilespmem:s20+$0xFC00] =	vst v0  }
0x85: {  	[tilespmem:s20+$0x10200] =	vst v2  }
0x86: {  	[tilespmem:s20+$0xFC10] =	vst v3  }
0x87: {  	v11 =	vadd.s32 $0x2000000, v4;
	[tilespmem:s20+$0x10210] =	vst v1  }
0x88: {  	v10 =	vor.u32 $0x1000000, v0;
	[tilespmem:s20+$0x11210] =	vst v11  }
0x89: {  	v7 =	vor.u32 $0x1000000, v3;
	[tilespmem:s20+$0xFE00] =	vst v10  }
0x8a: {  	v8 =	vor.u32 $0x2000000, v3;
	[tilespmem:s20+$0xFE10] =	vst v7  }
0x8b: {  	v11 =	vor.u32 $0x2000000, v0;
	[tilespmem:s20+$0x10010] =	vst v8  }
0x8c: {  	v10 =	vadd.s32 $0x1000000, v2;
	[tilespmem:s20+$0x10000] =	vst v11  }
0x8d: {  	v7 =	vadd.s32 $0x1000000, v1;
	[tilespmem:s20+$0x10400] =	vst v10  }
0x8e: {  	v8 =	vor.u32 $0x2000000, v1;
	[tilespmem:s20+$0x10410] =	vst v7  }
0x8f: {  	v11 =	vor.u32 $0x2000000, v2;
	[tilespmem:s20+$0x10610] =	vst v8  }
0x90: {  	s0 =	simm.s32 $0xFC00;
	s1 =	simm.s32 $0x11C00;
	[tilespmem:s20+$0x10600] =	vst v11  }
0x91: {  	[tilespmem:s1], [sflag:$0x1] =	stream.indirect.gather [hbm4b:s5+s12], $0x1, s0, s12, $0xb8;
	[tilespmem:$0x1B600] =	vst v63  }
0x92: {  	s21 =	simm.s32 $0xFE00;
	s22 =	simm.s32 $0x11E00  }
0x93: {  	[tilespmem:s22], [sflag:$0x1] =	stream.indirect.gather [hbm4b:s5+s12], $0x1, s21, s12, $0xb8;
	[tilespmem:$0x1B600] =	vst v63  }
0x94: {  	s23 =	simm.s32 $0x10000;
	s24 =	simm.s32 $0x12000  }
0x95: {  	[tilespmem:s24], [sflag:$0x1] =	stream.indirect.gather [hbm4b:s5+s12], $0x1, s23, s12, $0xb8;
	[tilespmem:$0x1B600] =	vst v63  }
0x96: {  	s25 =	simm.s32 $0x10200;
	s26 =	simm.s32 $0x12200  }
0x97: {  	[tilespmem:s26], [sflag:$0x1] =	stream.indirect.gather [hbm4b:s5+s12], $0x1, s25, s12, $0xb8;
	[tilespmem:$0x1B600] =	vst v63  }
0x98: {  	s28 =	simm.s32 $0x10400;
	s29 =	simm.s32 $0x12400  }
0x99: {  	[tilespmem:s29], [sflag:$0x1] =	stream.indirect.gather [hbm4b:s5+s12], $0x1, s28, s12, $0xb8;
	[tilespmem:$0x1B600] =	vst v63  }
0x9a: {  	s30 =	simm.s32 $0x10600;
	s31 =	simm.s32 $0x12600  }
0x9b: {  	[tilespmem:s31], [sflag:$0x1] =	stream.indirect.gather [hbm4b:s5+s12], $0x1, s30, s12, $0xb8;
	[tilespmem:$0x1B600] =	vst v63  }
0x9c: {  	s11 =	simm.s32 $0x10800;
	s20 =	simm.s32 $0x12800  }
0x9d: {  	[tilespmem:s20], [sflag:$0x1] =	stream.indirect.gather [hbm4b:s5+s12], $0x1, s11, s12, $0xb8;
	[tilespmem:$0x1B600] =	vst v63  }
0x9e: {  	s21 =	simm.s32 $0x10A00;
	s22 =	simm.s32 $0x12A00  }
0x9f: {  	[tilespmem:s22], [sflag:$0x1] =	stream.indirect.gather [hbm4b:s5+s12], $0x1, s21, s12, $0xb8;
	[tilespmem:$0x1B600] =	vst v63  }
0xa0: {  	s23 =	simm.s32 $0x10C00;
	s24 =	simm.s32 $0x12C00  }
0xa1: {  	[tilespmem:s24], [sflag:$0x1] =	stream.indirect.gather [hbm4b:s5+s12], $0x1, s23, s12, $0xb8;
	[tilespmem:$0x1B600] =	vst v63  }
0xa2: {  	s25 =	simm.s32 $0x10E00;
	s26 =	simm.s32 $0x12E00  }
0xa3: {  	[tilespmem:s26], [sflag:$0x1] =	stream.indirect.gather [hbm4b:s5+s12], $0x1, s25, s12, $0xb8;
	[tilespmem:$0x1B600] =	vst v63  }
0xa4: {  	s28 =	simm.s32 $0x11000;
	s29 =	simm.s32 $0x13000  }
0xa5: {  	[tilespmem:s29], [sflag:$0x1] =	stream.indirect.gather [hbm4b:s5+s12], $0x1, s28, s12, $0xb8;
	[tilespmem:$0x1B600] =	vst v63  }
0xa6: {  	s30 =	simm.s32 $0x11200;
	s31 =	simm.s32 $0x13200;
	s20 =	simm.s32 $0x0  }
0xa7: {  	[tilespmem:s31], [sflag:$0x1] =	stream.indirect.gather [hbm4b:s5+s12], $0x1, s30, s12, $0xb8;
	[tilespmem:$0x1B600] =	vst v63  }
0xa8: {  	v0 =	vld [tilespmem:s20+$0x210]  }
0xa9: {  	v1 =	vld [tilespmem:s20+$0x200]  }
0xaa: {  	v2 =	vld [tilespmem:s20+$0x8010]  }
0xab: {  	v3 =	vld [tilespmem:s20+$0x8000];
	_ =	sdelay $0x3  }
0xac: {  	v0 =	vmul.f32 $4.096000000e+03, v0;
	v1 =	vmul.f32 $4.096000000e+03, v1  }
0xad: {  	v2 =	vmul.f32 $4.096000000e+03, v2;
	v3 =	vmul.f32 $4.096000000e+03, v3  }
0xae: {  	v4 =	vtrunc.f32 v0;
	v5 =	vtrunc.f32 v1  }
0xaf: {  	v6 =	vtrunc.f32 v2;
	v8 =	vtrunc.f32 v3  }
0xb0: {  	v4 =	vcvt.f32.s32 v4;
	v6 =	vcvt.f32.s32 v6  }
0xb1: {  	v5 =	vcvt.f32.s32 v5;
	v8 =	vcvt.f32.s32 v8  }
0xb2: {  	v7 =	vcvt.s32.f32 v4;
	vm0 =	vgt.s32 v4, $0x0  }
0xb3: {  	vm15 =	vgt.s32 v5, $0x0;
	vm1 =	vgt.s32 v6, $0x0;
	v9 =	vcvt.s32.f32 v8  }
0xb4: {  	vm2 =	vgt.s32 v8, $0x0;
	v4 =	vnsel vm0, $0x0, v4;
	v10 =	vsub.f32 v0, v7  }
0xb5: {  	v0 =	vcvt.s32.f32 v6;
	v7 =	vcvt.s32.f32 v5;
	v3 =	vsub.f32 v3, v9  }
0xb6: {  	v5 =	vnsel vm15, $0x0, v5;
	v16 =	vmin.u32 v4, $0xFFE;
	v18 =	vmin.u32 v4, $0xFFF  }
0xb7: {  	v15 =	vmin.u32 v5, $0xFFE;
	v16 =	vadd.s32 $0x1, v16;
	v11 =	vsub.f32 v2, v0  }
0xb8: {  	v0 =	vsub.f32 $1.000000000e+00, v10;
	v1 =	vsub.f32 v1, v7;
	v2 =	vnsel vm1, $0x0, v6  }
0xb9: {  	v6 =	vnsel vm2, $0x0, v8;
	v13 =	vsub.f32 $1.000000000e+00, v3;
	v15 =	vadd.s32 $0x1, v15  }
0xba: {  	v8 =	vmin.u32 v6, $0xFFE;
	v9 =	vmin.u32 v2, $0xFFE;
	v6 =	vmin.u32 v6, $0xFFF  }
0xbb: {  	v2 =	vmin.u32 v2, $0xFFF;
	v7 =	vmul.f32 v11, v0;
	v8 =	vshll.u32 v8, $0xC  }
0xbc: {  	v12 =	vsub.f32 $1.000000000e+00, v1;
	v9 =	vshll.u32 v9, $0xC;
	v14 =	vsub.f32 $1.000000000e+00, v11  }
0xbd: {  	v6 =	vshll.u32 v6, $0xC;
	v17 =	vshll.u32 v2, $0xC;
	v2 =	vmin.u32 v5, $0xFFF  }
0xbe: {  	v4 =	vmul.f32 v13, v1;
	v8 =	vadd.s32 $0x1000, v8;
	v9 =	vadd.s32 $0x1000, v9  }
0xbf: {  	v5 =	vmul.f32 v13, v12;
	[tilespmem:s20+$0x15610] =	vst v7;
	v7 =	vor.u32 v2, v8;
	v12 =	vmul.f32 v3, v12  }
0xc0: {  	v8 =	vadd.s32 v15, v8;
	v13 =	vmul.f32 v14, v0;
	v19 =	vmul.f32 v14, v10;
	[tilespmem:s20+$0x15400] =	vst v4  }
0xc1: {  	v0 =	vor.u32 v2, v6;
	v4 =	vadd.s32 v16, v9;
	v2 =	vadd.s32 v15, v6;
	[tilespmem:s20+$0x15200] =	vst v5  }
0xc2: {  	v6 =	vmul.f32 v11, v10;
	v63 =	vadd.s32 $0x1000000, v7;
	v15 =	vor.u32 $0x2000000, v7;
	[tilespmem:s20+$0x15600] =	vst v12  }
0xc3: {  	v14 =	vadd.s32 $0x1000000, v8;
	v10 =	vadd.s32 $0x1000000, v4;
	v5 =	vor.u32 v18, v9;
	[tilespmem:s20+$0x15210] =	vst v13  }
0xc4: {  	v9 =	vmul.f32 v3, v1;
	v3 =	vor.u32 v18, v17;
	v1 =	vadd.s32 v16, v17;
	[tilespmem:s20+$0x15410] =	vst v19  }
0xc5: {  	s0 =	simm.s32 $0x0;
	s1 =	simm.s32 $0x80;
	v12 =	vadd.s32 $0x2000000, v8;
	[tilespmem:s20+$0x14800] =	vst v63;
	v13 =	vadd.s32 $0x1000000, v5;
	v11 =	vor.u32 $0x2000000, v5  }
.LBB2_4:
0xc6: {  	s21 =	sshra.s32 s1, $0x2;
	s0 =	sadd.s32 $0x2, s0;
	v16 =	vor.u32 $0x1000000, v0;
	v17 =	vor.u32 $0x2000000, v0;
	[tilespmem:s20+$0x14A00] =	vst v15;
	v15 =	vadd.s32 $0x2000000, v4  }
0xc7: {  	v19 =	vadd.s32 $0x1000000, v2;
	v20 =	vor.u32 $0x2000000, v2;
	v18 =	vld [tilespmem:s21+$0x210];
	p0 =	slt.u32 s0, $0x1E;
	[tilespmem:s20+$0x14E00] =	vst v14;
	v14 =	vor.u32 $0x1000000, v3  }
0xc8: {  	v22 =	vadd.s32 $0x1000000, v1;
	v23 =	vor.u32 $0x2000000, v1;
	v21 =	vld [tilespmem:s21+$0x200];
	[tilespmem:s20+$0x15000] =	vst v12;
	v12 =	vor.u32 $0x2000000, v3  }
0xc9: {  	v24 =	vld [tilespmem:s21+$0x8010];
	[tilespmem:s20+$0x14810] =	vst v13  }
0xca: {  	v13 =	vld [tilespmem:s21+$0x8000];
	[tilespmem:s20+$0x14A10] =	vst v11  }
0xcb: {  	[tilespmem:s20+$0x14E10] =	vst v10  }
0xcc: {  	v10 =	vmul.f32 $4.096000000e+03, v18;
	[tilespmem:s20+$0x15010] =	vst v15  }
0xcd: {  	v11 =	vmul.f32 $4.096000000e+03, v21;
	[tilespmem:s20+$0x13C00] =	vst v16  }
0xce: {  	v15 =	vmul.f32 $4.096000000e+03, v24;
	v16 =	vtrunc.f32 v10;
	[tilespmem:s20+$0x13E00] =	vst v17  }
0xcf: {  	v13 =	vmul.f32 $4.096000000e+03, v13;
	v16 =	vcvt.f32.s32 v16;
	[tilespmem:s20+$0x14200] =	vst v19  }
0xd0: {  	v17 =	vtrunc.f32 v11;
	v18 =	vtrunc.f32 v15;
	[tilespmem:s20+$0x14400] =	vst v20  }
0xd1: {  	v18 =	vcvt.f32.s32 v18;
	v19 =	vcvt.s32.f32 v16;
	vm0 =	vgt.s32 v16, $0x0;
	[tilespmem:s20+$0x14600] =	vst v7  }
0xd2: {  	v7 =	vcvt.f32.s32 v17;
	v17 =	vtrunc.f32 v13;
	v16 =	vnsel vm0, $0x0, v16;
	[tilespmem:s20+$0x14C00] =	vst v8  }
0xd3: {  	v8 =	vcvt.f32.s32 v17;
	v10 =	vsub.f32 v10, v19;
	v17 =	vcvt.s32.f32 v18;
	[tilespmem:s20+$0x15800] =	vst v9  }
0xd4: {  	v9 =	vcvt.s32.f32 v7;
	vm0 =	vgt.s32 v7, $0x0;
	vm1 =	vgt.s32 v18, $0x0;
	[tilespmem:s20+$0x13C10] =	vst v14  }
0xd5: {  	v14 =	vcvt.s32.f32 v8;
	v15 =	vsub.f32 v15, v17;
	v17 =	vsub.f32 $1.000000000e+00, v10;
	[tilespmem:s20+$0x13E10] =	vst v12  }
0xd6: {  	vm2 =	vgt.s32 v8, $0x0;
	v9 =	vsub.f32 v11, v9;
	v11 =	vnsel vm1, $0x0, v18;
	[tilespmem:s20+$0x14210] =	vst v22  }
0xd7: {  	v8 =	vnsel vm2, $0x0, v8;
	v12 =	vsub.f32 v13, v14;
	v13 =	vmul.f32 v15, v17;
	[tilespmem:s20+$0x14410] =	vst v23  }
0xd8: {  	v7 =	vnsel vm0, $0x0, v7;
	v14 =	vmin.u32 v8, $0xFFE;
	v18 =	vmin.u32 v11, $0xFFE;
	[tilespmem:s20+$0x14610] =	vst v5  }
0xd9: {  	v5 =	vshll.u32 v14, $0xC;
	v14 =	vsub.f32 $1.000000000e+00, v9;
	v19 =	vsub.f32 $1.000000000e+00, v12;
	[tilespmem:s21+$0x15610] =	vst v13  }
0xda: {  	v8 =	vmin.u32 v8, $0xFFF;
	v13 =	vshll.u32 v18, $0xC;
	v18 =	vsub.f32 $1.000000000e+00, v15;
	[tilespmem:s20+$0x14C10] =	vst v4  }
0xdb: {  	v20 =	vmin.u32 v16, $0xFFE;
	v11 =	vmin.u32 v11, $0xFFF;
	v4 =	vmin.u32 v7, $0xFFE;
	[tilespmem:s20+$0x15810] =	vst v6  }
0xdc: {  	v13 =	vadd.s32 $0x1000, v13;
	v6 =	vadd.s32 $0x1, v4;
	v4 =	vadd.s32 $0x1000, v5;
	[tilespmem:s20+$0x13A00] =	vst v0  }
0xdd: {  	v20 =	vadd.s32 $0x1, v20;
	v21 =	vshll.u32 v8, $0xC;
	v11 =	vshll.u32 v11, $0xC;
	[tilespmem:s20+$0x14000] =	vst v2  }
0xde: {  	v16 =	vmin.u32 v16, $0xFFF;
	v0 =	vmin.u32 v7, $0xFFF;
	v2 =	vmul.f32 v19, v14;
	[tilespmem:s20+$0x13A10] =	vst v3  }
0xdf: {  	v7 =	vor.u32 v0, v4;
	v14 =	vmul.f32 v12, v14;
	v3 =	vmul.f32 v19, v9;
	[tilespmem:s20+$0x14010] =	vst v1;
	s20 =	smov.u32 s21  }
0xe0: {  	v17 =	vmul.f32 v18, v17;
	v18 =	vmul.f32 v18, v10;
	v8 =	vadd.s32 v6, v4;
	[tilespmem:s20+$0x15200] =	vst v2  }
.Ltmp3:
0xe1: {  	v5 =	vor.u32 v16, v13;
	v0 =	vor.u32 v0, v21;
	v4 =	vadd.s32 v20, v13;
	[tilespmem:s20+$0x15400] =	vst v3;
	(pc) =	sbr.rel @p0 .LBB2_4-.Ltmp3, $4  }
0xe2: {  	v9 =	vmul.f32 v12, v9;
	v2 =	vadd.s32 v6, v21;
	v3 =	vor.u32 v16, v11;
	[tilespmem:s20+$0x15600] =	vst v14  }
0xe3: {  	v13 =	vadd.s32 $0x1000000, v7;
	v1 =	vadd.s32 v20, v11;
	v6 =	vmul.f32 v15, v10;
	[tilespmem:s20+$0x15210] =	vst v17  }
0xe4: {  	v12 =	vadd.s32 $0x2000000, v8;
	v15 =	vor.u32 $0x2000000, v7;
	v14 =	vadd.s32 $0x1000000, v8;
	[tilespmem:s20+$0x15410] =	vst v18  }
0xe5: {  	s1 =	sadd.s32 $0x80, s1;
	v10 =	vadd.s32 $0x1000000, v4;
	v11 =	vor.u32 $0x2000000, v5;
	[tilespmem:s20+$0x14800] =	vst v13;
	v13 =	vadd.s32 $0x1000000, v5  }
0xe6: {  	[tilespmem:s20+$0x14A00] =	vst v15  }
0xe7: {  	[tilespmem:s20+$0x14E00] =	vst v14  }
0xe8: {  	[tilespmem:s20+$0x15000] =	vst v12  }
0xe9: {  	[tilespmem:s20+$0x14810] =	vst v13  }
0xea: {  	[tilespmem:s20+$0x14A10] =	vst v11  }
0xeb: {  	[tilespmem:s20+$0x14E10] =	vst v10  }
0xec: {  	[tilespmem:s20+$0x14600] =	vst v7  }
0xed: {  	[tilespmem:s20+$0x14C00] =	vst v8  }
0xee: {  	[tilespmem:s20+$0x15800] =	vst v9  }
0xef: {  	[tilespmem:s20+$0x14610] =	vst v5  }
0xf0: {  	[tilespmem:s20+$0x14C10] =	vst v4  }
0xf1: {  	[tilespmem:s20+$0x15810] =	vst v6  }
0xf2: {  	[tilespmem:s20+$0x13A00] =	vst v0  }
0xf3: {  	[tilespmem:s20+$0x14000] =	vst v2  }
0xf4: {  	[tilespmem:s20+$0x13A10] =	vst v3  }
0xf5: {  	v55 =	vadd.s32 $0x2000000, v4;
	[tilespmem:s20+$0x14010] =	vst v1  }
0xf6: {  	v56 =	vor.u32 $0x1000000, v0;
	[tilespmem:s20+$0x15010] =	vst v55  }
0xf7: {  	v57 =	vor.u32 $0x2000000, v0;
	[tilespmem:s20+$0x13C00] =	vst v56  }
0xf8: {  	v58 =	vadd.s32 $0x1000000, v2;
	[tilespmem:s20+$0x13E00] =	vst v57  }
0xf9: {  	v59 =	vor.u32 $0x2000000, v2;
	[tilespmem:s20+$0x14200] =	vst v58  }
0xfa: {  	v60 =	vor.u32 $0x1000000, v3;
	[tilespmem:s20+$0x14400] =	vst v59  }
0xfb: {  	v61 =	vor.u32 $0x2000000, v3;
	[tilespmem:s20+$0x13C10] =	vst v60  }
0xfc: {  	v62 =	vadd.s32 $0x1000000, v1;
	[tilespmem:s20+$0x13E10] =	vst v61  }
0xfd: {  	v63 =	vor.u32 $0x2000000, v1;
	[tilespmem:s20+$0x14210] =	vst v62  }
0xfe: {  	s0 =	simm.s32 $0x13A00;
	s1 =	simm.s32 $0x15A00;
	[tilespmem:s20+$0x14410] =	vst v63  }
0xff: {  	[tilespmem:s1], [sflag:$0x2] =	stream.indirect.gather [hbm4b:s5+s12], $0x1, s0, s12, $0xb8;
	[tilespmem:$0x1B600] =	vst v63  }
0x100: {  	s21 =	simm.s32 $0x13C00;
	s22 =	simm.s32 $0x15C00  }
0x101: {  	[tilespmem:s22], [sflag:$0x2] =	stream.indirect.gather [hbm4b:s5+s12], $0x1, s21, s12, $0xb8;
	[tilespmem:$0x1B600] =	vst v63  }
0x102: {  	s23 =	simm.s32 $0x13E00;
	s24 =	simm.s32 $0x15E00  }
0x103: {  	[tilespmem:s24], [sflag:$0x2] =	stream.indirect.gather [hbm4b:s5+s12], $0x1, s23, s12, $0xb8;
	[tilespmem:$0x1B600] =	vst v63  }
0x104: {  	s25 =	simm.s32 $0x14000;
	s26 =	simm.s32 $0x16000  }
0x105: {  	[tilespmem:s26], [sflag:$0x2] =	stream.indirect.gather [hbm4b:s5+s12], $0x1, s25, s12, $0xb8;
	[tilespmem:$0x1B600] =	vst v63  }
0x106: {  	s28 =	simm.s32 $0x14200;
	s29 =	simm.s32 $0x16200  }
0x107: {  	[tilespmem:s29], [sflag:$0x2] =	stream.indirect.gather [hbm4b:s5+s12], $0x1, s28, s12, $0xb8;
	[tilespmem:$0x1B600] =	vst v63  }
0x108: {  	s30 =	simm.s32 $0x14400;
	s31 =	simm.s32 $0x16400;
	s11 =	simm.s32 $0x14600  }
0x109: {  	[tilespmem:s31], [sflag:$0x2] =	stream.indirect.gather [hbm4b:s5+s12], $0x1, s30, s12, $0xb8;
	[tilespmem:$0x1B600] =	vst v63  }
0x10a: {  	s20 =	simm.s32 $0x16600;
	s21 =	simm.s32 $0x14800;
	s22 =	simm.s32 $0x16800  }
0x10b: {  	[tilespmem:s20], [sflag:$0x2] =	stream.indirect.gather [hbm4b:s5+s12], $0x1, s11, s12, $0xb8;
	[tilespmem:$0x1B600] =	vst v63  }
0x10c: {  	s23 =	simm.s32 $0x14A00;
	s24 =	simm.s32 $0x16A00;
	s25 =	simm.s32 $0x14C00  }
0x10d: {  	[tilespmem:s22], [sflag:$0x2] =	stream.indirect.gather [hbm4b:s5+s12], $0x1, s21, s12, $0xb8;
	[tilespmem:$0x1B600] =	vst v63  }
0x10e: {  	s26 =	simm.s32 $0x16C00;
	s28 =	simm.s32 $0x14E00;
	s29 =	simm.s32 $0x16E00  }
0x10f: {  	[tilespmem:s24], [sflag:$0x2] =	stream.indirect.gather [hbm4b:s5+s12], $0x1, s23, s12, $0xb8;
	[tilespmem:$0x1B600] =	vst v63  }
0x110: {  	s30 =	simm.s32 $0x15000;
	s31 =	simm.s32 $0x17000;
	s20 =	simm.s32 $0x0  }
0x111: {  	[tilespmem:s26], [sflag:$0x2] =	stream.indirect.gather [hbm4b:s5+s12], $0x1, s25, s12, $0xb8;
	[tilespmem:$0x1B600] =	vst v63  }
0x112: {  	s21 =	simm.s32 $0x8200;
	s22 =	simm.s32 $0x410;
	s23 =	simm.s32 $0x8400  }
0x113: {  	[tilespmem:s29], [sflag:$0x2] =	stream.indirect.gather [hbm4b:s5+s12], $0x1, s28, s12, $0xb8;
	[tilespmem:$0x1B600] =	vst v63  }
0x114: {  	s24 =	simm.s32 $0x610;
	s25 =	simm.s32 $0x8600;
	s26 =	simm.s32 $0x810  }
0x115: {  	[tilespmem:s31], [sflag:$0x2] =	stream.indirect.gather [hbm4b:s5+s12], $0x1, s30, s12, $0xb8;
	[tilespmem:$0x1B600] =	vst v63  }
.LBB2_6:
0x116: {  	_ =	swait.ge [sflag:s6], $0x200  }
0x117: {  	[sflag:s6] =	ssyncset.done $0x0  }
0x118: {  	[sflag:s6] =	ssyncadd.s32 $0xFFFFFE00  }
0x119: {  	_ =	swait.ge [sflag:s6], $0x200  }
0x11a: {  	[sflag:s6] =	ssyncset.done $0x0  }
0x11b: {  	[sflag:s6] =	ssyncadd.s32 $0xFFFFFE00  }
0x11c: {  	_ =	swait.ge [sflag:s6], $0x200  }
0x11d: {  	[sflag:s6] =	ssyncset.done $0x0  }
0x11e: {  	[sflag:s6] =	ssyncadd.s32 $0xFFFFFE00  }
0x11f: {  	_ =	swait.ge [sflag:s6], $0x200  }
0x120: {  	[sflag:s6] =	ssyncset.done $0x0  }
0x121: {  	[sflag:s6] =	ssyncadd.s32 $0xFFFFFE00  }
0x122: {  	_ =	swait.ge [sflag:s6], $0x200  }
0x123: {  	[sflag:s6] =	ssyncset.done $0x0  }
0x124: {  	[sflag:s6] =	ssyncadd.s32 $0xFFFFFE00  }
0x125: {  	_ =	swait.ge [sflag:s6], $0x200  }
0x126: {  	[sflag:s6] =	ssyncset.done $0x0  }
0x127: {  	[sflag:s6] =	ssyncadd.s32 $0xFFFFFE00  }
0x128: {  	_ =	swait.ge [sflag:s6], $0x200  }
0x129: {  	[sflag:s6] =	ssyncset.done $0x0  }
0x12a: {  	[sflag:s6] =	ssyncadd.s32 $0xFFFFFE00  }
0x12b: {  	_ =	swait.ge [sflag:s6], $0x200  }
0x12c: {  	[sflag:s6] =	ssyncset.done $0x0  }
0x12d: {  	[sflag:s6] =	ssyncadd.s32 $0xFFFFFE00  }
0x12e: {  	_ =	swait.ge [sflag:s6], $0x200  }
0x12f: {  	[sflag:s6] =	ssyncset.done $0x0  }
0x130: {  	[sflag:s6] =	ssyncadd.s32 $0xFFFFFE00  }
0x131: {  	_ =	swait.ge [sflag:s6], $0x200  }
0x132: {  	[sflag:s6] =	ssyncset.done $0x0  }
0x133: {  	[sflag:s6] =	ssyncadd.s32 $0xFFFFFE00  }
0x134: {  	_ =	swait.ge [sflag:s6], $0x200  }
0x135: {  	[sflag:s6] =	ssyncset.done $0x0  }
0x136: {  	[sflag:s6] =	ssyncadd.s32 $0xFFFFFE00  }
0x137: {  	_ =	swait.ge [sflag:s6], $0x200  }
0x138: {  	p0 =	seq.s32 s20, $0x0;
	[sflag:s6] =	ssyncset.done $0x0  }
0x139: {  	s0 =	simm.s32 @!p0 $0x4;
	[sflag:s6] =	ssyncadd.s32 $0xFFFFFE00  }
0x13a: {  	_ =	swait.ge @!p0 [sflag:s0], $0x200  }
0x13b: {  	[sflag:s0] =	ssyncset.done @!p0 $0x0  }
0x13c: {  	[sflag:s0] =	ssyncadd.s32 @!p0 $0xFFFFFE00  }
0x13d: {  	_ =	swait.ge @!p0 [sflag:s0], $0x200  }
0x13e: {  	[sflag:s0] =	ssyncset.done @!p0 $0x0  }
0x13f: {  	[sflag:s0] =	ssyncadd.s32 @!p0 $0xFFFFFE00  }
0x140: {  	_ =	swait.ge @!p0 [sflag:s0], $0x200  }
0x141: {  	[sflag:s0] =	ssyncset.done @!p0 $0x0  }
0x142: {  	s28 =	simm.s32 $0x0;
	[sflag:s0] =	ssyncadd.s32 @!p0 $0xFFFFFE00  }
0x143: {  	v1 =	vld [tilespmem:s28+$0x11410]  }
0x144: {  	v2 =	vld [tilespmem:s28+$0x11610]  }
0x145: {  	v3 =	vld [tilespmem:s28+$0x12010]  }
0x146: {  	v4 =	vld [tilespmem:s28+$0x12610]  }
0x147: {  	v11 =	vld [tilespmem:s28+$0x11810]  }
0x148: {  	v5 =	vld [tilespmem:s28+$0x12C10]  }
0x149: {  	v0 =	vld [tilespmem:s28+$0x11A10]  }
0x14a: {  	v6 =	vld [tilespmem:s28+$0x13210]  }
0x14b: {  	v7 =	vld [tilespmem:s28+$0x11400]  }
0x14c: {  	v8 =	vld [tilespmem:s28+$0x11600]  }
0x14d: {  	v9 =	vld [tilespmem:s28+$0x11C00]  }
0x14e: {  	v10 =	vld [tilespmem:s28+$0x11E00]  }
0x14f: {  	v12 =	vld [tilespmem:s28+$0x12000]  }
0x150: {  	v13 =	vld [tilespmem:s28+$0x11C10];
	v3 =	vmul.f32 v3, v1;
	v4 =	vmul.f32 v4, v2  }
0x151: {  	v14 =	vld [tilespmem:s28+$0x11E10]  }
0x152: {  	v15 =	vld [tilespmem:s28+$0x12410];
	v3 =	vadd.f32 v4, v3;
	v4 =	vmul.f32 v5, v11  }
0x153: {  	v16 =	vld [tilespmem:s28+$0x11800]  }
0x154: {  	v5 =	vld [tilespmem:s28+$0x12200];
	v3 =	vadd.f32 v4, v3;
	v4 =	vmul.f32 v6, v0  }
0x155: {  	v17 =	vld [tilespmem:s28+$0x12800]  }
0x156: {  	v6 =	vld [tilespmem:s28+$0x12400];
	v3 =	vadd.f32 v4, v3  }
0x157: {  	v4 =	vld [tilespmem:s28+$0x12600]  }
0x158: {  	[tilespmem:s28+$0x13810] =	vst v3;
	v3 =	vld [tilespmem:s28+$0x12210]  }
0x159: {  	v18 =	vld [tilespmem:s28+$0x12A00];
	v9 =	vmul.f32 v9, v7;
	v5 =	vmul.f32 v5, v8  }
0x15a: {  	v10 =	vmul.f32 v10, v7;
	v7 =	vmul.f32 v12, v7;
	v12 =	vld [tilespmem:s28+$0x12C00]  }
0x15b: {  	v19 =	vld [tilespmem:s28+$0x12810];
	v6 =	vmul.f32 v6, v8;
	v5 =	vadd.f32 v5, v9;
	v9 =	vmul.f32 v14, v1  }
0x15c: {  	v4 =	vmul.f32 v4, v8;
	v8 =	vmul.f32 v13, v1;
	v13 =	vld [tilespmem:s28+$0x12A10]  }
0x15d: {  	v14 =	vmul.f32 v17, v16;
	v1 =	vld [tilespmem:s28+$0x11A00];
	v3 =	vmul.f32 v3, v2  }
0x15e: {  	v10 =	vadd.f32 v6, v10;
	v6 =	vmul.f32 v15, v2;
	v4 =	vadd.f32 v4, v7;
	v7 =	vld [tilespmem:s28+$0x12E00]  }
0x15f: {  	v15 =	vmul.f32 v18, v16;
	v16 =	vmul.f32 v12, v16;
	v2 =	vadd.f32 v3, v8;
	v8 =	vld [tilespmem:s28+$0x13000]  }
0x160: {  	v12 =	vmul.f32 v19, v11;
	v3 =	vadd.f32 v6, v9;
	v6 =	vadd.f32 v14, v5;
	v9 =	vld [tilespmem:s28+$0x13200]  }
0x161: {  	s1 =	simm.s32 $0x80;
	s0 =	simm.s32 $0x0;
	v5 =	vadd.f32 v15, v10;
	v4 =	vadd.f32 v16, v4;
	v10 =	vld [tilespmem:s28+$0x12E10];
	v11 =	vmul.f32 v13, v11  }
.LBB2_7:
0x162: {  	s29 =	sshra.s32 s1, $0x2;
	v2 =	vadd.f32 v12, v2;
	v12 =	vld [tilespmem:s28+$0x13010]  }
0x163: {  	v13 =	vld [tilespmem:s29+$0x11410];
	v7 =	vmul.f32 v7, v1;
	v3 =	vadd.f32 v11, v3  }
0x164: {  	v11 =	vld [tilespmem:s29+$0x11610];
	v8 =	vmul.f32 v8, v1  }
0x165: {  	s0 =	sadd.s32 $0x2, s0;
	v14 =	vld [tilespmem:s29+$0x12010];
	v6 =	vadd.f32 v7, v6;
	v1 =	vmul.f32 v9, v1  }
0x166: {  	p1 =	slt.u32 s0, $0x1E;
	v7 =	vld [tilespmem:s29+$0x12610];
	v5 =	vadd.f32 v8, v5;
	v8 =	vmul.f32 v10, v0  }
0x167: {  	v15 =	vld [tilespmem:s29+$0x11810];
	[tilespmem:s28+$0x13400] =	vst v6;
	v1 =	vadd.f32 v1, v4;
	v4 =	vmul.f32 v12, v0  }
0x168: {  	v6 =	vld [tilespmem:s29+$0x12C10];
	[tilespmem:s28+$0x13600] =	vst v5;
	v2 =	vadd.f32 v8, v2  }
0x169: {  	v0 =	vld [tilespmem:s29+$0x11A10];
	[tilespmem:s28+$0x13800] =	vst v1;
	v1 =	vadd.f32 v4, v3  }
0x16a: {  	v3 =	vld [tilespmem:s29+$0x13210];
	[tilespmem:s28+$0x13410] =	vst v2  }
0x16b: {  	v4 =	vmul.f32 v14, v13;
	v2 =	vld [tilespmem:s29+$0x11400];
	v5 =	vmul.f32 v7, v11;
	[tilespmem:s28+$0x13610] =	vst v1;
	s28 =	smov.u32 s29  }
0x16c: {  	v1 =	vld [tilespmem:s28+$0x11600]  }
0x16d: {  	v7 =	vld [tilespmem:s28+$0x11C00];
	v4 =	vadd.f32 v5, v4;
	v5 =	vmul.f32 v6, v15  }
0x16e: {  	v6 =	vld [tilespmem:s28+$0x12200]  }
0x16f: {  	v8 =	vld [tilespmem:s28+$0x11E00];
	v4 =	vadd.f32 v5, v4;
	v3 =	vmul.f32 v3, v0  }
0x170: {  	v5 =	vld [tilespmem:s28+$0x12400]  }
0x171: {  	v9 =	vld [tilespmem:s28+$0x12000];
	v3 =	vadd.f32 v3, v4  }
0x172: {  	v4 =	vmul.f32 v7, v2;
	v7 =	vld [tilespmem:s28+$0x12600]  }
0x173: {  	v6 =	vmul.f32 v6, v1;
	v10 =	vld [tilespmem:s28+$0x11C10];
	[tilespmem:s28+$0x13810] =	vst v3  }
0x174: {  	v3 =	vmul.f32 v8, v2;
	v8 =	vld [tilespmem:s28+$0x12210]  }
0x175: {  	v4 =	vadd.f32 v6, v4;
	v5 =	vmul.f32 v5, v1;
	v6 =	vld [tilespmem:s28+$0x11E10]  }
0x176: {  	v2 =	vmul.f32 v9, v2;
	v9 =	vld [tilespmem:s28+$0x12410]  }
0x177: {  	v12 =	vld [tilespmem:s28+$0x11800];
	v5 =	vadd.f32 v5, v3;
	v1 =	vmul.f32 v7, v1  }
0x178: {  	v3 =	vld [tilespmem:s28+$0x12800];
	v7 =	vmul.f32 v10, v13  }
0x179: {  	v10 =	vld [tilespmem:s28+$0x12A00];
	v14 =	vadd.f32 v1, v2;
	v1 =	vmul.f32 v8, v11  }
0x17a: {  	v16 =	vld [tilespmem:s28+$0x12C00];
	v6 =	vmul.f32 v6, v13  }
0x17b: {  	v2 =	vadd.f32 v1, v7;
	v13 =	vld [tilespmem:s28+$0x12810];
	v7 =	vmul.f32 v9, v11  }
0x17c: {  	v11 =	vld [tilespmem:s28+$0x12A10]  }
.Ltmp4:
0x17d: {  	v1 =	vld [tilespmem:s28+$0x11A00];
	v8 =	vmul.f32 v3, v12;
	v3 =	vadd.f32 v7, v6;
	(pc) =	sbr.rel @p1 .LBB2_7-.Ltmp4, $4  }
0x17e: {  	v7 =	vld [tilespmem:s28+$0x12E00];
	v9 =	vmul.f32 v10, v12  }
0x17f: {  	v6 =	vadd.f32 v8, v4;
	v8 =	vld [tilespmem:s28+$0x13000];
	v4 =	vmul.f32 v16, v12  }
0x180: {  	v5 =	vadd.f32 v9, v5;
	v9 =	vld [tilespmem:s28+$0x13200];
	v12 =	vmul.f32 v13, v15  }
0x181: {  	s1 =	sadd.s32 $0x80, s1;
	v4 =	vadd.f32 v4, v14;
	v10 =	vld [tilespmem:s28+$0x12E10];
	v11 =	vmul.f32 v11, v15  }
0x182: {  	v13 =	vld [tilespmem:s28+$0x13010]  }
0x183: {  	v7 =	vmul.f32 v7, v1  }
0x184: {  	v8 =	vmul.f32 v8, v1  }
0x185: {  	v6 =	vadd.f32 v7, v6;
	v1 =	vmul.f32 v9, v1  }
0x186: {  	v2 =	vadd.f32 v12, v2;
	v5 =	vadd.f32 v8, v5;
	v53 =	vmul.f32 v10, v0  }
0x187: {  	s29 =	smul.u32 $0x600, s20;
	v3 =	vadd.f32 v11, v3;
	[tilespmem:s28+$0x13400] =	vst v6;
	v1 =	vadd.f32 v1, v4;
	v0 =	vmul.f32 v13, v0  }
0x188: {  	[tilespmem:s28+$0x13600] =	vst v5;
	v2 =	vadd.f32 v53, v2  }
0x189: {  	s0 =	sadd.s32 s4, s29;
	[tilespmem:s28+$0x13800] =	vst v1;
	v0 =	vadd.f32 v0, v3  }
0x18a: {  	s0 =	sshrl.u32 s0, $0x3;
	[tilespmem:s28+$0x13410] =	vst v2  }
0x18b: {  	s31 =	simm.s32 $0x0;
	s1 =	simm.s32 $0x13400;
	s0 =	sadd.s32 s2, s0;
	[tilespmem:s28+$0x13610] =	vst v0  }
0x18c: {  	v0 =	vmov s21;
	[hbm4b:s0+s31] =	stream.linear.scatter [tilespmem:s1], [sflag:$0x4], $0x200, $0x38;
	[tilespmem:$0x1B600] =	vst v63  }
0x18d: {  	s11 =	simm.s32 $0x13600;
	v1 =	vmov s22;
	s1 =	sadd.s32 $0x1F800, s0  }
0x18e: {  	[hbm4b:s1+s31] =	stream.linear.scatter [tilespmem:s11], [sflag:$0x4], $0x200, $0x38;
	[tilespmem:$0x1B600] =	vst v63  }
0x18f: {  	s30 =	simm.s32 $0x0;
	s0 =	sadd.s32 $0x3F000, s0;
	s11 =	simm.s32 $0x13800  }
0x190: {  	[hbm4b:s0+s31] =	stream.linear.scatter [tilespmem:s11], [sflag:$0x4], $0x200, $0x38;
	[tilespmem:$0x1B600] =	vst v63  }
0x191: {  	v2 =	vld.idx.msk [tilespmem:v0+s30+$0x0 ss:$0x1], $0xffff  }
0x192: {  	v3 =	vld.idx.msk [tilespmem:v1+s30+$0xFFFFFFF0 ss:$0x1], $0xffff;
	_ =	sdelay $0x4  }
0x193: {  	v2 =	vmul.f32 $4.096000000e+03, v2;
	v3 =	vmul.f32 $4.096000000e+03, v3;
	_ =	sdelay $0x1  }
0x194: {  	v4 =	vtrunc.f32 v2;
	v5 =	vtrunc.f32 v3  }
0x195: {  	v4 =	vcvt.f32.s32 v4;
	v5 =	vcvt.f32.s32 v5;
	_ =	sdelay $0x1  }
0x196: {  	vm0 =	vgt.s32 v4, $0x0;
	vm15 =	vgt.s32 v5, $0x0  }
0x197: {  	v56 =	vcvt.s32.f32 v5;
	v54 =	vnsel vm0, $0x0, v4;
	v4 =	vcvt.s32.f32 v4  }
0x198: {  	v5 =	vnsel vm15, $0x0, v5;
	v55 =	vmin.u32 v54, $0xFFE;
	v6 =	vmin.u32 v54, $0xFFF  }
0x199: {  	v57 =	vmin.u32 v5, $0xFFF;
	v7 =	vshll.u32 v55, $0xC;
	v6 =	vshll.u32 v6, $0xC  }
0x19a: {  	v5 =	vmin.u32 v5, $0xFFE;
	v7 =	vadd.s32 $0x1000, v7;
	v9 =	vor.u32 v57, v6  }
0x19b: {  	v2 =	vsub.f32 v2, v4;
	v4 =	vadd.s32 $0x1, v5;
	v5 =	vor.u32 v57, v7;
	[tilespmem:s30+$0x17800] =	vst v9  }
0x19c: {  	v7 =	vadd.s32 v4, v7;
	[tilespmem:s30+$0x18400] =	vst v5  }
0x19d: {  	v3 =	vsub.f32 v3, v56;
	v4 =	vadd.s32 v4, v6;
	[tilespmem:s30+$0x18A00] =	vst v7  }
0x19e: {  	v58 =	vadd.s32 $0x1000000, v5;
	[tilespmem:s30+$0x17E00] =	vst v4  }
0x19f: {  	v60 =	vsub.f32 $1.000000000e+00, v3;
	v5 =	vor.u32 $0x2000000, v5;
	[tilespmem:s30+$0x18600] =	vst v58  }
0x1a0: {  	v62 =	vadd.s32 $0x2000000, v7;
	[tilespmem:s30+$0x18800] =	vst v5  }
0x1a1: {  	v59 =	vsub.f32 $1.000000000e+00, v2;
	v63 =	vmul.f32 v2, v60;
	v5 =	vadd.s32 $0x1000000, v7;
	[tilespmem:s30+$0x18E00] =	vst v62  }
0x1a2: {  	[tilespmem:s30+$0x18C00] =	vst v5  }
0x1a3: {  	v61 =	vmul.f32 v59, v60;
	v5 =	vor.u32 $0x1000000, v9;
	[tilespmem:s30+$0x19400] =	vst v63  }
0x1a4: {  	[tilespmem:s30+$0x17A00] =	vst v5;
	v5 =	vmul.f32 v59, v3  }
0x1a5: {  	[tilespmem:s30+$0x19000] =	vst v61  }
0x1a6: {  	[tilespmem:s30+$0x19200] =	vst v5;
	v5 =	vmul.f32 v2, v3;
	v2 =	vor.u32 $0x2000000, v4  }
0x1a7: {  	[tilespmem:s30+$0x18200] =	vst v2  }
0x1a8: {  	s28 =	sadd.s32 $0x400, s29;
	s1 =	simm.s32 $0x0;
	v3 =	vor.u32 $0x2000000, v9;
	v2 =	vadd.s32 $0x1000000, v4;
	[tilespmem:s30+$0x19600] =	vst v5  }
.LBB2_9:
0x1a9: {  	s1 =	sadd.s32 $0x2, s1;
	[tilespmem:s30+$0x18000] =	vst v2;
	s31 =	sadd.s32 $0x80, s31  }
0x1aa: {  	p1 =	slt.u32 s1, $0x1E;
	[tilespmem:s30+$0x17C00] =	vst v3  }
0x1ab: {  	v2 =	vld.idx.msk [tilespmem:v1+s30+$0x0 ss:$0x1], $0xffff  }
0x1ac: {  	v3 =	vld.idx.msk [tilespmem:v0+s30+$0x10 ss:$0x1], $0xffff;
	_ =	sdelay $0x4  }
0x1ad: {  	v2 =	vmul.f32 $4.096000000e+03, v2  }
0x1ae: {  	v3 =	vmul.f32 $4.096000000e+03, v3  }
0x1af: {  	v4 =	vtrunc.f32 v2  }
0x1b0: {  	v4 =	vcvt.f32.s32 v4;
	v5 =	vtrunc.f32 v3  }
0x1b1: {  	v5 =	vcvt.f32.s32 v5  }
0x1b2: {  	v6 =	vcvt.s32.f32 v4;
	vm0 =	vgt.s32 v4, $0x0  }
0x1b3: {  	v7 =	vcvt.s32.f32 v5;
	v4 =	vnsel vm0, $0x0, v4;
	vm0 =	vgt.s32 v5, $0x0  }
0x1b4: {  	v2 =	vsub.f32 v2, v6;
	v6 =	vmin.u32 v4, $0xFFF;
	v5 =	vnsel vm0, $0x0, v5  }
0x1b5: {  	v3 =	vsub.f32 v3, v7;
	v7 =	vmin.u32 v5, $0xFFF;
	v5 =	vmin.u32 v5, $0xFFE  }
0x1b6: {  	v4 =	vmin.u32 v4, $0xFFE;
	v7 =	vshll.u32 v7, $0xC;
	v5 =	vshll.u32 v5, $0xC  }
0x1b7: {  	v8 =	vsub.f32 $1.000000000e+00, v2;
	v5 =	vadd.s32 $0x1000, v5;
	v9 =	vsub.f32 $1.000000000e+00, v3  }
0x1b8: {  	v4 =	vadd.s32 $0x1, v4;
	v10 =	vor.u32 v6, v7;
	v6 =	vor.u32 v6, v5  }
0x1b9: {  	v11 =	vadd.s32 $0x1000000, v6;
	v12 =	vmul.f32 v9, v8;
	v9 =	vmul.f32 v9, v2;
	[tilespmem:s30+$0x18410] =	vst v6  }
0x1ba: {  	v7 =	vadd.s32 v4, v7;
	v8 =	vmul.f32 v3, v8;
	v6 =	vor.u32 $0x2000000, v6;
	[tilespmem:s30+$0x17810] =	vst v10  }
0x1bb: {  	v13 =	vor.u32 $0x1000000, v10;
	v14 =	vadd.s32 $0x1000000, v7;
	v15 =	vor.u32 $0x2000000, v7;
	[tilespmem:s30+$0x19210] =	vst v9  }
0x1bc: {  	v4 =	vadd.s32 v4, v5;
	v5 =	vor.u32 $0x2000000, v10;
	v2 =	vmul.f32 v3, v2;
	[tilespmem:s30+$0x19010] =	vst v12  }
0x1bd: {  	v3 =	vadd.s32 $0x1000000, v4;
	v9 =	vadd.s32 $0x2000000, v4;
	[tilespmem:s30+$0x19410] =	vst v8  }
0x1be: {  	[tilespmem:s30+$0x17A10] =	vst v13  }
0x1bf: {  	[tilespmem:s30+$0x18810] =	vst v6  }
0x1c0: {  	s0 =	sshra.s32 s31, $0x2;
	[tilespmem:s30+$0x18010] =	vst v14  }
0x1c1: {  	[tilespmem:s30+$0x18610] =	vst v11  }
0x1c2: {  	[tilespmem:s30+$0x18C10] =	vst v3  }
0x1c3: {  	[tilespmem:s30+$0x18E10] =	vst v9  }
0x1c4: {  	[tilespmem:s30+$0x18210] =	vst v15  }
0x1c5: {  	[tilespmem:s30+$0x17E10] =	vst v7  }
0x1c6: {  	[tilespmem:s30+$0x18A10] =	vst v4  }
0x1c7: {  	[tilespmem:s30+$0x17C10] =	vst v5  }
0x1c8: {  	[tilespmem:s30+$0x19610] =	vst v2;
	s30 =	smov.u32 s0  }
0x1c9: {  	v2 =	vld.idx.msk [tilespmem:v0+s30+$0x0 ss:$0x1], $0xffff  }
0x1ca: {  	v3 =	vld.idx.msk [tilespmem:v1+s30+$0xFFFFFFF0 ss:$0x1], $0xffff;
	_ =	sdelay $0x4  }
0x1cb: {  	v2 =	vmul.f32 $4.096000000e+03, v2  }
0x1cc: {  	v3 =	vmul.f32 $4.096000000e+03, v3  }
0x1cd: {  	v4 =	vtrunc.f32 v2  }
0x1ce: {  	v5 =	vtrunc.f32 v3;
	v4 =	vcvt.f32.s32 v4  }
0x1cf: {  	v5 =	vcvt.f32.s32 v5  }
0x1d0: {  	v6 =	vcvt.s32.f32 v4;
	vm0 =	vgt.s32 v4, $0x0  }
0x1d1: {  	v7 =	vcvt.s32.f32 v5;
	vm1 =	vgt.s32 v5, $0x0;
	v4 =	vnsel vm0, $0x0, v4  }
0x1d2: {  	v6 =	vsub.f32 v2, v6;
	v2 =	vnsel vm1, $0x0, v5;
	v5 =	vmin.u32 v4, $0xFFE  }
0x1d3: {  	v4 =	vmin.u32 v4, $0xFFF;
	v8 =	vmin.u32 v2, $0xFFF;
	v5 =	vshll.u32 v5, $0xC  }
0x1d4: {  	v2 =	vmin.u32 v2, $0xFFE;
	v5 =	vadd.s32 $0x1000, v5;
	v9 =	vsub.f32 $1.000000000e+00, v6  }
0x1d5: {  	v3 =	vsub.f32 v3, v7;
	v2 =	vadd.s32 $0x1, v2;
	v7 =	vor.u32 v8, v5  }
0x1d6: {  	v4 =	vshll.u32 v4, $0xC;
	v5 =	vadd.s32 v2, v5;
	[tilespmem:s30+$0x18400] =	vst v7  }
0x1d7: {  	v11 =	vsub.f32 $1.000000000e+00, v3;
	v10 =	vadd.s32 $0x1000000, v7;
	v7 =	vor.u32 $0x2000000, v7;
	[tilespmem:s30+$0x18A00] =	vst v5  }
0x1d8: {  	v8 =	vor.u32 v8, v4;
	v4 =	vadd.s32 v2, v4;
	[tilespmem:s30+$0x18600] =	vst v10;
	v10 =	vmul.f32 v9, v3  }
0x1d9: {  	v12 =	vor.u32 $0x1000000, v8;
	v9 =	vmul.f32 v9, v11;
	v11 =	vmul.f32 v6, v11;
	[tilespmem:s30+$0x17800] =	vst v8  }
0x1da: {  	v2 =	vadd.s32 $0x1000000, v4;
	v6 =	vmul.f32 v6, v3;
	[tilespmem:s30+$0x18800] =	vst v7;
	v7 =	vadd.s32 $0x1000000, v5  }
0x1db: {  	v13 =	vor.u32 $0x2000000, v4;
	[tilespmem:s30+$0x18C00] =	vst v7  }
0x1dc: {  	v3 =	vor.u32 $0x2000000, v8;
	[tilespmem:s30+$0x19000] =	vst v9  }
0x1dd: {  	[tilespmem:s30+$0x17A00] =	vst v12  }
0x1de: {  	[tilespmem:s30+$0x17E00] =	vst v4;
	v4 =	vadd.s32 $0x2000000, v5  }
.Ltmp5:
0x1df: {  	[tilespmem:s30+$0x18E00] =	vst v4;
	(pc) =	sbr.rel @p1 .LBB2_9-.Ltmp5, $4  }
0x1e0: {  	[tilespmem:s30+$0x19200] =	vst v10  }
0x1e1: {  	[tilespmem:s30+$0x19400] =	vst v11  }
0x1e2: {  	[tilespmem:s30+$0x18200] =	vst v13  }
0x1e3: {  	[tilespmem:s30+$0x19600] =	vst v6  }
0x1e4: {  	_ =	sdelay $0x1  }
0x1e5: {  	[tilespmem:s30+$0x18000] =	vst v2  }
0x1e6: {  	[tilespmem:s30+$0x17C00] =	vst v3  }
0x1e7: {  	v0 =	vld.idx.msk [tilespmem:v0+s30+$0x10 ss:$0x1], $0xffff  }
0x1e8: {  	v1 =	vld.idx.msk [tilespmem:v1+s30+$0x0 ss:$0x1], $0xffff;
	_ =	sdelay $0x3  }
0x1e9: {  	v0 =	vmul.f32 $4.096000000e+03, v0  }
0x1ea: {  	v1 =	vmul.f32 $4.096000000e+03, v1  }
0x1eb: {  	v2 =	vtrunc.f32 v0  }
0x1ec: {  	v3 =	vtrunc.f32 v1;
	v2 =	vcvt.f32.s32 v2  }
0x1ed: {  	v3 =	vcvt.f32.s32 v3  }
0x1ee: {  	v4 =	vcvt.s32.f32 v2;
	vm0 =	vgt.s32 v2, $0x0  }
0x1ef: {  	v5 =	vcvt.s32.f32 v3;
	v2 =	vnsel vm0, $0x0, v2  }
0x1f0: {  	vm15 =	vgt.s32 v3, $0x0;
	v0 =	vsub.f32 v0, v4;
	v4 =	vmin.u32 v2, $0xFFE  }
0x1f1: {  	v3 =	vnsel vm15, $0x0, v3;
	v1 =	vsub.f32 v1, v5;
	v4 =	vshll.u32 v4, $0xC  }
0x1f2: {  	v5 =	vmin.u32 v3, $0xFFF;
	v2 =	vmin.u32 v2, $0xFFF;
	v4 =	vadd.s32 $0x1000, v4  }
0x1f3: {  	v3 =	vmin.u32 v3, $0xFFE;
	v2 =	vshll.u32 v2, $0xC;
	v8 =	vor.u32 v5, v4  }
0x1f4: {  	v3 =	vadd.s32 $0x1, v3;
	v5 =	vor.u32 v5, v2;
	[tilespmem:s30+$0x18410] =	vst v8  }
0x1f5: {  	v6 =	vsub.f32 $1.000000000e+00, v0;
	v2 =	vadd.s32 v3, v2;
	[tilespmem:s30+$0x17810] =	vst v5  }
0x1f6: {  	v7 =	vsub.f32 $1.000000000e+00, v1;
	v3 =	vadd.s32 v3, v4;
	[tilespmem:s30+$0x17E10] =	vst v2  }
0x1f7: {  	v9 =	vmul.f32 v6, v1;
	v4 =	vadd.s32 $0x1000000, v3;
	[tilespmem:s30+$0x18A10] =	vst v3  }
0x1f8: {  	v6 =	vmul.f32 v6, v7;
	[tilespmem:s30+$0x18C10] =	vst v4  }
0x1f9: {  	v7 =	vmul.f32 v0, v7;
	[tilespmem:s30+$0x19210] =	vst v9  }
0x1fa: {  	[tilespmem:s30+$0x19010] =	vst v6  }
0x1fb: {  	v0 =	vmul.f32 v0, v1;
	v4 =	vor.u32 $0x2000000, v2;
	[tilespmem:s30+$0x19410] =	vst v7  }
0x1fc: {  	[tilespmem:s30+$0x18210] =	vst v4  }
0x1fd: {  	v6 =	vor.u32 $0x1000000, v5;
	[tilespmem:s30+$0x19610] =	vst v0  }
0x1fe: {  	v7 =	vor.u32 $0x2000000, v8;
	[tilespmem:s30+$0x17A10] =	vst v6  }
0x1ff: {  	v6 =	vadd.s32 $0x1000000, v2;
	[tilespmem:s30+$0x18810] =	vst v7  }
0x200: {  	v7 =	vadd.s32 $0x1000000, v8;
	[tilespmem:s30+$0x18010] =	vst v6  }
0x201: {  	v2 =	vor.u32 $0x2000000, v5;
	[tilespmem:s30+$0x18610] =	vst v7  }
0x202: {  	v6 =	vadd.s32 $0x2000000, v3;
	[tilespmem:s30+$0x17C10] =	vst v2  }
0x203: {  	s0 =	simm.s32 $0x17800;
	s1 =	simm.s32 $0x19800;
	[tilespmem:s30+$0x18E10] =	vst v6  }
0x204: {  	[tilespmem:s1], [sflag:$0x3] =	stream.indirect.gather [hbm4b:s5+s12], $0x1, s0, s12, $0xb8;
	[tilespmem:$0x1B600] =	vst v63  }
0x205: {  	s11 =	simm.s32 $0x17A00;
	s31 =	simm.s32 $0x19A00  }
0x206: {  	[tilespmem:s31], [sflag:$0x3] =	stream.indirect.gather [hbm4b:s5+s12], $0x1, s11, s12, $0xb8;
	[tilespmem:$0x1B600] =	vst v63  }
0x207: {  	s11 =	simm.s32 $0x17C00;
	s31 =	simm.s32 $0x19C00  }
0x208: {  	[tilespmem:s31], [sflag:$0x3] =	stream.indirect.gather [hbm4b:s5+s12], $0x1, s11, s12, $0xb8;
	[tilespmem:$0x1B600] =	vst v63  }
0x209: {  	s11 =	simm.s32 $0x17E00;
	s31 =	simm.s32 $0x19E00  }
0x20a: {  	[tilespmem:s31], [sflag:$0x3] =	stream.indirect.gather [hbm4b:s5+s12], $0x1, s11, s12, $0xb8;
	[tilespmem:$0x1B600] =	vst v63  }
0x20b: {  	s11 =	simm.s32 $0x18000;
	s31 =	simm.s32 $0x1A000  }
0x20c: {  	[tilespmem:s31], [sflag:$0x3] =	stream.indirect.gather [hbm4b:s5+s12], $0x1, s11, s12, $0xb8;
	[tilespmem:$0x1B600] =	vst v63  }
0x20d: {  	s11 =	simm.s32 $0x18200;
	s31 =	simm.s32 $0x1A200  }
0x20e: {  	[tilespmem:s31], [sflag:$0x3] =	stream.indirect.gather [hbm4b:s5+s12], $0x1, s11, s12, $0xb8;
	[tilespmem:$0x1B600] =	vst v63  }
0x20f: {  	s11 =	simm.s32 $0x18400;
	s31 =	simm.s32 $0x1A400  }
0x210: {  	[tilespmem:s31], [sflag:$0x3] =	stream.indirect.gather [hbm4b:s5+s12], $0x1, s11, s12, $0xb8;
	[tilespmem:$0x1B600] =	vst v63  }
0x211: {  	s11 =	simm.s32 $0x18600;
	s31 =	simm.s32 $0x1A600  }
0x212: {  	[tilespmem:s31], [sflag:$0x3] =	stream.indirect.gather [hbm4b:s5+s12], $0x1, s11, s12, $0xb8;
	[tilespmem:$0x1B600] =	vst v63  }
0x213: {  	s11 =	simm.s32 $0x18800;
	s31 =	simm.s32 $0x1A800  }
0x214: {  	[tilespmem:s31], [sflag:$0x3] =	stream.indirect.gather [hbm4b:s5+s12], $0x1, s11, s12, $0xb8;
	[tilespmem:$0x1B600] =	vst v63  }
0x215: {  	s1 =	simm.s32 $0x18A00;
	s11 =	simm.s32 $0x1AA00  }
0x216: {  	[tilespmem:s11], [sflag:$0x3] =	stream.indirect.gather [hbm4b:s5+s12], $0x1, s1, s12, $0xb8;
	[tilespmem:$0x1B600] =	vst v63  }
0x217: {  	s31 =	simm.s32 $0x18C00  }
0x218: {  	[tilespmem:s3], [sflag:$0x3] =	stream.indirect.gather [hbm4b:s5+s12], $0x1, s31, s12, $0xb8;
	[tilespmem:$0x1B600] =	vst v63  }
0x219: {  	_ = 	snop  }
0x21a: {  	[tilespmem:s9], [sflag:$0x3] =	stream.indirect.gather [hbm4b:s5+s12], $0x1, s7, s12, $0xb8;
	[tilespmem:$0x1B600] =	vst v63  }
0x21b: {  	_ =	swait.ge [sflag:s10], $0x200  }
0x21c: {  	[sflag:s10] =	ssyncset.done $0x0  }
0x21d: {  	[sflag:s10] =	ssyncadd.s32 $0xFFFFFE00  }
0x21e: {  	_ =	swait.ge [sflag:s10], $0x200  }
0x21f: {  	[sflag:s10] =	ssyncset.done $0x0  }
0x220: {  	[sflag:s10] =	ssyncadd.s32 $0xFFFFFE00  }
0x221: {  	_ =	swait.ge [sflag:s10], $0x200  }
0x222: {  	[sflag:s10] =	ssyncset.done $0x0  }
0x223: {  	[sflag:s10] =	ssyncadd.s32 $0xFFFFFE00  }
0x224: {  	_ =	swait.ge [sflag:s10], $0x200  }
0x225: {  	[sflag:s10] =	ssyncset.done $0x0  }
0x226: {  	[sflag:s10] =	ssyncadd.s32 $0xFFFFFE00  }
0x227: {  	_ =	swait.ge [sflag:s10], $0x200  }
0x228: {  	[sflag:s10] =	ssyncset.done $0x0  }
0x229: {  	[sflag:s10] =	ssyncadd.s32 $0xFFFFFE00  }
0x22a: {  	_ =	swait.ge [sflag:s10], $0x200  }
0x22b: {  	[sflag:s10] =	ssyncset.done $0x0  }
0x22c: {  	[sflag:s10] =	ssyncadd.s32 $0xFFFFFE00  }
0x22d: {  	_ =	swait.ge [sflag:s10], $0x200  }
0x22e: {  	[sflag:s10] =	ssyncset.done $0x0  }
0x22f: {  	[sflag:s10] =	ssyncadd.s32 $0xFFFFFE00  }
0x230: {  	_ =	swait.ge [sflag:s10], $0x200  }
0x231: {  	[sflag:s10] =	ssyncset.done $0x0  }
0x232: {  	[sflag:s10] =	ssyncadd.s32 $0xFFFFFE00  }
0x233: {  	_ =	swait.ge [sflag:s10], $0x200  }
0x234: {  	[sflag:s10] =	ssyncset.done $0x0  }
0x235: {  	[sflag:s10] =	ssyncadd.s32 $0xFFFFFE00  }
0x236: {  	_ =	swait.ge [sflag:s10], $0x200  }
0x237: {  	[sflag:s10] =	ssyncset.done $0x0  }
0x238: {  	[sflag:s10] =	ssyncadd.s32 $0xFFFFFE00  }
0x239: {  	_ =	swait.ge [sflag:s10], $0x200  }
0x23a: {  	[sflag:s10] =	ssyncset.done $0x0  }
0x23b: {  	[sflag:s10] =	ssyncadd.s32 $0xFFFFFE00  }
0x23c: {  	_ =	swait.ge [sflag:s10], $0x200  }
0x23d: {  	[sflag:s10] =	ssyncset.done $0x0  }
0x23e: {  	s0 =	simm.s32 @!p0 $0x5;
	[sflag:s10] =	ssyncadd.s32 $0xFFFFFE00  }
0x23f: {  	_ =	swait.ge @!p0 [sflag:s0], $0x200  }
0x240: {  	[sflag:s0] =	ssyncset.done @!p0 $0x0  }
0x241: {  	[sflag:s0] =	ssyncadd.s32 @!p0 $0xFFFFFE00  }
0x242: {  	_ =	swait.ge @!p0 [sflag:s0], $0x200  }
0x243: {  	[sflag:s0] =	ssyncset.done @!p0 $0x0  }
0x244: {  	[sflag:s0] =	ssyncadd.s32 @!p0 $0xFFFFFE00  }
0x245: {  	_ =	swait.ge @!p0 [sflag:s0], $0x200  }
0x246: {  	[sflag:s0] =	ssyncset.done @!p0 $0x0  }
0x247: {  	s30 =	simm.s32 $0x0;
	[sflag:s0] =	ssyncadd.s32 @!p0 $0xFFFFFE00  }
0x248: {  	v1 =	vld [tilespmem:s30+$0x15210]  }
0x249: {  	v2 =	vld [tilespmem:s30+$0x15410]  }
0x24a: {  	v3 =	vld [tilespmem:s30+$0x15E10]  }
0x24b: {  	v4 =	vld [tilespmem:s30+$0x16410]  }
0x24c: {  	v11 =	vld [tilespmem:s30+$0x15610]  }
0x24d: {  	v5 =	vld [tilespmem:s30+$0x16A10]  }
0x24e: {  	v0 =	vld [tilespmem:s30+$0x15810]  }
0x24f: {  	v6 =	vld [tilespmem:s30+$0x17010]  }
0x250: {  	v7 =	vld [tilespmem:s30+$0x15200]  }
0x251: {  	v8 =	vld [tilespmem:s30+$0x15400]  }
0x252: {  	v9 =	vld [tilespmem:s30+$0x15A00]  }
0x253: {  	v10 =	vld [tilespmem:s30+$0x15C00]  }
0x254: {  	v12 =	vld [tilespmem:s30+$0x15E00]  }
0x255: {  	v13 =	vld [tilespmem:s30+$0x15A10];
	v3 =	vmul.f32 v3, v1;
	v4 =	vmul.f32 v4, v2  }
0x256: {  	v14 =	vld [tilespmem:s30+$0x15C10]  }
0x257: {  	v15 =	vld [tilespmem:s30+$0x16210];
	v3 =	vadd.f32 v4, v3;
	v4 =	vmul.f32 v5, v11  }
0x258: {  	v16 =	vld [tilespmem:s30+$0x15600]  }
0x259: {  	v5 =	vld [tilespmem:s30+$0x16000];
	v3 =	vadd.f32 v4, v3;
	v4 =	vmul.f32 v6, v0  }
0x25a: {  	v17 =	vld [tilespmem:s30+$0x16600]  }
0x25b: {  	v6 =	vld [tilespmem:s30+$0x16200];
	v3 =	vadd.f32 v4, v3  }
0x25c: {  	v4 =	vld [tilespmem:s30+$0x16400]  }
0x25d: {  	[tilespmem:s30+$0x17610] =	vst v3;
	v3 =	vld [tilespmem:s30+$0x16010]  }
0x25e: {  	v18 =	vld [tilespmem:s30+$0x16800];
	v9 =	vmul.f32 v9, v7;
	v5 =	vmul.f32 v5, v8  }
0x25f: {  	v10 =	vmul.f32 v10, v7;
	v7 =	vmul.f32 v12, v7;
	v12 =	vld [tilespmem:s30+$0x16A00]  }
0x260: {  	v19 =	vld [tilespmem:s30+$0x16610];
	v6 =	vmul.f32 v6, v8;
	v5 =	vadd.f32 v5, v9;
	v9 =	vmul.f32 v14, v1  }
0x261: {  	v4 =	vmul.f32 v4, v8;
	v8 =	vmul.f32 v13, v1;
	v13 =	vld [tilespmem:s30+$0x16810]  }
0x262: {  	v14 =	vmul.f32 v17, v16;
	v1 =	vld [tilespmem:s30+$0x15800];
	v3 =	vmul.f32 v3, v2  }
0x263: {  	v10 =	vadd.f32 v6, v10;
	v6 =	vmul.f32 v15, v2;
	v4 =	vadd.f32 v4, v7;
	v7 =	vld [tilespmem:s30+$0x16C00]  }
0x264: {  	v15 =	vmul.f32 v18, v16;
	v16 =	vmul.f32 v12, v16;
	v2 =	vadd.f32 v3, v8;
	v8 =	vld [tilespmem:s30+$0x16E00]  }
0x265: {  	v12 =	vmul.f32 v19, v11;
	v3 =	vadd.f32 v6, v9;
	v6 =	vadd.f32 v14, v5;
	v9 =	vld [tilespmem:s30+$0x17000]  }
0x266: {  	s1 =	simm.s32 $0x80;
	s0 =	simm.s32 $0x0;
	v5 =	vadd.f32 v15, v10;
	v4 =	vadd.f32 v16, v4;
	v10 =	vld [tilespmem:s30+$0x16C10];
	v11 =	vmul.f32 v13, v11  }
.LBB2_11:
0x267: {  	s31 =	sshra.s32 s1, $0x2;
	v2 =	vadd.f32 v12, v2;
	v12 =	vld [tilespmem:s30+$0x16E10]  }
0x268: {  	v13 =	vld [tilespmem:s31+$0x15210];
	v7 =	vmul.f32 v7, v1;
	v3 =	vadd.f32 v11, v3  }
0x269: {  	v11 =	vld [tilespmem:s31+$0x15410];
	v8 =	vmul.f32 v8, v1  }
0x26a: {  	s0 =	sadd.s32 $0x2, s0;
	v14 =	vld [tilespmem:s31+$0x15E10];
	v6 =	vadd.f32 v7, v6;
	v1 =	vmul.f32 v9, v1  }
0x26b: {  	p1 =	slt.u32 s0, $0x1E;
	v7 =	vld [tilespmem:s31+$0x16410];
	v5 =	vadd.f32 v8, v5;
	v8 =	vmul.f32 v10, v0  }
0x26c: {  	v15 =	vld [tilespmem:s31+$0x15610];
	[tilespmem:s30+$0x17200] =	vst v6;
	v1 =	vadd.f32 v1, v4;
	v4 =	vmul.f32 v12, v0  }
0x26d: {  	v6 =	vld [tilespmem:s31+$0x16A10];
	[tilespmem:s30+$0x17400] =	vst v5;
	v2 =	vadd.f32 v8, v2  }
0x26e: {  	v0 =	vld [tilespmem:s31+$0x15810];
	[tilespmem:s30+$0x17600] =	vst v1;
	v1 =	vadd.f32 v4, v3  }
0x26f: {  	v3 =	vld [tilespmem:s31+$0x17010];
	[tilespmem:s30+$0x17210] =	vst v2  }
0x270: {  	v4 =	vmul.f32 v14, v13;
	v2 =	vld [tilespmem:s31+$0x15200];
	v5 =	vmul.f32 v7, v11;
	[tilespmem:s30+$0x17410] =	vst v1;
	s30 =	smov.u32 s31  }
0x271: {  	v1 =	vld [tilespmem:s30+$0x15400]  }
0x272: {  	v7 =	vld [tilespmem:s30+$0x15A00];
	v4 =	vadd.f32 v5, v4;
	v5 =	vmul.f32 v6, v15  }
0x273: {  	v6 =	vld [tilespmem:s30+$0x16000]  }
0x274: {  	v8 =	vld [tilespmem:s30+$0x15C00];
	v4 =	vadd.f32 v5, v4;
	v3 =	vmul.f32 v3, v0  }
0x275: {  	v5 =	vld [tilespmem:s30+$0x16200]  }
0x276: {  	v9 =	vld [tilespmem:s30+$0x15E00];
	v3 =	vadd.f32 v3, v4  }
0x277: {  	v4 =	vmul.f32 v7, v2;
	v7 =	vld [tilespmem:s30+$0x16400]  }
0x278: {  	v6 =	vmul.f32 v6, v1;
	v10 =	vld [tilespmem:s30+$0x15A10];
	[tilespmem:s30+$0x17610] =	vst v3  }
0x279: {  	v3 =	vmul.f32 v8, v2;
	v8 =	vld [tilespmem:s30+$0x16010]  }
0x27a: {  	v4 =	vadd.f32 v6, v4;
	v5 =	vmul.f32 v5, v1;
	v6 =	vld [tilespmem:s30+$0x15C10]  }
0x27b: {  	v2 =	vmul.f32 v9, v2;
	v9 =	vld [tilespmem:s30+$0x16210]  }
0x27c: {  	v12 =	vld [tilespmem:s30+$0x15600];
	v5 =	vadd.f32 v5, v3;
	v1 =	vmul.f32 v7, v1  }
0x27d: {  	v3 =	vld [tilespmem:s30+$0x16600];
	v7 =	vmul.f32 v10, v13  }
0x27e: {  	v10 =	vld [tilespmem:s30+$0x16800];
	v14 =	vadd.f32 v1, v2;
	v1 =	vmul.f32 v8, v11  }
0x27f: {  	v16 =	vld [tilespmem:s30+$0x16A00];
	v6 =	vmul.f32 v6, v13  }
0x280: {  	v2 =	vadd.f32 v1, v7;
	v13 =	vld [tilespmem:s30+$0x16610];
	v7 =	vmul.f32 v9, v11  }
0x281: {  	v11 =	vld [tilespmem:s30+$0x16810]  }
.Ltmp6:
0x282: {  	v1 =	vld [tilespmem:s30+$0x15800];
	v8 =	vmul.f32 v3, v12;
	v3 =	vadd.f32 v7, v6;
	(pc) =	sbr.rel @p1 .LBB2_11-.Ltmp6, $4  }
0x283: {  	v7 =	vld [tilespmem:s30+$0x16C00];
	v9 =	vmul.f32 v10, v12  }
0x284: {  	v6 =	vadd.f32 v8, v4;
	v8 =	vld [tilespmem:s30+$0x16E00];
	v4 =	vmul.f32 v16, v12  }
0x285: {  	v5 =	vadd.f32 v9, v5;
	v9 =	vld [tilespmem:s30+$0x17000];
	v12 =	vmul.f32 v13, v15  }
0x286: {  	s1 =	sadd.s32 $0x80, s1;
	v4 =	vadd.f32 v4, v14;
	v10 =	vld [tilespmem:s30+$0x16C10];
	v11 =	vmul.f32 v11, v15  }
0x287: {  	v13 =	vld [tilespmem:s30+$0x16E10]  }
0x288: {  	v7 =	vmul.f32 v7, v1  }
0x289: {  	v8 =	vmul.f32 v8, v1  }
0x28a: {  	v6 =	vadd.f32 v7, v6;
	v61 =	vmul.f32 v9, v1  }
0x28b: {  	v2 =	vadd.f32 v12, v2;
	v5 =	vadd.f32 v8, v5;
	v62 =	vmul.f32 v10, v0  }
0x28c: {  	v3 =	vadd.f32 v11, v3;
	[tilespmem:s30+$0x17200] =	vst v6;
	v1 =	vadd.f32 v61, v4;
	v63 =	vmul.f32 v13, v0  }
0x28d: {  	[tilespmem:s30+$0x17400] =	vst v5;
	v2 =	vadd.f32 v62, v2  }
0x28e: {  	s0 =	sadd.s32 s29, s8;
	[tilespmem:s30+$0x17600] =	vst v1;
	v0 =	vadd.f32 v63, v3  }
0x28f: {  	s0 =	sshrl.u32 s0, $0x3;
	[tilespmem:s30+$0x17210] =	vst v2  }
0x290: {  	p1 =	seq.s32 s20, $0x14;
	s0 =	sadd.s32 s2, s0;
	[tilespmem:s30+$0x17410] =	vst v0;
	s30 =	simm.s32 $0x0  }
0x291: {  	[hbm4b:s0+s30] =	stream.linear.scatter [tilespmem:s13], [sflag:$0x5], $0x200, $0x38;
	[tilespmem:$0x1B600] =	vst v63  }
.Ltmp7:
0x292: {  	_ = 	snop;
	(pc) =	sbr.rel @p1 .LBB2_16-.Ltmp7, $4  }
0x293: {  	s1 =	sadd.s32 $0x1F800, s0  }
0x294: {  	[hbm4b:s1+s30] =	stream.linear.scatter [tilespmem:s14], [sflag:$0x5], $0x200, $0x38;
	[tilespmem:$0x1B600] =	vst v63  }
0x295: {  	s0 =	sadd.s32 $0x3F000, s0  }
0x296: {  	[hbm4b:s0+s30] =	stream.linear.scatter [tilespmem:s15], [sflag:$0x5], $0x200, $0x38;
	[tilespmem:$0x1B600] =	vst v63  }
0x297: {  	s1 =	sadd.s32 $0x0, s23  }
0x298: {  	s0 =	sadd.s32 $0x0, s24;
	v0 =	vld [tilespmem:s1+$0x0]  }
0x299: {  	v1 =	vld [tilespmem:s0+$0xFFFFFFF0];
	_ =	sdelay $0x3  }
0x29a: {  	v0 =	vmul.f32 $4.096000000e+03, v0  }
0x29b: {  	v1 =	vmul.f32 $4.096000000e+03, v1  }
0x29c: {  	v2 =	vtrunc.f32 v0  }
0x29d: {  	v3 =	vtrunc.f32 v1;
	v2 =	vcvt.f32.s32 v2  }
0x29e: {  	v3 =	vcvt.f32.s32 v3  }
0x29f: {  	vm0 =	vgt.s32 v2, $0x0;
	v4 =	vcvt.s32.f32 v2  }
0x2a0: {  	v5 =	vcvt.s32.f32 v3;
	vm15 =	vgt.s32 v3, $0x0;
	v2 =	vnsel vm0, $0x0, v2  }
0x2a1: {  	v3 =	vnsel vm15, $0x0, v3;
	v6 =	vmin.u32 v2, $0xFFE;
	v2 =	vmin.u32 v2, $0xFFF  }
0x2a2: {  	v60 =	vmin.u32 v3, $0xFFF;
	v3 =	vmin.u32 v3, $0xFFE;
	v2 =	vshll.u32 v2, $0xC  }
0x2a3: {  	s29 =	simm.s32 $0x0;
	v59 =	vshll.u32 v6, $0xC;
	v3 =	vadd.s32 $0x1, v3;
	v6 =	vor.u32 v60, v2  }
0x2a4: {  	v0 =	vsub.f32 v0, v4;
	v4 =	vadd.s32 $0x1000, v59;
	v2 =	vadd.s32 v3, v2;
	[tilespmem:s29+$0xFC00] =	vst v6  }
0x2a5: {  	v7 =	vor.u32 v60, v4;
	[tilespmem:s29+$0x10200] =	vst v2  }
0x2a6: {  	v4 =	vadd.s32 v3, v4;
	[tilespmem:s29+$0x10800] =	vst v7  }
0x2a7: {  	v1 =	vsub.f32 v1, v5;
	v3 =	vor.u32 $0x1000000, v6;
	[tilespmem:s29+$0x10E00] =	vst v4  }
0x2a8: {  	v8 =	vsub.f32 $1.000000000e+00, v0;
	v61 =	vadd.s32 $0x1000000, v7;
	[tilespmem:s29+$0xFE00] =	vst v3  }
0x2a9: {  	v9 =	vsub.f32 $1.000000000e+00, v1;
	v10 =	vadd.s32 $0x1000000, v4;
	[tilespmem:s29+$0x10A00] =	vst v61  }
0x2aa: {  	v62 =	vmul.f32 v8, v1;
	v63 =	vor.u32 $0x2000000, v7;
	[tilespmem:s29+$0x11000] =	vst v10  }
0x2ab: {  	v1 =	vmul.f32 v0, v1;
	v3 =	vmul.f32 v0, v9;
	v0 =	vadd.s32 $0x2000000, v4;
	[tilespmem:s29+$0x10C00] =	vst v63  }
0x2ac: {  	v8 =	vmul.f32 v8, v9;
	[tilespmem:s29+$0x11200] =	vst v0  }
0x2ad: {  	[tilespmem:s29+$0x11600] =	vst v62  }
0x2ae: {  	[tilespmem:s29+$0x11400] =	vst v8  }
0x2af: {  	[tilespmem:s29+$0x11A00] =	vst v1  }
0x2b0: {  	s31 =	simm.s32 $0x0;
	v0 =	vadd.s32 $0x1000000, v2;
	v1 =	vor.u32 $0x2000000, v2;
	v2 =	vor.u32 $0x2000000, v6;
	[tilespmem:s29+$0x11800] =	vst v3  }
.LBB2_14:
0x2b1: {  	s31 =	sadd.s32 $0x2, s31;
	[tilespmem:s29+$0x10600] =	vst v1;
	s30 =	sadd.s32 $0x80, s30  }
0x2b2: {  	p2 =	slt.u32 s31, $0x1E;
	[tilespmem:s29+$0x10400] =	vst v0  }
0x2b3: {  	[tilespmem:s29+$0x10000] =	vst v2  }
0x2b4: {  	v0 =	vld [tilespmem:s0+$0x0]  }
0x2b5: {  	v1 =	vld [tilespmem:s1+$0x10];
	_ =	sdelay $0x3  }
0x2b6: {  	v0 =	vmul.f32 $4.096000000e+03, v0  }
0x2b7: {  	v1 =	vmul.f32 $4.096000000e+03, v1  }
0x2b8: {  	v2 =	vtrunc.f32 v0  }
0x2b9: {  	v2 =	vcvt.f32.s32 v2;
	v3 =	vtrunc.f32 v1  }
0x2ba: {  	v3 =	vcvt.f32.s32 v3  }
0x2bb: {  	v4 =	vcvt.s32.f32 v2;
	vm0 =	vgt.s32 v2, $0x0  }
0x2bc: {  	v5 =	vcvt.s32.f32 v3;
	v2 =	vnsel vm0, $0x0, v2;
	vm0 =	vgt.s32 v3, $0x0  }
0x2bd: {  	v0 =	vsub.f32 v0, v4;
	v3 =	vnsel vm0, $0x0, v3;
	v4 =	vmin.u32 v2, $0xFFE  }
0x2be: {  	v1 =	vsub.f32 v1, v5;
	v5 =	vmin.u32 v3, $0xFFF;
	v3 =	vmin.u32 v3, $0xFFE  }
0x2bf: {  	v2 =	vmin.u32 v2, $0xFFF;
	v4 =	vadd.s32 $0x1, v4;
	v3 =	vshll.u32 v3, $0xC  }
0x2c0: {  	v6 =	vsub.f32 $1.000000000e+00, v0;
	v3 =	vadd.s32 $0x1000, v3;
	v7 =	vsub.f32 $1.000000000e+00, v1  }
0x2c1: {  	v9 =	vmul.f32 v1, v0;
	v8 =	vor.u32 v2, v3;
	v3 =	vadd.s32 v4, v3  }
0x2c2: {  	[tilespmem:s29+$0x10810] =	vst v8;
	v10 =	vadd.s32 $0x1000000, v8;
	v11 =	vmul.f32 v7, v6;
	v0 =	vmul.f32 v7, v0  }
0x2c3: {  	v1 =	vmul.f32 v1, v6;
	v7 =	vor.u32 $0x2000000, v8;
	v8 =	vadd.s32 $0x1000000, v3;
	[tilespmem:s29+$0x10E10] =	vst v3  }
0x2c4: {  	v5 =	vshll.u32 v5, $0xC;
	v3 =	vadd.s32 $0x2000000, v3;
	[tilespmem:s29+$0x11610] =	vst v0  }
0x2c5: {  	v0 =	vor.u32 v2, v5;
	v2 =	vadd.s32 v4, v5;
	[tilespmem:s29+$0x11410] =	vst v11  }
0x2c6: {  	v4 =	vor.u32 $0x1000000, v0;
	v5 =	vor.u32 $0x2000000, v0;
	v6 =	vadd.s32 $0x1000000, v2;
	[tilespmem:s29+$0x11810] =	vst v1  }
0x2c7: {  	v1 =	vor.u32 $0x2000000, v2;
	[tilespmem:s29+$0x10C10] =	vst v7  }
0x2c8: {  	s11 =	sshra.s32 s30, $0x2;
	[tilespmem:s29+$0x11210] =	vst v3  }
0x2c9: {  	s0 =	sadd.s32 s11, s24;
	s1 =	sadd.s32 s11, s23;
	[tilespmem:s29+$0x11A10] =	vst v9  }
0x2ca: {  	[tilespmem:s29+$0x11010] =	vst v8  }
0x2cb: {  	[tilespmem:s29+$0x10A10] =	vst v10  }
0x2cc: {  	[tilespmem:s29+$0xFE10] =	vst v4  }
0x2cd: {  	[tilespmem:s29+$0x10610] =	vst v1  }
0x2ce: {  	[tilespmem:s29+$0x10010] =	vst v5  }
0x2cf: {  	[tilespmem:s29+$0x10410] =	vst v6  }
0x2d0: {  	[tilespmem:s29+$0xFC10] =	vst v0  }
0x2d1: {  	[tilespmem:s29+$0x10210] =	vst v2;
	s29 =	smov.u32 s11  }
0x2d2: {  	v0 =	vld [tilespmem:s1+$0x0]  }
0x2d3: {  	v1 =	vld [tilespmem:s0+$0xFFFFFFF0];
	_ =	sdelay $0x3  }
0x2d4: {  	v0 =	vmul.f32 $4.096000000e+03, v0  }
0x2d5: {  	v1 =	vmul.f32 $4.096000000e+03, v1  }
0x2d6: {  	v2 =	vtrunc.f32 v0  }
0x2d7: {  	v3 =	vtrunc.f32 v1;
	v2 =	vcvt.f32.s32 v2  }
0x2d8: {  	v3 =	vcvt.f32.s32 v3  }
0x2d9: {  	v4 =	vcvt.s32.f32 v2;
	vm0 =	vgt.s32 v2, $0x0  }
0x2da: {  	v5 =	vcvt.s32.f32 v3;
	vm1 =	vgt.s32 v3, $0x0;
	v2 =	vnsel vm0, $0x0, v2  }
0x2db: {  	v4 =	vsub.f32 v0, v4;
	v0 =	vnsel vm1, $0x0, v3;
	v3 =	vmin.u32 v2, $0xFFE  }
0x2dc: {  	v2 =	vmin.u32 v2, $0xFFF;
	v6 =	vmin.u32 v0, $0xFFF;
	v3 =	vshll.u32 v3, $0xC  }
0x2dd: {  	v0 =	vmin.u32 v0, $0xFFE;
	v3 =	vadd.s32 $0x1000, v3;
	v7 =	vsub.f32 $1.000000000e+00, v4  }
0x2de: {  	v5 =	vsub.f32 v1, v5;
	v0 =	vadd.s32 $0x1, v0;
	v1 =	vor.u32 v6, v3  }
0x2df: {  	v2 =	vshll.u32 v2, $0xC;
	v3 =	vadd.s32 v0, v3;
	[tilespmem:s29+$0x10800] =	vst v1  }
0x2e0: {  	v8 =	vadd.s32 $0x1000000, v1;
	v9 =	vor.u32 $0x2000000, v1;
	v1 =	vsub.f32 $1.000000000e+00, v5;
	[tilespmem:s29+$0x10E00] =	vst v3  }
0x2e1: {  	v6 =	vor.u32 v6, v2;
	v10 =	vadd.s32 v0, v2;
	v2 =	vmul.f32 v7, v5;
	[tilespmem:s29+$0x10A00] =	vst v8  }
0x2e2: {  	v8 =	vor.u32 $0x1000000, v6;
	v7 =	vmul.f32 v7, v1;
	v11 =	vmul.f32 v4, v1;
	[tilespmem:s29+$0xFC00] =	vst v6  }
0x2e3: {  	v0 =	vadd.s32 $0x1000000, v10;
	v12 =	vadd.s32 $0x1000000, v3;
	v1 =	vor.u32 $0x2000000, v10;
	[tilespmem:s29+$0x11600] =	vst v2  }
0x2e4: {  	v4 =	vmul.f32 v4, v5;
	[tilespmem:s29+$0x11000] =	vst v12  }
0x2e5: {  	v2 =	vor.u32 $0x2000000, v6;
	[tilespmem:s29+$0x11400] =	vst v7  }
0x2e6: {  	[tilespmem:s29+$0x10200] =	vst v10  }
.Ltmp8:
0x2e7: {  	[tilespmem:s29+$0xFE00] =	vst v8;
	(pc) =	sbr.rel @p2 .LBB2_14-.Ltmp8, $4  }
0x2e8: {  	v3 =	vadd.s32 $0x2000000, v3;
	[tilespmem:s29+$0x10C00] =	vst v9  }
0x2e9: {  	[tilespmem:s29+$0x11A00] =	vst v4  }
0x2ea: {  	[tilespmem:s29+$0x11200] =	vst v3  }
0x2eb: {  	[tilespmem:s29+$0x11800] =	vst v11  }
0x2ec: {  	[tilespmem:s29+$0x10600] =	vst v1  }
0x2ed: {  	[tilespmem:s29+$0x10400] =	vst v0  }
0x2ee: {  	[tilespmem:s29+$0x10000] =	vst v2  }
0x2ef: {  	v0 =	vld [tilespmem:s1+$0x10]  }
0x2f0: {  	v1 =	vld [tilespmem:s0+$0x0];
	_ =	sdelay $0x3  }
0x2f1: {  	v0 =	vmul.f32 $4.096000000e+03, v0  }
0x2f2: {  	v1 =	vmul.f32 $4.096000000e+03, v1  }
0x2f3: {  	v52 =	vtrunc.f32 v0  }
0x2f4: {  	v3 =	vtrunc.f32 v1;
	v2 =	vcvt.f32.s32 v52  }
0x2f5: {  	v3 =	vcvt.f32.s32 v3  }
0x2f6: {  	v4 =	vcvt.s32.f32 v2;
	vm0 =	vgt.s32 v2, $0x0  }
0x2f7: {  	v5 =	vcvt.s32.f32 v3;
	vm15 =	vgt.s32 v3, $0x0;
	v2 =	vnsel vm0, $0x0, v2  }
0x2f8: {  	v3 =	vnsel vm15, $0x0, v3;
	v0 =	vsub.f32 v0, v4;
	v53 =	vmin.u32 v2, $0xFFE  }
0x2f9: {  	v1 =	vsub.f32 v1, v5;
	v54 =	vmin.u32 v3, $0xFFE;
	v2 =	vmin.u32 v2, $0xFFF  }
0x2fa: {  	v4 =	vshll.u32 v53, $0xC;
	v5 =	vadd.s32 $0x1, v54;
	v2 =	vshll.u32 v2, $0xC  }
0x2fb: {  	v3 =	vmin.u32 v3, $0xFFF;
	v4 =	vadd.s32 $0x1000, v4;
	v59 =	vadd.s32 v5, v2  }
0x2fc: {  	v8 =	vor.u32 v3, v4;
	[tilespmem:s29+$0x10210] =	vst v59  }
0x2fd: {  	v4 =	vadd.s32 v5, v4;
	[tilespmem:s29+$0x10810] =	vst v8  }
0x2fe: {  	v61 =	vor.u32 $0x2000000, v59;
	[tilespmem:s29+$0x10E10] =	vst v4  }
0x2ff: {  	v63 =	vadd.s32 $0x1000000, v59;
	[tilespmem:s29+$0x10610] =	vst v61  }
0x300: {  	v3 =	vor.u32 v3, v2;
	[tilespmem:s29+$0x10410] =	vst v63  }
0x301: {  	v55 =	vor.u32 $0x2000000, v8;
	[tilespmem:s29+$0xFC10] =	vst v3  }
0x302: {  	v56 =	vadd.s32 $0x2000000, v4;
	[tilespmem:s29+$0x10C10] =	vst v55  }
0x303: {  	v57 =	vadd.s32 $0x1000000, v4;
	[tilespmem:s29+$0x11210] =	vst v56  }
0x304: {  	v6 =	vsub.f32 $1.000000000e+00, v0;
	v58 =	vadd.s32 $0x1000000, v8;
	[tilespmem:s29+$0x11010] =	vst v57  }
0x305: {  	v7 =	vsub.f32 $1.000000000e+00, v1;
	v60 =	vor.u32 $0x1000000, v3;
	[tilespmem:s29+$0x10A10] =	vst v58  }
0x306: {  	v9 =	vmul.f32 v6, v1;
	v62 =	vor.u32 $0x2000000, v3;
	[tilespmem:s29+$0xFE10] =	vst v60  }
0x307: {  	v6 =	vmul.f32 v6, v7;
	[tilespmem:s29+$0x10010] =	vst v62  }
0x308: {  	v7 =	vmul.f32 v0, v7;
	[tilespmem:s29+$0x11610] =	vst v9  }
0x309: {  	v0 =	vmul.f32 v0, v1;
	[tilespmem:s29+$0x11410] =	vst v6  }
0x30a: {  	[tilespmem:s29+$0x11810] =	vst v7  }
0x30b: {  	s11 =	simm.s32 $0xFC00;
	[tilespmem:s29+$0x11A10] =	vst v0;
	s29 =	simm.s32 $0x11C00  }
0x30c: {  	[tilespmem:s29], [sflag:$0x1] =	stream.indirect.gather [hbm4b:s5+s12], $0x1, s11, s12, $0xb8;
	[tilespmem:$0x1B600] =	vst v63  }
0x30d: {  	s30 =	simm.s32 $0xFE00;
	s31 =	simm.s32 $0x11E00  }
0x30e: {  	[tilespmem:s31], [sflag:$0x1] =	stream.indirect.gather [hbm4b:s5+s12], $0x1, s30, s12, $0xb8;
	[tilespmem:$0x1B600] =	vst v63  }
0x30f: {  	s11 =	simm.s32 $0x10000;
	s29 =	simm.s32 $0x12000  }
0x310: {  	[tilespmem:s29], [sflag:$0x1] =	stream.indirect.gather [hbm4b:s5+s12], $0x1, s11, s12, $0xb8;
	[tilespmem:$0x1B600] =	vst v63  }
0x311: {  	s30 =	simm.s32 $0x10200;
	s31 =	simm.s32 $0x12200  }
0x312: {  	[tilespmem:s31], [sflag:$0x1] =	stream.indirect.gather [hbm4b:s5+s12], $0x1, s30, s12, $0xb8;
	[tilespmem:$0x1B600] =	vst v63  }
0x313: {  	s11 =	simm.s32 $0x10400;
	s29 =	simm.s32 $0x12400  }
0x314: {  	[tilespmem:s29], [sflag:$0x1] =	stream.indirect.gather [hbm4b:s5+s12], $0x1, s11, s12, $0xb8;
	[tilespmem:$0x1B600] =	vst v63  }
0x315: {  	s30 =	simm.s32 $0x10600;
	s31 =	simm.s32 $0x12600  }
0x316: {  	[tilespmem:s31], [sflag:$0x1] =	stream.indirect.gather [hbm4b:s5+s12], $0x1, s30, s12, $0xb8;
	[tilespmem:$0x1B600] =	vst v63  }
0x317: {  	s11 =	simm.s32 $0x10800;
	s29 =	simm.s32 $0x12800  }
0x318: {  	[tilespmem:s29], [sflag:$0x1] =	stream.indirect.gather [hbm4b:s5+s12], $0x1, s11, s12, $0xb8;
	[tilespmem:$0x1B600] =	vst v63  }
0x319: {  	s30 =	simm.s32 $0x10A00;
	s31 =	simm.s32 $0x12A00  }
0x31a: {  	[tilespmem:s31], [sflag:$0x1] =	stream.indirect.gather [hbm4b:s5+s12], $0x1, s30, s12, $0xb8;
	[tilespmem:$0x1B600] =	vst v63  }
0x31b: {  	s11 =	simm.s32 $0x10C00;
	s29 =	simm.s32 $0x12C00  }
0x31c: {  	[tilespmem:s29], [sflag:$0x1] =	stream.indirect.gather [hbm4b:s5+s12], $0x1, s11, s12, $0xb8;
	[tilespmem:$0x1B600] =	vst v63  }
0x31d: {  	s30 =	simm.s32 $0x10E00;
	s31 =	simm.s32 $0x12E00  }
0x31e: {  	[tilespmem:s31], [sflag:$0x1] =	stream.indirect.gather [hbm4b:s5+s12], $0x1, s30, s12, $0xb8;
	[tilespmem:$0x1B600] =	vst v63  }
0x31f: {  	s11 =	simm.s32 $0x11000;
	s29 =	simm.s32 $0x13000  }
0x320: {  	[tilespmem:s29], [sflag:$0x1] =	stream.indirect.gather [hbm4b:s5+s12], $0x1, s11, s12, $0xb8;
	[tilespmem:$0x1B600] =	vst v63  }
0x321: {  	s30 =	simm.s32 $0x11200;
	s31 =	simm.s32 $0x13200  }
0x322: {  	[tilespmem:s31], [sflag:$0x1] =	stream.indirect.gather [hbm4b:s5+s12], $0x1, s30, s12, $0xb8;
	[tilespmem:$0x1B600] =	vst v63  }
.LBB2_16:
0x323: {  	_ =	swait.ge [sflag:s16], $0x200  }
0x324: {  	[sflag:s16] =	ssyncset.done $0x0  }
0x325: {  	[sflag:s16] =	ssyncadd.s32 $0xFFFFFE00  }
0x326: {  	_ =	swait.ge [sflag:s16], $0x200  }
0x327: {  	[sflag:s16] =	ssyncset.done $0x0  }
0x328: {  	[sflag:s16] =	ssyncadd.s32 $0xFFFFFE00  }
0x329: {  	_ =	swait.ge [sflag:s16], $0x200  }
0x32a: {  	[sflag:s16] =	ssyncset.done $0x0  }
0x32b: {  	[sflag:s16] =	ssyncadd.s32 $0xFFFFFE00  }
0x32c: {  	_ =	swait.ge [sflag:s16], $0x200  }
0x32d: {  	[sflag:s16] =	ssyncset.done $0x0  }
0x32e: {  	[sflag:s16] =	ssyncadd.s32 $0xFFFFFE00  }
0x32f: {  	_ =	swait.ge [sflag:s16], $0x200  }
0x330: {  	[sflag:s16] =	ssyncset.done $0x0  }
0x331: {  	[sflag:s16] =	ssyncadd.s32 $0xFFFFFE00  }
0x332: {  	_ =	swait.ge [sflag:s16], $0x200  }
0x333: {  	[sflag:s16] =	ssyncset.done $0x0  }
0x334: {  	[sflag:s16] =	ssyncadd.s32 $0xFFFFFE00  }
0x335: {  	_ =	swait.ge [sflag:s16], $0x200  }
0x336: {  	[sflag:s16] =	ssyncset.done $0x0  }
0x337: {  	[sflag:s16] =	ssyncadd.s32 $0xFFFFFE00  }
0x338: {  	_ =	swait.ge [sflag:s16], $0x200  }
0x339: {  	[sflag:s16] =	ssyncset.done $0x0  }
0x33a: {  	[sflag:s16] =	ssyncadd.s32 $0xFFFFFE00  }
0x33b: {  	_ =	swait.ge [sflag:s16], $0x200  }
0x33c: {  	[sflag:s16] =	ssyncset.done $0x0  }
0x33d: {  	[sflag:s16] =	ssyncadd.s32 $0xFFFFFE00  }
0x33e: {  	_ =	swait.ge [sflag:s16], $0x200  }
0x33f: {  	[sflag:s16] =	ssyncset.done $0x0  }
0x340: {  	[sflag:s16] =	ssyncadd.s32 $0xFFFFFE00  }
0x341: {  	_ =	swait.ge [sflag:s16], $0x200  }
0x342: {  	[sflag:s16] =	ssyncset.done $0x0  }
0x343: {  	[sflag:s16] =	ssyncadd.s32 $0xFFFFFE00  }
0x344: {  	_ =	swait.ge [sflag:s16], $0x200  }
0x345: {  	[sflag:s16] =	ssyncset.done $0x0  }
0x346: {  	s0 =	simm.s32 @!p0 $0x6;
	[sflag:s16] =	ssyncadd.s32 $0xFFFFFE00  }
0x347: {  	_ =	swait.ge @!p0 [sflag:s0], $0x200  }
0x348: {  	[sflag:s0] =	ssyncset.done @!p0 $0x0  }
0x349: {  	[sflag:s0] =	ssyncadd.s32 @!p0 $0xFFFFFE00  }
0x34a: {  	_ =	swait.ge @!p0 [sflag:s0], $0x200  }
0x34b: {  	[sflag:s0] =	ssyncset.done @!p0 $0x0  }
0x34c: {  	[sflag:s0] =	ssyncadd.s32 @!p0 $0xFFFFFE00  }
0x34d: {  	_ =	swait.ge @!p0 [sflag:s0], $0x200  }
0x34e: {  	[sflag:s0] =	ssyncset.done @!p0 $0x0  }
0x34f: {  	s29 =	simm.s32 $0x0;
	[sflag:s0] =	ssyncadd.s32 @!p0 $0xFFFFFE00  }
0x350: {  	v1 =	vld [tilespmem:s29+$0x19010]  }
0x351: {  	v2 =	vld [tilespmem:s29+$0x19210]  }
0x352: {  	v3 =	vld [tilespmem:s29+$0x19C10]  }
0x353: {  	v4 =	vld [tilespmem:s29+$0x1A210]  }
0x354: {  	v11 =	vld [tilespmem:s29+$0x19410]  }
0x355: {  	v5 =	vld [tilespmem:s29+$0x1A810]  }
0x356: {  	v0 =	vld [tilespmem:s29+$0x19610]  }
0x357: {  	v6 =	vld [tilespmem:s29+$0x1AE10]  }
0x358: {  	v7 =	vld [tilespmem:s29+$0x19000]  }
0x359: {  	v8 =	vld [tilespmem:s29+$0x19200]  }
0x35a: {  	v9 =	vld [tilespmem:s29+$0x19800]  }
0x35b: {  	v10 =	vld [tilespmem:s29+$0x19A00]  }
0x35c: {  	v12 =	vld [tilespmem:s29+$0x19C00]  }
0x35d: {  	v13 =	vld [tilespmem:s29+$0x19810];
	v3 =	vmul.f32 v3, v1;
	v4 =	vmul.f32 v4, v2  }
0x35e: {  	v14 =	vld [tilespmem:s29+$0x19A10]  }
0x35f: {  	v15 =	vld [tilespmem:s29+$0x1A010];
	v3 =	vadd.f32 v4, v3;
	v4 =	vmul.f32 v5, v11  }
0x360: {  	v16 =	vld [tilespmem:s29+$0x19400]  }
0x361: {  	v5 =	vld [tilespmem:s29+$0x19E00];
	v3 =	vadd.f32 v4, v3;
	v4 =	vmul.f32 v6, v0  }
0x362: {  	v17 =	vld [tilespmem:s29+$0x1A400]  }
0x363: {  	v6 =	vld [tilespmem:s29+$0x1A000];
	v3 =	vadd.f32 v4, v3  }
0x364: {  	v4 =	vld [tilespmem:s29+$0x1A200]  }
0x365: {  	[tilespmem:s29+$0x1B410] =	vst v3;
	v3 =	vld [tilespmem:s29+$0x19E10]  }
0x366: {  	v18 =	vld [tilespmem:s29+$0x1A600];
	v9 =	vmul.f32 v9, v7;
	v5 =	vmul.f32 v5, v8  }
0x367: {  	v10 =	vmul.f32 v10, v7;
	v7 =	vmul.f32 v12, v7;
	v12 =	vld [tilespmem:s29+$0x1A800]  }
0x368: {  	v19 =	vld [tilespmem:s29+$0x1A410];
	v6 =	vmul.f32 v6, v8;
	v5 =	vadd.f32 v5, v9;
	v9 =	vmul.f32 v14, v1  }
0x369: {  	v4 =	vmul.f32 v4, v8;
	v8 =	vmul.f32 v13, v1;
	v13 =	vld [tilespmem:s29+$0x1A610]  }
0x36a: {  	v14 =	vmul.f32 v17, v16;
	v1 =	vld [tilespmem:s29+$0x19600];
	v3 =	vmul.f32 v3, v2  }
0x36b: {  	v10 =	vadd.f32 v6, v10;
	v6 =	vmul.f32 v15, v2;
	v4 =	vadd.f32 v4, v7;
	v7 =	vld [tilespmem:s29+$0x1AA00]  }
0x36c: {  	v15 =	vmul.f32 v18, v16;
	v16 =	vmul.f32 v12, v16;
	v2 =	vadd.f32 v3, v8;
	v8 =	vld [tilespmem:s29+$0x1AC00]  }
0x36d: {  	v12 =	vmul.f32 v19, v11;
	v3 =	vadd.f32 v6, v9;
	v6 =	vadd.f32 v14, v5;
	v9 =	vld [tilespmem:s29+$0x1AE00]  }
0x36e: {  	s1 =	simm.s32 $0x80;
	s0 =	simm.s32 $0x0;
	v5 =	vadd.f32 v15, v10;
	v4 =	vadd.f32 v16, v4;
	v10 =	vld [tilespmem:s29+$0x1AA10];
	v11 =	vmul.f32 v13, v11  }
.LBB2_17:
0x36f: {  	s11 =	sshra.s32 s1, $0x2;
	v2 =	vadd.f32 v12, v2;
	v12 =	vld [tilespmem:s29+$0x1AC10]  }
0x370: {  	v13 =	vld [tilespmem:s11+$0x19010];
	v7 =	vmul.f32 v7, v1;
	v3 =	vadd.f32 v11, v3  }
0x371: {  	v11 =	vld [tilespmem:s11+$0x19210];
	v8 =	vmul.f32 v8, v1  }
0x372: {  	s0 =	sadd.s32 $0x2, s0;
	v14 =	vld [tilespmem:s11+$0x19C10];
	v6 =	vadd.f32 v7, v6;
	v1 =	vmul.f32 v9, v1  }
0x373: {  	p0 =	slt.u32 s0, $0x1E;
	v7 =	vld [tilespmem:s11+$0x1A210];
	v5 =	vadd.f32 v8, v5;
	v8 =	vmul.f32 v10, v0  }
0x374: {  	v15 =	vld [tilespmem:s11+$0x19410];
	[tilespmem:s29+$0x1B000] =	vst v6;
	v1 =	vadd.f32 v1, v4;
	v4 =	vmul.f32 v12, v0  }
0x375: {  	v6 =	vld [tilespmem:s11+$0x1A810];
	[tilespmem:s29+$0x1B200] =	vst v5;
	v2 =	vadd.f32 v8, v2  }
0x376: {  	v0 =	vld [tilespmem:s11+$0x19610];
	[tilespmem:s29+$0x1B400] =	vst v1;
	v1 =	vadd.f32 v4, v3  }
0x377: {  	v3 =	vld [tilespmem:s11+$0x1AE10];
	[tilespmem:s29+$0x1B010] =	vst v2  }
0x378: {  	v4 =	vmul.f32 v14, v13;
	v2 =	vld [tilespmem:s11+$0x19000];
	v5 =	vmul.f32 v7, v11;
	[tilespmem:s29+$0x1B210] =	vst v1;
	s29 =	smov.u32 s11  }
0x379: {  	v1 =	vld [tilespmem:s29+$0x19200]  }
0x37a: {  	v7 =	vld [tilespmem:s29+$0x19800];
	v4 =	vadd.f32 v5, v4;
	v5 =	vmul.f32 v6, v15  }
0x37b: {  	v6 =	vld [tilespmem:s29+$0x19E00]  }
0x37c: {  	v8 =	vld [tilespmem:s29+$0x19A00];
	v4 =	vadd.f32 v5, v4;
	v3 =	vmul.f32 v3, v0  }
0x37d: {  	v5 =	vld [tilespmem:s29+$0x1A000]  }
0x37e: {  	v9 =	vld [tilespmem:s29+$0x19C00];
	v3 =	vadd.f32 v3, v4  }
0x37f: {  	v4 =	vmul.f32 v7, v2;
	v7 =	vld [tilespmem:s29+$0x1A200]  }
0x380: {  	v6 =	vmul.f32 v6, v1;
	v10 =	vld [tilespmem:s29+$0x19810];
	[tilespmem:s29+$0x1B410] =	vst v3  }
0x381: {  	v3 =	vmul.f32 v8, v2;
	v8 =	vld [tilespmem:s29+$0x19E10]  }
0x382: {  	v4 =	vadd.f32 v6, v4;
	v5 =	vmul.f32 v5, v1;
	v6 =	vld [tilespmem:s29+$0x19A10]  }
0x383: {  	v2 =	vmul.f32 v9, v2;
	v9 =	vld [tilespmem:s29+$0x1A010]  }
0x384: {  	v12 =	vld [tilespmem:s29+$0x19400];
	v5 =	vadd.f32 v5, v3;
	v1 =	vmul.f32 v7, v1  }
0x385: {  	v3 =	vld [tilespmem:s29+$0x1A400];
	v7 =	vmul.f32 v10, v13  }
0x386: {  	v10 =	vld [tilespmem:s29+$0x1A600];
	v14 =	vadd.f32 v1, v2;
	v1 =	vmul.f32 v8, v11  }
0x387: {  	v16 =	vld [tilespmem:s29+$0x1A800];
	v6 =	vmul.f32 v6, v13  }
0x388: {  	v2 =	vadd.f32 v1, v7;
	v13 =	vld [tilespmem:s29+$0x1A410];
	v7 =	vmul.f32 v9, v11  }
0x389: {  	v11 =	vld [tilespmem:s29+$0x1A610]  }
.Ltmp9:
0x38a: {  	v1 =	vld [tilespmem:s29+$0x19600];
	v8 =	vmul.f32 v3, v12;
	v3 =	vadd.f32 v7, v6;
	(pc) =	sbr.rel @p0 .LBB2_17-.Ltmp9, $4  }
0x38b: {  	v7 =	vld [tilespmem:s29+$0x1AA00];
	v9 =	vmul.f32 v10, v12  }
0x38c: {  	v6 =	vadd.f32 v8, v4;
	v8 =	vld [tilespmem:s29+$0x1AC00];
	v4 =	vmul.f32 v16, v12  }
0x38d: {  	v5 =	vadd.f32 v9, v5;
	v9 =	vld [tilespmem:s29+$0x1AE00];
	v12 =	vmul.f32 v13, v15  }
0x38e: {  	s1 =	sadd.s32 $0x80, s1;
	v4 =	vadd.f32 v4, v14;
	v10 =	vld [tilespmem:s29+$0x1AA10];
	v11 =	vmul.f32 v11, v15  }
0x38f: {  	v13 =	vld [tilespmem:s29+$0x1AC10]  }
0x390: {  	v7 =	vmul.f32 v7, v1  }
0x391: {  	v8 =	vmul.f32 v8, v1  }
0x392: {  	v6 =	vadd.f32 v7, v6;
	v61 =	vmul.f32 v9, v1  }
0x393: {  	v2 =	vadd.f32 v12, v2;
	v5 =	vadd.f32 v8, v5;
	v62 =	vmul.f32 v10, v0  }
0x394: {  	v3 =	vadd.f32 v11, v3;
	[tilespmem:s29+$0x1B000] =	vst v6;
	v1 =	vadd.f32 v61, v4;
	v63 =	vmul.f32 v13, v0  }
0x395: {  	[tilespmem:s29+$0x1B200] =	vst v5;
	v2 =	vadd.f32 v62, v2  }
0x396: {  	s0 =	sadd.s32 s4, s28;
	[tilespmem:s29+$0x1B400] =	vst v1;
	v0 =	vadd.f32 v63, v3  }
0x397: {  	s0 =	sshrl.u32 s0, $0x3;
	[tilespmem:s29+$0x1B010] =	vst v2  }
0x398: {  	s0 =	sadd.s32 s2, s0;
	[tilespmem:s29+$0x1B210] =	vst v0;
	s29 =	simm.s32 $0x0  }
0x399: {  	[hbm4b:s0+s29] =	stream.linear.scatter [tilespmem:s17], [sflag:$0x6], $0x200, $0x38;
	[tilespmem:$0x1B600] =	vst v63  }
.Ltmp10:
0x39a: {  	_ = 	snop;
	(pc) =	sbr.rel @p1 .LBB2_22-.Ltmp10, $4  }
0x39b: {  	s1 =	sadd.s32 $0x1F800, s0  }
0x39c: {  	[hbm4b:s1+s29] =	stream.linear.scatter [tilespmem:s18], [sflag:$0x6], $0x200, $0x38;
	[tilespmem:$0x1B600] =	vst v63  }
0x39d: {  	s0 =	sadd.s32 $0x3F000, s0  }
0x39e: {  	[hbm4b:s0+s29] =	stream.linear.scatter [tilespmem:s19], [sflag:$0x6], $0x200, $0x38;
	[tilespmem:$0x1B600] =	vst v63  }
0x39f: {  	s1 =	sadd.s32 $0x0, s25  }
0x3a0: {  	s0 =	sadd.s32 $0x0, s26;
	v0 =	vld [tilespmem:s1+$0x0]  }
0x3a1: {  	v1 =	vld [tilespmem:s0+$0xFFFFFFF0];
	_ =	sdelay $0x3  }
0x3a2: {  	v0 =	vmul.f32 $4.096000000e+03, v0  }
0x3a3: {  	v1 =	vmul.f32 $4.096000000e+03, v1  }
0x3a4: {  	v2 =	vtrunc.f32 v0  }
0x3a5: {  	v3 =	vtrunc.f32 v1;
	v2 =	vcvt.f32.s32 v2  }
0x3a6: {  	v3 =	vcvt.f32.s32 v3  }
0x3a7: {  	vm0 =	vgt.s32 v2, $0x0;
	v4 =	vcvt.s32.f32 v2  }
0x3a8: {  	v5 =	vcvt.s32.f32 v3;
	vm15 =	vgt.s32 v3, $0x0;
	v2 =	vnsel vm0, $0x0, v2  }
0x3a9: {  	v3 =	vnsel vm15, $0x0, v3;
	v6 =	vmin.u32 v2, $0xFFE;
	v2 =	vmin.u32 v2, $0xFFF  }
0x3aa: {  	v60 =	vmin.u32 v3, $0xFFF;
	v3 =	vmin.u32 v3, $0xFFE;
	v2 =	vshll.u32 v2, $0xC  }
0x3ab: {  	s28 =	simm.s32 $0x0;
	v59 =	vshll.u32 v6, $0xC;
	v3 =	vadd.s32 $0x1, v3;
	v6 =	vor.u32 v60, v2  }
0x3ac: {  	v0 =	vsub.f32 v0, v4;
	v4 =	vadd.s32 $0x1000, v59;
	v2 =	vadd.s32 v3, v2;
	[tilespmem:s28+$0x13A00] =	vst v6  }
0x3ad: {  	v7 =	vor.u32 v60, v4;
	[tilespmem:s28+$0x14000] =	vst v2  }
0x3ae: {  	v4 =	vadd.s32 v3, v4;
	[tilespmem:s28+$0x14600] =	vst v7  }
0x3af: {  	v1 =	vsub.f32 v1, v5;
	v3 =	vor.u32 $0x1000000, v6;
	[tilespmem:s28+$0x14C00] =	vst v4  }
0x3b0: {  	v8 =	vsub.f32 $1.000000000e+00, v0;
	v61 =	vadd.s32 $0x1000000, v7;
	[tilespmem:s28+$0x13C00] =	vst v3  }
0x3b1: {  	v9 =	vsub.f32 $1.000000000e+00, v1;
	v10 =	vadd.s32 $0x1000000, v4;
	[tilespmem:s28+$0x14800] =	vst v61  }
0x3b2: {  	v62 =	vmul.f32 v8, v1;
	v63 =	vor.u32 $0x2000000, v7;
	[tilespmem:s28+$0x14E00] =	vst v10  }
0x3b3: {  	v1 =	vmul.f32 v0, v1;
	v3 =	vmul.f32 v0, v9;
	v0 =	vadd.s32 $0x2000000, v4;
	[tilespmem:s28+$0x14A00] =	vst v63  }
0x3b4: {  	v8 =	vmul.f32 v8, v9;
	[tilespmem:s28+$0x15000] =	vst v0  }
0x3b5: {  	[tilespmem:s28+$0x15400] =	vst v62  }
0x3b6: {  	[tilespmem:s28+$0x15200] =	vst v8  }
0x3b7: {  	[tilespmem:s28+$0x15800] =	vst v1  }
0x3b8: {  	s30 =	simm.s32 $0x0;
	v0 =	vadd.s32 $0x1000000, v2;
	v1 =	vor.u32 $0x2000000, v2;
	v2 =	vor.u32 $0x2000000, v6;
	[tilespmem:s28+$0x15600] =	vst v3  }
.LBB2_20:
0x3b9: {  	s30 =	sadd.s32 $0x2, s30;
	[tilespmem:s28+$0x14400] =	vst v1;
	s29 =	sadd.s32 $0x80, s29  }
0x3ba: {  	p0 =	slt.u32 s30, $0x1E;
	[tilespmem:s28+$0x14200] =	vst v0  }
0x3bb: {  	[tilespmem:s28+$0x13E00] =	vst v2  }
0x3bc: {  	v0 =	vld [tilespmem:s0+$0x0]  }
0x3bd: {  	v1 =	vld [tilespmem:s1+$0x10];
	_ =	sdelay $0x3  }
0x3be: {  	v0 =	vmul.f32 $4.096000000e+03, v0  }
0x3bf: {  	v1 =	vmul.f32 $4.096000000e+03, v1  }
0x3c0: {  	v2 =	vtrunc.f32 v0  }
0x3c1: {  	v2 =	vcvt.f32.s32 v2;
	v3 =	vtrunc.f32 v1  }
0x3c2: {  	v3 =	vcvt.f32.s32 v3  }
0x3c3: {  	v4 =	vcvt.s32.f32 v2;
	vm0 =	vgt.s32 v2, $0x0  }
0x3c4: {  	v5 =	vcvt.s32.f32 v3;
	v2 =	vnsel vm0, $0x0, v2;
	vm0 =	vgt.s32 v3, $0x0  }
0x3c5: {  	v0 =	vsub.f32 v0, v4;
	v3 =	vnsel vm0, $0x0, v3;
	v4 =	vmin.u32 v2, $0xFFE  }
0x3c6: {  	v1 =	vsub.f32 v1, v5;
	v5 =	vmin.u32 v3, $0xFFF;
	v3 =	vmin.u32 v3, $0xFFE  }
0x3c7: {  	v2 =	vmin.u32 v2, $0xFFF;
	v4 =	vadd.s32 $0x1, v4;
	v3 =	vshll.u32 v3, $0xC  }
0x3c8: {  	v6 =	vsub.f32 $1.000000000e+00, v0;
	v3 =	vadd.s32 $0x1000, v3;
	v7 =	vsub.f32 $1.000000000e+00, v1  }
0x3c9: {  	v9 =	vmul.f32 v1, v0;
	v8 =	vor.u32 v2, v3;
	v3 =	vadd.s32 v4, v3  }
0x3ca: {  	[tilespmem:s28+$0x14610] =	vst v8;
	v10 =	vadd.s32 $0x1000000, v8;
	v11 =	vmul.f32 v7, v6;
	v0 =	vmul.f32 v7, v0  }
0x3cb: {  	v1 =	vmul.f32 v1, v6;
	v7 =	vor.u32 $0x2000000, v8;
	v8 =	vadd.s32 $0x1000000, v3;
	[tilespmem:s28+$0x14C10] =	vst v3  }
0x3cc: {  	v5 =	vshll.u32 v5, $0xC;
	v3 =	vadd.s32 $0x2000000, v3;
	[tilespmem:s28+$0x15410] =	vst v0  }
0x3cd: {  	v0 =	vor.u32 v2, v5;
	v2 =	vadd.s32 v4, v5;
	[tilespmem:s28+$0x15210] =	vst v11  }
0x3ce: {  	v4 =	vor.u32 $0x1000000, v0;
	v5 =	vor.u32 $0x2000000, v0;
	v6 =	vadd.s32 $0x1000000, v2;
	[tilespmem:s28+$0x15610] =	vst v1  }
0x3cf: {  	v1 =	vor.u32 $0x2000000, v2;
	[tilespmem:s28+$0x14A10] =	vst v7  }
0x3d0: {  	s11 =	sshra.s32 s29, $0x2;
	[tilespmem:s28+$0x15010] =	vst v3  }
0x3d1: {  	s0 =	sadd.s32 s11, s26;
	s1 =	sadd.s32 s11, s25;
	[tilespmem:s28+$0x15810] =	vst v9  }
0x3d2: {  	[tilespmem:s28+$0x14E10] =	vst v8  }
0x3d3: {  	[tilespmem:s28+$0x14810] =	vst v10  }
0x3d4: {  	[tilespmem:s28+$0x13C10] =	vst v4  }
0x3d5: {  	[tilespmem:s28+$0x14410] =	vst v1  }
0x3d6: {  	[tilespmem:s28+$0x13E10] =	vst v5  }
0x3d7: {  	[tilespmem:s28+$0x14210] =	vst v6  }
0x3d8: {  	[tilespmem:s28+$0x13A10] =	vst v0  }
0x3d9: {  	[tilespmem:s28+$0x14010] =	vst v2;
	s28 =	smov.u32 s11  }
0x3da: {  	v0 =	vld [tilespmem:s1+$0x0]  }
0x3db: {  	v1 =	vld [tilespmem:s0+$0xFFFFFFF0];
	_ =	sdelay $0x3  }
0x3dc: {  	v0 =	vmul.f32 $4.096000000e+03, v0  }
0x3dd: {  	v1 =	vmul.f32 $4.096000000e+03, v1  }
0x3de: {  	v2 =	vtrunc.f32 v0  }
0x3df: {  	v3 =	vtrunc.f32 v1;
	v2 =	vcvt.f32.s32 v2  }
0x3e0: {  	v3 =	vcvt.f32.s32 v3  }
0x3e1: {  	v4 =	vcvt.s32.f32 v2;
	vm0 =	vgt.s32 v2, $0x0  }
0x3e2: {  	v5 =	vcvt.s32.f32 v3;
	vm1 =	vgt.s32 v3, $0x0;
	v2 =	vnsel vm0, $0x0, v2  }
0x3e3: {  	v4 =	vsub.f32 v0, v4;
	v0 =	vnsel vm1, $0x0, v3;
	v3 =	vmin.u32 v2, $0xFFE  }
0x3e4: {  	v2 =	vmin.u32 v2, $0xFFF;
	v6 =	vmin.u32 v0, $0xFFF;
	v3 =	vshll.u32 v3, $0xC  }
0x3e5: {  	v0 =	vmin.u32 v0, $0xFFE;
	v3 =	vadd.s32 $0x1000, v3;
	v7 =	vsub.f32 $1.000000000e+00, v4  }
0x3e6: {  	v5 =	vsub.f32 v1, v5;
	v0 =	vadd.s32 $0x1, v0;
	v1 =	vor.u32 v6, v3  }
0x3e7: {  	v2 =	vshll.u32 v2, $0xC;
	v3 =	vadd.s32 v0, v3;
	[tilespmem:s28+$0x14600] =	vst v1  }
0x3e8: {  	v8 =	vadd.s32 $0x1000000, v1;
	v9 =	vor.u32 $0x2000000, v1;
	v1 =	vsub.f32 $1.000000000e+00, v5;
	[tilespmem:s28+$0x14C00] =	vst v3  }
0x3e9: {  	v6 =	vor.u32 v6, v2;
	v10 =	vadd.s32 v0, v2;
	v2 =	vmul.f32 v7, v5;
	[tilespmem:s28+$0x14800] =	vst v8  }
0x3ea: {  	v8 =	vor.u32 $0x1000000, v6;
	v7 =	vmul.f32 v7, v1;
	v11 =	vmul.f32 v4, v1;
	[tilespmem:s28+$0x13A00] =	vst v6  }
0x3eb: {  	v0 =	vadd.s32 $0x1000000, v10;
	v12 =	vadd.s32 $0x1000000, v3;
	v1 =	vor.u32 $0x2000000, v10;
	[tilespmem:s28+$0x15400] =	vst v2  }
0x3ec: {  	v4 =	vmul.f32 v4, v5;
	[tilespmem:s28+$0x14E00] =	vst v12  }
0x3ed: {  	v2 =	vor.u32 $0x2000000, v6;
	[tilespmem:s28+$0x15200] =	vst v7  }
0x3ee: {  	[tilespmem:s28+$0x14000] =	vst v10  }
.Ltmp11:
0x3ef: {  	[tilespmem:s28+$0x13C00] =	vst v8;
	(pc) =	sbr.rel @p0 .LBB2_20-.Ltmp11, $4  }
0x3f0: {  	v3 =	vadd.s32 $0x2000000, v3;
	[tilespmem:s28+$0x14A00] =	vst v9  }
0x3f1: {  	[tilespmem:s28+$0x15800] =	vst v4  }
0x3f2: {  	[tilespmem:s28+$0x15000] =	vst v3  }
0x3f3: {  	[tilespmem:s28+$0x15600] =	vst v11  }
0x3f4: {  	[tilespmem:s28+$0x14400] =	vst v1  }
0x3f5: {  	[tilespmem:s28+$0x14200] =	vst v0  }
0x3f6: {  	[tilespmem:s28+$0x13E00] =	vst v2  }
0x3f7: {  	v0 =	vld [tilespmem:s1+$0x10]  }
0x3f8: {  	v1 =	vld [tilespmem:s0+$0x0];
	_ =	sdelay $0x3  }
0x3f9: {  	v0 =	vmul.f32 $4.096000000e+03, v0  }
0x3fa: {  	v1 =	vmul.f32 $4.096000000e+03, v1  }
0x3fb: {  	v52 =	vtrunc.f32 v0  }
0x3fc: {  	v3 =	vtrunc.f32 v1;
	v2 =	vcvt.f32.s32 v52  }
0x3fd: {  	v3 =	vcvt.f32.s32 v3  }
0x3fe: {  	v4 =	vcvt.s32.f32 v2;
	vm0 =	vgt.s32 v2, $0x0  }
0x3ff: {  	v5 =	vcvt.s32.f32 v3;
	vm15 =	vgt.s32 v3, $0x0;
	v2 =	vnsel vm0, $0x0, v2  }
0x400: {  	v3 =	vnsel vm15, $0x0, v3;
	v0 =	vsub.f32 v0, v4;
	v53 =	vmin.u32 v2, $0xFFE  }
0x401: {  	v1 =	vsub.f32 v1, v5;
	v54 =	vmin.u32 v3, $0xFFE;
	v2 =	vmin.u32 v2, $0xFFF  }
0x402: {  	v4 =	vshll.u32 v53, $0xC;
	v5 =	vadd.s32 $0x1, v54;
	v2 =	vshll.u32 v2, $0xC  }
0x403: {  	v3 =	vmin.u32 v3, $0xFFF;
	v4 =	vadd.s32 $0x1000, v4;
	v59 =	vadd.s32 v5, v2  }
0x404: {  	v8 =	vor.u32 v3, v4;
	[tilespmem:s28+$0x14010] =	vst v59  }
0x405: {  	v4 =	vadd.s32 v5, v4;
	[tilespmem:s28+$0x14610] =	vst v8  }
0x406: {  	v61 =	vor.u32 $0x2000000, v59;
	[tilespmem:s28+$0x14C10] =	vst v4  }
0x407: {  	v63 =	vadd.s32 $0x1000000, v59;
	[tilespmem:s28+$0x14410] =	vst v61  }
0x408: {  	v3 =	vor.u32 v3, v2;
	[tilespmem:s28+$0x14210] =	vst v63  }
0x409: {  	v55 =	vor.u32 $0x2000000, v8;
	[tilespmem:s28+$0x13A10] =	vst v3  }
0x40a: {  	v56 =	vadd.s32 $0x2000000, v4;
	[tilespmem:s28+$0x14A10] =	vst v55  }
0x40b: {  	v57 =	vadd.s32 $0x1000000, v4;
	[tilespmem:s28+$0x15010] =	vst v56  }
0x40c: {  	v6 =	vsub.f32 $1.000000000e+00, v0;
	v58 =	vadd.s32 $0x1000000, v8;
	[tilespmem:s28+$0x14E10] =	vst v57  }
0x40d: {  	v7 =	vsub.f32 $1.000000000e+00, v1;
	v60 =	vor.u32 $0x1000000, v3;
	[tilespmem:s28+$0x14810] =	vst v58  }
0x40e: {  	v9 =	vmul.f32 v6, v1;
	v62 =	vor.u32 $0x2000000, v3;
	[tilespmem:s28+$0x13C10] =	vst v60  }
0x40f: {  	v6 =	vmul.f32 v6, v7;
	[tilespmem:s28+$0x13E10] =	vst v62  }
0x410: {  	v7 =	vmul.f32 v0, v7;
	[tilespmem:s28+$0x15410] =	vst v9  }
0x411: {  	v0 =	vmul.f32 v0, v1;
	[tilespmem:s28+$0x15210] =	vst v6  }
0x412: {  	[tilespmem:s28+$0x15610] =	vst v7  }
0x413: {  	s11 =	simm.s32 $0x15A00;
	s1 =	simm.s32 $0x13A00;
	[tilespmem:s28+$0x15810] =	vst v0  }
0x414: {  	[tilespmem:s11], [sflag:$0x2] =	stream.indirect.gather [hbm4b:s5+s12], $0x1, s1, s12, $0xb8;
	[tilespmem:$0x1B600] =	vst v63  }
0x415: {  	s29 =	simm.s32 $0x15C00;
	s28 =	simm.s32 $0x13C00  }
0x416: {  	[tilespmem:s29], [sflag:$0x2] =	stream.indirect.gather [hbm4b:s5+s12], $0x1, s28, s12, $0xb8;
	[tilespmem:$0x1B600] =	vst v63  }
0x417: {  	s30 =	simm.s32 $0x13E00;
	s31 =	simm.s32 $0x15E00  }
0x418: {  	[tilespmem:s31], [sflag:$0x2] =	stream.indirect.gather [hbm4b:s5+s12], $0x1, s30, s12, $0xb8;
	[tilespmem:$0x1B600] =	vst v63  }
0x419: {  	s1 =	simm.s32 $0x14000;
	s11 =	simm.s32 $0x16000  }
0x41a: {  	[tilespmem:s11], [sflag:$0x2] =	stream.indirect.gather [hbm4b:s5+s12], $0x1, s1, s12, $0xb8;
	[tilespmem:$0x1B600] =	vst v63  }
0x41b: {  	s28 =	simm.s32 $0x14200;
	s29 =	simm.s32 $0x16200  }
0x41c: {  	[tilespmem:s29], [sflag:$0x2] =	stream.indirect.gather [hbm4b:s5+s12], $0x1, s28, s12, $0xb8;
	[tilespmem:$0x1B600] =	vst v63  }
0x41d: {  	s30 =	simm.s32 $0x14400;
	s31 =	simm.s32 $0x16400  }
0x41e: {  	[tilespmem:s31], [sflag:$0x2] =	stream.indirect.gather [hbm4b:s5+s12], $0x1, s30, s12, $0xb8;
	[tilespmem:$0x1B600] =	vst v63  }
0x41f: {  	s1 =	simm.s32 $0x14600;
	s11 =	simm.s32 $0x16600  }
0x420: {  	[tilespmem:s11], [sflag:$0x2] =	stream.indirect.gather [hbm4b:s5+s12], $0x1, s1, s12, $0xb8;
	[tilespmem:$0x1B600] =	vst v63  }
0x421: {  	s20 =	sadd.s32 $0x1, s20;
	s28 =	simm.s32 $0x14800;
	s29 =	simm.s32 $0x16800  }
0x422: {  	[tilespmem:s29], [sflag:$0x2] =	stream.indirect.gather [hbm4b:s5+s12], $0x1, s28, s12, $0xb8;
	[tilespmem:$0x1B600] =	vst v63  }
0x423: {  	s21 =	sadd.s32 $0x600, s21;
	s30 =	simm.s32 $0x14A00;
	s31 =	simm.s32 $0x16A00  }
0x424: {  	[tilespmem:s31], [sflag:$0x2] =	stream.indirect.gather [hbm4b:s5+s12], $0x1, s30, s12, $0xb8;
	[tilespmem:$0x1B600] =	vst v63  }
0x425: {  	s22 =	sadd.s32 $0x600, s22;
	s1 =	simm.s32 $0x14C00;
	s11 =	simm.s32 $0x16C00  }
0x426: {  	[tilespmem:s11], [sflag:$0x2] =	stream.indirect.gather [hbm4b:s5+s12], $0x1, s1, s12, $0xb8;
	[tilespmem:$0x1B600] =	vst v63  }
.Ltmp12:
0x427: {  	s23 =	sadd.s32 $0x600, s23;
	s24 =	sadd.s32 $0x600, s24;
	(pc) =	sbr.rel .LBB2_6-.Ltmp12, $4  }
0x428: {  	s25 =	sadd.s32 $0x600, s25;
	s28 =	simm.s32 $0x14E00;
	s29 =	simm.s32 $0x16E00  }
0x429: {  	[tilespmem:s29], [sflag:$0x2] =	stream.indirect.gather [hbm4b:s5+s12], $0x1, s28, s12, $0xb8;
	[tilespmem:$0x1B600] =	vst v63  }
0x42a: {  	s26 =	sadd.s32 $0x600, s26;
	s30 =	simm.s32 $0x15000;
	s31 =	simm.s32 $0x17000  }
0x42b: {  	[tilespmem:s31], [sflag:$0x2] =	stream.indirect.gather [hbm4b:s5+s12], $0x1, s30, s12, $0xb8;
	[tilespmem:$0x1B600] =	vst v63  }
.LBB2_23:
0x42c: {  	_ =	sfence.sel $0x180000  }
0x42d: {  	[bflag:$0x0] =	sbarrier.arrive $0xFFFF  }
0x42e: {  	_ =	strace $0x9000004A  }
0x42f: {  	s0 =	stileid.u32;
	[bflag:$0x2] =	sbarrier.arrive $0xFFFF  }
0x430: {  	p0 =	sne.s32 s0, $0x0;
	s0 =	rddreg [dreg:$0x2]  }
0x431: {  	s0 =	sadd.s32 @!p0 $0x100000, s0  }
0x432: {  	[sflag:s0] =	ssyncadd.tile.s32 @!p0 $0x1;
	_ =	shalt  }
.Lfunc_end2:
_tile_overlayer_lowered:
.L_overlay_start_2:
0x433: {  	(tag) =	ssettag $0x2  }
0x434: {  	s0 =	rddreg [dreg:$0x0];
	s2 =	stileid.u32  }
0x435: {  	s1 =	rddreg [dreg:$0x1];
	p0 =	sne.s32 s2, $0x0  }
0x436: {  	s3 =	rddreg [dreg:$0x2];
	[bflag:$0x3] =	sbarrier.arrive $0xFFFF;
	s2 =	simm.s32 @!p0 $0x1C07  }
0x437: {  	[timem:s3], [sflag:s2] =	dma.local @!p0 [hbm:s0], s1  }
0x438: {  	s0 =	simm.s32 @!p0 $0x7  }
0x439: {  	_ =	swait.ge @!p0 [sflag:s0], s1  }
0x43a: {  	s1 =	ssub.s32 @!p0 $0x0, s1;
	[sflag:s0] =	ssyncset.done @!p0 $0x0  }
0x43b: {  	[sflag:s0] =	ssyncadd.s32 @!p0 s1  }
0x43c: {  	[bflag:$0x3] =	sbarrier.arrive $0xFFFF  }
0x43d: {  	_ =	shalt  }

// kernel: sparse-core-data-format-call.cloned.1.call-start
scs
called_computation_lowered:
.L_overlay_start_0:
0x0: {  	s2 =	sld [smem:$0x3FD9]  }
0x1: {  	s3 =	sld [smem:$0x3FFE];
	_ =	sdelay $0x1  }
0x2: {  	s1 =	srdreg.scid  }
0x3: {  	s0 =	sand.u32 $0x1, s1  }
0x4: {  	s18 =	sshll.u32 s0, $0xA;
	s2 =	sadd.s32 s3, s2  }
0x5: {  	s2 =	sadd.s32 s2, s18  }
0x6: {  	[smem:$0x3FC6] =	sst s2  }
0x7: {  	_ = 	snop  }
0x8: {  	s2 =	sld [smem:$0x3FC8];
	(tm) =	ssettm $0x1  }
0x9: {  	s19 =	sld [smem:$0x3FFB];
	_ =	sdelay $0x3  }
0xa: {  	_ =	strace s19  }
0xb: {  	s3 =	sld [smem:$0x3FFC];
	_ =	sdelay $0x3  }
0xc: {  	_ =	strace s3  }
0xd: {  	s3 =	sld [smem:$0x3FFD];
	_ =	sdelay $0x3  }
0xe: {  	_ =	strace s3  }
0xf: {  	_ =	strace $0x8FFFFFFF  }
0x10: {  	s20 =	sld [smem:$0x3FDB];
	_ =	sdelay $0x1  }
0x11: {  	s4 =	simm.s32 $_scs_section_size  }
0x12: {  	s5 =	simm.s32 $_size__tile_overlayer_lowered;
	s6 =	simm.s32 $_tile_overlayer_lowered  }
0x13: {  	s23 =	simm.s32 $0x1BFF;
	s22 =	sshll.u32 s6, $0x1;
	s3 =	sadd.s32 s4, s20  }
0x14: {  	s7 =	simm.s32 $0x0;
	s21 =	sshll.u32 s5, $0x1;
	s5 =	sadd.s32 s22, s3  }
0x15: {  	[timem:s7], [sflag:s23] =	dma.local [hbm:s5], s21  }
0x16: {  	_ =	swait.ge [sflag:s23], s21  }
0x17: {  	s4 =	ssub.s32 $0x0, s21;
	[sflag:s23] =	ssyncset.done $0x0  }
0x18: {  	[sflag:s23] =	ssyncadd.s32 s4;
	_ =	sdelay $0x1  }
0x19: {  	s24 =	simm.s32 $0x1B8B  }
0x1a: {  	_ =	swait.ge [sflag:s24], $0x1  }
0x1b: {  	[sflag:s24] =	ssyncset.done $0x0  }
0x1c: {  	s26 =	simm.s32 $0x1B8E;
	s25 =	sld [smem:$0x3FFE];
	[sflag:s24] =	ssyncadd.s32 $0xFFFFFFFF  }
0x1d: {  	s27 =	simm.s32 $execute0_lowered;
	[smem:$0x3FD2] =	sst s26  }
0x1e: {  	s5 =	sshll.u32 s27, $0x1;
	_ =	strace $0x80000046;
	[dreg:$0x1] =	wrdreg $0xFFFFFFFF  }
0x1f: {  	s28 =	simm.s32 $_size_execute0_lowered;
	s3 =	sadd.s32 s3, s5;
	[dreg:$0x0] =	wrdreg $0x0  }
0x20: {  	s5 =	sshll.u32 s28, $0x1;
	[dreg:$0x2] =	wrdreg s3  }
0x21: {  	[dreg:$0x3] =	wrdreg s5  }
0x22: {  	[dreg:$0x4] =	wrdreg $0xC0  }
0x23: {  	_ =	task [dreg:s7], $0x5FFFF  }
0x24: {  	[dreg:$0x1] =	wrdreg $0xFFFFFFFF  }
0x25: {  	[dreg:$0x0] =	wrdreg $0x60  }
0x26: {  	[dreg:$0x2] =	wrdreg s2  }
0x27: {  	[dreg:$0x3] =	wrdreg s25  }
0x28: {  	[dreg:$0x4] =	wrdreg $0x9  }
0x29: {  	_ =	task.clear_ibuf [dreg:s7], $0x5FFFF;
	_ =	strace $0x90000046  }
0x2a: {  	s29 =	simm.s32 $0x9;
	_ =	strace $0x80000048  }
0x2b: {  	_ =	swait.ge [sflag:s29], $0x1  }
0x2c: {  	[sflag:s29] =	ssyncadd.s32 $0xFFFFFFFF  }
0x2d: {  	_ =	strace $0x90000048  }
0x2e: {  	_ =	sfence  }
0x2f: {  	s30 =	sld [smem:$0x0];
	_ =	sdelay $0x2  }
0x30: {  	s31 =	sshll.u32 s1, $0xD;
	s1 =	sshrl.u32 s1, $0x2  }
0x31: {  	s3 =	sand.u32 $0x4000, s31;
	s1 =	sadd.s32 s1, s30  }
0x32: {  	s0 =	sor.u32 s3, s0;
	s1 =	sshll.u32 s1, $0x11  }
0x33: {  	s0 =	sor.u32 s1, s0  }
0x34: {  	s0 =	sadd.s32 $0x8F2B, s0  }
0x35: {  	[sflag:s0] =	ssyncadd.remote.s32 $0x1  }
0x36: {  	_ =	sfence.sel $0xFFFF  }
0x37: {  	[dreg:$0x0] =	wrdreg $0xFFFFFFFF;
	(pc) =	sbr.abs _section_cstart, $3  }
0x38: {  	[dreg:$0x1] =	wrdreg $0xFFFFFFFF  }
0x39: {  	_ =	task.clear_ibuf [dreg:s7], $0x2FFFF;
	_ =	strace $0x9FFFFFFF  }
0x3a: {  	(tm) =	ssettm $0x7FFFFFFF  }
0x3b: {  	_ =	shalt  }
tec
execute0_lowered:
.L_overlay_start_1:
0x0: {  	(tag) =	ssettag $0x1  }
0x1: {  	s2 =	rddreg [dreg:$0x0]  }
0x2: {  	s1 =	rddreg [dreg:$0x1]  }
0x3: {  	s0 =	rddreg [dreg:$0x2];
	_ =	strace $0x80000047;
	s4 =	srdreg.scid  }
0x4: {  	s6 =	simm.s32 $0x2;
	s11 =	simm.s32 $0x0;
	p0 =	por $0x0, $0x0  }
.Ltmp0:
0x5: {  	s7 =	simm.s32 $0x1000;
	s12 =	simm.s32 $0x0;
	(pc) =	sbr.rel .LBB1_1-.Ltmp0, $4  }
0x6: {  	s9 =	simm.s32 $0x0;
	s3 =	sadd.s32 $0x200, s1;
	s5 =	sshll.u32 s4, $0x4  }
0x7: {  	s1 =	stileid.u32;
	s4 =	simm.s32 $0x1;
	s5 =	sand.u32 $0x10, s5  }
0x8: {  	s8 =	simm.s32 $0x0;
	[sflag:s4] =	ssyncpa.u1 $0x0;
	s5 =	sor.u32 s1, s5  }
0x9: {  	[sflag:s6] =	ssyncpa.u1 $0x0;
	s6 =	simm.s32 $0x800;
	s10 =	smov.u32 s5  }
.LBB1_7:
0xa: {  	s13 =	sadd.s32 $0x10, s9  }
0xb: {  	s11 =	sadd.s32 $0x20, s10;
	s15 =	smov.u32 s10;
	p2 =	sgt.s32 s13, $0x1F  }
0xc: {  	p1 =	slt.u32 s8, $0x2;
	s15 =	smov.u32 @p2 s11  }
0xd: {  	s8 =	sadd.s32 $0x1, s8;
	s13 =	simm.s32 @p2 $0x0;
	p2 =	sgt.s32 s15, $0x5FF  }
0xe: {  	s15 =	smov.u32 @p2 s5;
	p2 =	sne.s32 s8, $0x62  }
.Ltmp1:
0xf: {  	_ = 	snop;
	(pc) =	sbr.rel @!p2 .LBB1_8-.Ltmp1, $4  }
0x10: {  	s14 =	simm.s32 @!p1 $0x2  }
0x11: {  	s12 =	smov.u32 s10;
	_ =	swait.ge @!p1 [sflag:s14], $0x4000  }
0x12: {  	p0 =	por !p0, !p0;
	s11 =	smov.u32 s9;
	[sflag:s14] =	ssyncset.done @!p1 $0x0  }
0x13: {  	s9 =	smov.u32 s13;
	[sflag:s14] =	ssyncadd.s32 @!p1 $0xFFFFC000;
	s10 =	smov.u32 s15  }
.LBB1_1:
0x14: {  	p1 =	sgt.u32 s8, $0x5F  }
0x15: {  	s13 =	sxor.u32 @!p1 $0xFFFFFFFF, s8;
	s14 =	sshll.u32 @!p1 s10, $0xC  }
0x16: {  	s15 =	sshll.u32 @!p1 s9, $0x7;
	s13 =	sshll.u32 @!p1 s13, $0xE;
	s14 =	sadd.s32 @!p1 s2, s14  }
0x17: {  	s13 =	sand.u32 @!p1 $0x4000, s13;
	s14 =	sadd.s32 @!p1 s15, s14;
	s15 =	simm.s32 @!p1 $0x0  }
0x18: {  	[tilespmem:s13], [sflag:$0x1] =	stream.linear.gather @!p1 [hbm4b:s14+s15], $0x4000, $0x38;
	[tilespmem:$0x10000] =	vst v63  }
0x19: {  	p1 =	seq.s32 s8, $0x0  }
0x1a: {  	p2 =	seq.s32 @!p1 s8, $0x61  }
0x1b: {  	p1 =	por p1, p2  }
.Ltmp2:
0x1c: {  	_ = 	snop;
	(pc) =	sbr.rel @p1 .LBB1_7-.Ltmp2, $1  }
0x1d: {  	_ =	sdelay $0x3  }
0x1e: {  	s13 =	simm.s32 $0x1;
	_ =	swait.ge [sflag:s4], $0x4000;
	s16 =	sshll.u32 s8, $0xE  }
0x1f: {  	s13 =	simm.s32 @!p0 $0x0;
	[sflag:s4] =	ssyncset.done $0x0;
	s31 =	sand.u32 $0x4000, s16  }
0x20: {  	s16 =	simm.s32 $0x0;
	s14 =	sshll.u32 s13, $0xE;
	[sflag:s4] =	ssyncadd.s32 $0xFFFFC000  }
0x21: {  	s13 =	sor.u32 $0x8040, s14;
	s15 =	sor.u32 $0x40, s14;
	s14 =	sor.u32 $0x8000, s31  }
.LBB1_3:
0x22: {  	v0 =	vmov s15;
	_ =	sdelay $0x3  }
0x23: {  	s18 =	simm.s32 $0x0  }
0x24: {  	v6 =	vld.idx.msk [tilespmem:v0+s18+$0x30 ss:$0x1], $0xffff  }
0x25: {  	v7 =	vld.idx.msk [tilespmem:v0+s18+$0xFFFFFFC0 ss:$0x1], $0xffff  }
0x26: {  	v5 =	vld.idx.msk [tilespmem:v0+s18+$0xFFFFFFD0 ss:$0x1], $0xffff  }
0x27: {  	v4 =	vld.idx.msk [tilespmem:v0+s18+$0xFFFFFFE0 ss:$0x1], $0xffff  }
0x28: {  	v3 =	vld.idx.msk [tilespmem:v0+s18+$0xFFFFFFF0 ss:$0x1], $0xffff  }
0x29: {  	v1 =	vld.idx.msk [tilespmem:v0+s18+$0x0 ss:$0x1], $0xffff  }
0x2a: {  	v2 =	vld.idx.msk [tilespmem:v0+s18+$0x10 ss:$0x1], $0xffff;
	[tilespmem:s13+$0x30] =	vst v6  }
0x2b: {  	s17 =	simm.s32 $0x80;
	s19 =	simm.s32 $0x400;
	[tilespmem:s13+$0xFFFFFFC0] =	vst v7;
	v6 =	vld.idx.msk [tilespmem:v0+s18+$0x20 ss:$0x1], $0xffff;
	s18 =	smov.u32 s13  }
.LBB1_4:
0x2c: {  	p1 =	sne.s32 s19, $0xE00;
	v7 =	vld.idx.msk [tilespmem:v0+s17+$0x30 ss:$0x1], $0xffff;
	[tilespmem:s18+$0xFFFFFFD0] =	vst v5  }
0x2d: {  	v8 =	vld.idx.msk [tilespmem:v0+s17+$0xFFFFFFC0 ss:$0x1], $0xffff;
	[tilespmem:s18+$0xFFFFFFE0] =	vst v4  }
0x2e: {  	v5 =	vld.idx.msk [tilespmem:v0+s17+$0xFFFFFFD0 ss:$0x1], $0xffff;
	[tilespmem:s18+$0xFFFFFFF0] =	vst v3  }
.Ltmp3:
0x2f: {  	v4 =	vld.idx.msk [tilespmem:v0+s17+$0xFFFFFFE0 ss:$0x1], $0xffff;
	[tilespmem:s18+$0x0] =	vst v1;
	(pc) =	sbr.rel @p1 .LBB1_4-.Ltmp3, $4  }
0x30: {  	v3 =	vld.idx.msk [tilespmem:v0+s17+$0xFFFFFFF0 ss:$0x1], $0xffff;
	[tilespmem:s18+$0x10] =	vst v2  }
0x31: {  	v1 =	vld.idx.msk [tilespmem:v0+s17+$0x0 ss:$0x1], $0xffff;
	[tilespmem:s18+$0x20] =	vst v6;
	s18 =	sadd.s32 $0x800, s18  }
0x32: {  	v2 =	vld.idx.msk [tilespmem:v0+s17+$0x10 ss:$0x1], $0xffff;
	[tilespmem:s18+$0x30] =	vst v7  }
0x33: {  	[tilespmem:s18+$0xFFFFFFC0] =	vst v8;
	v6 =	vld.idx.msk [tilespmem:v0+s17+$0x20 ss:$0x1], $0xffff;
	s17 =	sshra.s32 s19, $0x2;
	s19 =	sadd.s32 $0x200, s19  }
0x34: {  	_ =	sdelay $0x2  }
0x35: {  	[tilespmem:s18+$0xFFFFFFD0] =	vst v5  }
0x36: {  	v56 =	vld.idx.msk [tilespmem:v0+s17+$0x30 ss:$0x1], $0xffff;
	[tilespmem:s18+$0xFFFFFFE0] =	vst v4  }
0x37: {  	v57 =	vld.idx.msk [tilespmem:v0+s17+$0xFFFFFFC0 ss:$0x1], $0xffff;
	[tilespmem:s18+$0xFFFFFFF0] =	vst v3  }
0x38: {  	v58 =	vld.idx.msk [tilespmem:v0+s17+$0xFFFFFFD0 ss:$0x1], $0xffff;
	[tilespmem:s18+$0x0] =	vst v1  }
0x39: {  	v59 =	vld.idx.msk [tilespmem:v0+s17+$0xFFFFFFE0 ss:$0x1], $0xffff;
	[tilespmem:s18+$0x10] =	vst v2  }
0x3a: {  	v60 =	vld.idx.msk [tilespmem:v0+s17+$0xFFFFFFF0 ss:$0x1], $0xffff;
	s31 =	sadd.s32 $0x800, s18;
	[tilespmem:s18+$0x20] =	vst v6  }
0x3b: {  	v61 =	vld.idx.msk [tilespmem:v0+s17+$0x0 ss:$0x1], $0xffff;
	[tilespmem:s31+$0x30] =	vst v56  }
0x3c: {  	v62 =	vld.idx.msk [tilespmem:v0+s17+$0x10 ss:$0x1], $0xffff;
	s16 =	sadd.s32 $0x1, s16;
	[tilespmem:s31+$0xFFFFFFC0] =	vst v57  }
0x3d: {  	v63 =	vld.idx.msk [tilespmem:v0+s17+$0x20 ss:$0x1], $0xffff;
	p1 =	sne.s32 s16, $0x10;
	[tilespmem:s31+$0xFFFFFFD0] =	vst v58  }
.Ltmp4:
0x3e: {  	[tilespmem:s31+$0xFFFFFFE0] =	vst v59;
	(pc) =	sbr.rel @p1 .LBB1_3-.Ltmp4, $4  }
0x3f: {  	[tilespmem:s31+$0xFFFFFFF0] =	vst v60  }
0x40: {  	[tilespmem:s31+$0x0] =	vst v61  }
0x41: {  	[tilespmem:s31+$0x10] =	vst v62  }
0x42: {  	s13 =	sadd.s32 $0x80, s13;
	s15 =	sadd.s32 $0x400, s15;
	[tilespmem:s31+$0x20] =	vst v63  }
.Ltmp5:
0x43: {  	(pc) =	sbr.rel .LBB1_7-.Ltmp5, $4  }
0x44: {  	s12 =	sshll.u32 s12, $0xC;
	s11 =	sshll.u32 s11, $0x4  }
0x45: {  	s11 =	sand.u32 $0x1F0, s11;
	s12 =	sadd.s32 s3, s12  }
0x46: {  	s11 =	sadd.s32 s11, s12  }
0x47: {  	[hbm4b:s11+s6] =	stream.strided.scatter [tilespmem:s14], [sflag:$0x2], $0x4000, s7, s6, $0x38;
	[tilespmem:$0x10000] =	vst v63  }
.LBB1_8:
0x48: {  	_ =	sfence.sel $0x180000  }
0x49: {  	s2 =	simm.s32 $0x1;
	[bflag:$0x0] =	sbarrier.arrive $0xFFFF  }
0x4a: {  	s31 =	simm.s32 $0x2;
	[sflag:s2] =	ssyncpa.u1 $0x1  }
0x4b: {  	[sflag:s31] =	ssyncpa.u1 $0x1  }
0x4c: {  	p0 =	sne.s32 s1, $0x0;
	_ =	strace $0x90000047  }
0x4d: {  	s0 =	sadd.s32 @!p0 $0x100000, s0;
	[bflag:$0x2] =	sbarrier.arrive $0xFFFF  }
0x4e: {  	[sflag:s0] =	ssyncadd.tile.s32 @!p0 $0x1;
	_ =	shalt  }
.Lfunc_end1:
_tile_overlayer_lowered:
.L_overlay_start_2:
0x4f: {  	(tag) =	ssettag $0x2  }
0x50: {  	s0 =	rddreg [dreg:$0x0];
	s2 =	stileid.u32  }
0x51: {  	s1 =	rddreg [dreg:$0x1];
	p0 =	sne.s32 s2, $0x0  }
0x52: {  	s3 =	rddreg [dreg:$0x2];
	[bflag:$0x3] =	sbarrier.arrive $0xFFFF;
	s2 =	simm.s32 @!p0 $0x1C01  }
0x53: {  	[timem:s3], [sflag:s2] =	dma.local @!p0 [hbm:s0], s1  }
0x54: {  	s0 =	simm.s32 @!p0 $0x1  }
0x55: {  	_ =	swait.ge @!p0 [sflag:s0], s1  }
0x56: {  	s1 =	ssub.s32 @!p0 $0x0, s1;
	[sflag:s0] =	ssyncset.done @!p0 $0x0  }
0x57: {  	[sflag:s0] =	ssyncadd.s32 @!p0 s1  }
0x58: {  	[bflag:$0x3] =	sbarrier.arrive $0xFFFF  }
0x59: {  	_ =	shalt  }

</sc_bundles>
